<compile_context>
chip_gen: v7x
topology: tpu7x:2x2x1
jax: 0.10.2.dev20260603
libtpu: 0.0.44.dev20260713+nightly
codegen_flags: <defaults>
</compile_context>

<pallas_src>
import functools

import jax
import jax.numpy as jnp
from jax import lax
from jax.experimental import pallas as pl
from jax.experimental.pallas import tpu as pltpu
from jax.experimental.pallas import tpu_sc as plsc

EMB = 64
SEQ = 200
L = 16
SPAD = 208
CPP = 25


def _rsqrt(n2):
    i = plsc.bitcast(n2, jnp.int32)
    y = plsc.bitcast(jnp.int32(0x5F3759DF) - lax.shift_right_logical(i, 1),
                     jnp.float32)
    for _ in range(2):
        y = y * (1.5 - 0.5 * n2 * y * y)
    return y


def _lane_total(v, perms):
    dnums = lax.GatherDimensionNumbers(offset_dims=(), collapsed_slice_dims=(0,),
                                       start_index_map=(0,))
    for p in perms:
        v = v + lax.gather(v, p[:, None], dimension_numbers=dnums,
                           slice_sizes=(1,),
                           mode=lax.GatherScatterMode.PROMISE_IN_BOUNDS)
    return v


def _sc_body(nc, bpw, src_hbm, table_hbm, w_hbm, out_hbm,
             idx_v, rows_a, rows_b, w_v, m2_v, winv_v, wp_v, out_v, sem_a, sem_b):
    wid = lax.axis_index("s") * nc + lax.axis_index("c")
    base = wid * bpw
    lane = lax.iota(jnp.int32, L)
    perms = [jnp.bitwise_xor(lane, jnp.int32(1 << t)) for t in range(4)]

    pltpu.sync_copy(src_hbm.at[pl.ds(base, bpw)], idx_v)
    pltpu.sync_copy(w_hbm, w_v.at[pl.ds(0, SEQ)])
    wtail = w_v[pl.ds(SEQ - 8, L)]
    w_v[pl.ds(SEQ - 8, L)] = jnp.where(lane < 8, wtail, 0.0)

    def fire(i, rows_v, sem):
        c1 = pltpu.async_copy(table_hbm.at[idx_v.at[i, pl.ds(0, 128)]],
                              rows_v.at[pl.ds(0, 128)], sem)
        c2 = pltpu.async_copy(table_hbm.at[idx_v.at[i, pl.ds(128, 72)]],
                              rows_v.at[pl.ds(128, 72)], sem)
        return c1, c2

    def drain(i, rows_v, sem):
        pltpu.make_async_copy(table_hbm.at[idx_v.at[i, pl.ds(0, 128)]],
                              rows_v.at[pl.ds(0, 128)], sem).wait()
        pltpu.make_async_copy(table_hbm.at[idx_v.at[i, pl.ds(128, 72)]],
                              rows_v.at[pl.ds(128, 72)], sem).wait()

    def compute(i, rows_v):

        zero = jnp.zeros((L,), jnp.float32)

        @plsc.parallel_loop(0, 32, carry=(zero,) * CPP)
        def m2(ep, m2c):
            m2c = list(m2c)
            c0 = CPP * ep
            for k in range(CPP):
                c = c0 + k
                v = rows_v[lax.shift_right_logical(c, 2), pl.ds((c & 3) * L, L)]
                m2c[k] = m2c[k] + v * v
            return tuple(m2c)
        for k in range(CPP):
            m2_v[pl.ds(L * k, L)] = m2[k]

        for j in range(SPAD // L):
            a = m2_v[pl.ds(L * j, L)]
            b = plsc.load_gather(m2_v, [jnp.int32(SEQ + L * j) + lane])
            n2c = a + b
            y = _rsqrt(n2c)
            sq = n2c * y
            wc = w_v[pl.ds(L * j, L)]
            denom = jnp.maximum(jnp.abs(wc) * sq, 1e-12)
            winv_v[pl.ds(L * j, L)] = wc / denom

        for k in range(CPP):
            if k < 12:
                wp_v[pl.ds(L * k, L)] = winv_v[pl.ds(L * k, L)]
            else:
                s_idx = lax.rem(jnp.int32(L * k) + lane, SEQ)
                wp_v[pl.ds(L * k, L)] = plsc.load_gather(winv_v, [s_idx])

        m = lane < 8

        @plsc.parallel_loop(0, 32)
        def _p2(ep):
            c0 = CPP * ep
            pa = [zero, zero]
            pb = [zero, zero]
            for k in range(CPP):
                c = c0 + k
                v = rows_v[lax.shift_right_logical(c, 2), pl.ds((c & 3) * L, L)]
                p = v * wp_v[pl.ds(L * k, L)]
                if k < 12:
                    pa[k % 2] = pa[k % 2] + p
                elif k == 12:
                    pa[0] = pa[0] + jnp.where(m, p, 0.0)
                    pb[0] = pb[0] + jnp.where(m, 0.0, p)
                else:
                    pb[k % 2] = pb[k % 2] + p
            t0 = _lane_total(pa[0] + pa[1], perms)
            t1 = _lane_total(pb[0] + pb[1], perms)
            val = jnp.where(lane < 1, t0, t1)
            plsc.store_scatter(out_v, [lane * 0 + i, 2 * ep + lane], val,
                               mask=lane < 2)

    fire(0, rows_a, sem_a)

    def step(h, _):
        i = 2 * h
        fire(i + 1, rows_b, sem_b)
        drain(i, rows_a, sem_a)
        compute(i, rows_a)

        @pl.when(h < bpw // 2 - 1)
        def _():
            fire(i + 2, rows_a, sem_a)

        drain(i + 1, rows_b, sem_b)
        compute(i + 1, rows_b)
        return 0

    lax.fori_loop(0, bpw // 2, step, 0)
    pltpu.sync_copy(out_v, out_hbm.at[pl.ds(base, bpw)])


def kernel(src, table, w):
    b = src.shape[0]
    mesh = plsc.VectorSubcoreMesh(core_axis_name="c", subcore_axis_name="s")
    nc, ns = mesh.num_cores, mesh.num_subcores
    bpw = b // (nc * ns)

    run = pl.kernel(
        functools.partial(_sc_body, nc, bpw),
        out_type=jax.ShapeDtypeStruct((b, EMB), jnp.float32),
        mesh=mesh,
        compiler_params=pltpu.CompilerParams(needs_layout_passes=False,
                                             use_tc_tiling_on_sc=False),
        scratch_types=[
            pltpu.VMEM((bpw, SEQ), jnp.int32),
            pltpu.VMEM((SEQ, EMB), jnp.float32),
            pltpu.VMEM((SEQ, EMB), jnp.float32),
            pltpu.VMEM((SPAD,), jnp.float32),
            pltpu.VMEM((2 * SEQ + L,), jnp.float32),
            pltpu.VMEM((SPAD,), jnp.float32),
            pltpu.VMEM((CPP * L,), jnp.float32),
            pltpu.VMEM((bpw, EMB), jnp.float32),
            pltpu.SemaphoreType.DMA,
            pltpu.SemaphoreType.DMA,
        ],
    )
    return run(src.astype(jnp.int32), table, w)

# --- scband reference (transcript-rebuilt; emitter-appended) ---
"""Pipeline reference for scband-normal-literature-embedding-74577812128301 (READ-ONLY COPY).

The authoritative reference and input builder live on the scoring server;
editing this copy changes nothing except your own understanding.
"""

import jax, jax.numpy as jnp
import numpy as np

VOCAB = 1000000
EMB = 64
SEQ = 200
B = 4096


def setup_inputs(seed: int = 0) -> dict:
    key = jax.random.key(seed)
    k1, k2 = jax.random.split(key, 2)
    src = jax.random.randint(k1, (B, SEQ), 0, VOCAB)
    table = jax.random.normal(k2, (VOCAB, EMB), dtype=jnp.float32) * 0.02
    w = jnp.ones((SEQ,), dtype=jnp.float32)
    return {"src": src, "table": table, "w": w}


def reference(src, table, w):
    # src_embedding lookup: [B, SEQ, EMB]
    emb = jnp.take(table, src, axis=0)
    # torch .view(-1, emb_size, seq_length): pure row-major reshape (NOT a transpose)
    x = emb.reshape(-1, EMB, SEQ)  # [B, EMB, SEQ]
    # w (shape [SEQ]) broadcasts over the trailing seq dim
    y = w * x
    # F.normalize default: p=2, dim=1, eps=1e-12 -> normalize over EMB dim
    norm = jnp.sqrt(jnp.sum(y * y, axis=1, keepdims=True))
    f = y / jnp.maximum(norm, 1e-12)
    return f.sum(-1)  # [B, EMB]

if __name__ == "__main__":
    import jax
    _d = setup_inputs()
    print(jax.jit(kernel)(*tuple(_d.values())))

</pallas_src>

<mosaic_0001>
#map = affine_map<(d0, d1) -> (0, 0)>
#map1 = affine_map<(d0, d1) -> (0)>
module attributes {stable_mosaic.version = 14 : i64} {
  func.func @_sc_body(%arg0: i32, %arg1: i32, %arg2: memref<4096x200xi32, #tpu.memory_space<hbm>>, %arg3: memref<1000000x64xf32, #tpu.memory_space<hbm>>, %arg4: memref<200xf32, #tpu.memory_space<hbm>>, %arg5: memref<4096x64xf32, #tpu.memory_space<hbm>>, %arg6: memref<128x200xi32, #tpu.memory_space<vmem>>, %arg7: memref<200x64xf32, #tpu.memory_space<vmem>>, %arg8: memref<200x64xf32, #tpu.memory_space<vmem>>, %arg9: memref<208xf32, #tpu.memory_space<vmem>>, %arg10: memref<416xf32, #tpu.memory_space<vmem>>, %arg11: memref<208xf32, #tpu.memory_space<vmem>>, %arg12: memref<400xf32, #tpu.memory_space<vmem>>, %arg13: memref<128x64xf32, #tpu.memory_space<vmem>>, %arg14: memref<!tpu.dma_semaphore, #tpu.memory_space<semaphore_mem>>, %arg15: memref<!tpu.dma_semaphore, #tpu.memory_space<semaphore_mem>>) attributes {dimension_semantics = [#tpu.dimension_semantics<core_parallel>, #tpu.dimension_semantics<subcore_parallel>], iteration_bounds = array<i64: 2, 16>, scalar_prefetch = 0 : i64, scratch_operands = 10 : i64, tpu.core_type = #tpu.core_type<sc_vector_subcore>, window_params = [{transform_indices = #map}, {transform_indices = #map}, {transform_indices = #map1}, {transform_indices = #map}]} {
    %mul3A = arith.constant 2 : i32
    %mul3A_0 = arith.muli %arg1, %mul3A : i32
    %add3A = arith.addi %mul3A_0, %arg0 : i32
    %mul3A_1 = arith.constant 128 : i32
    %mul3A_2 = arith.muli %add3A, %mul3A_1 : i32
    %iota3A = tpu.iota {dimensions = array<i32: 0>} : vector<16xi32>
    %xor3A = arith.constant 1 : i32
    %xor3A_3 = vector.broadcast %xor3A : i32 to vector<16xi32>
    %xor3A_4 = arith.xori %iota3A, %xor3A_3 : vector<16xi32>
    %xor3A_5 = arith.constant 2 : i32
    %xor3A_6 = vector.broadcast %xor3A_5 : i32 to vector<16xi32>
    %xor3A_7 = arith.xori %iota3A, %xor3A_6 : vector<16xi32>
    %xor3A_8 = arith.constant 4 : i32
    %xor3A_9 = vector.broadcast %xor3A_8 : i32 to vector<16xi32>
    %xor3A_10 = arith.xori %iota3A, %xor3A_9 : vector<16xi32>
    %xor3A_11 = arith.constant 8 : i32
    %xor3A_12 = vector.broadcast %xor3A_11 : i32 to vector<16xi32>
    %xor3A_13 = arith.xori %iota3A, %xor3A_12 : vector<16xi32>
    "tpu.region"() ({
      %run_scoped3A = tpu.sem_alloc : memref<!tpu.dma_semaphore, #tpu.memory_space<semaphore_mem>>
      %dma_start3A_43 = arith.constant 0 : i32
      %dma_start3A_44 = tpu.memref_slice %arg2[%mul3A_2, %dma_start3A_43] : memref<4096x200xi32, #tpu.memory_space<hbm>> -> memref<128x200xi32, #tpu.memory_space<hbm>>
      %dma_start3A_45 = arith.constant 0 : i32
      %dma_start3A_46 = tpu.memref_slice %arg2[%mul3A_2, %dma_start3A_45] : memref<4096x200xi32, #tpu.memory_space<hbm>> -> memref<128x200xi32, #tpu.memory_space<hbm>>
      tpu.enqueue_dma source(%dma_start3A_46 : memref<128x200xi32, #tpu.memory_space<hbm>>) target(%arg6 : memref<128x200xi32, #tpu.memory_space<vmem>>) target_semaphore(%run_scoped3A : memref<!tpu.dma_semaphore, #tpu.memory_space<semaphore_mem>>)
      %dma_wait3A = arith.constant 0 : i32
      %dma_wait3A_47 = tpu.memref_slice %arg2[%mul3A_2, %dma_wait3A] : memref<4096x200xi32, #tpu.memory_space<hbm>> -> memref<128x200xi32, #tpu.memory_space<hbm>>
      %dma_wait3A_48 = arith.constant 0 : i32
      %dma_wait3A_49 = tpu.memref_slice %arg2[%mul3A_2, %dma_wait3A_48] : memref<4096x200xi32, #tpu.memory_space<hbm>> -> memref<128x200xi32, #tpu.memory_space<hbm>>
      tpu.wait_dma2 semaphore(%run_scoped3A : memref<!tpu.dma_semaphore, #tpu.memory_space<semaphore_mem>>) src(%dma_wait3A_49 : memref<128x200xi32, #tpu.memory_space<hbm>>) dst(%arg6 : memref<128x200xi32, #tpu.memory_space<vmem>>)
      tpu.yield
    }) : () -> ()
    "tpu.region"() ({
      %run_scoped3A = tpu.sem_alloc : memref<!tpu.dma_semaphore, #tpu.memory_space<semaphore_mem>>
      %dma_start3A_43 = arith.constant 0 : i32
      %dma_start3A_44 = tpu.memref_slice %arg9[%dma_start3A_43] : memref<208xf32, #tpu.memory_space<vmem>> -> memref<200xf32, #tpu.memory_space<vmem>>
      %dma_start3A_45 = arith.constant 0 : i32
      %dma_start3A_46 = tpu.memref_slice %arg9[%dma_start3A_45] : memref<208xf32, #tpu.memory_space<vmem>> -> memref<200xf32, #tpu.memory_space<vmem>>
      tpu.enqueue_dma source(%arg4 : memref<200xf32, #tpu.memory_space<hbm>>) target(%dma_start3A_46 : memref<200xf32, #tpu.memory_space<vmem>>) target_semaphore(%run_scoped3A : memref<!tpu.dma_semaphore, #tpu.memory_space<semaphore_mem>>)
      %dma_wait3A = arith.constant 0 : i32
      %dma_wait3A_47 = tpu.memref_slice %arg9[%dma_wait3A] : memref<208xf32, #tpu.memory_space<vmem>> -> memref<200xf32, #tpu.memory_space<vmem>>
      %dma_wait3A_48 = arith.constant 0 : i32
      %dma_wait3A_49 = tpu.memref_slice %arg9[%dma_wait3A_48] : memref<208xf32, #tpu.memory_space<vmem>> -> memref<200xf32, #tpu.memory_space<vmem>>
      tpu.wait_dma2 semaphore(%run_scoped3A : memref<!tpu.dma_semaphore, #tpu.memory_space<semaphore_mem>>) src(%arg4 : memref<200xf32, #tpu.memory_space<hbm>>) dst(%dma_wait3A_49 : memref<200xf32, #tpu.memory_space<vmem>>)
      tpu.yield
    }) : () -> ()
    %get3A = arith.constant 192 : index
    %get3A_14 = tpu.vector_load %arg9[%get3A] {strides = array<i32>} : memref<208xf32, #tpu.memory_space<vmem>>, vector<16xf32>,
    %lt3A = arith.constant 8 : i32
    %lt3A_15 = vector.broadcast %lt3A : i32 to vector<16xi32>
    %lt3A_16 = arith.cmpi slt, %iota3A, %lt3A_15 : vector<16xi32>
    %jit3A = arith.constant 0.000000e+00 : f32
    %broadcast_in_dim3A = vector.broadcast %jit3A : f32 to vector<16xf32>
    %select_n3A = arith.select %lt3A_16, %get3A_14, %broadcast_in_dim3A : vector<16xi1>, vector<16xf32>
    %swap3A = arith.constant 192 : index
    %swap3A_17 = tpu.vector_load %arg9[%swap3A] {strides = array<i32>} : memref<208xf32, #tpu.memory_space<vmem>>, vector<16xf32>,
    tpu.vector_store %arg9[%swap3A], %select_n3A {strides = array<i32>} : memref<208xf32, #tpu.memory_space<vmem>>, vector<16xf32>,
    %dma_start3A = arith.constant 0 : i32
    %dma_start3A_18 = arith.constant 0 : i32
    %dma_start3A_19 = arith.constant 0 : i32
    %dma_start3A_20 = tpu.memref_slice %arg7[%dma_start3A_18, %dma_start3A_19] : memref<200x64xf32, #tpu.memory_space<vmem>> -> memref<128x64xf32, #tpu.memory_space<vmem>>
    %dma_start3A_21 = arith.constant 0 : i32
    %dma_start3A_22 = tpu.memref_slice %arg6[%dma_start3A, %dma_start3A_21] : memref<128x200xi32, #tpu.memory_space<vmem>> -> memref<1x128xi32, #tpu.memory_space<vmem>>
    %dma_start3A_23 = tpu.memref_squeeze %dma_start3A_22 : memref<1x128xi32, #tpu.memory_space<vmem>> -> memref<128xi32, #tpu.memory_space<vmem>>
    %dma_start3A_24 = arith.constant 0 : i32
    %dma_start3A_25 = arith.constant 0 : i32
    %dma_start3A_26 = tpu.memref_slice %arg3[%dma_start3A_24, %dma_start3A_25] : memref<1000000x64xf32, #tpu.memory_space<hbm>> -> memref<1000000x64xf32, #tpu.memory_space<hbm>>
    tpu.enqueue_indirect_dma source(%dma_start3A_26 : memref<1000000x64xf32, #tpu.memory_space<hbm>>) target(%dma_start3A_20 : memref<128x64xf32, #tpu.memory_space<vmem>>) offsets(%dma_start3A_23 : memref<128xi32, #tpu.memory_space<vmem>>) semaphore(%arg14 : memref<!tpu.dma_semaphore, #tpu.memory_space<semaphore_mem>>)
    %dma_start3A_27 = arith.constant 0 : i32
    %dma_start3A_28 = arith.constant 128 : i32
    %dma_start3A_29 = arith.constant 0 : i32
    %dma_start3A_30 = tpu.memref_slice %arg7[%dma_start3A_28, %dma_start3A_29] : memref<200x64xf32, #tpu.memory_space<vmem>> -> memref<72x64xf32, #tpu.memory_space<vmem>>
    %dma_start3A_31 = arith.constant 128 : i32
    %dma_start3A_32 = tpu.memref_slice %arg6[%dma_start3A_27, %dma_start3A_31] : memref<128x200xi32, #tpu.memory_space<vmem>> -> memref<1x72xi32, #tpu.memory_space<vmem>>
    %dma_start3A_33 = tpu.memref_squeeze %dma_start3A_32 : memref<1x72xi32, #tpu.memory_space<vmem>> -> memref<72xi32, #tpu.memory_space<vmem>>
    %dma_start3A_34 = arith.constant 0 : i32
    %dma_start3A_35 = arith.constant 0 : i32
    %dma_start3A_36 = tpu.memref_slice %arg3[%dma_start3A_34, %dma_start3A_35] : memref<1000000x64xf32, #tpu.memory_space<hbm>> -> memref<1000000x64xf32, #tpu.memory_space<hbm>>
    tpu.enqueue_indirect_dma source(%dma_start3A_36 : memref<1000000x64xf32, #tpu.memory_space<hbm>>) target(%dma_start3A_30 : memref<72x64xf32, #tpu.memory_space<vmem>>) offsets(%dma_start3A_33 : memref<72xi32, #tpu.memory_space<vmem>>) semaphore(%arg14 : memref<!tpu.dma_semaphore, #tpu.memory_space<semaphore_mem>>)
    %scan3A = arith.constant 0 : i32
    %scan3A_37 = arith.constant 0 : i32
    %scan3A_38 = arith.constant 64 : i32
    %scan3A_39 = arith.addi %scan3A_37, %scan3A_38 : i32
    %scan3A_40 = arith.constant 1 : i32
    %scan3A_41 = scf.for %scan3A_43 = %scan3A_37 to %scan3A_39 step %scan3A_40 iter_args(%scan3A_44 = %scan3A) -> (i32)  : i32 {
      %mul3A_45 = arith.constant 2 : i32
      %mul3A_46 = arith.muli %mul3A_45, %scan3A_43 : i32
      %add3A_47 = arith.constant 1 : i32
      %add3A_48 = arith.addi %mul3A_46, %add3A_47 : i32
      %dma_start3A_49 = arith.constant 0 : i32
      %dma_start3A_50 = arith.constant 0 : i32
      %dma_start3A_51 = tpu.memref_slice %arg8[%dma_start3A_49, %dma_start3A_50] : memref<200x64xf32, #tpu.memory_space<vmem>> -> memref<128x64xf32, #tpu.memory_space<vmem>>
      %dma_start3A_52 = arith.constant 0 : i32
      %dma_start3A_53 = tpu.memref_slice %arg6[%add3A_48, %dma_start3A_52] : memref<128x200xi32, #tpu.memory_space<vmem>> -> memref<1x128xi32, #tpu.memory_space<vmem>>
      %dma_start3A_54 = tpu.memref_squeeze %dma_start3A_53 : memref<1x128xi32, #tpu.memory_space<vmem>> -> memref<128xi32, #tpu.memory_space<vmem>>
      %dma_start3A_55 = arith.constant 0 : i32
      %dma_start3A_56 = arith.constant 0 : i32
      %dma_start3A_57 = tpu.memref_slice %arg3[%dma_start3A_55, %dma_start3A_56] : memref<1000000x64xf32, #tpu.memory_space<hbm>> -> memref<1000000x64xf32, #tpu.memory_space<hbm>>
      tpu.enqueue_indirect_dma source(%dma_start3A_57 : memref<1000000x64xf32, #tpu.memory_space<hbm>>) target(%dma_start3A_51 : memref<128x64xf32, #tpu.memory_space<vmem>>) offsets(%dma_start3A_54 : memref<128xi32, #tpu.memory_space<vmem>>) semaphore(%arg15 : memref<!tpu.dma_semaphore, #tpu.memory_space<semaphore_mem>>)
      %dma_start3A_58 = arith.constant 128 : i32
      %dma_start3A_59 = arith.constant 0 : i32
      %dma_start3A_60 = tpu.memref_slice %arg8[%dma_start3A_58, %dma_start3A_59] : memref<200x64xf32, #tpu.memory_space<vmem>> -> memref<72x64xf32, #tpu.memory_space<vmem>>
      %dma_start3A_61 = arith.constant 128 : i32
      %dma_start3A_62 = tpu.memref_slice %arg6[%add3A_48, %dma_start3A_61] : memref<128x200xi32, #tpu.memory_space<vmem>> -> memref<1x72xi32, #tpu.memory_space<vmem>>
      %dma_start3A_63 = tpu.memref_squeeze %dma_start3A_62 : memref<1x72xi32, #tpu.memory_space<vmem>> -> memref<72xi32, #tpu.memory_space<vmem>>
      %dma_start3A_64 = arith.constant 0 : i32
      %dma_start3A_65 = arith.constant 0 : i32
      %dma_start3A_66 = tpu.memref_slice %arg3[%dma_start3A_64, %dma_start3A_65] : memref<1000000x64xf32, #tpu.memory_space<hbm>> -> memref<1000000x64xf32, #tpu.memory_space<hbm>>
      tpu.enqueue_indirect_dma source(%dma_start3A_66 : memref<1000000x64xf32, #tpu.memory_space<hbm>>) target(%dma_start3A_60 : memref<72x64xf32, #tpu.memory_space<vmem>>) offsets(%dma_start3A_63 : memref<72xi32, #tpu.memory_space<vmem>>) semaphore(%arg15 : memref<!tpu.dma_semaphore, #tpu.memory_space<semaphore_mem>>)
      %dma_wait3A = arith.constant 0 : i32
      %dma_wait3A_67 = arith.constant 0 : i32
      %dma_wait3A_68 = tpu.memref_slice %arg7[%dma_wait3A, %dma_wait3A_67] : memref<200x64xf32, #tpu.memory_space<vmem>> -> memref<128x64xf32, #tpu.memory_space<vmem>>
      %dma_wait3A_69 = arith.constant 0 : i32
      %dma_wait3A_70 = tpu.memref_slice %arg6[%mul3A_46, %dma_wait3A_69] : memref<128x200xi32, #tpu.memory_space<vmem>> -> memref<1x128xi32, #tpu.memory_space<vmem>>
      %dma_wait3A_71 = tpu.memref_squeeze %dma_wait3A_70 : memref<1x128xi32, #tpu.memory_space<vmem>> -> memref<128xi32, #tpu.memory_space<vmem>>
      %dma_wait3A_72 = arith.constant 0 : i32
      %dma_wait3A_73 = arith.constant 0 : i32
      %dma_wait3A_74 = tpu.memref_slice %arg3[%dma_wait3A_72, %dma_wait3A_73] : memref<1000000x64xf32, #tpu.memory_space<hbm>> -> memref<1000000x64xf32, #tpu.memory_space<hbm>>
      tpu.wait_indirect_dma semaphore(%arg14 : memref<!tpu.dma_semaphore, #tpu.memory_space<semaphore_mem>>) src(%dma_wait3A_74 : memref<1000000x64xf32, #tpu.memory_space<hbm>>) dst(%dma_wait3A_68 : memref<128x64xf32, #tpu.memory_space<vmem>>)
      %dma_wait3A_75 = arith.constant 128 : i32
      %dma_wait3A_76 = arith.constant 0 : i32
      %dma_wait3A_77 = tpu.memref_slice %arg7[%dma_wait3A_75, %dma_wait3A_76] : memref<200x64xf32, #tpu.memory_space<vmem>> -> memref<72x64xf32, #tpu.memory_space<vmem>>
      %dma_wait3A_78 = arith.constant 128 : i32
      %dma_wait3A_79 = tpu.memref_slice %arg6[%mul3A_46, %dma_wait3A_78] : memref<128x200xi32, #tpu.memory_space<vmem>> -> memref<1x72xi32, #tpu.memory_space<vmem>>
      %dma_wait3A_80 = tpu.memref_squeeze %dma_wait3A_79 : memref<1x72xi32, #tpu.memory_space<vmem>> -> memref<72xi32, #tpu.memory_space<vmem>>
      %dma_wait3A_81 = arith.constant 0 : i32
      %dma_wait3A_82 = arith.constant 0 : i32
      %dma_wait3A_83 = tpu.memref_slice %arg3[%dma_wait3A_81, %dma_wait3A_82] : memref<1000000x64xf32, #tpu.memory_space<hbm>> -> memref<1000000x64xf32, #tpu.memory_space<hbm>>
      tpu.wait_indirect_dma semaphore(%arg14 : memref<!tpu.dma_semaphore, #tpu.memory_space<semaphore_mem>>) src(%dma_wait3A_83 : memref<1000000x64xf32, #tpu.memory_space<hbm>>) dst(%dma_wait3A_77 : memref<72x64xf32, #tpu.memory_space<vmem>>)
      %broadcast_in_dim3A_84 = arith.constant 0.000000e+00 : f32
      %broadcast_in_dim3A_85 = vector.broadcast %broadcast_in_dim3A_84 : f32 to vector<16xf32>
      %parallel_loop3A = arith.constant 0 : i32
      %parallel_loop3A_86 = arith.constant 32 : i32
      %parallel_loop3A_87 = arith.constant 1 : i32
      %parallel_loop3A_88:25 = scf.for %parallel_loop3A_1699 = %parallel_loop3A to %parallel_loop3A_86 step %parallel_loop3A_87 iter_args(%parallel_loop3A_1700 = %broadcast_in_dim3A_85, %parallel_loop3A_1701 = %broadcast_in_dim3A_85, %parallel_loop3A_1702 = %broadcast_in_dim3A_85, %parallel_loop3A_1703 = %broadcast_in_dim3A_85, %parallel_loop3A_1704 = %broadcast_in_dim3A_85, %parallel_loop3A_1705 = %broadcast_in_dim3A_85, %parallel_loop3A_1706 = %broadcast_in_dim3A_85, %parallel_loop3A_1707 = %broadcast_in_dim3A_85, %parallel_loop3A_1708 = %broadcast_in_dim3A_85, %parallel_loop3A_1709 = %broadcast_in_dim3A_85, %parallel_loop3A_1710 = %broadcast_in_dim3A_85, %parallel_loop3A_1711 = %broadcast_in_dim3A_85, %parallel_loop3A_1712 = %broadcast_in_dim3A_85, %parallel_loop3A_1713 = %broadcast_in_dim3A_85, %parallel_loop3A_1714 = %broadcast_in_dim3A_85, %parallel_loop3A_1715 = %broadcast_in_dim3A_85, %parallel_loop3A_1716 = %broadcast_in_dim3A_85, %parallel_loop3A_1717 = %broadcast_in_dim3A_85, %parallel_loop3A_1718 = %broadcast_in_dim3A_85, %parallel_loop3A_1719 = %broadcast_in_dim3A_85, %parallel_loop3A_1720 = %broadcast_in_dim3A_85, %parallel_loop3A_1721 = %broadcast_in_dim3A_85, %parallel_loop3A_1722 = %broadcast_in_dim3A_85, %parallel_loop3A_1723 = %broadcast_in_dim3A_85, %parallel_loop3A_1724 = %broadcast_in_dim3A_85) -> (vector<16xf32>, vector<16xf32>, vector<16xf32>, vector<16xf32>, vector<16xf32>, vector<16xf32>, vector<16xf32>, vector<16xf32>, vector<16xf32>, vector<16xf32>, vector<16xf32>, vector<16xf32>, vector<16xf32>, vector<16xf32>, vector<16xf32>, vector<16xf32>, vector<16xf32>, vector<16xf32>, vector<16xf32>, vector<16xf32>, vector<16xf32>, vector<16xf32>, vector<16xf32>, vector<16xf32>, vector<16xf32>)  : i32 {
        %parallel_loop3A_1725 = arith.constant 25 : i32
        %parallel_loop3A_1726 = arith.muli %parallel_loop3A_1725, %parallel_loop3A_1699 : i32
        %parallel_loop3A_1727 = arith.constant 0 : i32
        %parallel_loop3A_1728 = arith.addi %parallel_loop3A_1726, %parallel_loop3A_1727 : i32
        %parallel_loop3A_1729 = arith.constant 2 : i32
        %parallel_loop3A_1730 = arith.shrui %parallel_loop3A_1728, %parallel_loop3A_1729 : i32
        %parallel_loop3A_1731 = arith.constant 3 : i32
        %parallel_loop3A_1732 = arith.andi %parallel_loop3A_1728, %parallel_loop3A_1731 : i32
        %parallel_loop3A_1733 = arith.constant 16 : i32
        %parallel_loop3A_1734 = arith.muli %parallel_loop3A_1732, %parallel_loop3A_1733 : i32
        %parallel_loop3A_1735 = arith.index_cast %parallel_loop3A_1730 : i32 to index
        %parallel_loop3A_1736 = arith.index_cast %parallel_loop3A_1734 : i32 to index
        %parallel_loop3A_1737 = tpu.vector_load %arg7[%parallel_loop3A_1735, %parallel_loop3A_1736] {strides = array<i32>} : memref<200x64xf32, #tpu.memory_space<vmem>>, vector<16xf32>,
        %parallel_loop3A_1738 = arith.mulf %parallel_loop3A_1737, %parallel_loop3A_1737 : vector<16xf32>
        %parallel_loop3A_1739 = arith.addf %parallel_loop3A_1700, %parallel_loop3A_1738 : vector<16xf32>
        %parallel_loop3A_1740 = arith.constant 1 : i32
        %parallel_loop3A_1741 = arith.addi %parallel_loop3A_1726, %parallel_loop3A_1740 : i32
        %parallel_loop3A_1742 = arith.constant 2 : i32
        %parallel_loop3A_1743 = arith.shrui %parallel_loop3A_1741, %parallel_loop3A_1742 : i32
        %parallel_loop3A_1744 = arith.constant 3 : i32
        %parallel_loop3A_1745 = arith.andi %parallel_loop3A_1741, %parallel_loop3A_1744 : i32
        %parallel_loop3A_1746 = arith.constant 16 : i32
        %parallel_loop3A_1747 = arith.muli %parallel_loop3A_1745, %parallel_loop3A_1746 : i32
        %parallel_loop3A_1748 = arith.index_cast %parallel_loop3A_1743 : i32 to index
        %parallel_loop3A_1749 = arith.index_cast %parallel_loop3A_1747 : i32 to index
        %parallel_loop3A_1750 = tpu.vector_load %arg7[%parallel_loop3A_1748, %parallel_loop3A_1749] {strides = array<i32>} : memref<200x64xf32, #tpu.memory_space<vmem>>, vector<16xf32>,
        %parallel_loop3A_1751 = arith.mulf %parallel_loop3A_1750, %parallel_loop3A_1750 : vector<16xf32>
        %parallel_loop3A_1752 = arith.addf %parallel_loop3A_1701, %parallel_loop3A_1751 : vector<16xf32>
        %parallel_loop3A_1753 = arith.constant 2 : i32
        %parallel_loop3A_1754 = arith.addi %parallel_loop3A_1726, %parallel_loop3A_1753 : i32
        %parallel_loop3A_1755 = arith.constant 2 : i32
        %parallel_loop3A_1756 = arith.shrui %parallel_loop3A_1754, %parallel_loop3A_1755 : i32
        %parallel_loop3A_1757 = arith.constant 3 : i32
        %parallel_loop3A_1758 = arith.andi %parallel_loop3A_1754, %parallel_loop3A_1757 : i32
        %parallel_loop3A_1759 = arith.constant 16 : i32
        %parallel_loop3A_1760 = arith.muli %parallel_loop3A_1758, %parallel_loop3A_1759 : i32
        %parallel_loop3A_1761 = arith.index_cast %parallel_loop3A_1756 : i32 to index
        %parallel_loop3A_1762 = arith.index_cast %parallel_loop3A_1760 : i32 to index
        %parallel_loop3A_1763 = tpu.vector_load %arg7[%parallel_loop3A_1761, %parallel_loop3A_1762] {strides = array<i32>} : memref<200x64xf32, #tpu.memory_space<vmem>>, vector<16xf32>,
        %parallel_loop3A_1764 = arith.mulf %parallel_loop3A_1763, %parallel_loop3A_1763 : vector<16xf32>
        %parallel_loop3A_1765 = arith.addf %parallel_loop3A_1702, %parallel_loop3A_1764 : vector<16xf32>
        %parallel_loop3A_1766 = arith.constant 3 : i32
        %parallel_loop3A_1767 = arith.addi %parallel_loop3A_1726, %parallel_loop3A_1766 : i32
        %parallel_loop3A_1768 = arith.constant 2 : i32
        %parallel_loop3A_1769 = arith.shrui %parallel_loop3A_1767, %parallel_loop3A_1768 : i32
        %parallel_loop3A_1770 = arith.constant 3 : i32
        %parallel_loop3A_1771 = arith.andi %parallel_loop3A_1767, %parallel_loop3A_1770 : i32
        %parallel_loop3A_1772 = arith.constant 16 : i32
        %parallel_loop3A_1773 = arith.muli %parallel_loop3A_1771, %parallel_loop3A_1772 : i32
        %parallel_loop3A_1774 = arith.index_cast %parallel_loop3A_1769 : i32 to index
        %parallel_loop3A_1775 = arith.index_cast %parallel_loop3A_1773 : i32 to index
        %parallel_loop3A_1776 = tpu.vector_load %arg7[%parallel_loop3A_1774, %parallel_loop3A_1775] {strides = array<i32>} : memref<200x64xf32, #tpu.memory_space<vmem>>, vector<16xf32>,
        %parallel_loop3A_1777 = arith.mulf %parallel_loop3A_1776, %parallel_loop3A_1776 : vector<16xf32>
        %parallel_loop3A_1778 = arith.addf %parallel_loop3A_1703, %parallel_loop3A_1777 : vector<16xf32>
        %parallel_loop3A_1779 = arith.constant 4 : i32
        %parallel_loop3A_1780 = arith.addi %parallel_loop3A_1726, %parallel_loop3A_1779 : i32
        %parallel_loop3A_1781 = arith.constant 2 : i32
        %parallel_loop3A_1782 = arith.shrui %parallel_loop3A_1780, %parallel_loop3A_1781 : i32
        %parallel_loop3A_1783 = arith.constant 3 : i32
        %parallel_loop3A_1784 = arith.andi %parallel_loop3A_1780, %parallel_loop3A_1783 : i32
        %parallel_loop3A_1785 = arith.constant 16 : i32
        %parallel_loop3A_1786 = arith.muli %parallel_loop3A_1784, %parallel_loop3A_1785 : i32
        %parallel_loop3A_1787 = arith.index_cast %parallel_loop3A_1782 : i32 to index
        %parallel_loop3A_1788 = arith.index_cast %parallel_loop3A_1786 : i32 to index
        %parallel_loop3A_1789 = tpu.vector_load %arg7[%parallel_loop3A_1787, %parallel_loop3A_1788] {strides = array<i32>} : memref<200x64xf32, #tpu.memory_space<vmem>>, vector<16xf32>,
        %parallel_loop3A_1790 = arith.mulf %parallel_loop3A_1789, %parallel_loop3A_1789 : vector<16xf32>
        %parallel_loop3A_1791 = arith.addf %parallel_loop3A_1704, %parallel_loop3A_1790 : vector<16xf32>
        %parallel_loop3A_1792 = arith.constant 5 : i32
        %parallel_loop3A_1793 = arith.addi %parallel_loop3A_1726, %parallel_loop3A_1792 : i32
        %parallel_loop3A_1794 = arith.constant 2 : i32
        %parallel_loop3A_1795 = arith.shrui %parallel_loop3A_1793, %parallel_loop3A_1794 : i32
        %parallel_loop3A_1796 = arith.constant 3 : i32
        %parallel_loop3A_1797 = arith.andi %parallel_loop3A_1793, %parallel_loop3A_1796 : i32
        %parallel_loop3A_1798 = arith.constant 16 : i32
        %parallel_loop3A_1799 = arith.muli %parallel_loop3A_1797, %parallel_loop3A_1798 : i32
        %parallel_loop3A_1800 = arith.index_cast %parallel_loop3A_1795 : i32 to index
        %parallel_loop3A_1801 = arith.index_cast %parallel_loop3A_1799 : i32 to index
        %parallel_loop3A_1802 = tpu.vector_load %arg7[%parallel_loop3A_1800, %parallel_loop3A_1801] {strides = array<i32>} : memref<200x64xf32, #tpu.memory_space<vmem>>, vector<16xf32>,
        %parallel_loop3A_1803 = arith.mulf %parallel_loop3A_1802, %parallel_loop3A_1802 : vector<16xf32>
        %parallel_loop3A_1804 = arith.addf %parallel_loop3A_1705, %parallel_loop3A_1803 : vector<16xf32>
        %parallel_loop3A_1805 = arith.constant 6 : i32
        %parallel_loop3A_1806 = arith.addi %parallel_loop3A_1726, %parallel_loop3A_1805 : i32
        %parallel_loop3A_1807 = arith.constant 2 : i32
        %parallel_loop3A_1808 = arith.shrui %parallel_loop3A_1806, %parallel_loop3A_1807 : i32
        %parallel_loop3A_1809 = arith.constant 3 : i32
        %parallel_loop3A_1810 = arith.andi %parallel_loop3A_1806, %parallel_loop3A_1809 : i32
        %parallel_loop3A_1811 = arith.constant 16 : i32
        %parallel_loop3A_1812 = arith.muli %parallel_loop3A_1810, %parallel_loop3A_1811 : i32
        %parallel_loop3A_1813 = arith.index_cast %parallel_loop3A_1808 : i32 to index
        %parallel_loop3A_1814 = arith.index_cast %parallel_loop3A_1812 : i32 to index
        %parallel_loop3A_1815 = tpu.vector_load %arg7[%parallel_loop3A_1813, %parallel_loop3A_1814] {strides = array<i32>} : memref<200x64xf32, #tpu.memory_space<vmem>>, vector<16xf32>,
        %parallel_loop3A_1816 = arith.mulf %parallel_loop3A_1815, %parallel_loop3A_1815 : vector<16xf32>
        %parallel_loop3A_1817 = arith.addf %parallel_loop3A_1706, %parallel_loop3A_1816 : vector<16xf32>
        %parallel_loop3A_1818 = arith.constant 7 : i32
        %parallel_loop3A_1819 = arith.addi %parallel_loop3A_1726, %parallel_loop3A_1818 : i32
        %parallel_loop3A_1820 = arith.constant 2 : i32
        %parallel_loop3A_1821 = arith.shrui %parallel_loop3A_1819, %parallel_loop3A_1820 : i32
        %parallel_loop3A_1822 = arith.constant 3 : i32
        %parallel_loop3A_1823 = arith.andi %parallel_loop3A_1819, %parallel_loop3A_1822 : i32
        %parallel_loop3A_1824 = arith.constant 16 : i32
        %parallel_loop3A_1825 = arith.muli %parallel_loop3A_1823, %parallel_loop3A_1824 : i32
        %parallel_loop3A_1826 = arith.index_cast %parallel_loop3A_1821 : i32 to index
        %parallel_loop3A_1827 = arith.index_cast %parallel_loop3A_1825 : i32 to index
        %parallel_loop3A_1828 = tpu.vector_load %arg7[%parallel_loop3A_1826, %parallel_loop3A_1827] {strides = array<i32>} : memref<200x64xf32, #tpu.memory_space<vmem>>, vector<16xf32>,
        %parallel_loop3A_1829 = arith.mulf %parallel_loop3A_1828, %parallel_loop3A_1828 : vector<16xf32>
        %parallel_loop3A_1830 = arith.addf %parallel_loop3A_1707, %parallel_loop3A_1829 : vector<16xf32>
        %parallel_loop3A_1831 = arith.constant 8 : i32
        %parallel_loop3A_1832 = arith.addi %parallel_loop3A_1726, %parallel_loop3A_1831 : i32
        %parallel_loop3A_1833 = arith.constant 2 : i32
        %parallel_loop3A_1834 = arith.shrui %parallel_loop3A_1832, %parallel_loop3A_1833 : i32
        %parallel_loop3A_1835 = arith.constant 3 : i32
        %parallel_loop3A_1836 = arith.andi %parallel_loop3A_1832, %parallel_loop3A_1835 : i32
        %parallel_loop3A_1837 = arith.constant 16 : i32
        %parallel_loop3A_1838 = arith.muli %parallel_loop3A_1836, %parallel_loop3A_1837 : i32
        %parallel_loop3A_1839 = arith.index_cast %parallel_loop3A_1834 : i32 to index
        %parallel_loop3A_1840 = arith.index_cast %parallel_loop3A_1838 : i32 to index
        %parallel_loop3A_1841 = tpu.vector_load %arg7[%parallel_loop3A_1839, %parallel_loop3A_1840] {strides = array<i32>} : memref<200x64xf32, #tpu.memory_space<vmem>>, vector<16xf32>,
        %parallel_loop3A_1842 = arith.mulf %parallel_loop3A_1841, %parallel_loop3A_1841 : vector<16xf32>
        %parallel_loop3A_1843 = arith.addf %parallel_loop3A_1708, %parallel_loop3A_1842 : vector<16xf32>
        %parallel_loop3A_1844 = arith.constant 9 : i32
        %parallel_loop3A_1845 = arith.addi %parallel_loop3A_1726, %parallel_loop3A_1844 : i32
        %parallel_loop3A_1846 = arith.constant 2 : i32
        %parallel_loop3A_1847 = arith.shrui %parallel_loop3A_1845, %parallel_loop3A_1846 : i32
        %parallel_loop3A_1848 = arith.constant 3 : i32
        %parallel_loop3A_1849 = arith.andi %parallel_loop3A_1845, %parallel_loop3A_1848 : i32
        %parallel_loop3A_1850 = arith.constant 16 : i32
        %parallel_loop3A_1851 = arith.muli %parallel_loop3A_1849, %parallel_loop3A_1850 : i32
        %parallel_loop3A_1852 = arith.index_cast %parallel_loop3A_1847 : i32 to index
        %parallel_loop3A_1853 = arith.index_cast %parallel_loop3A_1851 : i32 to index
        %parallel_loop3A_1854 = tpu.vector_load %arg7[%parallel_loop3A_1852, %parallel_loop3A_1853] {strides = array<i32>} : memref<200x64xf32, #tpu.memory_space<vmem>>, vector<16xf32>,
        %parallel_loop3A_1855 = arith.mulf %parallel_loop3A_1854, %parallel_loop3A_1854 : vector<16xf32>
        %parallel_loop3A_1856 = arith.addf %parallel_loop3A_1709, %parallel_loop3A_1855 : vector<16xf32>
        %parallel_loop3A_1857 = arith.constant 10 : i32
        %parallel_loop3A_1858 = arith.addi %parallel_loop3A_1726, %parallel_loop3A_1857 : i32
        %parallel_loop3A_1859 = arith.constant 2 : i32
        %parallel_loop3A_1860 = arith.shrui %parallel_loop3A_1858, %parallel_loop3A_1859 : i32
        %parallel_loop3A_1861 = arith.constant 3 : i32
        %parallel_loop3A_1862 = arith.andi %parallel_loop3A_1858, %parallel_loop3A_1861 : i32
        %parallel_loop3A_1863 = arith.constant 16 : i32
        %parallel_loop3A_1864 = arith.muli %parallel_loop3A_1862, %parallel_loop3A_1863 : i32
        %parallel_loop3A_1865 = arith.index_cast %parallel_loop3A_1860 : i32 to index
        %parallel_loop3A_1866 = arith.index_cast %parallel_loop3A_1864 : i32 to index
        %parallel_loop3A_1867 = tpu.vector_load %arg7[%parallel_loop3A_1865, %parallel_loop3A_1866] {strides = array<i32>} : memref<200x64xf32, #tpu.memory_space<vmem>>, vector<16xf32>,
        %parallel_loop3A_1868 = arith.mulf %parallel_loop3A_1867, %parallel_loop3A_1867 : vector<16xf32>
        %parallel_loop3A_1869 = arith.addf %parallel_loop3A_1710, %parallel_loop3A_1868 : vector<16xf32>
        %parallel_loop3A_1870 = arith.constant 11 : i32
        %parallel_loop3A_1871 = arith.addi %parallel_loop3A_1726, %parallel_loop3A_1870 : i32
        %parallel_loop3A_1872 = arith.constant 2 : i32
        %parallel_loop3A_1873 = arith.shrui %parallel_loop3A_1871, %parallel_loop3A_1872 : i32
        %parallel_loop3A_1874 = arith.constant 3 : i32
        %parallel_loop3A_1875 = arith.andi %parallel_loop3A_1871, %parallel_loop3A_1874 : i32
        %parallel_loop3A_1876 = arith.constant 16 : i32
        %parallel_loop3A_1877 = arith.muli %parallel_loop3A_1875, %parallel_loop3A_1876 : i32
        %parallel_loop3A_1878 = arith.index_cast %parallel_loop3A_1873 : i32 to index
        %parallel_loop3A_1879 = arith.index_cast %parallel_loop3A_1877 : i32 to index
        %parallel_loop3A_1880 = tpu.vector_load %arg7[%parallel_loop3A_1878, %parallel_loop3A_1879] {strides = array<i32>} : memref<200x64xf32, #tpu.memory_space<vmem>>, vector<16xf32>,
        %parallel_loop3A_1881 = arith.mulf %parallel_loop3A_1880, %parallel_loop3A_1880 : vector<16xf32>
        %parallel_loop3A_1882 = arith.addf %parallel_loop3A_1711, %parallel_loop3A_1881 : vector<16xf32>
        %parallel_loop3A_1883 = arith.constant 12 : i32
        %parallel_loop3A_1884 = arith.addi %parallel_loop3A_1726, %parallel_loop3A_1883 : i32
        %parallel_loop3A_1885 = arith.constant 2 : i32
        %parallel_loop3A_1886 = arith.shrui %parallel_loop3A_1884, %parallel_loop3A_1885 : i32
        %parallel_loop3A_1887 = arith.constant 3 : i32
        %parallel_loop3A_1888 = arith.andi %parallel_loop3A_1884, %parallel_loop3A_1887 : i32
        %parallel_loop3A_1889 = arith.constant 16 : i32
        %parallel_loop3A_1890 = arith.muli %parallel_loop3A_1888, %parallel_loop3A_1889 : i32
        %parallel_loop3A_1891 = arith.index_cast %parallel_loop3A_1886 : i32 to index
        %parallel_loop3A_1892 = arith.index_cast %parallel_loop3A_1890 : i32 to index
        %parallel_loop3A_1893 = tpu.vector_load %arg7[%parallel_loop3A_1891, %parallel_loop3A_1892] {strides = array<i32>} : memref<200x64xf32, #tpu.memory_space<vmem>>, vector<16xf32>,
        %parallel_loop3A_1894 = arith.mulf %parallel_loop3A_1893, %parallel_loop3A_1893 : vector<16xf32>
        %parallel_loop3A_1895 = arith.addf %parallel_loop3A_1712, %parallel_loop3A_1894 : vector<16xf32>
        %parallel_loop3A_1896 = arith.constant 13 : i32
        %parallel_loop3A_1897 = arith.addi %parallel_loop3A_1726, %parallel_loop3A_1896 : i32
        %parallel_loop3A_1898 = arith.constant 2 : i32
        %parallel_loop3A_1899 = arith.shrui %parallel_loop3A_1897, %parallel_loop3A_1898 : i32
        %parallel_loop3A_1900 = arith.constant 3 : i32
        %parallel_loop3A_1901 = arith.andi %parallel_loop3A_1897, %parallel_loop3A_1900 : i32
        %parallel_loop3A_1902 = arith.constant 16 : i32
        %parallel_loop3A_1903 = arith.muli %parallel_loop3A_1901, %parallel_loop3A_1902 : i32
        %parallel_loop3A_1904 = arith.index_cast %parallel_loop3A_1899 : i32 to index
        %parallel_loop3A_1905 = arith.index_cast %parallel_loop3A_1903 : i32 to index
        %parallel_loop3A_1906 = tpu.vector_load %arg7[%parallel_loop3A_1904, %parallel_loop3A_1905] {strides = array<i32>} : memref<200x64xf32, #tpu.memory_space<vmem>>, vector<16xf32>,
        %parallel_loop3A_1907 = arith.mulf %parallel_loop3A_1906, %parallel_loop3A_1906 : vector<16xf32>
        %parallel_loop3A_1908 = arith.addf %parallel_loop3A_1713, %parallel_loop3A_1907 : vector<16xf32>
        %parallel_loop3A_1909 = arith.constant 14 : i32
        %parallel_loop3A_1910 = arith.addi %parallel_loop3A_1726, %parallel_loop3A_1909 : i32
        %parallel_loop3A_1911 = arith.constant 2 : i32
        %parallel_loop3A_1912 = arith.shrui %parallel_loop3A_1910, %parallel_loop3A_1911 : i32
        %parallel_loop3A_1913 = arith.constant 3 : i32
        %parallel_loop3A_1914 = arith.andi %parallel_loop3A_1910, %parallel_loop3A_1913 : i32
        %parallel_loop3A_1915 = arith.constant 16 : i32
        %parallel_loop3A_1916 = arith.muli %parallel_loop3A_1914, %parallel_loop3A_1915 : i32
        %parallel_loop3A_1917 = arith.index_cast %parallel_loop3A_1912 : i32 to index
        %parallel_loop3A_1918 = arith.index_cast %parallel_loop3A_1916 : i32 to index
        %parallel_loop3A_1919 = tpu.vector_load %arg7[%parallel_loop3A_1917, %parallel_loop3A_1918] {strides = array<i32>} : memref<200x64xf32, #tpu.memory_space<vmem>>, vector<16xf32>,
        %parallel_loop3A_1920 = arith.mulf %parallel_loop3A_1919, %parallel_loop3A_1919 : vector<16xf32>
        %parallel_loop3A_1921 = arith.addf %parallel_loop3A_1714, %parallel_loop3A_1920 : vector<16xf32>
        %parallel_loop3A_1922 = arith.constant 15 : i32
        %parallel_loop3A_1923 = arith.addi %parallel_loop3A_1726, %parallel_loop3A_1922 : i32
        %parallel_loop3A_1924 = arith.constant 2 : i32
        %parallel_loop3A_1925 = arith.shrui %parallel_loop3A_1923, %parallel_loop3A_1924 : i32
        %parallel_loop3A_1926 = arith.constant 3 : i32
        %parallel_loop3A_1927 = arith.andi %parallel_loop3A_1923, %parallel_loop3A_1926 : i32
        %parallel_loop3A_1928 = arith.constant 16 : i32
        %parallel_loop3A_1929 = arith.muli %parallel_loop3A_1927, %parallel_loop3A_1928 : i32
        %parallel_loop3A_1930 = arith.index_cast %parallel_loop3A_1925 : i32 to index
        %parallel_loop3A_1931 = arith.index_cast %parallel_loop3A_1929 : i32 to index
        %parallel_loop3A_1932 = tpu.vector_load %arg7[%parallel_loop3A_1930, %parallel_loop3A_1931] {strides = array<i32>} : memref<200x64xf32, #tpu.memory_space<vmem>>, vector<16xf32>,
        %parallel_loop3A_1933 = arith.mulf %parallel_loop3A_1932, %parallel_loop3A_1932 : vector<16xf32>
        %parallel_loop3A_1934 = arith.addf %parallel_loop3A_1715, %parallel_loop3A_1933 : vector<16xf32>
        %parallel_loop3A_1935 = arith.constant 16 : i32
        %parallel_loop3A_1936 = arith.addi %parallel_loop3A_1726, %parallel_loop3A_1935 : i32
        %parallel_loop3A_1937 = arith.constant 2 : i32
        %parallel_loop3A_1938 = arith.shrui %parallel_loop3A_1936, %parallel_loop3A_1937 : i32
        %parallel_loop3A_1939 = arith.constant 3 : i32
        %parallel_loop3A_1940 = arith.andi %parallel_loop3A_1936, %parallel_loop3A_1939 : i32
        %parallel_loop3A_1941 = arith.constant 16 : i32
        %parallel_loop3A_1942 = arith.muli %parallel_loop3A_1940, %parallel_loop3A_1941 : i32
        %parallel_loop3A_1943 = arith.index_cast %parallel_loop3A_1938 : i32 to index
        %parallel_loop3A_1944 = arith.index_cast %parallel_loop3A_1942 : i32 to index
        %parallel_loop3A_1945 = tpu.vector_load %arg7[%parallel_loop3A_1943, %parallel_loop3A_1944] {strides = array<i32>} : memref<200x64xf32, #tpu.memory_space<vmem>>, vector<16xf32>,
        %parallel_loop3A_1946 = arith.mulf %parallel_loop3A_1945, %parallel_loop3A_1945 : vector<16xf32>
        %parallel_loop3A_1947 = arith.addf %parallel_loop3A_1716, %parallel_loop3A_1946 : vector<16xf32>
        %parallel_loop3A_1948 = arith.constant 17 : i32
        %parallel_loop3A_1949 = arith.addi %parallel_loop3A_1726, %parallel_loop3A_1948 : i32
        %parallel_loop3A_1950 = arith.constant 2 : i32
        %parallel_loop3A_1951 = arith.shrui %parallel_loop3A_1949, %parallel_loop3A_1950 : i32
        %parallel_loop3A_1952 = arith.constant 3 : i32
        %parallel_loop3A_1953 = arith.andi %parallel_loop3A_1949, %parallel_loop3A_1952 : i32
        %parallel_loop3A_1954 = arith.constant 16 : i32
        %parallel_loop3A_1955 = arith.muli %parallel_loop3A_1953, %parallel_loop3A_1954 : i32
        %parallel_loop3A_1956 = arith.index_cast %parallel_loop3A_1951 : i32 to index
        %parallel_loop3A_1957 = arith.index_cast %parallel_loop3A_1955 : i32 to index
        %parallel_loop3A_1958 = tpu.vector_load %arg7[%parallel_loop3A_1956, %parallel_loop3A_1957] {strides = array<i32>} : memref<200x64xf32, #tpu.memory_space<vmem>>, vector<16xf32>,
        %parallel_loop3A_1959 = arith.mulf %parallel_loop3A_1958, %parallel_loop3A_1958 : vector<16xf32>
        %parallel_loop3A_1960 = arith.addf %parallel_loop3A_1717, %parallel_loop3A_1959 : vector<16xf32>
        %parallel_loop3A_1961 = arith.constant 18 : i32
        %parallel_loop3A_1962 = arith.addi %parallel_loop3A_1726, %parallel_loop3A_1961 : i32
        %parallel_loop3A_1963 = arith.constant 2 : i32
        %parallel_loop3A_1964 = arith.shrui %parallel_loop3A_1962, %parallel_loop3A_1963 : i32
        %parallel_loop3A_1965 = arith.constant 3 : i32
        %parallel_loop3A_1966 = arith.andi %parallel_loop3A_1962, %parallel_loop3A_1965 : i32
        %parallel_loop3A_1967 = arith.constant 16 : i32
        %parallel_loop3A_1968 = arith.muli %parallel_loop3A_1966, %parallel_loop3A_1967 : i32
        %parallel_loop3A_1969 = arith.index_cast %parallel_loop3A_1964 : i32 to index
        %parallel_loop3A_1970 = arith.index_cast %parallel_loop3A_1968 : i32 to index
        %parallel_loop3A_1971 = tpu.vector_load %arg7[%parallel_loop3A_1969, %parallel_loop3A_1970] {strides = array<i32>} : memref<200x64xf32, #tpu.memory_space<vmem>>, vector<16xf32>,
        %parallel_loop3A_1972 = arith.mulf %parallel_loop3A_1971, %parallel_loop3A_1971 : vector<16xf32>
        %parallel_loop3A_1973 = arith.addf %parallel_loop3A_1718, %parallel_loop3A_1972 : vector<16xf32>
        %parallel_loop3A_1974 = arith.constant 19 : i32
        %parallel_loop3A_1975 = arith.addi %parallel_loop3A_1726, %parallel_loop3A_1974 : i32
        %parallel_loop3A_1976 = arith.constant 2 : i32
        %parallel_loop3A_1977 = arith.shrui %parallel_loop3A_1975, %parallel_loop3A_1976 : i32
        %parallel_loop3A_1978 = arith.constant 3 : i32
        %parallel_loop3A_1979 = arith.andi %parallel_loop3A_1975, %parallel_loop3A_1978 : i32
        %parallel_loop3A_1980 = arith.constant 16 : i32
        %parallel_loop3A_1981 = arith.muli %parallel_loop3A_1979, %parallel_loop3A_1980 : i32
        %parallel_loop3A_1982 = arith.index_cast %parallel_loop3A_1977 : i32 to index
        %parallel_loop3A_1983 = arith.index_cast %parallel_loop3A_1981 : i32 to index
        %parallel_loop3A_1984 = tpu.vector_load %arg7[%parallel_loop3A_1982, %parallel_loop3A_1983] {strides = array<i32>} : memref<200x64xf32, #tpu.memory_space<vmem>>, vector<16xf32>,
        %parallel_loop3A_1985 = arith.mulf %parallel_loop3A_1984, %parallel_loop3A_1984 : vector<16xf32>
        %parallel_loop3A_1986 = arith.addf %parallel_loop3A_1719, %parallel_loop3A_1985 : vector<16xf32>
        %parallel_loop3A_1987 = arith.constant 20 : i32
        %parallel_loop3A_1988 = arith.addi %parallel_loop3A_1726, %parallel_loop3A_1987 : i32
        %parallel_loop3A_1989 = arith.constant 2 : i32
        %parallel_loop3A_1990 = arith.shrui %parallel_loop3A_1988, %parallel_loop3A_1989 : i32
        %parallel_loop3A_1991 = arith.constant 3 : i32
        %parallel_loop3A_1992 = arith.andi %parallel_loop3A_1988, %parallel_loop3A_1991 : i32
        %parallel_loop3A_1993 = arith.constant 16 : i32
        %parallel_loop3A_1994 = arith.muli %parallel_loop3A_1992, %parallel_loop3A_1993 : i32
        %parallel_loop3A_1995 = arith.index_cast %parallel_loop3A_1990 : i32 to index
        %parallel_loop3A_1996 = arith.index_cast %parallel_loop3A_1994 : i32 to index
        %parallel_loop3A_1997 = tpu.vector_load %arg7[%parallel_loop3A_1995, %parallel_loop3A_1996] {strides = array<i32>} : memref<200x64xf32, #tpu.memory_space<vmem>>, vector<16xf32>,
        %parallel_loop3A_1998 = arith.mulf %parallel_loop3A_1997, %parallel_loop3A_1997 : vector<16xf32>
        %parallel_loop3A_1999 = arith.addf %parallel_loop3A_1720, %parallel_loop3A_1998 : vector<16xf32>
        %parallel_loop3A_2000 = arith.constant 21 : i32
        %parallel_loop3A_2001 = arith.addi %parallel_loop3A_1726, %parallel_loop3A_2000 : i32
        %parallel_loop3A_2002 = arith.constant 2 : i32
        %parallel_loop3A_2003 = arith.shrui %parallel_loop3A_2001, %parallel_loop3A_2002 : i32
        %parallel_loop3A_2004 = arith.constant 3 : i32
        %parallel_loop3A_2005 = arith.andi %parallel_loop3A_2001, %parallel_loop3A_2004 : i32
        %parallel_loop3A_2006 = arith.constant 16 : i32
        %parallel_loop3A_2007 = arith.muli %parallel_loop3A_2005, %parallel_loop3A_2006 : i32
        %parallel_loop3A_2008 = arith.index_cast %parallel_loop3A_2003 : i32 to index
        %parallel_loop3A_2009 = arith.index_cast %parallel_loop3A_2007 : i32 to index
        %parallel_loop3A_2010 = tpu.vector_load %arg7[%parallel_loop3A_2008, %parallel_loop3A_2009] {strides = array<i32>} : memref<200x64xf32, #tpu.memory_space<vmem>>, vector<16xf32>,
        %parallel_loop3A_2011 = arith.mulf %parallel_loop3A_2010, %parallel_loop3A_2010 : vector<16xf32>
        %parallel_loop3A_2012 = arith.addf %parallel_loop3A_1721, %parallel_loop3A_2011 : vector<16xf32>
        %parallel_loop3A_2013 = arith.constant 22 : i32
        %parallel_loop3A_2014 = arith.addi %parallel_loop3A_1726, %parallel_loop3A_2013 : i32
        %parallel_loop3A_2015 = arith.constant 2 : i32
        %parallel_loop3A_2016 = arith.shrui %parallel_loop3A_2014, %parallel_loop3A_2015 : i32
        %parallel_loop3A_2017 = arith.constant 3 : i32
        %parallel_loop3A_2018 = arith.andi %parallel_loop3A_2014, %parallel_loop3A_2017 : i32
        %parallel_loop3A_2019 = arith.constant 16 : i32
        %parallel_loop3A_2020 = arith.muli %parallel_loop3A_2018, %parallel_loop3A_2019 : i32
        %parallel_loop3A_2021 = arith.index_cast %parallel_loop3A_2016 : i32 to index
        %parallel_loop3A_2022 = arith.index_cast %parallel_loop3A_2020 : i32 to index
        %parallel_loop3A_2023 = tpu.vector_load %arg7[%parallel_loop3A_2021, %parallel_loop3A_2022] {strides = array<i32>} : memref<200x64xf32, #tpu.memory_space<vmem>>, vector<16xf32>,
        %parallel_loop3A_2024 = arith.mulf %parallel_loop3A_2023, %parallel_loop3A_2023 : vector<16xf32>
        %parallel_loop3A_2025 = arith.addf %parallel_loop3A_1722, %parallel_loop3A_2024 : vector<16xf32>
        %parallel_loop3A_2026 = arith.constant 23 : i32
        %parallel_loop3A_2027 = arith.addi %parallel_loop3A_1726, %parallel_loop3A_2026 : i32
        %parallel_loop3A_2028 = arith.constant 2 : i32
        %parallel_loop3A_2029 = arith.shrui %parallel_loop3A_2027, %parallel_loop3A_2028 : i32
        %parallel_loop3A_2030 = arith.constant 3 : i32
        %parallel_loop3A_2031 = arith.andi %parallel_loop3A_2027, %parallel_loop3A_2030 : i32
        %parallel_loop3A_2032 = arith.constant 16 : i32
        %parallel_loop3A_2033 = arith.muli %parallel_loop3A_2031, %parallel_loop3A_2032 : i32
        %parallel_loop3A_2034 = arith.index_cast %parallel_loop3A_2029 : i32 to index
        %parallel_loop3A_2035 = arith.index_cast %parallel_loop3A_2033 : i32 to index
        %parallel_loop3A_2036 = tpu.vector_load %arg7[%parallel_loop3A_2034, %parallel_loop3A_2035] {strides = array<i32>} : memref<200x64xf32, #tpu.memory_space<vmem>>, vector<16xf32>,
        %parallel_loop3A_2037 = arith.mulf %parallel_loop3A_2036, %parallel_loop3A_2036 : vector<16xf32>
        %parallel_loop3A_2038 = arith.addf %parallel_loop3A_1723, %parallel_loop3A_2037 : vector<16xf32>
        %parallel_loop3A_2039 = arith.constant 24 : i32
        %parallel_loop3A_2040 = arith.addi %parallel_loop3A_1726, %parallel_loop3A_2039 : i32
        %parallel_loop3A_2041 = arith.constant 2 : i32
        %parallel_loop3A_2042 = arith.shrui %parallel_loop3A_2040, %parallel_loop3A_2041 : i32
        %parallel_loop3A_2043 = arith.constant 3 : i32
        %parallel_loop3A_2044 = arith.andi %parallel_loop3A_2040, %parallel_loop3A_2043 : i32
        %parallel_loop3A_2045 = arith.constant 16 : i32
        %parallel_loop3A_2046 = arith.muli %parallel_loop3A_2044, %parallel_loop3A_2045 : i32
        %parallel_loop3A_2047 = arith.index_cast %parallel_loop3A_2042 : i32 to index
        %parallel_loop3A_2048 = arith.index_cast %parallel_loop3A_2046 : i32 to index
        %parallel_loop3A_2049 = tpu.vector_load %arg7[%parallel_loop3A_2047, %parallel_loop3A_2048] {strides = array<i32>} : memref<200x64xf32, #tpu.memory_space<vmem>>, vector<16xf32>,
        %parallel_loop3A_2050 = arith.mulf %parallel_loop3A_2049, %parallel_loop3A_2049 : vector<16xf32>
        %parallel_loop3A_2051 = arith.addf %parallel_loop3A_1724, %parallel_loop3A_2050 : vector<16xf32>
        scf.yield %parallel_loop3A_1739, %parallel_loop3A_1752, %parallel_loop3A_1765, %parallel_loop3A_1778, %parallel_loop3A_1791, %parallel_loop3A_1804, %parallel_loop3A_1817, %parallel_loop3A_1830, %parallel_loop3A_1843, %parallel_loop3A_1856, %parallel_loop3A_1869, %parallel_loop3A_1882, %parallel_loop3A_1895, %parallel_loop3A_1908, %parallel_loop3A_1921, %parallel_loop3A_1934, %parallel_loop3A_1947, %parallel_loop3A_1960, %parallel_loop3A_1973, %parallel_loop3A_1986, %parallel_loop3A_1999, %parallel_loop3A_2012, %parallel_loop3A_2025, %parallel_loop3A_2038, %parallel_loop3A_2051 : vector<16xf32>, vector<16xf32>, vector<16xf32>, vector<16xf32>, vector<16xf32>, vector<16xf32>, vector<16xf32>, vector<16xf32>, vector<16xf32>, vector<16xf32>, vector<16xf32>, vector<16xf32>, vector<16xf32>, vector<16xf32>, vector<16xf32>, vector<16xf32>, vector<16xf32>, vector<16xf32>, vector<16xf32>, vector<16xf32>, vector<16xf32>, vector<16xf32>, vector<16xf32>, vector<16xf32>, vector<16xf32>
      } {sc.loop_unroll_factor = 1 : i64, sc.parallel_access}
      %swap3A_89 = arith.constant 0 : index
      %swap3A_90 = tpu.vector_load %arg10[%swap3A_89] {strides = array<i32>} : memref<416xf32, #tpu.memory_space<vmem>>, vector<16xf32>,
      tpu.vector_store %arg10[%swap3A_89], %parallel_loop3A_88#0 {strides = array<i32>} : memref<416xf32, #tpu.memory_space<vmem>>, vector<16xf32>,
      %swap3A_91 = arith.constant 16 : index
      %swap3A_92 = tpu.vector_load %arg10[%swap3A_91] {strides = array<i32>} : memref<416xf32, #tpu.memory_space<vmem>>, vector<16xf32>,
      tpu.vector_store %arg10[%swap3A_91], %parallel_loop3A_88#1 {strides = array<i32>} : memref<416xf32, #tpu.memory_space<vmem>>, vector<16xf32>,
      %swap3A_93 = arith.constant 32 : index
      %swap3A_94 = tpu.vector_load %arg10[%swap3A_93] {strides = array<i32>} : memref<416xf32, #tpu.memory_space<vmem>>, vector<16xf32>,
      tpu.vector_store %arg10[%swap3A_93], %parallel_loop3A_88#2 {strides = array<i32>} : memref<416xf32, #tpu.memory_space<vmem>>, vector<16xf32>,
      %swap3A_95 = arith.constant 48 : index
      %swap3A_96 = tpu.vector_load %arg10[%swap3A_95] {strides = array<i32>} : memref<416xf32, #tpu.memory_space<vmem>>, vector<16xf32>,
      tpu.vector_store %arg10[%swap3A_95], %parallel_loop3A_88#3 {strides = array<i32>} : memref<416xf32, #tpu.memory_space<vmem>>, vector<16xf32>,
      %swap3A_97 = arith.constant 64 : index
      %swap3A_98 = tpu.vector_load %arg10[%swap3A_97] {strides = array<i32>} : memref<416xf32, #tpu.memory_space<vmem>>, vector<16xf32>,
      tpu.vector_store %arg10[%swap3A_97], %parallel_loop3A_88#4 {strides = array<i32>} : memref<416xf32, #tpu.memory_space<vmem>>, vector<16xf32>,
      %swap3A_99 = arith.constant 80 : index
      %swap3A_100 = tpu.vector_load %arg10[%swap3A_99] {strides = array<i32>} : memref<416xf32, #tpu.memory_space<vmem>>, vector<16xf32>,
      tpu.vector_store %arg10[%swap3A_99], %parallel_loop3A_88#5 {strides = array<i32>} : memref<416xf32, #tpu.memory_space<vmem>>, vector<16xf32>,
      %swap3A_101 = arith.constant 96 : index
      %swap3A_102 = tpu.vector_load %arg10[%swap3A_101] {strides = array<i32>} : memref<416xf32, #tpu.memory_space<vmem>>, vector<16xf32>,
      tpu.vector_store %arg10[%swap3A_101], %parallel_loop3A_88#6 {strides = array<i32>} : memref<416xf32, #tpu.memory_space<vmem>>, vector<16xf32>,
      %swap3A_103 = arith.constant 112 : index
      %swap3A_104 = tpu.vector_load %arg10[%swap3A_103] {strides = array<i32>} : memref<416xf32, #tpu.memory_space<vmem>>, vector<16xf32>,
      tpu.vector_store %arg10[%swap3A_103], %parallel_loop3A_88#7 {strides = array<i32>} : memref<416xf32, #tpu.memory_space<vmem>>, vector<16xf32>,
      %swap3A_105 = arith.constant 128 : index
      %swap3A_106 = tpu.vector_load %arg10[%swap3A_105] {strides = array<i32>} : memref<416xf32, #tpu.memory_space<vmem>>, vector<16xf32>,
      tpu.vector_store %arg10[%swap3A_105], %parallel_loop3A_88#8 {strides = array<i32>} : memref<416xf32, #tpu.memory_space<vmem>>, vector<16xf32>,
      %swap3A_107 = arith.constant 144 : index
      %swap3A_108 = tpu.vector_load %arg10[%swap3A_107] {strides = array<i32>} : memref<416xf32, #tpu.memory_space<vmem>>, vector<16xf32>,
      tpu.vector_store %arg10[%swap3A_107], %parallel_loop3A_88#9 {strides = array<i32>} : memref<416xf32, #tpu.memory_space<vmem>>, vector<16xf32>,
      %swap3A_109 = arith.constant 160 : index
      %swap3A_110 = tpu.vector_load %arg10[%swap3A_109] {strides = array<i32>} : memref<416xf32, #tpu.memory_space<vmem>>, vector<16xf32>,
      tpu.vector_store %arg10[%swap3A_109], %parallel_loop3A_88#10 {strides = array<i32>} : memref<416xf32, #tpu.memory_space<vmem>>, vector<16xf32>,
      %swap3A_111 = arith.constant 176 : index
      %swap3A_112 = tpu.vector_load %arg10[%swap3A_111] {strides = array<i32>} : memref<416xf32, #tpu.memory_space<vmem>>, vector<16xf32>,
      tpu.vector_store %arg10[%swap3A_111], %parallel_loop3A_88#11 {strides = array<i32>} : memref<416xf32, #tpu.memory_space<vmem>>, vector<16xf32>,
      %swap3A_113 = arith.constant 192 : index
      %swap3A_114 = tpu.vector_load %arg10[%swap3A_113] {strides = array<i32>} : memref<416xf32, #tpu.memory_space<vmem>>, vector<16xf32>,
      tpu.vector_store %arg10[%swap3A_113], %parallel_loop3A_88#12 {strides = array<i32>} : memref<416xf32, #tpu.memory_space<vmem>>, vector<16xf32>,
      %swap3A_115 = arith.constant 208 : index
      %swap3A_116 = tpu.vector_load %arg10[%swap3A_115] {strides = array<i32>} : memref<416xf32, #tpu.memory_space<vmem>>, vector<16xf32>,
      tpu.vector_store %arg10[%swap3A_115], %parallel_loop3A_88#13 {strides = array<i32>} : memref<416xf32, #tpu.memory_space<vmem>>, vector<16xf32>,
      %swap3A_117 = arith.constant 224 : index
      %swap3A_118 = tpu.vector_load %arg10[%swap3A_117] {strides = array<i32>} : memref<416xf32, #tpu.memory_space<vmem>>, vector<16xf32>,
      tpu.vector_store %arg10[%swap3A_117], %parallel_loop3A_88#14 {strides = array<i32>} : memref<416xf32, #tpu.memory_space<vmem>>, vector<16xf32>,
      %swap3A_119 = arith.constant 240 : index
      %swap3A_120 = tpu.vector_load %arg10[%swap3A_119] {strides = array<i32>} : memref<416xf32, #tpu.memory_space<vmem>>, vector<16xf32>,
      tpu.vector_store %arg10[%swap3A_119], %parallel_loop3A_88#15 {strides = array<i32>} : memref<416xf32, #tpu.memory_space<vmem>>, vector<16xf32>,
      %swap3A_121 = arith.constant 256 : index
      %swap3A_122 = tpu.vector_load %arg10[%swap3A_121] {strides = array<i32>} : memref<416xf32, #tpu.memory_space<vmem>>, vector<16xf32>,
      tpu.vector_store %arg10[%swap3A_121], %parallel_loop3A_88#16 {strides = array<i32>} : memref<416xf32, #tpu.memory_space<vmem>>, vector<16xf32>,
      %swap3A_123 = arith.constant 272 : index
      %swap3A_124 = tpu.vector_load %arg10[%swap3A_123] {strides = array<i32>} : memref<416xf32, #tpu.memory_space<vmem>>, vector<16xf32>,
      tpu.vector_store %arg10[%swap3A_123], %parallel_loop3A_88#17 {strides = array<i32>} : memref<416xf32, #tpu.memory_space<vmem>>, vector<16xf32>,
      %swap3A_125 = arith.constant 288 : index
      %swap3A_126 = tpu.vector_load %arg10[%swap3A_125] {strides = array<i32>} : memref<416xf32, #tpu.memory_space<vmem>>, vector<16xf32>,
      tpu.vector_store %arg10[%swap3A_125], %parallel_loop3A_88#18 {strides = array<i32>} : memref<416xf32, #tpu.memory_space<vmem>>, vector<16xf32>,
      %swap3A_127 = arith.constant 304 : index
      %swap3A_128 = tpu.vector_load %arg10[%swap3A_127] {strides = array<i32>} : memref<416xf32, #tpu.memory_space<vmem>>, vector<16xf32>,
      tpu.vector_store %arg10[%swap3A_127], %parallel_loop3A_88#19 {strides = array<i32>} : memref<416xf32, #tpu.memory_space<vmem>>, vector<16xf32>,
      %swap3A_129 = arith.constant 320 : index
      %swap3A_130 = tpu.vector_load %arg10[%swap3A_129] {strides = array<i32>} : memref<416xf32, #tpu.memory_space<vmem>>, vector<16xf32>,
      tpu.vector_store %arg10[%swap3A_129], %parallel_loop3A_88#20 {strides = array<i32>} : memref<416xf32, #tpu.memory_space<vmem>>, vector<16xf32>,
      %swap3A_131 = arith.constant 336 : index
      %swap3A_132 = tpu.vector_load %arg10[%swap3A_131] {strides = array<i32>} : memref<416xf32, #tpu.memory_space<vmem>>, vector<16xf32>,
      tpu.vector_store %arg10[%swap3A_131], %parallel_loop3A_88#21 {strides = array<i32>} : memref<416xf32, #tpu.memory_space<vmem>>, vector<16xf32>,
      %swap3A_133 = arith.constant 352 : index
      %swap3A_134 = tpu.vector_load %arg10[%swap3A_133] {strides = array<i32>} : memref<416xf32, #tpu.memory_space<vmem>>, vector<16xf32>,
      tpu.vector_store %arg10[%swap3A_133], %parallel_loop3A_88#22 {strides = array<i32>} : memref<416xf32, #tpu.memory_space<vmem>>, vector<16xf32>,
      %swap3A_135 = arith.constant 368 : index
      %swap3A_136 = tpu.vector_load %arg10[%swap3A_135] {strides = array<i32>} : memref<416xf32, #tpu.memory_space<vmem>>, vector<16xf32>,
      tpu.vector_store %arg10[%swap3A_135], %parallel_loop3A_88#23 {strides = array<i32>} : memref<416xf32, #tpu.memory_space<vmem>>, vector<16xf32>,
      %swap3A_137 = arith.constant 384 : index
      %swap3A_138 = tpu.vector_load %arg10[%swap3A_137] {strides = array<i32>} : memref<416xf32, #tpu.memory_space<vmem>>, vector<16xf32>,
      tpu.vector_store %arg10[%swap3A_137], %parallel_loop3A_88#24 {strides = array<i32>} : memref<416xf32, #tpu.memory_space<vmem>>, vector<16xf32>,
      %get3A_139 = arith.constant 0 : index
      %get3A_140 = tpu.vector_load %arg10[%get3A_139] {strides = array<i32>} : memref<416xf32, #tpu.memory_space<vmem>>, vector<16xf32>,
      %add3A_141 = arith.constant 200 : i32
      %add3A_142 = vector.broadcast %add3A_141 : i32 to vector<16xi32>
      %add3A_143 = arith.addi %add3A_142, %iota3A : vector<16xi32>
      %gather3A = tpu.vector_load_idx %arg10[%add3A_143] : memref<416xf32, #tpu.memory_space<vmem>>[vector<16xi32>], vector<16xf32>,
      %add3A_144 = arith.addf %get3A_140, %gather3A : vector<16xf32>
      %bitcast3A = vector.bitcast %add3A_144 : vector<16xf32> to vector<16xi32>
      %shift_right_logical3A = arith.constant 1 : i32
      %shift_right_logical3A_145 = vector.broadcast %shift_right_logical3A : i32 to vector<16xi32>
      %shift_right_logical3A_146 = arith.shrui %bitcast3A, %shift_right_logical3A_145 : vector<16xi32>
      %sub3A = arith.constant 1597463007 : i32
      %sub3A_147 = vector.broadcast %sub3A : i32 to vector<16xi32>
      %sub3A_148 = arith.subi %sub3A_147, %shift_right_logical3A_146 : vector<16xi32>
      %bitcast3A_149 = vector.bitcast %sub3A_148 : vector<16xi32> to vector<16xf32>
      %mul3A_150 = arith.constant 5.000000e-01 : f32
      %mul3A_151 = vector.broadcast %mul3A_150 : f32 to vector<16xf32>
      %mul3A_152 = arith.mulf %mul3A_151, %add3A_144 : vector<16xf32>
      %mul3A_153 = arith.mulf %mul3A_152, %bitcast3A_149 : vector<16xf32>
      %mul3A_154 = arith.mulf %mul3A_153, %bitcast3A_149 : vector<16xf32>
      %sub3A_155 = arith.constant 1.500000e+00 : f32
      %sub3A_156 = vector.broadcast %sub3A_155 : f32 to vector<16xf32>
      %sub3A_157 = arith.subf %sub3A_156, %mul3A_154 : vector<16xf32>
      %mul3A_158 = arith.mulf %bitcast3A_149, %sub3A_157 : vector<16xf32>
      %mul3A_159 = arith.constant 5.000000e-01 : f32
      %mul3A_160 = vector.broadcast %mul3A_159 : f32 to vector<16xf32>
      %mul3A_161 = arith.mulf %mul3A_160, %add3A_144 : vector<16xf32>
      %mul3A_162 = arith.mulf %mul3A_161, %mul3A_158 : vector<16xf32>
      %mul3A_163 = arith.mulf %mul3A_162, %mul3A_158 : vector<16xf32>
      %sub3A_164 = arith.constant 1.500000e+00 : f32
      %sub3A_165 = vector.broadcast %sub3A_164 : f32 to vector<16xf32>
      %sub3A_166 = arith.subf %sub3A_165, %mul3A_163 : vector<16xf32>
      %mul3A_167 = arith.mulf %mul3A_158, %sub3A_166 : vector<16xf32>
      %mul3A_168 = arith.mulf %add3A_144, %mul3A_167 : vector<16xf32>
      %get3A_169 = arith.constant 0 : index
      %get3A_170 = tpu.vector_load %arg9[%get3A_169] {strides = array<i32>} : memref<208xf32, #tpu.memory_space<vmem>>, vector<16xf32>,
      %abs3A = math.absf %get3A_170 : vector<16xf32>
      %mul3A_171 = arith.mulf %abs3A, %mul3A_168 : vector<16xf32>
      %max3A = arith.constant 9.99999996E-13 : f32
      %max3A_172 = vector.broadcast %max3A : f32 to vector<16xf32>
      %max3A_173 = arith.maximumf %mul3A_171, %max3A_172 : vector<16xf32>
      %div3A = arith.divf %get3A_170, %max3A_173 : vector<16xf32>
      %swap3A_174 = arith.constant 0 : index
      %swap3A_175 = tpu.vector_load %arg11[%swap3A_174] {strides = array<i32>} : memref<208xf32, #tpu.memory_space<vmem>>, vector<16xf32>,
      tpu.vector_store %arg11[%swap3A_174], %div3A {strides = array<i32>} : memref<208xf32, #tpu.memory_space<vmem>>, vector<16xf32>,
      %get3A_176 = arith.constant 16 : index
      %get3A_177 = tpu.vector_load %arg10[%get3A_176] {strides = array<i32>} : memref<416xf32, #tpu.memory_space<vmem>>, vector<16xf32>,
      %add3A_178 = arith.constant 216 : i32
      %add3A_179 = vector.broadcast %add3A_178 : i32 to vector<16xi32>
      %add3A_180 = arith.addi %add3A_179, %iota3A : vector<16xi32>
      %gather3A_181 = tpu.vector_load_idx %arg10[%add3A_180] : memref<416xf32, #tpu.memory_space<vmem>>[vector<16xi32>], vector<16xf32>,
      %add3A_182 = arith.addf %get3A_177, %gather3A_181 : vector<16xf32>
      %bitcast3A_183 = vector.bitcast %add3A_182 : vector<16xf32> to vector<16xi32>
      %shift_right_logical3A_184 = arith.constant 1 : i32
      %shift_right_logical3A_185 = vector.broadcast %shift_right_logical3A_184 : i32 to vector<16xi32>
      %shift_right_logical3A_186 = arith.shrui %bitcast3A_183, %shift_right_logical3A_185 : vector<16xi32>
      %sub3A_187 = arith.constant 1597463007 : i32
      %sub3A_188 = vector.broadcast %sub3A_187 : i32 to vector<16xi32>
      %sub3A_189 = arith.subi %sub3A_188, %shift_right_logical3A_186 : vector<16xi32>
      %bitcast3A_190 = vector.bitcast %sub3A_189 : vector<16xi32> to vector<16xf32>
      %mul3A_191 = arith.constant 5.000000e-01 : f32
      %mul3A_192 = vector.broadcast %mul3A_191 : f32 to vector<16xf32>
      %mul3A_193 = arith.mulf %mul3A_192, %add3A_182 : vector<16xf32>
      %mul3A_194 = arith.mulf %mul3A_193, %bitcast3A_190 : vector<16xf32>
      %mul3A_195 = arith.mulf %mul3A_194, %bitcast3A_190 : vector<16xf32>
      %sub3A_196 = arith.constant 1.500000e+00 : f32
      %sub3A_197 = vector.broadcast %sub3A_196 : f32 to vector<16xf32>
      %sub3A_198 = arith.subf %sub3A_197, %mul3A_195 : vector<16xf32>
      %mul3A_199 = arith.mulf %bitcast3A_190, %sub3A_198 : vector<16xf32>
      %mul3A_200 = arith.constant 5.000000e-01 : f32
      %mul3A_201 = vector.broadcast %mul3A_200 : f32 to vector<16xf32>
      %mul3A_202 = arith.mulf %mul3A_201, %add3A_182 : vector<16xf32>
      %mul3A_203 = arith.mulf %mul3A_202, %mul3A_199 : vector<16xf32>
      %mul3A_204 = arith.mulf %mul3A_203, %mul3A_199 : vector<16xf32>
      %sub3A_205 = arith.constant 1.500000e+00 : f32
      %sub3A_206 = vector.broadcast %sub3A_205 : f32 to vector<16xf32>
      %sub3A_207 = arith.subf %sub3A_206, %mul3A_204 : vector<16xf32>
      %mul3A_208 = arith.mulf %mul3A_199, %sub3A_207 : vector<16xf32>
      %mul3A_209 = arith.mulf %add3A_182, %mul3A_208 : vector<16xf32>
      %get3A_210 = arith.constant 16 : index
      %get3A_211 = tpu.vector_load %arg9[%get3A_210] {strides = array<i32>} : memref<208xf32, #tpu.memory_space<vmem>>, vector<16xf32>,
      %abs3A_212 = math.absf %get3A_211 : vector<16xf32>
      %mul3A_213 = arith.mulf %abs3A_212, %mul3A_209 : vector<16xf32>
      %max3A_214 = arith.constant 9.99999996E-13 : f32
      %max3A_215 = vector.broadcast %max3A_214 : f32 to vector<16xf32>
      %max3A_216 = arith.maximumf %mul3A_213, %max3A_215 : vector<16xf32>
      %div3A_217 = arith.divf %get3A_211, %max3A_216 : vector<16xf32>
      %swap3A_218 = arith.constant 16 : index
      %swap3A_219 = tpu.vector_load %arg11[%swap3A_218] {strides = array<i32>} : memref<208xf32, #tpu.memory_space<vmem>>, vector<16xf32>,
      tpu.vector_store %arg11[%swap3A_218], %div3A_217 {strides = array<i32>} : memref<208xf32, #tpu.memory_space<vmem>>, vector<16xf32>,
      %get3A_220 = arith.constant 32 : index
      %get3A_221 = tpu.vector_load %arg10[%get3A_220] {strides = array<i32>} : memref<416xf32, #tpu.memory_space<vmem>>, vector<16xf32>,
      %add3A_222 = arith.constant 232 : i32
      %add3A_223 = vector.broadcast %add3A_222 : i32 to vector<16xi32>
      %add3A_224 = arith.addi %add3A_223, %iota3A : vector<16xi32>
      %gather3A_225 = tpu.vector_load_idx %arg10[%add3A_224] : memref<416xf32, #tpu.memory_space<vmem>>[vector<16xi32>], vector<16xf32>,
      %add3A_226 = arith.addf %get3A_221, %gather3A_225 : vector<16xf32>
      %bitcast3A_227 = vector.bitcast %add3A_226 : vector<16xf32> to vector<16xi32>
      %shift_right_logical3A_228 = arith.constant 1 : i32
      %shift_right_logical3A_229 = vector.broadcast %shift_right_logical3A_228 : i32 to vector<16xi32>
      %shift_right_logical3A_230 = arith.shrui %bitcast3A_227, %shift_right_logical3A_229 : vector<16xi32>
      %sub3A_231 = arith.constant 1597463007 : i32
      %sub3A_232 = vector.broadcast %sub3A_231 : i32 to vector<16xi32>
      %sub3A_233 = arith.subi %sub3A_232, %shift_right_logical3A_230 : vector<16xi32>
      %bitcast3A_234 = vector.bitcast %sub3A_233 : vector<16xi32> to vector<16xf32>
      %mul3A_235 = arith.constant 5.000000e-01 : f32
      %mul3A_236 = vector.broadcast %mul3A_235 : f32 to vector<16xf32>
      %mul3A_237 = arith.mulf %mul3A_236, %add3A_226 : vector<16xf32>
      %mul3A_238 = arith.mulf %mul3A_237, %bitcast3A_234 : vector<16xf32>
      %mul3A_239 = arith.mulf %mul3A_238, %bitcast3A_234 : vector<16xf32>
      %sub3A_240 = arith.constant 1.500000e+00 : f32
      %sub3A_241 = vector.broadcast %sub3A_240 : f32 to vector<16xf32>
      %sub3A_242 = arith.subf %sub3A_241, %mul3A_239 : vector<16xf32>
      %mul3A_243 = arith.mulf %bitcast3A_234, %sub3A_242 : vector<16xf32>
      %mul3A_244 = arith.constant 5.000000e-01 : f32
      %mul3A_245 = vector.broadcast %mul3A_244 : f32 to vector<16xf32>
      %mul3A_246 = arith.mulf %mul3A_245, %add3A_226 : vector<16xf32>
      %mul3A_247 = arith.mulf %mul3A_246, %mul3A_243 : vector<16xf32>
      %mul3A_248 = arith.mulf %mul3A_247, %mul3A_243 : vector<16xf32>
      %sub3A_249 = arith.constant 1.500000e+00 : f32
      %sub3A_250 = vector.broadcast %sub3A_249 : f32 to vector<16xf32>
      %sub3A_251 = arith.subf %sub3A_250, %mul3A_248 : vector<16xf32>
      %mul3A_252 = arith.mulf %mul3A_243, %sub3A_251 : vector<16xf32>
      %mul3A_253 = arith.mulf %add3A_226, %mul3A_252 : vector<16xf32>
      %get3A_254 = arith.constant 32 : index
      %get3A_255 = tpu.vector_load %arg9[%get3A_254] {strides = array<i32>} : memref<208xf32, #tpu.memory_space<vmem>>, vector<16xf32>,
      %abs3A_256 = math.absf %get3A_255 : vector<16xf32>
      %mul3A_257 = arith.mulf %abs3A_256, %mul3A_253 : vector<16xf32>
      %max3A_258 = arith.constant 9.99999996E-13 : f32
      %max3A_259 = vector.broadcast %max3A_258 : f32 to vector<16xf32>
      %max3A_260 = arith.maximumf %mul3A_257, %max3A_259 : vector<16xf32>
      %div3A_261 = arith.divf %get3A_255, %max3A_260 : vector<16xf32>
      %swap3A_262 = arith.constant 32 : index
      %swap3A_263 = tpu.vector_load %arg11[%swap3A_262] {strides = array<i32>} : memref<208xf32, #tpu.memory_space<vmem>>, vector<16xf32>,
      tpu.vector_store %arg11[%swap3A_262], %div3A_261 {strides = array<i32>} : memref<208xf32, #tpu.memory_space<vmem>>, vector<16xf32>,
      %get3A_264 = arith.constant 48 : index
      %get3A_265 = tpu.vector_load %arg10[%get3A_264] {strides = array<i32>} : memref<416xf32, #tpu.memory_space<vmem>>, vector<16xf32>,
      %add3A_266 = arith.constant 248 : i32
      %add3A_267 = vector.broadcast %add3A_266 : i32 to vector<16xi32>
      %add3A_268 = arith.addi %add3A_267, %iota3A : vector<16xi32>
      %gather3A_269 = tpu.vector_load_idx %arg10[%add3A_268] : memref<416xf32, #tpu.memory_space<vmem>>[vector<16xi32>], vector<16xf32>,
      %add3A_270 = arith.addf %get3A_265, %gather3A_269 : vector<16xf32>
      %bitcast3A_271 = vector.bitcast %add3A_270 : vector<16xf32> to vector<16xi32>
      %shift_right_logical3A_272 = arith.constant 1 : i32
      %shift_right_logical3A_273 = vector.broadcast %shift_right_logical3A_272 : i32 to vector<16xi32>
      %shift_right_logical3A_274 = arith.shrui %bitcast3A_271, %shift_right_logical3A_273 : vector<16xi32>
      %sub3A_275 = arith.constant 1597463007 : i32
      %sub3A_276 = vector.broadcast %sub3A_275 : i32 to vector<16xi32>
      %sub3A_277 = arith.subi %sub3A_276, %shift_right_logical3A_274 : vector<16xi32>
      %bitcast3A_278 = vector.bitcast %sub3A_277 : vector<16xi32> to vector<16xf32>
      %mul3A_279 = arith.constant 5.000000e-01 : f32
      %mul3A_280 = vector.broadcast %mul3A_279 : f32 to vector<16xf32>
      %mul3A_281 = arith.mulf %mul3A_280, %add3A_270 : vector<16xf32>
      %mul3A_282 = arith.mulf %mul3A_281, %bitcast3A_278 : vector<16xf32>
      %mul3A_283 = arith.mulf %mul3A_282, %bitcast3A_278 : vector<16xf32>
      %sub3A_284 = arith.constant 1.500000e+00 : f32
      %sub3A_285 = vector.broadcast %sub3A_284 : f32 to vector<16xf32>
      %sub3A_286 = arith.subf %sub3A_285, %mul3A_283 : vector<16xf32>
      %mul3A_287 = arith.mulf %bitcast3A_278, %sub3A_286 : vector<16xf32>
      %mul3A_288 = arith.constant 5.000000e-01 : f32
      %mul3A_289 = vector.broadcast %mul3A_288 : f32 to vector<16xf32>
      %mul3A_290 = arith.mulf %mul3A_289, %add3A_270 : vector<16xf32>
      %mul3A_291 = arith.mulf %mul3A_290, %mul3A_287 : vector<16xf32>
      %mul3A_292 = arith.mulf %mul3A_291, %mul3A_287 : vector<16xf32>
      %sub3A_293 = arith.constant 1.500000e+00 : f32
      %sub3A_294 = vector.broadcast %sub3A_293 : f32 to vector<16xf32>
      %sub3A_295 = arith.subf %sub3A_294, %mul3A_292 : vector<16xf32>
      %mul3A_296 = arith.mulf %mul3A_287, %sub3A_295 : vector<16xf32>
      %mul3A_297 = arith.mulf %add3A_270, %mul3A_296 : vector<16xf32>
      %get3A_298 = arith.constant 48 : index
      %get3A_299 = tpu.vector_load %arg9[%get3A_298] {strides = array<i32>} : memref<208xf32, #tpu.memory_space<vmem>>, vector<16xf32>,
      %abs3A_300 = math.absf %get3A_299 : vector<16xf32>
      %mul3A_301 = arith.mulf %abs3A_300, %mul3A_297 : vector<16xf32>
      %max3A_302 = arith.constant 9.99999996E-13 : f32
      %max3A_303 = vector.broadcast %max3A_302 : f32 to vector<16xf32>
      %max3A_304 = arith.maximumf %mul3A_301, %max3A_303 : vector<16xf32>
      %div3A_305 = arith.divf %get3A_299, %max3A_304 : vector<16xf32>
      %swap3A_306 = arith.constant 48 : index
      %swap3A_307 = tpu.vector_load %arg11[%swap3A_306] {strides = array<i32>} : memref<208xf32, #tpu.memory_space<vmem>>, vector<16xf32>,
      tpu.vector_store %arg11[%swap3A_306], %div3A_305 {strides = array<i32>} : memref<208xf32, #tpu.memory_space<vmem>>, vector<16xf32>,
      %get3A_308 = arith.constant 64 : index
      %get3A_309 = tpu.vector_load %arg10[%get3A_308] {strides = array<i32>} : memref<416xf32, #tpu.memory_space<vmem>>, vector<16xf32>,
      %add3A_310 = arith.constant 264 : i32
      %add3A_311 = vector.broadcast %add3A_310 : i32 to vector<16xi32>
      %add3A_312 = arith.addi %add3A_311, %iota3A : vector<16xi32>
      %gather3A_313 = tpu.vector_load_idx %arg10[%add3A_312] : memref<416xf32, #tpu.memory_space<vmem>>[vector<16xi32>], vector<16xf32>,
      %add3A_314 = arith.addf %get3A_309, %gather3A_313 : vector<16xf32>
      %bitcast3A_315 = vector.bitcast %add3A_314 : vector<16xf32> to vector<16xi32>
      %shift_right_logical3A_316 = arith.constant 1 : i32
      %shift_right_logical3A_317 = vector.broadcast %shift_right_logical3A_316 : i32 to vector<16xi32>
      %shift_right_logical3A_318 = arith.shrui %bitcast3A_315, %shift_right_logical3A_317 : vector<16xi32>
      %sub3A_319 = arith.constant 1597463007 : i32
      %sub3A_320 = vector.broadcast %sub3A_319 : i32 to vector<16xi32>
      %sub3A_321 = arith.subi %sub3A_320, %shift_right_logical3A_318 : vector<16xi32>
      %bitcast3A_322 = vector.bitcast %sub3A_321 : vector<16xi32> to vector<16xf32>
      %mul3A_323 = arith.constant 5.000000e-01 : f32
      %mul3A_324 = vector.broadcast %mul3A_323 : f32 to vector<16xf32>
      %mul3A_325 = arith.mulf %mul3A_324, %add3A_314 : vector<16xf32>
      %mul3A_326 = arith.mulf %mul3A_325, %bitcast3A_322 : vector<16xf32>
      %mul3A_327 = arith.mulf %mul3A_326, %bitcast3A_322 : vector<16xf32>
      %sub3A_328 = arith.constant 1.500000e+00 : f32
      %sub3A_329 = vector.broadcast %sub3A_328 : f32 to vector<16xf32>
      %sub3A_330 = arith.subf %sub3A_329, %mul3A_327 : vector<16xf32>
      %mul3A_331 = arith.mulf %bitcast3A_322, %sub3A_330 : vector<16xf32>
      %mul3A_332 = arith.constant 5.000000e-01 : f32
      %mul3A_333 = vector.broadcast %mul3A_332 : f32 to vector<16xf32>
      %mul3A_334 = arith.mulf %mul3A_333, %add3A_314 : vector<16xf32>
      %mul3A_335 = arith.mulf %mul3A_334, %mul3A_331 : vector<16xf32>
      %mul3A_336 = arith.mulf %mul3A_335, %mul3A_331 : vector<16xf32>
      %sub3A_337 = arith.constant 1.500000e+00 : f32
      %sub3A_338 = vector.broadcast %sub3A_337 : f32 to vector<16xf32>
      %sub3A_339 = arith.subf %sub3A_338, %mul3A_336 : vector<16xf32>
      %mul3A_340 = arith.mulf %mul3A_331, %sub3A_339 : vector<16xf32>
      %mul3A_341 = arith.mulf %add3A_314, %mul3A_340 : vector<16xf32>
      %get3A_342 = arith.constant 64 : index
      %get3A_343 = tpu.vector_load %arg9[%get3A_342] {strides = array<i32>} : memref<208xf32, #tpu.memory_space<vmem>>, vector<16xf32>,
      %abs3A_344 = math.absf %get3A_343 : vector<16xf32>
      %mul3A_345 = arith.mulf %abs3A_344, %mul3A_341 : vector<16xf32>
      %max3A_346 = arith.constant 9.99999996E-13 : f32
      %max3A_347 = vector.broadcast %max3A_346 : f32 to vector<16xf32>
      %max3A_348 = arith.maximumf %mul3A_345, %max3A_347 : vector<16xf32>
      %div3A_349 = arith.divf %get3A_343, %max3A_348 : vector<16xf32>
      %swap3A_350 = arith.constant 64 : index
      %swap3A_351 = tpu.vector_load %arg11[%swap3A_350] {strides = array<i32>} : memref<208xf32, #tpu.memory_space<vmem>>, vector<16xf32>,
      tpu.vector_store %arg11[%swap3A_350], %div3A_349 {strides = array<i32>} : memref<208xf32, #tpu.memory_space<vmem>>, vector<16xf32>,
      %get3A_352 = arith.constant 80 : index
      %get3A_353 = tpu.vector_load %arg10[%get3A_352] {strides = array<i32>} : memref<416xf32, #tpu.memory_space<vmem>>, vector<16xf32>,
      %add3A_354 = arith.constant 280 : i32
      %add3A_355 = vector.broadcast %add3A_354 : i32 to vector<16xi32>
      %add3A_356 = arith.addi %add3A_355, %iota3A : vector<16xi32>
      %gather3A_357 = tpu.vector_load_idx %arg10[%add3A_356] : memref<416xf32, #tpu.memory_space<vmem>>[vector<16xi32>], vector<16xf32>,
      %add3A_358 = arith.addf %get3A_353, %gather3A_357 : vector<16xf32>
      %bitcast3A_359 = vector.bitcast %add3A_358 : vector<16xf32> to vector<16xi32>
      %shift_right_logical3A_360 = arith.constant 1 : i32
      %shift_right_logical3A_361 = vector.broadcast %shift_right_logical3A_360 : i32 to vector<16xi32>
      %shift_right_logical3A_362 = arith.shrui %bitcast3A_359, %shift_right_logical3A_361 : vector<16xi32>
      %sub3A_363 = arith.constant 1597463007 : i32
      %sub3A_364 = vector.broadcast %sub3A_363 : i32 to vector<16xi32>
      %sub3A_365 = arith.subi %sub3A_364, %shift_right_logical3A_362 : vector<16xi32>
      %bitcast3A_366 = vector.bitcast %sub3A_365 : vector<16xi32> to vector<16xf32>
      %mul3A_367 = arith.constant 5.000000e-01 : f32
      %mul3A_368 = vector.broadcast %mul3A_367 : f32 to vector<16xf32>
      %mul3A_369 = arith.mulf %mul3A_368, %add3A_358 : vector<16xf32>
      %mul3A_370 = arith.mulf %mul3A_369, %bitcast3A_366 : vector<16xf32>
      %mul3A_371 = arith.mulf %mul3A_370, %bitcast3A_366 : vector<16xf32>
      %sub3A_372 = arith.constant 1.500000e+00 : f32
      %sub3A_373 = vector.broadcast %sub3A_372 : f32 to vector<16xf32>
      %sub3A_374 = arith.subf %sub3A_373, %mul3A_371 : vector<16xf32>
      %mul3A_375 = arith.mulf %bitcast3A_366, %sub3A_374 : vector<16xf32>
      %mul3A_376 = arith.constant 5.000000e-01 : f32
      %mul3A_377 = vector.broadcast %mul3A_376 : f32 to vector<16xf32>
      %mul3A_378 = arith.mulf %mul3A_377, %add3A_358 : vector<16xf32>
      %mul3A_379 = arith.mulf %mul3A_378, %mul3A_375 : vector<16xf32>
      %mul3A_380 = arith.mulf %mul3A_379, %mul3A_375 : vector<16xf32>
      %sub3A_381 = arith.constant 1.500000e+00 : f32
      %sub3A_382 = vector.broadcast %sub3A_381 : f32 to vector<16xf32>
      %sub3A_383 = arith.subf %sub3A_382, %mul3A_380 : vector<16xf32>
      %mul3A_384 = arith.mulf %mul3A_375, %sub3A_383 : vector<16xf32>
      %mul3A_385 = arith.mulf %add3A_358, %mul3A_384 : vector<16xf32>
      %get3A_386 = arith.constant 80 : index
      %get3A_387 = tpu.vector_load %arg9[%get3A_386] {strides = array<i32>} : memref<208xf32, #tpu.memory_space<vmem>>, vector<16xf32>,
      %abs3A_388 = math.absf %get3A_387 : vector<16xf32>
      %mul3A_389 = arith.mulf %abs3A_388, %mul3A_385 : vector<16xf32>
      %max3A_390 = arith.constant 9.99999996E-13 : f32
      %max3A_391 = vector.broadcast %max3A_390 : f32 to vector<16xf32>
      %max3A_392 = arith.maximumf %mul3A_389, %max3A_391 : vector<16xf32>
      %div3A_393 = arith.divf %get3A_387, %max3A_392 : vector<16xf32>
      %swap3A_394 = arith.constant 80 : index
      %swap3A_395 = tpu.vector_load %arg11[%swap3A_394] {strides = array<i32>} : memref<208xf32, #tpu.memory_space<vmem>>, vector<16xf32>,
      tpu.vector_store %arg11[%swap3A_394], %div3A_393 {strides = array<i32>} : memref<208xf32, #tpu.memory_space<vmem>>, vector<16xf32>,
      %get3A_396 = arith.constant 96 : index
      %get3A_397 = tpu.vector_load %arg10[%get3A_396] {strides = array<i32>} : memref<416xf32, #tpu.memory_space<vmem>>, vector<16xf32>,
      %add3A_398 = arith.constant 296 : i32
      %add3A_399 = vector.broadcast %add3A_398 : i32 to vector<16xi32>
      %add3A_400 = arith.addi %add3A_399, %iota3A : vector<16xi32>
      %gather3A_401 = tpu.vector_load_idx %arg10[%add3A_400] : memref<416xf32, #tpu.memory_space<vmem>>[vector<16xi32>], vector<16xf32>,
      %add3A_402 = arith.addf %get3A_397, %gather3A_401 : vector<16xf32>
      %bitcast3A_403 = vector.bitcast %add3A_402 : vector<16xf32> to vector<16xi32>
      %shift_right_logical3A_404 = arith.constant 1 : i32
      %shift_right_logical3A_405 = vector.broadcast %shift_right_logical3A_404 : i32 to vector<16xi32>
      %shift_right_logical3A_406 = arith.shrui %bitcast3A_403, %shift_right_logical3A_405 : vector<16xi32>
      %sub3A_407 = arith.constant 1597463007 : i32
      %sub3A_408 = vector.broadcast %sub3A_407 : i32 to vector<16xi32>
      %sub3A_409 = arith.subi %sub3A_408, %shift_right_logical3A_406 : vector<16xi32>
      %bitcast3A_410 = vector.bitcast %sub3A_409 : vector<16xi32> to vector<16xf32>
      %mul3A_411 = arith.constant 5.000000e-01 : f32
      %mul3A_412 = vector.broadcast %mul3A_411 : f32 to vector<16xf32>
      %mul3A_413 = arith.mulf %mul3A_412, %add3A_402 : vector<16xf32>
      %mul3A_414 = arith.mulf %mul3A_413, %bitcast3A_410 : vector<16xf32>
      %mul3A_415 = arith.mulf %mul3A_414, %bitcast3A_410 : vector<16xf32>
      %sub3A_416 = arith.constant 1.500000e+00 : f32
      %sub3A_417 = vector.broadcast %sub3A_416 : f32 to vector<16xf32>
      %sub3A_418 = arith.subf %sub3A_417, %mul3A_415 : vector<16xf32>
      %mul3A_419 = arith.mulf %bitcast3A_410, %sub3A_418 : vector<16xf32>
      %mul3A_420 = arith.constant 5.000000e-01 : f32
      %mul3A_421 = vector.broadcast %mul3A_420 : f32 to vector<16xf32>
      %mul3A_422 = arith.mulf %mul3A_421, %add3A_402 : vector<16xf32>
      %mul3A_423 = arith.mulf %mul3A_422, %mul3A_419 : vector<16xf32>
      %mul3A_424 = arith.mulf %mul3A_423, %mul3A_419 : vector<16xf32>
      %sub3A_425 = arith.constant 1.500000e+00 : f32
      %sub3A_426 = vector.broadcast %sub3A_425 : f32 to vector<16xf32>
      %sub3A_427 = arith.subf %sub3A_426, %mul3A_424 : vector<16xf32>
      %mul3A_428 = arith.mulf %mul3A_419, %sub3A_427 : vector<16xf32>
      %mul3A_429 = arith.mulf %add3A_402, %mul3A_428 : vector<16xf32>
      %get3A_430 = arith.constant 96 : index
      %get3A_431 = tpu.vector_load %arg9[%get3A_430] {strides = array<i32>} : memref<208xf32, #tpu.memory_space<vmem>>, vector<16xf32>,
      %abs3A_432 = math.absf %get3A_431 : vector<16xf32>
      %mul3A_433 = arith.mulf %abs3A_432, %mul3A_429 : vector<16xf32>
      %max3A_434 = arith.constant 9.99999996E-13 : f32
      %max3A_435 = vector.broadcast %max3A_434 : f32 to vector<16xf32>
      %max3A_436 = arith.maximumf %mul3A_433, %max3A_435 : vector<16xf32>
      %div3A_437 = arith.divf %get3A_431, %max3A_436 : vector<16xf32>
      %swap3A_438 = arith.constant 96 : index
      %swap3A_439 = tpu.vector_load %arg11[%swap3A_438] {strides = array<i32>} : memref<208xf32, #tpu.memory_space<vmem>>, vector<16xf32>,
      tpu.vector_store %arg11[%swap3A_438], %div3A_437 {strides = array<i32>} : memref<208xf32, #tpu.memory_space<vmem>>, vector<16xf32>,
      %get3A_440 = arith.constant 112 : index
      %get3A_441 = tpu.vector_load %arg10[%get3A_440] {strides = array<i32>} : memref<416xf32, #tpu.memory_space<vmem>>, vector<16xf32>,
      %add3A_442 = arith.constant 312 : i32
      %add3A_443 = vector.broadcast %add3A_442 : i32 to vector<16xi32>
      %add3A_444 = arith.addi %add3A_443, %iota3A : vector<16xi32>
      %gather3A_445 = tpu.vector_load_idx %arg10[%add3A_444] : memref<416xf32, #tpu.memory_space<vmem>>[vector<16xi32>], vector<16xf32>,
      %add3A_446 = arith.addf %get3A_441, %gather3A_445 : vector<16xf32>
      %bitcast3A_447 = vector.bitcast %add3A_446 : vector<16xf32> to vector<16xi32>
      %shift_right_logical3A_448 = arith.constant 1 : i32
      %shift_right_logical3A_449 = vector.broadcast %shift_right_logical3A_448 : i32 to vector<16xi32>
      %shift_right_logical3A_450 = arith.shrui %bitcast3A_447, %shift_right_logical3A_449 : vector<16xi32>
      %sub3A_451 = arith.constant 1597463007 : i32
      %sub3A_452 = vector.broadcast %sub3A_451 : i32 to vector<16xi32>
      %sub3A_453 = arith.subi %sub3A_452, %shift_right_logical3A_450 : vector<16xi32>
      %bitcast3A_454 = vector.bitcast %sub3A_453 : vector<16xi32> to vector<16xf32>
      %mul3A_455 = arith.constant 5.000000e-01 : f32
      %mul3A_456 = vector.broadcast %mul3A_455 : f32 to vector<16xf32>
      %mul3A_457 = arith.mulf %mul3A_456, %add3A_446 : vector<16xf32>
      %mul3A_458 = arith.mulf %mul3A_457, %bitcast3A_454 : vector<16xf32>
      %mul3A_459 = arith.mulf %mul3A_458, %bitcast3A_454 : vector<16xf32>
      %sub3A_460 = arith.constant 1.500000e+00 : f32
      %sub3A_461 = vector.broadcast %sub3A_460 : f32 to vector<16xf32>
      %sub3A_462 = arith.subf %sub3A_461, %mul3A_459 : vector<16xf32>
      %mul3A_463 = arith.mulf %bitcast3A_454, %sub3A_462 : vector<16xf32>
      %mul3A_464 = arith.constant 5.000000e-01 : f32
      %mul3A_465 = vector.broadcast %mul3A_464 : f32 to vector<16xf32>
      %mul3A_466 = arith.mulf %mul3A_465, %add3A_446 : vector<16xf32>
      %mul3A_467 = arith.mulf %mul3A_466, %mul3A_463 : vector<16xf32>
      %mul3A_468 = arith.mulf %mul3A_467, %mul3A_463 : vector<16xf32>
      %sub3A_469 = arith.constant 1.500000e+00 : f32
      %sub3A_470 = vector.broadcast %sub3A_469 : f32 to vector<16xf32>
      %sub3A_471 = arith.subf %sub3A_470, %mul3A_468 : vector<16xf32>
      %mul3A_472 = arith.mulf %mul3A_463, %sub3A_471 : vector<16xf32>
      %mul3A_473 = arith.mulf %add3A_446, %mul3A_472 : vector<16xf32>
      %get3A_474 = arith.constant 112 : index
      %get3A_475 = tpu.vector_load %arg9[%get3A_474] {strides = array<i32>} : memref<208xf32, #tpu.memory_space<vmem>>, vector<16xf32>,
      %abs3A_476 = math.absf %get3A_475 : vector<16xf32>
      %mul3A_477 = arith.mulf %abs3A_476, %mul3A_473 : vector<16xf32>
      %max3A_478 = arith.constant 9.99999996E-13 : f32
      %max3A_479 = vector.broadcast %max3A_478 : f32 to vector<16xf32>
      %max3A_480 = arith.maximumf %mul3A_477, %max3A_479 : vector<16xf32>
      %div3A_481 = arith.divf %get3A_475, %max3A_480 : vector<16xf32>
      %swap3A_482 = arith.constant 112 : index
      %swap3A_483 = tpu.vector_load %arg11[%swap3A_482] {strides = array<i32>} : memref<208xf32, #tpu.memory_space<vmem>>, vector<16xf32>,
      tpu.vector_store %arg11[%swap3A_482], %div3A_481 {strides = array<i32>} : memref<208xf32, #tpu.memory_space<vmem>>, vector<16xf32>,
      %get3A_484 = arith.constant 128 : index
      %get3A_485 = tpu.vector_load %arg10[%get3A_484] {strides = array<i32>} : memref<416xf32, #tpu.memory_space<vmem>>, vector<16xf32>,
      %add3A_486 = arith.constant 328 : i32
      %add3A_487 = vector.broadcast %add3A_486 : i32 to vector<16xi32>
      %add3A_488 = arith.addi %add3A_487, %iota3A : vector<16xi32>
      %gather3A_489 = tpu.vector_load_idx %arg10[%add3A_488] : memref<416xf32, #tpu.memory_space<vmem>>[vector<16xi32>], vector<16xf32>,
      %add3A_490 = arith.addf %get3A_485, %gather3A_489 : vector<16xf32>
      %bitcast3A_491 = vector.bitcast %add3A_490 : vector<16xf32> to vector<16xi32>
      %shift_right_logical3A_492 = arith.constant 1 : i32
      %shift_right_logical3A_493 = vector.broadcast %shift_right_logical3A_492 : i32 to vector<16xi32>
      %shift_right_logical3A_494 = arith.shrui %bitcast3A_491, %shift_right_logical3A_493 : vector<16xi32>
      %sub3A_495 = arith.constant 1597463007 : i32
      %sub3A_496 = vector.broadcast %sub3A_495 : i32 to vector<16xi32>
      %sub3A_497 = arith.subi %sub3A_496, %shift_right_logical3A_494 : vector<16xi32>
      %bitcast3A_498 = vector.bitcast %sub3A_497 : vector<16xi32> to vector<16xf32>
      %mul3A_499 = arith.constant 5.000000e-01 : f32
      %mul3A_500 = vector.broadcast %mul3A_499 : f32 to vector<16xf32>
      %mul3A_501 = arith.mulf %mul3A_500, %add3A_490 : vector<16xf32>
      %mul3A_502 = arith.mulf %mul3A_501, %bitcast3A_498 : vector<16xf32>
      %mul3A_503 = arith.mulf %mul3A_502, %bitcast3A_498 : vector<16xf32>
      %sub3A_504 = arith.constant 1.500000e+00 : f32
      %sub3A_505 = vector.broadcast %sub3A_504 : f32 to vector<16xf32>
      %sub3A_506 = arith.subf %sub3A_505, %mul3A_503 : vector<16xf32>
      %mul3A_507 = arith.mulf %bitcast3A_498, %sub3A_506 : vector<16xf32>
      %mul3A_508 = arith.constant 5.000000e-01 : f32
      %mul3A_509 = vector.broadcast %mul3A_508 : f32 to vector<16xf32>
      %mul3A_510 = arith.mulf %mul3A_509, %add3A_490 : vector<16xf32>
      %mul3A_511 = arith.mulf %mul3A_510, %mul3A_507 : vector<16xf32>
      %mul3A_512 = arith.mulf %mul3A_511, %mul3A_507 : vector<16xf32>
      %sub3A_513 = arith.constant 1.500000e+00 : f32
      %sub3A_514 = vector.broadcast %sub3A_513 : f32 to vector<16xf32>
      %sub3A_515 = arith.subf %sub3A_514, %mul3A_512 : vector<16xf32>
      %mul3A_516 = arith.mulf %mul3A_507, %sub3A_515 : vector<16xf32>
      %mul3A_517 = arith.mulf %add3A_490, %mul3A_516 : vector<16xf32>
      %get3A_518 = arith.constant 128 : index
      %get3A_519 = tpu.vector_load %arg9[%get3A_518] {strides = array<i32>} : memref<208xf32, #tpu.memory_space<vmem>>, vector<16xf32>,
      %abs3A_520 = math.absf %get3A_519 : vector<16xf32>
      %mul3A_521 = arith.mulf %abs3A_520, %mul3A_517 : vector<16xf32>
      %max3A_522 = arith.constant 9.99999996E-13 : f32
      %max3A_523 = vector.broadcast %max3A_522 : f32 to vector<16xf32>
      %max3A_524 = arith.maximumf %mul3A_521, %max3A_523 : vector<16xf32>
      %div3A_525 = arith.divf %get3A_519, %max3A_524 : vector<16xf32>
      %swap3A_526 = arith.constant 128 : index
      %swap3A_527 = tpu.vector_load %arg11[%swap3A_526] {strides = array<i32>} : memref<208xf32, #tpu.memory_space<vmem>>, vector<16xf32>,
      tpu.vector_store %arg11[%swap3A_526], %div3A_525 {strides = array<i32>} : memref<208xf32, #tpu.memory_space<vmem>>, vector<16xf32>,
      %get3A_528 = arith.constant 144 : index
      %get3A_529 = tpu.vector_load %arg10[%get3A_528] {strides = array<i32>} : memref<416xf32, #tpu.memory_space<vmem>>, vector<16xf32>,
      %add3A_530 = arith.constant 344 : i32
      %add3A_531 = vector.broadcast %add3A_530 : i32 to vector<16xi32>
      %add3A_532 = arith.addi %add3A_531, %iota3A : vector<16xi32>
      %gather3A_533 = tpu.vector_load_idx %arg10[%add3A_532] : memref<416xf32, #tpu.memory_space<vmem>>[vector<16xi32>], vector<16xf32>,
      %add3A_534 = arith.addf %get3A_529, %gather3A_533 : vector<16xf32>
      %bitcast3A_535 = vector.bitcast %add3A_534 : vector<16xf32> to vector<16xi32>
      %shift_right_logical3A_536 = arith.constant 1 : i32
      %shift_right_logical3A_537 = vector.broadcast %shift_right_logical3A_536 : i32 to vector<16xi32>
      %shift_right_logical3A_538 = arith.shrui %bitcast3A_535, %shift_right_logical3A_537 : vector<16xi32>
      %sub3A_539 = arith.constant 1597463007 : i32
      %sub3A_540 = vector.broadcast %sub3A_539 : i32 to vector<16xi32>
      %sub3A_541 = arith.subi %sub3A_540, %shift_right_logical3A_538 : vector<16xi32>
      %bitcast3A_542 = vector.bitcast %sub3A_541 : vector<16xi32> to vector<16xf32>
      %mul3A_543 = arith.constant 5.000000e-01 : f32
      %mul3A_544 = vector.broadcast %mul3A_543 : f32 to vector<16xf32>
      %mul3A_545 = arith.mulf %mul3A_544, %add3A_534 : vector<16xf32>
      %mul3A_546 = arith.mulf %mul3A_545, %bitcast3A_542 : vector<16xf32>
      %mul3A_547 = arith.mulf %mul3A_546, %bitcast3A_542 : vector<16xf32>
      %sub3A_548 = arith.constant 1.500000e+00 : f32
      %sub3A_549 = vector.broadcast %sub3A_548 : f32 to vector<16xf32>
      %sub3A_550 = arith.subf %sub3A_549, %mul3A_547 : vector<16xf32>
      %mul3A_551 = arith.mulf %bitcast3A_542, %sub3A_550 : vector<16xf32>
      %mul3A_552 = arith.constant 5.000000e-01 : f32
      %mul3A_553 = vector.broadcast %mul3A_552 : f32 to vector<16xf32>
      %mul3A_554 = arith.mulf %mul3A_553, %add3A_534 : vector<16xf32>
      %mul3A_555 = arith.mulf %mul3A_554, %mul3A_551 : vector<16xf32>
      %mul3A_556 = arith.mulf %mul3A_555, %mul3A_551 : vector<16xf32>
      %sub3A_557 = arith.constant 1.500000e+00 : f32
      %sub3A_558 = vector.broadcast %sub3A_557 : f32 to vector<16xf32>
      %sub3A_559 = arith.subf %sub3A_558, %mul3A_556 : vector<16xf32>
      %mul3A_560 = arith.mulf %mul3A_551, %sub3A_559 : vector<16xf32>
      %mul3A_561 = arith.mulf %add3A_534, %mul3A_560 : vector<16xf32>
      %get3A_562 = arith.constant 144 : index
      %get3A_563 = tpu.vector_load %arg9[%get3A_562] {strides = array<i32>} : memref<208xf32, #tpu.memory_space<vmem>>, vector<16xf32>,
      %abs3A_564 = math.absf %get3A_563 : vector<16xf32>
      %mul3A_565 = arith.mulf %abs3A_564, %mul3A_561 : vector<16xf32>
      %max3A_566 = arith.constant 9.99999996E-13 : f32
      %max3A_567 = vector.broadcast %max3A_566 : f32 to vector<16xf32>
      %max3A_568 = arith.maximumf %mul3A_565, %max3A_567 : vector<16xf32>
      %div3A_569 = arith.divf %get3A_563, %max3A_568 : vector<16xf32>
      %swap3A_570 = arith.constant 144 : index
      %swap3A_571 = tpu.vector_load %arg11[%swap3A_570] {strides = array<i32>} : memref<208xf32, #tpu.memory_space<vmem>>, vector<16xf32>,
      tpu.vector_store %arg11[%swap3A_570], %div3A_569 {strides = array<i32>} : memref<208xf32, #tpu.memory_space<vmem>>, vector<16xf32>,
      %get3A_572 = arith.constant 160 : index
      %get3A_573 = tpu.vector_load %arg10[%get3A_572] {strides = array<i32>} : memref<416xf32, #tpu.memory_space<vmem>>, vector<16xf32>,
      %add3A_574 = arith.constant 360 : i32
      %add3A_575 = vector.broadcast %add3A_574 : i32 to vector<16xi32>
      %add3A_576 = arith.addi %add3A_575, %iota3A : vector<16xi32>
      %gather3A_577 = tpu.vector_load_idx %arg10[%add3A_576] : memref<416xf32, #tpu.memory_space<vmem>>[vector<16xi32>], vector<16xf32>,
      %add3A_578 = arith.addf %get3A_573, %gather3A_577 : vector<16xf32>
      %bitcast3A_579 = vector.bitcast %add3A_578 : vector<16xf32> to vector<16xi32>
      %shift_right_logical3A_580 = arith.constant 1 : i32
      %shift_right_logical3A_581 = vector.broadcast %shift_right_logical3A_580 : i32 to vector<16xi32>
      %shift_right_logical3A_582 = arith.shrui %bitcast3A_579, %shift_right_logical3A_581 : vector<16xi32>
      %sub3A_583 = arith.constant 1597463007 : i32
      %sub3A_584 = vector.broadcast %sub3A_583 : i32 to vector<16xi32>
      %sub3A_585 = arith.subi %sub3A_584, %shift_right_logical3A_582 : vector<16xi32>
      %bitcast3A_586 = vector.bitcast %sub3A_585 : vector<16xi32> to vector<16xf32>
      %mul3A_587 = arith.constant 5.000000e-01 : f32
      %mul3A_588 = vector.broadcast %mul3A_587 : f32 to vector<16xf32>
      %mul3A_589 = arith.mulf %mul3A_588, %add3A_578 : vector<16xf32>
      %mul3A_590 = arith.mulf %mul3A_589, %bitcast3A_586 : vector<16xf32>
      %mul3A_591 = arith.mulf %mul3A_590, %bitcast3A_586 : vector<16xf32>
      %sub3A_592 = arith.constant 1.500000e+00 : f32
      %sub3A_593 = vector.broadcast %sub3A_592 : f32 to vector<16xf32>
      %sub3A_594 = arith.subf %sub3A_593, %mul3A_591 : vector<16xf32>
      %mul3A_595 = arith.mulf %bitcast3A_586, %sub3A_594 : vector<16xf32>
      %mul3A_596 = arith.constant 5.000000e-01 : f32
      %mul3A_597 = vector.broadcast %mul3A_596 : f32 to vector<16xf32>
      %mul3A_598 = arith.mulf %mul3A_597, %add3A_578 : vector<16xf32>
      %mul3A_599 = arith.mulf %mul3A_598, %mul3A_595 : vector<16xf32>
      %mul3A_600 = arith.mulf %mul3A_599, %mul3A_595 : vector<16xf32>
      %sub3A_601 = arith.constant 1.500000e+00 : f32
      %sub3A_602 = vector.broadcast %sub3A_601 : f32 to vector<16xf32>
      %sub3A_603 = arith.subf %sub3A_602, %mul3A_600 : vector<16xf32>
      %mul3A_604 = arith.mulf %mul3A_595, %sub3A_603 : vector<16xf32>
      %mul3A_605 = arith.mulf %add3A_578, %mul3A_604 : vector<16xf32>
      %get3A_606 = arith.constant 160 : index
      %get3A_607 = tpu.vector_load %arg9[%get3A_606] {strides = array<i32>} : memref<208xf32, #tpu.memory_space<vmem>>, vector<16xf32>,
      %abs3A_608 = math.absf %get3A_607 : vector<16xf32>
      %mul3A_609 = arith.mulf %abs3A_608, %mul3A_605 : vector<16xf32>
      %max3A_610 = arith.constant 9.99999996E-13 : f32
      %max3A_611 = vector.broadcast %max3A_610 : f32 to vector<16xf32>
      %max3A_612 = arith.maximumf %mul3A_609, %max3A_611 : vector<16xf32>
      %div3A_613 = arith.divf %get3A_607, %max3A_612 : vector<16xf32>
      %swap3A_614 = arith.constant 160 : index
      %swap3A_615 = tpu.vector_load %arg11[%swap3A_614] {strides = array<i32>} : memref<208xf32, #tpu.memory_space<vmem>>, vector<16xf32>,
      tpu.vector_store %arg11[%swap3A_614], %div3A_613 {strides = array<i32>} : memref<208xf32, #tpu.memory_space<vmem>>, vector<16xf32>,
      %get3A_616 = arith.constant 176 : index
      %get3A_617 = tpu.vector_load %arg10[%get3A_616] {strides = array<i32>} : memref<416xf32, #tpu.memory_space<vmem>>, vector<16xf32>,
      %add3A_618 = arith.constant 376 : i32
      %add3A_619 = vector.broadcast %add3A_618 : i32 to vector<16xi32>
      %add3A_620 = arith.addi %add3A_619, %iota3A : vector<16xi32>
      %gather3A_621 = tpu.vector_load_idx %arg10[%add3A_620] : memref<416xf32, #tpu.memory_space<vmem>>[vector<16xi32>], vector<16xf32>,
      %add3A_622 = arith.addf %get3A_617, %gather3A_621 : vector<16xf32>
      %bitcast3A_623 = vector.bitcast %add3A_622 : vector<16xf32> to vector<16xi32>
      %shift_right_logical3A_624 = arith.constant 1 : i32
      %shift_right_logical3A_625 = vector.broadcast %shift_right_logical3A_624 : i32 to vector<16xi32>
      %shift_right_logical3A_626 = arith.shrui %bitcast3A_623, %shift_right_logical3A_625 : vector<16xi32>
      %sub3A_627 = arith.constant 1597463007 : i32
      %sub3A_628 = vector.broadcast %sub3A_627 : i32 to vector<16xi32>
      %sub3A_629 = arith.subi %sub3A_628, %shift_right_logical3A_626 : vector<16xi32>
      %bitcast3A_630 = vector.bitcast %sub3A_629 : vector<16xi32> to vector<16xf32>
      %mul3A_631 = arith.constant 5.000000e-01 : f32
      %mul3A_632 = vector.broadcast %mul3A_631 : f32 to vector<16xf32>
      %mul3A_633 = arith.mulf %mul3A_632, %add3A_622 : vector<16xf32>
      %mul3A_634 = arith.mulf %mul3A_633, %bitcast3A_630 : vector<16xf32>
      %mul3A_635 = arith.mulf %mul3A_634, %bitcast3A_630 : vector<16xf32>
      %sub3A_636 = arith.constant 1.500000e+00 : f32
      %sub3A_637 = vector.broadcast %sub3A_636 : f32 to vector<16xf32>
      %sub3A_638 = arith.subf %sub3A_637, %mul3A_635 : vector<16xf32>
      %mul3A_639 = arith.mulf %bitcast3A_630, %sub3A_638 : vector<16xf32>
      %mul3A_640 = arith.constant 5.000000e-01 : f32
      %mul3A_641 = vector.broadcast %mul3A_640 : f32 to vector<16xf32>
      %mul3A_642 = arith.mulf %mul3A_641, %add3A_622 : vector<16xf32>
      %mul3A_643 = arith.mulf %mul3A_642, %mul3A_639 : vector<16xf32>
      %mul3A_644 = arith.mulf %mul3A_643, %mul3A_639 : vector<16xf32>
      %sub3A_645 = arith.constant 1.500000e+00 : f32
      %sub3A_646 = vector.broadcast %sub3A_645 : f32 to vector<16xf32>
      %sub3A_647 = arith.subf %sub3A_646, %mul3A_644 : vector<16xf32>
      %mul3A_648 = arith.mulf %mul3A_639, %sub3A_647 : vector<16xf32>
      %mul3A_649 = arith.mulf %add3A_622, %mul3A_648 : vector<16xf32>
      %get3A_650 = arith.constant 176 : index
      %get3A_651 = tpu.vector_load %arg9[%get3A_650] {strides = array<i32>} : memref<208xf32, #tpu.memory_space<vmem>>, vector<16xf32>,
      %abs3A_652 = math.absf %get3A_651 : vector<16xf32>
      %mul3A_653 = arith.mulf %abs3A_652, %mul3A_649 : vector<16xf32>
      %max3A_654 = arith.constant 9.99999996E-13 : f32
      %max3A_655 = vector.broadcast %max3A_654 : f32 to vector<16xf32>
      %max3A_656 = arith.maximumf %mul3A_653, %max3A_655 : vector<16xf32>
      %div3A_657 = arith.divf %get3A_651, %max3A_656 : vector<16xf32>
      %swap3A_658 = arith.constant 176 : index
      %swap3A_659 = tpu.vector_load %arg11[%swap3A_658] {strides = array<i32>} : memref<208xf32, #tpu.memory_space<vmem>>, vector<16xf32>,
      tpu.vector_store %arg11[%swap3A_658], %div3A_657 {strides = array<i32>} : memref<208xf32, #tpu.memory_space<vmem>>, vector<16xf32>,
      %get3A_660 = arith.constant 192 : index
      %get3A_661 = tpu.vector_load %arg10[%get3A_660] {strides = array<i32>} : memref<416xf32, #tpu.memory_space<vmem>>, vector<16xf32>,
      %add3A_662 = arith.constant 392 : i32
      %add3A_663 = vector.broadcast %add3A_662 : i32 to vector<16xi32>
      %add3A_664 = arith.addi %add3A_663, %iota3A : vector<16xi32>
      %gather3A_665 = tpu.vector_load_idx %arg10[%add3A_664] : memref<416xf32, #tpu.memory_space<vmem>>[vector<16xi32>], vector<16xf32>,
      %add3A_666 = arith.addf %get3A_661, %gather3A_665 : vector<16xf32>
      %bitcast3A_667 = vector.bitcast %add3A_666 : vector<16xf32> to vector<16xi32>
      %shift_right_logical3A_668 = arith.constant 1 : i32
      %shift_right_logical3A_669 = vector.broadcast %shift_right_logical3A_668 : i32 to vector<16xi32>
      %shift_right_logical3A_670 = arith.shrui %bitcast3A_667, %shift_right_logical3A_669 : vector<16xi32>
      %sub3A_671 = arith.constant 1597463007 : i32
      %sub3A_672 = vector.broadcast %sub3A_671 : i32 to vector<16xi32>
      %sub3A_673 = arith.subi %sub3A_672, %shift_right_logical3A_670 : vector<16xi32>
      %bitcast3A_674 = vector.bitcast %sub3A_673 : vector<16xi32> to vector<16xf32>
      %mul3A_675 = arith.constant 5.000000e-01 : f32
      %mul3A_676 = vector.broadcast %mul3A_675 : f32 to vector<16xf32>
      %mul3A_677 = arith.mulf %mul3A_676, %add3A_666 : vector<16xf32>
      %mul3A_678 = arith.mulf %mul3A_677, %bitcast3A_674 : vector<16xf32>
      %mul3A_679 = arith.mulf %mul3A_678, %bitcast3A_674 : vector<16xf32>
      %sub3A_680 = arith.constant 1.500000e+00 : f32
      %sub3A_681 = vector.broadcast %sub3A_680 : f32 to vector<16xf32>
      %sub3A_682 = arith.subf %sub3A_681, %mul3A_679 : vector<16xf32>
      %mul3A_683 = arith.mulf %bitcast3A_674, %sub3A_682 : vector<16xf32>
      %mul3A_684 = arith.constant 5.000000e-01 : f32
      %mul3A_685 = vector.broadcast %mul3A_684 : f32 to vector<16xf32>
      %mul3A_686 = arith.mulf %mul3A_685, %add3A_666 : vector<16xf32>
      %mul3A_687 = arith.mulf %mul3A_686, %mul3A_683 : vector<16xf32>
      %mul3A_688 = arith.mulf %mul3A_687, %mul3A_683 : vector<16xf32>
      %sub3A_689 = arith.constant 1.500000e+00 : f32
      %sub3A_690 = vector.broadcast %sub3A_689 : f32 to vector<16xf32>
      %sub3A_691 = arith.subf %sub3A_690, %mul3A_688 : vector<16xf32>
      %mul3A_692 = arith.mulf %mul3A_683, %sub3A_691 : vector<16xf32>
      %mul3A_693 = arith.mulf %add3A_666, %mul3A_692 : vector<16xf32>
      %get3A_694 = arith.constant 192 : index
      %get3A_695 = tpu.vector_load %arg9[%get3A_694] {strides = array<i32>} : memref<208xf32, #tpu.memory_space<vmem>>, vector<16xf32>,
      %abs3A_696 = math.absf %get3A_695 : vector<16xf32>
      %mul3A_697 = arith.mulf %abs3A_696, %mul3A_693 : vector<16xf32>
      %max3A_698 = arith.constant 9.99999996E-13 : f32
      %max3A_699 = vector.broadcast %max3A_698 : f32 to vector<16xf32>
      %max3A_700 = arith.maximumf %mul3A_697, %max3A_699 : vector<16xf32>
      %div3A_701 = arith.divf %get3A_695, %max3A_700 : vector<16xf32>
      %swap3A_702 = arith.constant 192 : index
      %swap3A_703 = tpu.vector_load %arg11[%swap3A_702] {strides = array<i32>} : memref<208xf32, #tpu.memory_space<vmem>>, vector<16xf32>,
      tpu.vector_store %arg11[%swap3A_702], %div3A_701 {strides = array<i32>} : memref<208xf32, #tpu.memory_space<vmem>>, vector<16xf32>,
      %get3A_704 = arith.constant 0 : index
      %get3A_705 = tpu.vector_load %arg11[%get3A_704] {strides = array<i32>} : memref<208xf32, #tpu.memory_space<vmem>>, vector<16xf32>,
      %swap3A_706 = arith.constant 0 : index
      %swap3A_707 = tpu.vector_load %arg12[%swap3A_706] {strides = array<i32>} : memref<400xf32, #tpu.memory_space<vmem>>, vector<16xf32>,
      tpu.vector_store %arg12[%swap3A_706], %get3A_705 {strides = array<i32>} : memref<400xf32, #tpu.memory_space<vmem>>, vector<16xf32>,
      %get3A_708 = arith.constant 16 : index
      %get3A_709 = tpu.vector_load %arg11[%get3A_708] {strides = array<i32>} : memref<208xf32, #tpu.memory_space<vmem>>, vector<16xf32>,
      %swap3A_710 = arith.constant 16 : index
      %swap3A_711 = tpu.vector_load %arg12[%swap3A_710] {strides = array<i32>} : memref<400xf32, #tpu.memory_space<vmem>>, vector<16xf32>,
      tpu.vector_store %arg12[%swap3A_710], %get3A_709 {strides = array<i32>} : memref<400xf32, #tpu.memory_space<vmem>>, vector<16xf32>,
      %get3A_712 = arith.constant 32 : index
      %get3A_713 = tpu.vector_load %arg11[%get3A_712] {strides = array<i32>} : memref<208xf32, #tpu.memory_space<vmem>>, vector<16xf32>,
      %swap3A_714 = arith.constant 32 : index
      %swap3A_715 = tpu.vector_load %arg12[%swap3A_714] {strides = array<i32>} : memref<400xf32, #tpu.memory_space<vmem>>, vector<16xf32>,
      tpu.vector_store %arg12[%swap3A_714], %get3A_713 {strides = array<i32>} : memref<400xf32, #tpu.memory_space<vmem>>, vector<16xf32>,
      %get3A_716 = arith.constant 48 : index
      %get3A_717 = tpu.vector_load %arg11[%get3A_716] {strides = array<i32>} : memref<208xf32, #tpu.memory_space<vmem>>, vector<16xf32>,
      %swap3A_718 = arith.constant 48 : index
      %swap3A_719 = tpu.vector_load %arg12[%swap3A_718] {strides = array<i32>} : memref<400xf32, #tpu.memory_space<vmem>>, vector<16xf32>,
      tpu.vector_store %arg12[%swap3A_718], %get3A_717 {strides = array<i32>} : memref<400xf32, #tpu.memory_space<vmem>>, vector<16xf32>,
      %get3A_720 = arith.constant 64 : index
      %get3A_721 = tpu.vector_load %arg11[%get3A_720] {strides = array<i32>} : memref<208xf32, #tpu.memory_space<vmem>>, vector<16xf32>,
      %swap3A_722 = arith.constant 64 : index
      %swap3A_723 = tpu.vector_load %arg12[%swap3A_722] {strides = array<i32>} : memref<400xf32, #tpu.memory_space<vmem>>, vector<16xf32>,
      tpu.vector_store %arg12[%swap3A_722], %get3A_721 {strides = array<i32>} : memref<400xf32, #tpu.memory_space<vmem>>, vector<16xf32>,
      %get3A_724 = arith.constant 80 : index
      %get3A_725 = tpu.vector_load %arg11[%get3A_724] {strides = array<i32>} : memref<208xf32, #tpu.memory_space<vmem>>, vector<16xf32>,
      %swap3A_726 = arith.constant 80 : index
      %swap3A_727 = tpu.vector_load %arg12[%swap3A_726] {strides = array<i32>} : memref<400xf32, #tpu.memory_space<vmem>>, vector<16xf32>,
      tpu.vector_store %arg12[%swap3A_726], %get3A_725 {strides = array<i32>} : memref<400xf32, #tpu.memory_space<vmem>>, vector<16xf32>,
      %get3A_728 = arith.constant 96 : index
      %get3A_729 = tpu.vector_load %arg11[%get3A_728] {strides = array<i32>} : memref<208xf32, #tpu.memory_space<vmem>>, vector<16xf32>,
      %swap3A_730 = arith.constant 96 : index
      %swap3A_731 = tpu.vector_load %arg12[%swap3A_730] {strides = array<i32>} : memref<400xf32, #tpu.memory_space<vmem>>, vector<16xf32>,
      tpu.vector_store %arg12[%swap3A_730], %get3A_729 {strides = array<i32>} : memref<400xf32, #tpu.memory_space<vmem>>, vector<16xf32>,
      %get3A_732 = arith.constant 112 : index
      %get3A_733 = tpu.vector_load %arg11[%get3A_732] {strides = array<i32>} : memref<208xf32, #tpu.memory_space<vmem>>, vector<16xf32>,
      %swap3A_734 = arith.constant 112 : index
      %swap3A_735 = tpu.vector_load %arg12[%swap3A_734] {strides = array<i32>} : memref<400xf32, #tpu.memory_space<vmem>>, vector<16xf32>,
      tpu.vector_store %arg12[%swap3A_734], %get3A_733 {strides = array<i32>} : memref<400xf32, #tpu.memory_space<vmem>>, vector<16xf32>,
      %get3A_736 = arith.constant 128 : index
      %get3A_737 = tpu.vector_load %arg11[%get3A_736] {strides = array<i32>} : memref<208xf32, #tpu.memory_space<vmem>>, vector<16xf32>,
      %swap3A_738 = arith.constant 128 : index
      %swap3A_739 = tpu.vector_load %arg12[%swap3A_738] {strides = array<i32>} : memref<400xf32, #tpu.memory_space<vmem>>, vector<16xf32>,
      tpu.vector_store %arg12[%swap3A_738], %get3A_737 {strides = array<i32>} : memref<400xf32, #tpu.memory_space<vmem>>, vector<16xf32>,
      %get3A_740 = arith.constant 144 : index
      %get3A_741 = tpu.vector_load %arg11[%get3A_740] {strides = array<i32>} : memref<208xf32, #tpu.memory_space<vmem>>, vector<16xf32>,
      %swap3A_742 = arith.constant 144 : index
      %swap3A_743 = tpu.vector_load %arg12[%swap3A_742] {strides = array<i32>} : memref<400xf32, #tpu.memory_space<vmem>>, vector<16xf32>,
      tpu.vector_store %arg12[%swap3A_742], %get3A_741 {strides = array<i32>} : memref<400xf32, #tpu.memory_space<vmem>>, vector<16xf32>,
      %get3A_744 = arith.constant 160 : index
      %get3A_745 = tpu.vector_load %arg11[%get3A_744] {strides = array<i32>} : memref<208xf32, #tpu.memory_space<vmem>>, vector<16xf32>,
      %swap3A_746 = arith.constant 160 : index
      %swap3A_747 = tpu.vector_load %arg12[%swap3A_746] {strides = array<i32>} : memref<400xf32, #tpu.memory_space<vmem>>, vector<16xf32>,
      tpu.vector_store %arg12[%swap3A_746], %get3A_745 {strides = array<i32>} : memref<400xf32, #tpu.memory_space<vmem>>, vector<16xf32>,
      %get3A_748 = arith.constant 176 : index
      %get3A_749 = tpu.vector_load %arg11[%get3A_748] {strides = array<i32>} : memref<208xf32, #tpu.memory_space<vmem>>, vector<16xf32>,
      %swap3A_750 = arith.constant 176 : index
      %swap3A_751 = tpu.vector_load %arg12[%swap3A_750] {strides = array<i32>} : memref<400xf32, #tpu.memory_space<vmem>>, vector<16xf32>,
      tpu.vector_store %arg12[%swap3A_750], %get3A_749 {strides = array<i32>} : memref<400xf32, #tpu.memory_space<vmem>>, vector<16xf32>,
      %add3A_752 = arith.constant 192 : i32
      %add3A_753 = vector.broadcast %add3A_752 : i32 to vector<16xi32>
      %add3A_754 = arith.addi %add3A_753, %iota3A : vector<16xi32>
      %rem3A = arith.constant 200 : i32
      %rem3A_755 = vector.broadcast %rem3A : i32 to vector<16xi32>
      %rem3A_756 = arith.remsi %add3A_754, %rem3A_755 : vector<16xi32>
      %gather3A_757 = tpu.vector_load_idx %arg11[%rem3A_756] : memref<208xf32, #tpu.memory_space<vmem>>[vector<16xi32>], vector<16xf32>,
      %swap3A_758 = arith.constant 192 : index
      %swap3A_759 = tpu.vector_load %arg12[%swap3A_758] {strides = array<i32>} : memref<400xf32, #tpu.memory_space<vmem>>, vector<16xf32>,
      tpu.vector_store %arg12[%swap3A_758], %gather3A_757 {strides = array<i32>} : memref<400xf32, #tpu.memory_space<vmem>>, vector<16xf32>,
      %add3A_760 = arith.constant 208 : i32
      %add3A_761 = vector.broadcast %add3A_760 : i32 to vector<16xi32>
      %add3A_762 = arith.addi %add3A_761, %iota3A : vector<16xi32>
      %rem3A_763 = arith.constant 200 : i32
      %rem3A_764 = vector.broadcast %rem3A_763 : i32 to vector<16xi32>
      %rem3A_765 = arith.remsi %add3A_762, %rem3A_764 : vector<16xi32>
      %gather3A_766 = tpu.vector_load_idx %arg11[%rem3A_765] : memref<208xf32, #tpu.memory_space<vmem>>[vector<16xi32>], vector<16xf32>,
      %swap3A_767 = arith.constant 208 : index
      %swap3A_768 = tpu.vector_load %arg12[%swap3A_767] {strides = array<i32>} : memref<400xf32, #tpu.memory_space<vmem>>, vector<16xf32>,
      tpu.vector_store %arg12[%swap3A_767], %gather3A_766 {strides = array<i32>} : memref<400xf32, #tpu.memory_space<vmem>>, vector<16xf32>,
      %add3A_769 = arith.constant 224 : i32
      %add3A_770 = vector.broadcast %add3A_769 : i32 to vector<16xi32>
      %add3A_771 = arith.addi %add3A_770, %iota3A : vector<16xi32>
      %rem3A_772 = arith.constant 200 : i32
      %rem3A_773 = vector.broadcast %rem3A_772 : i32 to vector<16xi32>
      %rem3A_774 = arith.remsi %add3A_771, %rem3A_773 : vector<16xi32>
      %gather3A_775 = tpu.vector_load_idx %arg11[%rem3A_774] : memref<208xf32, #tpu.memory_space<vmem>>[vector<16xi32>], vector<16xf32>,
      %swap3A_776 = arith.constant 224 : index
      %swap3A_777 = tpu.vector_load %arg12[%swap3A_776] {strides = array<i32>} : memref<400xf32, #tpu.memory_space<vmem>>, vector<16xf32>,
      tpu.vector_store %arg12[%swap3A_776], %gather3A_775 {strides = array<i32>} : memref<400xf32, #tpu.memory_space<vmem>>, vector<16xf32>,
      %add3A_778 = arith.constant 240 : i32
      %add3A_779 = vector.broadcast %add3A_778 : i32 to vector<16xi32>
      %add3A_780 = arith.addi %add3A_779, %iota3A : vector<16xi32>
      %rem3A_781 = arith.constant 200 : i32
      %rem3A_782 = vector.broadcast %rem3A_781 : i32 to vector<16xi32>
      %rem3A_783 = arith.remsi %add3A_780, %rem3A_782 : vector<16xi32>
      %gather3A_784 = tpu.vector_load_idx %arg11[%rem3A_783] : memref<208xf32, #tpu.memory_space<vmem>>[vector<16xi32>], vector<16xf32>,
      %swap3A_785 = arith.constant 240 : index
      %swap3A_786 = tpu.vector_load %arg12[%swap3A_785] {strides = array<i32>} : memref<400xf32, #tpu.memory_space<vmem>>, vector<16xf32>,
      tpu.vector_store %arg12[%swap3A_785], %gather3A_784 {strides = array<i32>} : memref<400xf32, #tpu.memory_space<vmem>>, vector<16xf32>,
      %add3A_787 = arith.constant 256 : i32
      %add3A_788 = vector.broadcast %add3A_787 : i32 to vector<16xi32>
      %add3A_789 = arith.addi %add3A_788, %iota3A : vector<16xi32>
      %rem3A_790 = arith.constant 200 : i32
      %rem3A_791 = vector.broadcast %rem3A_790 : i32 to vector<16xi32>
      %rem3A_792 = arith.remsi %add3A_789, %rem3A_791 : vector<16xi32>
      %gather3A_793 = tpu.vector_load_idx %arg11[%rem3A_792] : memref<208xf32, #tpu.memory_space<vmem>>[vector<16xi32>], vector<16xf32>,
      %swap3A_794 = arith.constant 256 : index
      %swap3A_795 = tpu.vector_load %arg12[%swap3A_794] {strides = array<i32>} : memref<400xf32, #tpu.memory_space<vmem>>, vector<16xf32>,
      tpu.vector_store %arg12[%swap3A_794], %gather3A_793 {strides = array<i32>} : memref<400xf32, #tpu.memory_space<vmem>>, vector<16xf32>,
      %add3A_796 = arith.constant 272 : i32
      %add3A_797 = vector.broadcast %add3A_796 : i32 to vector<16xi32>
      %add3A_798 = arith.addi %add3A_797, %iota3A : vector<16xi32>
      %rem3A_799 = arith.constant 200 : i32
      %rem3A_800 = vector.broadcast %rem3A_799 : i32 to vector<16xi32>
      %rem3A_801 = arith.remsi %add3A_798, %rem3A_800 : vector<16xi32>
      %gather3A_802 = tpu.vector_load_idx %arg11[%rem3A_801] : memref<208xf32, #tpu.memory_space<vmem>>[vector<16xi32>], vector<16xf32>,
      %swap3A_803 = arith.constant 272 : index
      %swap3A_804 = tpu.vector_load %arg12[%swap3A_803] {strides = array<i32>} : memref<400xf32, #tpu.memory_space<vmem>>, vector<16xf32>,
      tpu.vector_store %arg12[%swap3A_803], %gather3A_802 {strides = array<i32>} : memref<400xf32, #tpu.memory_space<vmem>>, vector<16xf32>,
      %add3A_805 = arith.constant 288 : i32
      %add3A_806 = vector.broadcast %add3A_805 : i32 to vector<16xi32>
      %add3A_807 = arith.addi %add3A_806, %iota3A : vector<16xi32>
      %rem3A_808 = arith.constant 200 : i32
      %rem3A_809 = vector.broadcast %rem3A_808 : i32 to vector<16xi32>
      %rem3A_810 = arith.remsi %add3A_807, %rem3A_809 : vector<16xi32>
      %gather3A_811 = tpu.vector_load_idx %arg11[%rem3A_810] : memref<208xf32, #tpu.memory_space<vmem>>[vector<16xi32>], vector<16xf32>,
      %swap3A_812 = arith.constant 288 : index
      %swap3A_813 = tpu.vector_load %arg12[%swap3A_812] {strides = array<i32>} : memref<400xf32, #tpu.memory_space<vmem>>, vector<16xf32>,
      tpu.vector_store %arg12[%swap3A_812], %gather3A_811 {strides = array<i32>} : memref<400xf32, #tpu.memory_space<vmem>>, vector<16xf32>,
      %add3A_814 = arith.constant 304 : i32
      %add3A_815 = vector.broadcast %add3A_814 : i32 to vector<16xi32>
      %add3A_816 = arith.addi %add3A_815, %iota3A : vector<16xi32>
      %rem3A_817 = arith.constant 200 : i32
      %rem3A_818 = vector.broadcast %rem3A_817 : i32 to vector<16xi32>
      %rem3A_819 = arith.remsi %add3A_816, %rem3A_818 : vector<16xi32>
      %gather3A_820 = tpu.vector_load_idx %arg11[%rem3A_819] : memref<208xf32, #tpu.memory_space<vmem>>[vector<16xi32>], vector<16xf32>,
      %swap3A_821 = arith.constant 304 : index
      %swap3A_822 = tpu.vector_load %arg12[%swap3A_821] {strides = array<i32>} : memref<400xf32, #tpu.memory_space<vmem>>, vector<16xf32>,
      tpu.vector_store %arg12[%swap3A_821], %gather3A_820 {strides = array<i32>} : memref<400xf32, #tpu.memory_space<vmem>>, vector<16xf32>,
      %add3A_823 = arith.constant 320 : i32
      %add3A_824 = vector.broadcast %add3A_823 : i32 to vector<16xi32>
      %add3A_825 = arith.addi %add3A_824, %iota3A : vector<16xi32>
      %rem3A_826 = arith.constant 200 : i32
      %rem3A_827 = vector.broadcast %rem3A_826 : i32 to vector<16xi32>
      %rem3A_828 = arith.remsi %add3A_825, %rem3A_827 : vector<16xi32>
      %gather3A_829 = tpu.vector_load_idx %arg11[%rem3A_828] : memref<208xf32, #tpu.memory_space<vmem>>[vector<16xi32>], vector<16xf32>,
      %swap3A_830 = arith.constant 320 : index
      %swap3A_831 = tpu.vector_load %arg12[%swap3A_830] {strides = array<i32>} : memref<400xf32, #tpu.memory_space<vmem>>, vector<16xf32>,
      tpu.vector_store %arg12[%swap3A_830], %gather3A_829 {strides = array<i32>} : memref<400xf32, #tpu.memory_space<vmem>>, vector<16xf32>,
      %add3A_832 = arith.constant 336 : i32
      %add3A_833 = vector.broadcast %add3A_832 : i32 to vector<16xi32>
      %add3A_834 = arith.addi %add3A_833, %iota3A : vector<16xi32>
      %rem3A_835 = arith.constant 200 : i32
      %rem3A_836 = vector.broadcast %rem3A_835 : i32 to vector<16xi32>
      %rem3A_837 = arith.remsi %add3A_834, %rem3A_836 : vector<16xi32>
      %gather3A_838 = tpu.vector_load_idx %arg11[%rem3A_837] : memref<208xf32, #tpu.memory_space<vmem>>[vector<16xi32>], vector<16xf32>,
      %swap3A_839 = arith.constant 336 : index
      %swap3A_840 = tpu.vector_load %arg12[%swap3A_839] {strides = array<i32>} : memref<400xf32, #tpu.memory_space<vmem>>, vector<16xf32>,
      tpu.vector_store %arg12[%swap3A_839], %gather3A_838 {strides = array<i32>} : memref<400xf32, #tpu.memory_space<vmem>>, vector<16xf32>,
      %add3A_841 = arith.constant 352 : i32
      %add3A_842 = vector.broadcast %add3A_841 : i32 to vector<16xi32>
      %add3A_843 = arith.addi %add3A_842, %iota3A : vector<16xi32>
      %rem3A_844 = arith.constant 200 : i32
      %rem3A_845 = vector.broadcast %rem3A_844 : i32 to vector<16xi32>
      %rem3A_846 = arith.remsi %add3A_843, %rem3A_845 : vector<16xi32>
      %gather3A_847 = tpu.vector_load_idx %arg11[%rem3A_846] : memref<208xf32, #tpu.memory_space<vmem>>[vector<16xi32>], vector<16xf32>,
      %swap3A_848 = arith.constant 352 : index
      %swap3A_849 = tpu.vector_load %arg12[%swap3A_848] {strides = array<i32>} : memref<400xf32, #tpu.memory_space<vmem>>, vector<16xf32>,
      tpu.vector_store %arg12[%swap3A_848], %gather3A_847 {strides = array<i32>} : memref<400xf32, #tpu.memory_space<vmem>>, vector<16xf32>,
      %add3A_850 = arith.constant 368 : i32
      %add3A_851 = vector.broadcast %add3A_850 : i32 to vector<16xi32>
      %add3A_852 = arith.addi %add3A_851, %iota3A : vector<16xi32>
      %rem3A_853 = arith.constant 200 : i32
      %rem3A_854 = vector.broadcast %rem3A_853 : i32 to vector<16xi32>
      %rem3A_855 = arith.remsi %add3A_852, %rem3A_854 : vector<16xi32>
      %gather3A_856 = tpu.vector_load_idx %arg11[%rem3A_855] : memref<208xf32, #tpu.memory_space<vmem>>[vector<16xi32>], vector<16xf32>,
      %swap3A_857 = arith.constant 368 : index
      %swap3A_858 = tpu.vector_load %arg12[%swap3A_857] {strides = array<i32>} : memref<400xf32, #tpu.memory_space<vmem>>, vector<16xf32>,
      tpu.vector_store %arg12[%swap3A_857], %gather3A_856 {strides = array<i32>} : memref<400xf32, #tpu.memory_space<vmem>>, vector<16xf32>,
      %add3A_859 = arith.constant 384 : i32
      %add3A_860 = vector.broadcast %add3A_859 : i32 to vector<16xi32>
      %add3A_861 = arith.addi %add3A_860, %iota3A : vector<16xi32>
      %rem3A_862 = arith.constant 200 : i32
      %rem3A_863 = vector.broadcast %rem3A_862 : i32 to vector<16xi32>
      %rem3A_864 = arith.remsi %add3A_861, %rem3A_863 : vector<16xi32>
      %gather3A_865 = tpu.vector_load_idx %arg11[%rem3A_864] : memref<208xf32, #tpu.memory_space<vmem>>[vector<16xi32>], vector<16xf32>,
      %swap3A_866 = arith.constant 384 : index
      %swap3A_867 = tpu.vector_load %arg12[%swap3A_866] {strides = array<i32>} : memref<400xf32, #tpu.memory_space<vmem>>, vector<16xf32>,
      tpu.vector_store %arg12[%swap3A_866], %gather3A_865 {strides = array<i32>} : memref<400xf32, #tpu.memory_space<vmem>>, vector<16xf32>,
      %lt3A_868 = arith.constant 8 : i32
      %lt3A_869 = vector.broadcast %lt3A_868 : i32 to vector<16xi32>
      %lt3A_870 = arith.cmpi slt, %iota3A, %lt3A_869 : vector<16xi32>
      %parallel_loop3A_871 = arith.constant 0 : i32
      %parallel_loop3A_872 = arith.constant 32 : i32
      %parallel_loop3A_873 = arith.constant 1 : i32
      scf.for %parallel_loop3A_1699 = %parallel_loop3A_871 to %parallel_loop3A_872 step %parallel_loop3A_873  : i32 {
        %parallel_loop3A_1700 = arith.constant 25 : i32
        %parallel_loop3A_1701 = arith.muli %parallel_loop3A_1700, %parallel_loop3A_1699 : i32
        %parallel_loop3A_1702 = arith.constant 0 : i32
        %parallel_loop3A_1703 = arith.addi %parallel_loop3A_1701, %parallel_loop3A_1702 : i32
        %parallel_loop3A_1704 = arith.constant 2 : i32
        %parallel_loop3A_1705 = arith.shrui %parallel_loop3A_1703, %parallel_loop3A_1704 : i32
        %parallel_loop3A_1706 = arith.constant 3 : i32
        %parallel_loop3A_1707 = arith.andi %parallel_loop3A_1703, %parallel_loop3A_1706 : i32
        %parallel_loop3A_1708 = arith.constant 16 : i32
        %parallel_loop3A_1709 = arith.muli %parallel_loop3A_1707, %parallel_loop3A_1708 : i32
        %parallel_loop3A_1710 = arith.index_cast %parallel_loop3A_1705 : i32 to index
        %parallel_loop3A_1711 = arith.index_cast %parallel_loop3A_1709 : i32 to index
        %parallel_loop3A_1712 = tpu.vector_load %arg7[%parallel_loop3A_1710, %parallel_loop3A_1711] {strides = array<i32>} : memref<200x64xf32, #tpu.memory_space<vmem>>, vector<16xf32>,
        %parallel_loop3A_1713 = arith.constant 0 : index
        %parallel_loop3A_1714 = tpu.vector_load %arg12[%parallel_loop3A_1713] {strides = array<i32>} : memref<400xf32, #tpu.memory_space<vmem>>, vector<16xf32>,
        %parallel_loop3A_1715 = arith.mulf %parallel_loop3A_1712, %parallel_loop3A_1714 : vector<16xf32>
        %parallel_loop3A_1716 = arith.addf %broadcast_in_dim3A_85, %parallel_loop3A_1715 : vector<16xf32>
        %parallel_loop3A_1717 = arith.constant 1 : i32
        %parallel_loop3A_1718 = arith.addi %parallel_loop3A_1701, %parallel_loop3A_1717 : i32
        %parallel_loop3A_1719 = arith.constant 2 : i32
        %parallel_loop3A_1720 = arith.shrui %parallel_loop3A_1718, %parallel_loop3A_1719 : i32
        %parallel_loop3A_1721 = arith.constant 3 : i32
        %parallel_loop3A_1722 = arith.andi %parallel_loop3A_1718, %parallel_loop3A_1721 : i32
        %parallel_loop3A_1723 = arith.constant 16 : i32
        %parallel_loop3A_1724 = arith.muli %parallel_loop3A_1722, %parallel_loop3A_1723 : i32
        %parallel_loop3A_1725 = arith.index_cast %parallel_loop3A_1720 : i32 to index
        %parallel_loop3A_1726 = arith.index_cast %parallel_loop3A_1724 : i32 to index
        %parallel_loop3A_1727 = tpu.vector_load %arg7[%parallel_loop3A_1725, %parallel_loop3A_1726] {strides = array<i32>} : memref<200x64xf32, #tpu.memory_space<vmem>>, vector<16xf32>,
        %parallel_loop3A_1728 = arith.constant 16 : index
        %parallel_loop3A_1729 = tpu.vector_load %arg12[%parallel_loop3A_1728] {strides = array<i32>} : memref<400xf32, #tpu.memory_space<vmem>>, vector<16xf32>,
        %parallel_loop3A_1730 = arith.mulf %parallel_loop3A_1727, %parallel_loop3A_1729 : vector<16xf32>
        %parallel_loop3A_1731 = arith.addf %broadcast_in_dim3A_85, %parallel_loop3A_1730 : vector<16xf32>
        %parallel_loop3A_1732 = arith.constant 2 : i32
        %parallel_loop3A_1733 = arith.addi %parallel_loop3A_1701, %parallel_loop3A_1732 : i32
        %parallel_loop3A_1734 = arith.constant 2 : i32
        %parallel_loop3A_1735 = arith.shrui %parallel_loop3A_1733, %parallel_loop3A_1734 : i32
        %parallel_loop3A_1736 = arith.constant 3 : i32
        %parallel_loop3A_1737 = arith.andi %parallel_loop3A_1733, %parallel_loop3A_1736 : i32
        %parallel_loop3A_1738 = arith.constant 16 : i32
        %parallel_loop3A_1739 = arith.muli %parallel_loop3A_1737, %parallel_loop3A_1738 : i32
        %parallel_loop3A_1740 = arith.index_cast %parallel_loop3A_1735 : i32 to index
        %parallel_loop3A_1741 = arith.index_cast %parallel_loop3A_1739 : i32 to index
        %parallel_loop3A_1742 = tpu.vector_load %arg7[%parallel_loop3A_1740, %parallel_loop3A_1741] {strides = array<i32>} : memref<200x64xf32, #tpu.memory_space<vmem>>, vector<16xf32>,
        %parallel_loop3A_1743 = arith.constant 32 : index
        %parallel_loop3A_1744 = tpu.vector_load %arg12[%parallel_loop3A_1743] {strides = array<i32>} : memref<400xf32, #tpu.memory_space<vmem>>, vector<16xf32>,
        %parallel_loop3A_1745 = arith.mulf %parallel_loop3A_1742, %parallel_loop3A_1744 : vector<16xf32>
        %parallel_loop3A_1746 = arith.addf %parallel_loop3A_1716, %parallel_loop3A_1745 : vector<16xf32>
        %parallel_loop3A_1747 = arith.constant 3 : i32
        %parallel_loop3A_1748 = arith.addi %parallel_loop3A_1701, %parallel_loop3A_1747 : i32
        %parallel_loop3A_1749 = arith.constant 2 : i32
        %parallel_loop3A_1750 = arith.shrui %parallel_loop3A_1748, %parallel_loop3A_1749 : i32
        %parallel_loop3A_1751 = arith.constant 3 : i32
        %parallel_loop3A_1752 = arith.andi %parallel_loop3A_1748, %parallel_loop3A_1751 : i32
        %parallel_loop3A_1753 = arith.constant 16 : i32
        %parallel_loop3A_1754 = arith.muli %parallel_loop3A_1752, %parallel_loop3A_1753 : i32
        %parallel_loop3A_1755 = arith.index_cast %parallel_loop3A_1750 : i32 to index
        %parallel_loop3A_1756 = arith.index_cast %parallel_loop3A_1754 : i32 to index
        %parallel_loop3A_1757 = tpu.vector_load %arg7[%parallel_loop3A_1755, %parallel_loop3A_1756] {strides = array<i32>} : memref<200x64xf32, #tpu.memory_space<vmem>>, vector<16xf32>,
        %parallel_loop3A_1758 = arith.constant 48 : index
        %parallel_loop3A_1759 = tpu.vector_load %arg12[%parallel_loop3A_1758] {strides = array<i32>} : memref<400xf32, #tpu.memory_space<vmem>>, vector<16xf32>,
        %parallel_loop3A_1760 = arith.mulf %parallel_loop3A_1757, %parallel_loop3A_1759 : vector<16xf32>
        %parallel_loop3A_1761 = arith.addf %parallel_loop3A_1731, %parallel_loop3A_1760 : vector<16xf32>
        %parallel_loop3A_1762 = arith.constant 4 : i32
        %parallel_loop3A_1763 = arith.addi %parallel_loop3A_1701, %parallel_loop3A_1762 : i32
        %parallel_loop3A_1764 = arith.constant 2 : i32
        %parallel_loop3A_1765 = arith.shrui %parallel_loop3A_1763, %parallel_loop3A_1764 : i32
        %parallel_loop3A_1766 = arith.constant 3 : i32
        %parallel_loop3A_1767 = arith.andi %parallel_loop3A_1763, %parallel_loop3A_1766 : i32
        %parallel_loop3A_1768 = arith.constant 16 : i32
        %parallel_loop3A_1769 = arith.muli %parallel_loop3A_1767, %parallel_loop3A_1768 : i32
        %parallel_loop3A_1770 = arith.index_cast %parallel_loop3A_1765 : i32 to index
        %parallel_loop3A_1771 = arith.index_cast %parallel_loop3A_1769 : i32 to index
        %parallel_loop3A_1772 = tpu.vector_load %arg7[%parallel_loop3A_1770, %parallel_loop3A_1771] {strides = array<i32>} : memref<200x64xf32, #tpu.memory_space<vmem>>, vector<16xf32>,
        %parallel_loop3A_1773 = arith.constant 64 : index
        %parallel_loop3A_1774 = tpu.vector_load %arg12[%parallel_loop3A_1773] {strides = array<i32>} : memref<400xf32, #tpu.memory_space<vmem>>, vector<16xf32>,
        %parallel_loop3A_1775 = arith.mulf %parallel_loop3A_1772, %parallel_loop3A_1774 : vector<16xf32>
        %parallel_loop3A_1776 = arith.addf %parallel_loop3A_1746, %parallel_loop3A_1775 : vector<16xf32>
        %parallel_loop3A_1777 = arith.constant 5 : i32
        %parallel_loop3A_1778 = arith.addi %parallel_loop3A_1701, %parallel_loop3A_1777 : i32
        %parallel_loop3A_1779 = arith.constant 2 : i32
        %parallel_loop3A_1780 = arith.shrui %parallel_loop3A_1778, %parallel_loop3A_1779 : i32
        %parallel_loop3A_1781 = arith.constant 3 : i32
        %parallel_loop3A_1782 = arith.andi %parallel_loop3A_1778, %parallel_loop3A_1781 : i32
        %parallel_loop3A_1783 = arith.constant 16 : i32
        %parallel_loop3A_1784 = arith.muli %parallel_loop3A_1782, %parallel_loop3A_1783 : i32
        %parallel_loop3A_1785 = arith.index_cast %parallel_loop3A_1780 : i32 to index
        %parallel_loop3A_1786 = arith.index_cast %parallel_loop3A_1784 : i32 to index
        %parallel_loop3A_1787 = tpu.vector_load %arg7[%parallel_loop3A_1785, %parallel_loop3A_1786] {strides = array<i32>} : memref<200x64xf32, #tpu.memory_space<vmem>>, vector<16xf32>,
        %parallel_loop3A_1788 = arith.constant 80 : index
        %parallel_loop3A_1789 = tpu.vector_load %arg12[%parallel_loop3A_1788] {strides = array<i32>} : memref<400xf32, #tpu.memory_space<vmem>>, vector<16xf32>,
        %parallel_loop3A_1790 = arith.mulf %parallel_loop3A_1787, %parallel_loop3A_1789 : vector<16xf32>
        %parallel_loop3A_1791 = arith.addf %parallel_loop3A_1761, %parallel_loop3A_1790 : vector<16xf32>
        %parallel_loop3A_1792 = arith.constant 6 : i32
        %parallel_loop3A_1793 = arith.addi %parallel_loop3A_1701, %parallel_loop3A_1792 : i32
        %parallel_loop3A_1794 = arith.constant 2 : i32
        %parallel_loop3A_1795 = arith.shrui %parallel_loop3A_1793, %parallel_loop3A_1794 : i32
        %parallel_loop3A_1796 = arith.constant 3 : i32
        %parallel_loop3A_1797 = arith.andi %parallel_loop3A_1793, %parallel_loop3A_1796 : i32
        %parallel_loop3A_1798 = arith.constant 16 : i32
        %parallel_loop3A_1799 = arith.muli %parallel_loop3A_1797, %parallel_loop3A_1798 : i32
        %parallel_loop3A_1800 = arith.index_cast %parallel_loop3A_1795 : i32 to index
        %parallel_loop3A_1801 = arith.index_cast %parallel_loop3A_1799 : i32 to index
        %parallel_loop3A_1802 = tpu.vector_load %arg7[%parallel_loop3A_1800, %parallel_loop3A_1801] {strides = array<i32>} : memref<200x64xf32, #tpu.memory_space<vmem>>, vector<16xf32>,
        %parallel_loop3A_1803 = arith.constant 96 : index
        %parallel_loop3A_1804 = tpu.vector_load %arg12[%parallel_loop3A_1803] {strides = array<i32>} : memref<400xf32, #tpu.memory_space<vmem>>, vector<16xf32>,
        %parallel_loop3A_1805 = arith.mulf %parallel_loop3A_1802, %parallel_loop3A_1804 : vector<16xf32>
        %parallel_loop3A_1806 = arith.addf %parallel_loop3A_1776, %parallel_loop3A_1805 : vector<16xf32>
        %parallel_loop3A_1807 = arith.constant 7 : i32
        %parallel_loop3A_1808 = arith.addi %parallel_loop3A_1701, %parallel_loop3A_1807 : i32
        %parallel_loop3A_1809 = arith.constant 2 : i32
        %parallel_loop3A_1810 = arith.shrui %parallel_loop3A_1808, %parallel_loop3A_1809 : i32
        %parallel_loop3A_1811 = arith.constant 3 : i32
        %parallel_loop3A_1812 = arith.andi %parallel_loop3A_1808, %parallel_loop3A_1811 : i32
        %parallel_loop3A_1813 = arith.constant 16 : i32
        %parallel_loop3A_1814 = arith.muli %parallel_loop3A_1812, %parallel_loop3A_1813 : i32
        %parallel_loop3A_1815 = arith.index_cast %parallel_loop3A_1810 : i32 to index
        %parallel_loop3A_1816 = arith.index_cast %parallel_loop3A_1814 : i32 to index
        %parallel_loop3A_1817 = tpu.vector_load %arg7[%parallel_loop3A_1815, %parallel_loop3A_1816] {strides = array<i32>} : memref<200x64xf32, #tpu.memory_space<vmem>>, vector<16xf32>,
        %parallel_loop3A_1818 = arith.constant 112 : index
        %parallel_loop3A_1819 = tpu.vector_load %arg12[%parallel_loop3A_1818] {strides = array<i32>} : memref<400xf32, #tpu.memory_space<vmem>>, vector<16xf32>,
        %parallel_loop3A_1820 = arith.mulf %parallel_loop3A_1817, %parallel_loop3A_1819 : vector<16xf32>
        %parallel_loop3A_1821 = arith.addf %parallel_loop3A_1791, %parallel_loop3A_1820 : vector<16xf32>
        %parallel_loop3A_1822 = arith.constant 8 : i32
        %parallel_loop3A_1823 = arith.addi %parallel_loop3A_1701, %parallel_loop3A_1822 : i32
        %parallel_loop3A_1824 = arith.constant 2 : i32
        %parallel_loop3A_1825 = arith.shrui %parallel_loop3A_1823, %parallel_loop3A_1824 : i32
        %parallel_loop3A_1826 = arith.constant 3 : i32
        %parallel_loop3A_1827 = arith.andi %parallel_loop3A_1823, %parallel_loop3A_1826 : i32
        %parallel_loop3A_1828 = arith.constant 16 : i32
        %parallel_loop3A_1829 = arith.muli %parallel_loop3A_1827, %parallel_loop3A_1828 : i32
        %parallel_loop3A_1830 = arith.index_cast %parallel_loop3A_1825 : i32 to index
        %parallel_loop3A_1831 = arith.index_cast %parallel_loop3A_1829 : i32 to index
        %parallel_loop3A_1832 = tpu.vector_load %arg7[%parallel_loop3A_1830, %parallel_loop3A_1831] {strides = array<i32>} : memref<200x64xf32, #tpu.memory_space<vmem>>, vector<16xf32>,
        %parallel_loop3A_1833 = arith.constant 128 : index
        %parallel_loop3A_1834 = tpu.vector_load %arg12[%parallel_loop3A_1833] {strides = array<i32>} : memref<400xf32, #tpu.memory_space<vmem>>, vector<16xf32>,
        %parallel_loop3A_1835 = arith.mulf %parallel_loop3A_1832, %parallel_loop3A_1834 : vector<16xf32>
        %parallel_loop3A_1836 = arith.addf %parallel_loop3A_1806, %parallel_loop3A_1835 : vector<16xf32>
        %parallel_loop3A_1837 = arith.constant 9 : i32
        %parallel_loop3A_1838 = arith.addi %parallel_loop3A_1701, %parallel_loop3A_1837 : i32
        %parallel_loop3A_1839 = arith.constant 2 : i32
        %parallel_loop3A_1840 = arith.shrui %parallel_loop3A_1838, %parallel_loop3A_1839 : i32
        %parallel_loop3A_1841 = arith.constant 3 : i32
        %parallel_loop3A_1842 = arith.andi %parallel_loop3A_1838, %parallel_loop3A_1841 : i32
        %parallel_loop3A_1843 = arith.constant 16 : i32
        %parallel_loop3A_1844 = arith.muli %parallel_loop3A_1842, %parallel_loop3A_1843 : i32
        %parallel_loop3A_1845 = arith.index_cast %parallel_loop3A_1840 : i32 to index
        %parallel_loop3A_1846 = arith.index_cast %parallel_loop3A_1844 : i32 to index
        %parallel_loop3A_1847 = tpu.vector_load %arg7[%parallel_loop3A_1845, %parallel_loop3A_1846] {strides = array<i32>} : memref<200x64xf32, #tpu.memory_space<vmem>>, vector<16xf32>,
        %parallel_loop3A_1848 = arith.constant 144 : index
        %parallel_loop3A_1849 = tpu.vector_load %arg12[%parallel_loop3A_1848] {strides = array<i32>} : memref<400xf32, #tpu.memory_space<vmem>>, vector<16xf32>,
        %parallel_loop3A_1850 = arith.mulf %parallel_loop3A_1847, %parallel_loop3A_1849 : vector<16xf32>
        %parallel_loop3A_1851 = arith.addf %parallel_loop3A_1821, %parallel_loop3A_1850 : vector<16xf32>
        %parallel_loop3A_1852 = arith.constant 10 : i32
        %parallel_loop3A_1853 = arith.addi %parallel_loop3A_1701, %parallel_loop3A_1852 : i32
        %parallel_loop3A_1854 = arith.constant 2 : i32
        %parallel_loop3A_1855 = arith.shrui %parallel_loop3A_1853, %parallel_loop3A_1854 : i32
        %parallel_loop3A_1856 = arith.constant 3 : i32
        %parallel_loop3A_1857 = arith.andi %parallel_loop3A_1853, %parallel_loop3A_1856 : i32
        %parallel_loop3A_1858 = arith.constant 16 : i32
        %parallel_loop3A_1859 = arith.muli %parallel_loop3A_1857, %parallel_loop3A_1858 : i32
        %parallel_loop3A_1860 = arith.index_cast %parallel_loop3A_1855 : i32 to index
        %parallel_loop3A_1861 = arith.index_cast %parallel_loop3A_1859 : i32 to index
        %parallel_loop3A_1862 = tpu.vector_load %arg7[%parallel_loop3A_1860, %parallel_loop3A_1861] {strides = array<i32>} : memref<200x64xf32, #tpu.memory_space<vmem>>, vector<16xf32>,
        %parallel_loop3A_1863 = arith.constant 160 : index
        %parallel_loop3A_1864 = tpu.vector_load %arg12[%parallel_loop3A_1863] {strides = array<i32>} : memref<400xf32, #tpu.memory_space<vmem>>, vector<16xf32>,
        %parallel_loop3A_1865 = arith.mulf %parallel_loop3A_1862, %parallel_loop3A_1864 : vector<16xf32>
        %parallel_loop3A_1866 = arith.addf %parallel_loop3A_1836, %parallel_loop3A_1865 : vector<16xf32>
        %parallel_loop3A_1867 = arith.constant 11 : i32
        %parallel_loop3A_1868 = arith.addi %parallel_loop3A_1701, %parallel_loop3A_1867 : i32
        %parallel_loop3A_1869 = arith.constant 2 : i32
        %parallel_loop3A_1870 = arith.shrui %parallel_loop3A_1868, %parallel_loop3A_1869 : i32
        %parallel_loop3A_1871 = arith.constant 3 : i32
        %parallel_loop3A_1872 = arith.andi %parallel_loop3A_1868, %parallel_loop3A_1871 : i32
        %parallel_loop3A_1873 = arith.constant 16 : i32
        %parallel_loop3A_1874 = arith.muli %parallel_loop3A_1872, %parallel_loop3A_1873 : i32
        %parallel_loop3A_1875 = arith.index_cast %parallel_loop3A_1870 : i32 to index
        %parallel_loop3A_1876 = arith.index_cast %parallel_loop3A_1874 : i32 to index
        %parallel_loop3A_1877 = tpu.vector_load %arg7[%parallel_loop3A_1875, %parallel_loop3A_1876] {strides = array<i32>} : memref<200x64xf32, #tpu.memory_space<vmem>>, vector<16xf32>,
        %parallel_loop3A_1878 = arith.constant 176 : index
        %parallel_loop3A_1879 = tpu.vector_load %arg12[%parallel_loop3A_1878] {strides = array<i32>} : memref<400xf32, #tpu.memory_space<vmem>>, vector<16xf32>,
        %parallel_loop3A_1880 = arith.mulf %parallel_loop3A_1877, %parallel_loop3A_1879 : vector<16xf32>
        %parallel_loop3A_1881 = arith.addf %parallel_loop3A_1851, %parallel_loop3A_1880 : vector<16xf32>
        %parallel_loop3A_1882 = arith.constant 12 : i32
        %parallel_loop3A_1883 = arith.addi %parallel_loop3A_1701, %parallel_loop3A_1882 : i32
        %parallel_loop3A_1884 = arith.constant 2 : i32
        %parallel_loop3A_1885 = arith.shrui %parallel_loop3A_1883, %parallel_loop3A_1884 : i32
        %parallel_loop3A_1886 = arith.constant 3 : i32
        %parallel_loop3A_1887 = arith.andi %parallel_loop3A_1883, %parallel_loop3A_1886 : i32
        %parallel_loop3A_1888 = arith.constant 16 : i32
        %parallel_loop3A_1889 = arith.muli %parallel_loop3A_1887, %parallel_loop3A_1888 : i32
        %parallel_loop3A_1890 = arith.index_cast %parallel_loop3A_1885 : i32 to index
        %parallel_loop3A_1891 = arith.index_cast %parallel_loop3A_1889 : i32 to index
        %parallel_loop3A_1892 = tpu.vector_load %arg7[%parallel_loop3A_1890, %parallel_loop3A_1891] {strides = array<i32>} : memref<200x64xf32, #tpu.memory_space<vmem>>, vector<16xf32>,
        %parallel_loop3A_1893 = arith.constant 192 : index
        %parallel_loop3A_1894 = tpu.vector_load %arg12[%parallel_loop3A_1893] {strides = array<i32>} : memref<400xf32, #tpu.memory_space<vmem>>, vector<16xf32>,
        %parallel_loop3A_1895 = arith.mulf %parallel_loop3A_1892, %parallel_loop3A_1894 : vector<16xf32>
        %parallel_loop3A_1896 = arith.constant 0.000000e+00 : f32
        %parallel_loop3A_1897 = vector.broadcast %parallel_loop3A_1896 : f32 to vector<16xf32>
        %parallel_loop3A_1898 = arith.select %lt3A_870, %parallel_loop3A_1895, %parallel_loop3A_1897 : vector<16xi1>, vector<16xf32>
        %parallel_loop3A_1899 = arith.addf %parallel_loop3A_1866, %parallel_loop3A_1898 : vector<16xf32>
        %parallel_loop3A_1900 = arith.constant 0.000000e+00 : f32
        %parallel_loop3A_1901 = vector.broadcast %parallel_loop3A_1900 : f32 to vector<16xf32>
        %parallel_loop3A_1902 = arith.select %lt3A_870, %parallel_loop3A_1901, %parallel_loop3A_1895 : vector<16xi1>, vector<16xf32>
        %parallel_loop3A_1903 = arith.addf %broadcast_in_dim3A_85, %parallel_loop3A_1902 : vector<16xf32>
        %parallel_loop3A_1904 = arith.constant 13 : i32
        %parallel_loop3A_1905 = arith.addi %parallel_loop3A_1701, %parallel_loop3A_1904 : i32
        %parallel_loop3A_1906 = arith.constant 2 : i32
        %parallel_loop3A_1907 = arith.shrui %parallel_loop3A_1905, %parallel_loop3A_1906 : i32
        %parallel_loop3A_1908 = arith.constant 3 : i32
        %parallel_loop3A_1909 = arith.andi %parallel_loop3A_1905, %parallel_loop3A_1908 : i32
        %parallel_loop3A_1910 = arith.constant 16 : i32
        %parallel_loop3A_1911 = arith.muli %parallel_loop3A_1909, %parallel_loop3A_1910 : i32
        %parallel_loop3A_1912 = arith.index_cast %parallel_loop3A_1907 : i32 to index
        %parallel_loop3A_1913 = arith.index_cast %parallel_loop3A_1911 : i32 to index
        %parallel_loop3A_1914 = tpu.vector_load %arg7[%parallel_loop3A_1912, %parallel_loop3A_1913] {strides = array<i32>} : memref<200x64xf32, #tpu.memory_space<vmem>>, vector<16xf32>,
        %parallel_loop3A_1915 = arith.constant 208 : index
        %parallel_loop3A_1916 = tpu.vector_load %arg12[%parallel_loop3A_1915] {strides = array<i32>} : memref<400xf32, #tpu.memory_space<vmem>>, vector<16xf32>,
        %parallel_loop3A_1917 = arith.mulf %parallel_loop3A_1914, %parallel_loop3A_1916 : vector<16xf32>
        %parallel_loop3A_1918 = arith.addf %broadcast_in_dim3A_85, %parallel_loop3A_1917 : vector<16xf32>
        %parallel_loop3A_1919 = arith.constant 14 : i32
        %parallel_loop3A_1920 = arith.addi %parallel_loop3A_1701, %parallel_loop3A_1919 : i32
        %parallel_loop3A_1921 = arith.constant 2 : i32
        %parallel_loop3A_1922 = arith.shrui %parallel_loop3A_1920, %parallel_loop3A_1921 : i32
        %parallel_loop3A_1923 = arith.constant 3 : i32
        %parallel_loop3A_1924 = arith.andi %parallel_loop3A_1920, %parallel_loop3A_1923 : i32
        %parallel_loop3A_1925 = arith.constant 16 : i32
        %parallel_loop3A_1926 = arith.muli %parallel_loop3A_1924, %parallel_loop3A_1925 : i32
        %parallel_loop3A_1927 = arith.index_cast %parallel_loop3A_1922 : i32 to index
        %parallel_loop3A_1928 = arith.index_cast %parallel_loop3A_1926 : i32 to index
        %parallel_loop3A_1929 = tpu.vector_load %arg7[%parallel_loop3A_1927, %parallel_loop3A_1928] {strides = array<i32>} : memref<200x64xf32, #tpu.memory_space<vmem>>, vector<16xf32>,
        %parallel_loop3A_1930 = arith.constant 224 : index
        %parallel_loop3A_1931 = tpu.vector_load %arg12[%parallel_loop3A_1930] {strides = array<i32>} : memref<400xf32, #tpu.memory_space<vmem>>, vector<16xf32>,
        %parallel_loop3A_1932 = arith.mulf %parallel_loop3A_1929, %parallel_loop3A_1931 : vector<16xf32>
        %parallel_loop3A_1933 = arith.addf %parallel_loop3A_1903, %parallel_loop3A_1932 : vector<16xf32>
        %parallel_loop3A_1934 = arith.constant 15 : i32
        %parallel_loop3A_1935 = arith.addi %parallel_loop3A_1701, %parallel_loop3A_1934 : i32
        %parallel_loop3A_1936 = arith.constant 2 : i32
        %parallel_loop3A_1937 = arith.shrui %parallel_loop3A_1935, %parallel_loop3A_1936 : i32
        %parallel_loop3A_1938 = arith.constant 3 : i32
        %parallel_loop3A_1939 = arith.andi %parallel_loop3A_1935, %parallel_loop3A_1938 : i32
        %parallel_loop3A_1940 = arith.constant 16 : i32
        %parallel_loop3A_1941 = arith.muli %parallel_loop3A_1939, %parallel_loop3A_1940 : i32
        %parallel_loop3A_1942 = arith.index_cast %parallel_loop3A_1937 : i32 to index
        %parallel_loop3A_1943 = arith.index_cast %parallel_loop3A_1941 : i32 to index
        %parallel_loop3A_1944 = tpu.vector_load %arg7[%parallel_loop3A_1942, %parallel_loop3A_1943] {strides = array<i32>} : memref<200x64xf32, #tpu.memory_space<vmem>>, vector<16xf32>,
        %parallel_loop3A_1945 = arith.constant 240 : index
        %parallel_loop3A_1946 = tpu.vector_load %arg12[%parallel_loop3A_1945] {strides = array<i32>} : memref<400xf32, #tpu.memory_space<vmem>>, vector<16xf32>,
        %parallel_loop3A_1947 = arith.mulf %parallel_loop3A_1944, %parallel_loop3A_1946 : vector<16xf32>
        %parallel_loop3A_1948 = arith.addf %parallel_loop3A_1918, %parallel_loop3A_1947 : vector<16xf32>
        %parallel_loop3A_1949 = arith.constant 16 : i32
        %parallel_loop3A_1950 = arith.addi %parallel_loop3A_1701, %parallel_loop3A_1949 : i32
        %parallel_loop3A_1951 = arith.constant 2 : i32
        %parallel_loop3A_1952 = arith.shrui %parallel_loop3A_1950, %parallel_loop3A_1951 : i32
        %parallel_loop3A_1953 = arith.constant 3 : i32
        %parallel_loop3A_1954 = arith.andi %parallel_loop3A_1950, %parallel_loop3A_1953 : i32
        %parallel_loop3A_1955 = arith.constant 16 : i32
        %parallel_loop3A_1956 = arith.muli %parallel_loop3A_1954, %parallel_loop3A_1955 : i32
        %parallel_loop3A_1957 = arith.index_cast %parallel_loop3A_1952 : i32 to index
        %parallel_loop3A_1958 = arith.index_cast %parallel_loop3A_1956 : i32 to index
        %parallel_loop3A_1959 = tpu.vector_load %arg7[%parallel_loop3A_1957, %parallel_loop3A_1958] {strides = array<i32>} : memref<200x64xf32, #tpu.memory_space<vmem>>, vector<16xf32>,
        %parallel_loop3A_1960 = arith.constant 256 : index
        %parallel_loop3A_1961 = tpu.vector_load %arg12[%parallel_loop3A_1960] {strides = array<i32>} : memref<400xf32, #tpu.memory_space<vmem>>, vector<16xf32>,
        %parallel_loop3A_1962 = arith.mulf %parallel_loop3A_1959, %parallel_loop3A_1961 : vector<16xf32>
        %parallel_loop3A_1963 = arith.addf %parallel_loop3A_1933, %parallel_loop3A_1962 : vector<16xf32>
        %parallel_loop3A_1964 = arith.constant 17 : i32
        %parallel_loop3A_1965 = arith.addi %parallel_loop3A_1701, %parallel_loop3A_1964 : i32
        %parallel_loop3A_1966 = arith.constant 2 : i32
        %parallel_loop3A_1967 = arith.shrui %parallel_loop3A_1965, %parallel_loop3A_1966 : i32
        %parallel_loop3A_1968 = arith.constant 3 : i32
        %parallel_loop3A_1969 = arith.andi %parallel_loop3A_1965, %parallel_loop3A_1968 : i32
        %parallel_loop3A_1970 = arith.constant 16 : i32
        %parallel_loop3A_1971 = arith.muli %parallel_loop3A_1969, %parallel_loop3A_1970 : i32
        %parallel_loop3A_1972 = arith.index_cast %parallel_loop3A_1967 : i32 to index
        %parallel_loop3A_1973 = arith.index_cast %parallel_loop3A_1971 : i32 to index
        %parallel_loop3A_1974 = tpu.vector_load %arg7[%parallel_loop3A_1972, %parallel_loop3A_1973] {strides = array<i32>} : memref<200x64xf32, #tpu.memory_space<vmem>>, vector<16xf32>,
        %parallel_loop3A_1975 = arith.constant 272 : index
        %parallel_loop3A_1976 = tpu.vector_load %arg12[%parallel_loop3A_1975] {strides = array<i32>} : memref<400xf32, #tpu.memory_space<vmem>>, vector<16xf32>,
        %parallel_loop3A_1977 = arith.mulf %parallel_loop3A_1974, %parallel_loop3A_1976 : vector<16xf32>
        %parallel_loop3A_1978 = arith.addf %parallel_loop3A_1948, %parallel_loop3A_1977 : vector<16xf32>
        %parallel_loop3A_1979 = arith.constant 18 : i32
        %parallel_loop3A_1980 = arith.addi %parallel_loop3A_1701, %parallel_loop3A_1979 : i32
        %parallel_loop3A_1981 = arith.constant 2 : i32
        %parallel_loop3A_1982 = arith.shrui %parallel_loop3A_1980, %parallel_loop3A_1981 : i32
        %parallel_loop3A_1983 = arith.constant 3 : i32
        %parallel_loop3A_1984 = arith.andi %parallel_loop3A_1980, %parallel_loop3A_1983 : i32
        %parallel_loop3A_1985 = arith.constant 16 : i32
        %parallel_loop3A_1986 = arith.muli %parallel_loop3A_1984, %parallel_loop3A_1985 : i32
        %parallel_loop3A_1987 = arith.index_cast %parallel_loop3A_1982 : i32 to index
        %parallel_loop3A_1988 = arith.index_cast %parallel_loop3A_1986 : i32 to index
        %parallel_loop3A_1989 = tpu.vector_load %arg7[%parallel_loop3A_1987, %parallel_loop3A_1988] {strides = array<i32>} : memref<200x64xf32, #tpu.memory_space<vmem>>, vector<16xf32>,
        %parallel_loop3A_1990 = arith.constant 288 : index
        %parallel_loop3A_1991 = tpu.vector_load %arg12[%parallel_loop3A_1990] {strides = array<i32>} : memref<400xf32, #tpu.memory_space<vmem>>, vector<16xf32>,
        %parallel_loop3A_1992 = arith.mulf %parallel_loop3A_1989, %parallel_loop3A_1991 : vector<16xf32>
        %parallel_loop3A_1993 = arith.addf %parallel_loop3A_1963, %parallel_loop3A_1992 : vector<16xf32>
        %parallel_loop3A_1994 = arith.constant 19 : i32
        %parallel_loop3A_1995 = arith.addi %parallel_loop3A_1701, %parallel_loop3A_1994 : i32
        %parallel_loop3A_1996 = arith.constant 2 : i32
        %parallel_loop3A_1997 = arith.shrui %parallel_loop3A_1995, %parallel_loop3A_1996 : i32
        %parallel_loop3A_1998 = arith.constant 3 : i32
        %parallel_loop3A_1999 = arith.andi %parallel_loop3A_1995, %parallel_loop3A_1998 : i32
        %parallel_loop3A_2000 = arith.constant 16 : i32
        %parallel_loop3A_2001 = arith.muli %parallel_loop3A_1999, %parallel_loop3A_2000 : i32
        %parallel_loop3A_2002 = arith.index_cast %parallel_loop3A_1997 : i32 to index
        %parallel_loop3A_2003 = arith.index_cast %parallel_loop3A_2001 : i32 to index
        %parallel_loop3A_2004 = tpu.vector_load %arg7[%parallel_loop3A_2002, %parallel_loop3A_2003] {strides = array<i32>} : memref<200x64xf32, #tpu.memory_space<vmem>>, vector<16xf32>,
        %parallel_loop3A_2005 = arith.constant 304 : index
        %parallel_loop3A_2006 = tpu.vector_load %arg12[%parallel_loop3A_2005] {strides = array<i32>} : memref<400xf32, #tpu.memory_space<vmem>>, vector<16xf32>,
        %parallel_loop3A_2007 = arith.mulf %parallel_loop3A_2004, %parallel_loop3A_2006 : vector<16xf32>
        %parallel_loop3A_2008 = arith.addf %parallel_loop3A_1978, %parallel_loop3A_2007 : vector<16xf32>
        %parallel_loop3A_2009 = arith.constant 20 : i32
        %parallel_loop3A_2010 = arith.addi %parallel_loop3A_1701, %parallel_loop3A_2009 : i32
        %parallel_loop3A_2011 = arith.constant 2 : i32
        %parallel_loop3A_2012 = arith.shrui %parallel_loop3A_2010, %parallel_loop3A_2011 : i32
        %parallel_loop3A_2013 = arith.constant 3 : i32
        %parallel_loop3A_2014 = arith.andi %parallel_loop3A_2010, %parallel_loop3A_2013 : i32
        %parallel_loop3A_2015 = arith.constant 16 : i32
        %parallel_loop3A_2016 = arith.muli %parallel_loop3A_2014, %parallel_loop3A_2015 : i32
        %parallel_loop3A_2017 = arith.index_cast %parallel_loop3A_2012 : i32 to index
        %parallel_loop3A_2018 = arith.index_cast %parallel_loop3A_2016 : i32 to index
        %parallel_loop3A_2019 = tpu.vector_load %arg7[%parallel_loop3A_2017, %parallel_loop3A_2018] {strides = array<i32>} : memref<200x64xf32, #tpu.memory_space<vmem>>, vector<16xf32>,
        %parallel_loop3A_2020 = arith.constant 320 : index
        %parallel_loop3A_2021 = tpu.vector_load %arg12[%parallel_loop3A_2020] {strides = array<i32>} : memref<400xf32, #tpu.memory_space<vmem>>, vector<16xf32>,
        %parallel_loop3A_2022 = arith.mulf %parallel_loop3A_2019, %parallel_loop3A_2021 : vector<16xf32>
        %parallel_loop3A_2023 = arith.addf %parallel_loop3A_1993, %parallel_loop3A_2022 : vector<16xf32>
        %parallel_loop3A_2024 = arith.constant 21 : i32
        %parallel_loop3A_2025 = arith.addi %parallel_loop3A_1701, %parallel_loop3A_2024 : i32
        %parallel_loop3A_2026 = arith.constant 2 : i32
        %parallel_loop3A_2027 = arith.shrui %parallel_loop3A_2025, %parallel_loop3A_2026 : i32
        %parallel_loop3A_2028 = arith.constant 3 : i32
        %parallel_loop3A_2029 = arith.andi %parallel_loop3A_2025, %parallel_loop3A_2028 : i32
        %parallel_loop3A_2030 = arith.constant 16 : i32
        %parallel_loop3A_2031 = arith.muli %parallel_loop3A_2029, %parallel_loop3A_2030 : i32
        %parallel_loop3A_2032 = arith.index_cast %parallel_loop3A_2027 : i32 to index
        %parallel_loop3A_2033 = arith.index_cast %parallel_loop3A_2031 : i32 to index
        %parallel_loop3A_2034 = tpu.vector_load %arg7[%parallel_loop3A_2032, %parallel_loop3A_2033] {strides = array<i32>} : memref<200x64xf32, #tpu.memory_space<vmem>>, vector<16xf32>,
        %parallel_loop3A_2035 = arith.constant 336 : index
        %parallel_loop3A_2036 = tpu.vector_load %arg12[%parallel_loop3A_2035] {strides = array<i32>} : memref<400xf32, #tpu.memory_space<vmem>>, vector<16xf32>,
        %parallel_loop3A_2037 = arith.mulf %parallel_loop3A_2034, %parallel_loop3A_2036 : vector<16xf32>
        %parallel_loop3A_2038 = arith.addf %parallel_loop3A_2008, %parallel_loop3A_2037 : vector<16xf32>
        %parallel_loop3A_2039 = arith.constant 22 : i32
        %parallel_loop3A_2040 = arith.addi %parallel_loop3A_1701, %parallel_loop3A_2039 : i32
        %parallel_loop3A_2041 = arith.constant 2 : i32
        %parallel_loop3A_2042 = arith.shrui %parallel_loop3A_2040, %parallel_loop3A_2041 : i32
        %parallel_loop3A_2043 = arith.constant 3 : i32
        %parallel_loop3A_2044 = arith.andi %parallel_loop3A_2040, %parallel_loop3A_2043 : i32
        %parallel_loop3A_2045 = arith.constant 16 : i32
        %parallel_loop3A_2046 = arith.muli %parallel_loop3A_2044, %parallel_loop3A_2045 : i32
        %parallel_loop3A_2047 = arith.index_cast %parallel_loop3A_2042 : i32 to index
        %parallel_loop3A_2048 = arith.index_cast %parallel_loop3A_2046 : i32 to index
        %parallel_loop3A_2049 = tpu.vector_load %arg7[%parallel_loop3A_2047, %parallel_loop3A_2048] {strides = array<i32>} : memref<200x64xf32, #tpu.memory_space<vmem>>, vector<16xf32>,
        %parallel_loop3A_2050 = arith.constant 352 : index
        %parallel_loop3A_2051 = tpu.vector_load %arg12[%parallel_loop3A_2050] {strides = array<i32>} : memref<400xf32, #tpu.memory_space<vmem>>, vector<16xf32>,
        %parallel_loop3A_2052 = arith.mulf %parallel_loop3A_2049, %parallel_loop3A_2051 : vector<16xf32>
        %parallel_loop3A_2053 = arith.addf %parallel_loop3A_2023, %parallel_loop3A_2052 : vector<16xf32>
        %parallel_loop3A_2054 = arith.constant 23 : i32
        %parallel_loop3A_2055 = arith.addi %parallel_loop3A_1701, %parallel_loop3A_2054 : i32
        %parallel_loop3A_2056 = arith.constant 2 : i32
        %parallel_loop3A_2057 = arith.shrui %parallel_loop3A_2055, %parallel_loop3A_2056 : i32
        %parallel_loop3A_2058 = arith.constant 3 : i32
        %parallel_loop3A_2059 = arith.andi %parallel_loop3A_2055, %parallel_loop3A_2058 : i32
        %parallel_loop3A_2060 = arith.constant 16 : i32
        %parallel_loop3A_2061 = arith.muli %parallel_loop3A_2059, %parallel_loop3A_2060 : i32
        %parallel_loop3A_2062 = arith.index_cast %parallel_loop3A_2057 : i32 to index
        %parallel_loop3A_2063 = arith.index_cast %parallel_loop3A_2061 : i32 to index
        %parallel_loop3A_2064 = tpu.vector_load %arg7[%parallel_loop3A_2062, %parallel_loop3A_2063] {strides = array<i32>} : memref<200x64xf32, #tpu.memory_space<vmem>>, vector<16xf32>,
        %parallel_loop3A_2065 = arith.constant 368 : index
        %parallel_loop3A_2066 = tpu.vector_load %arg12[%parallel_loop3A_2065] {strides = array<i32>} : memref<400xf32, #tpu.memory_space<vmem>>, vector<16xf32>,
        %parallel_loop3A_2067 = arith.mulf %parallel_loop3A_2064, %parallel_loop3A_2066 : vector<16xf32>
        %parallel_loop3A_2068 = arith.addf %parallel_loop3A_2038, %parallel_loop3A_2067 : vector<16xf32>
        %parallel_loop3A_2069 = arith.constant 24 : i32
        %parallel_loop3A_2070 = arith.addi %parallel_loop3A_1701, %parallel_loop3A_2069 : i32
        %parallel_loop3A_2071 = arith.constant 2 : i32
        %parallel_loop3A_2072 = arith.shrui %parallel_loop3A_2070, %parallel_loop3A_2071 : i32
        %parallel_loop3A_2073 = arith.constant 3 : i32
        %parallel_loop3A_2074 = arith.andi %parallel_loop3A_2070, %parallel_loop3A_2073 : i32
        %parallel_loop3A_2075 = arith.constant 16 : i32
        %parallel_loop3A_2076 = arith.muli %parallel_loop3A_2074, %parallel_loop3A_2075 : i32
        %parallel_loop3A_2077 = arith.index_cast %parallel_loop3A_2072 : i32 to index
        %parallel_loop3A_2078 = arith.index_cast %parallel_loop3A_2076 : i32 to index
        %parallel_loop3A_2079 = tpu.vector_load %arg7[%parallel_loop3A_2077, %parallel_loop3A_2078] {strides = array<i32>} : memref<200x64xf32, #tpu.memory_space<vmem>>, vector<16xf32>,
        %parallel_loop3A_2080 = arith.constant 384 : index
        %parallel_loop3A_2081 = tpu.vector_load %arg12[%parallel_loop3A_2080] {strides = array<i32>} : memref<400xf32, #tpu.memory_space<vmem>>, vector<16xf32>,
        %parallel_loop3A_2082 = arith.mulf %parallel_loop3A_2079, %parallel_loop3A_2081 : vector<16xf32>
        %parallel_loop3A_2083 = arith.addf %parallel_loop3A_2053, %parallel_loop3A_2082 : vector<16xf32>
        %parallel_loop3A_2084 = arith.addf %parallel_loop3A_1899, %parallel_loop3A_1881 : vector<16xf32>
        %parallel_loop3A_2085 = vector.shape_cast %xor3A_4 : vector<16xi32> to vector<16x1xi32>
        %parallel_loop3A_2086 = vector.shape_cast %parallel_loop3A_2085 : vector<16x1xi32> to vector<16xi32>
        %parallel_loop3A_2087 = tpu.dynamic_gather %parallel_loop3A_2084[%parallel_loop3A_2086] in [0] : vector<16xf32>, vector<16xi32> -> vector<16xf32>
        %parallel_loop3A_2088 = arith.addf %parallel_loop3A_2084, %parallel_loop3A_2087 : vector<16xf32>
        %parallel_loop3A_2089 = vector.shape_cast %xor3A_7 : vector<16xi32> to vector<16x1xi32>
        %parallel_loop3A_2090 = vector.shape_cast %parallel_loop3A_2089 : vector<16x1xi32> to vector<16xi32>
        %parallel_loop3A_2091 = tpu.dynamic_gather %parallel_loop3A_2088[%parallel_loop3A_2090] in [0] : vector<16xf32>, vector<16xi32> -> vector<16xf32>
        %parallel_loop3A_2092 = arith.addf %parallel_loop3A_2088, %parallel_loop3A_2091 : vector<16xf32>
        %parallel_loop3A_2093 = vector.shape_cast %xor3A_10 : vector<16xi32> to vector<16x1xi32>
        %parallel_loop3A_2094 = vector.shape_cast %parallel_loop3A_2093 : vector<16x1xi32> to vector<16xi32>
        %parallel_loop3A_2095 = tpu.dynamic_gather %parallel_loop3A_2092[%parallel_loop3A_2094] in [0] : vector<16xf32>, vector<16xi32> -> vector<16xf32>
        %parallel_loop3A_2096 = arith.addf %parallel_loop3A_2092, %parallel_loop3A_2095 : vector<16xf32>
        %parallel_loop3A_2097 = vector.shape_cast %xor3A_13 : vector<16xi32> to vector<16x1xi32>
        %parallel_loop3A_2098 = vector.shape_cast %parallel_loop3A_2097 : vector<16x1xi32> to vector<16xi32>
        %parallel_loop3A_2099 = tpu.dynamic_gather %parallel_loop3A_2096[%parallel_loop3A_2098] in [0] : vector<16xf32>, vector<16xi32> -> vector<16xf32>
        %parallel_loop3A_2100 = arith.addf %parallel_loop3A_2096, %parallel_loop3A_2099 : vector<16xf32>
        %parallel_loop3A_2101 = arith.addf %parallel_loop3A_2083, %parallel_loop3A_2068 : vector<16xf32>
        %parallel_loop3A_2102 = vector.shape_cast %xor3A_4 : vector<16xi32> to vector<16x1xi32>
        %parallel_loop3A_2103 = vector.shape_cast %parallel_loop3A_2102 : vector<16x1xi32> to vector<16xi32>
        %parallel_loop3A_2104 = tpu.dynamic_gather %parallel_loop3A_2101[%parallel_loop3A_2103] in [0] : vector<16xf32>, vector<16xi32> -> vector<16xf32>
        %parallel_loop3A_2105 = arith.addf %parallel_loop3A_2101, %parallel_loop3A_2104 : vector<16xf32>
        %parallel_loop3A_2106 = vector.shape_cast %xor3A_7 : vector<16xi32> to vector<16x1xi32>
        %parallel_loop3A_2107 = vector.shape_cast %parallel_loop3A_2106 : vector<16x1xi32> to vector<16xi32>
        %parallel_loop3A_2108 = tpu.dynamic_gather %parallel_loop3A_2105[%parallel_loop3A_2107] in [0] : vector<16xf32>, vector<16xi32> -> vector<16xf32>
        %parallel_loop3A_2109 = arith.addf %parallel_loop3A_2105, %parallel_loop3A_2108 : vector<16xf32>
        %parallel_loop3A_2110 = vector.shape_cast %xor3A_10 : vector<16xi32> to vector<16x1xi32>
        %parallel_loop3A_2111 = vector.shape_cast %parallel_loop3A_2110 : vector<16x1xi32> to vector<16xi32>
        %parallel_loop3A_2112 = tpu.dynamic_gather %parallel_loop3A_2109[%parallel_loop3A_2111] in [0] : vector<16xf32>, vector<16xi32> -> vector<16xf32>
        %parallel_loop3A_2113 = arith.addf %parallel_loop3A_2109, %parallel_loop3A_2112 : vector<16xf32>
        %parallel_loop3A_2114 = vector.shape_cast %xor3A_13 : vector<16xi32> to vector<16x1xi32>
        %parallel_loop3A_2115 = vector.shape_cast %parallel_loop3A_2114 : vector<16x1xi32> to vector<16xi32>
        %parallel_loop3A_2116 = tpu.dynamic_gather %parallel_loop3A_2113[%parallel_loop3A_2115] in [0] : vector<16xf32>, vector<16xi32> -> vector<16xf32>
        %parallel_loop3A_2117 = arith.addf %parallel_loop3A_2113, %parallel_loop3A_2116 : vector<16xf32>
        %parallel_loop3A_2118 = arith.constant 1 : i32
        %parallel_loop3A_2119 = vector.broadcast %parallel_loop3A_2118 : i32 to vector<16xi32>
        %parallel_loop3A_2120 = arith.cmpi slt, %iota3A, %parallel_loop3A_2119 : vector<16xi32>
        %parallel_loop3A_2121 = arith.select %parallel_loop3A_2120, %parallel_loop3A_2100, %parallel_loop3A_2117 : vector<16xi1>, vector<16xf32>
        %parallel_loop3A_2122 = arith.constant 0 : i32
        %parallel_loop3A_2123 = vector.broadcast %parallel_loop3A_2122 : i32 to vector<16xi32>
        %parallel_loop3A_2124 = arith.muli %iota3A, %parallel_loop3A_2123 : vector<16xi32>
        %parallel_loop3A_2125 = vector.broadcast %mul3A_46 : i32 to vector<16xi32>
        %parallel_loop3A_2126 = arith.addi %parallel_loop3A_2124, %parallel_loop3A_2125 : vector<16xi32>
        %parallel_loop3A_2127 = arith.constant 2 : i32
        %parallel_loop3A_2128 = arith.muli %parallel_loop3A_2127, %parallel_loop3A_1699 : i32
        %parallel_loop3A_2129 = vector.broadcast %parallel_loop3A_2128 : i32 to vector<16xi32>
        %parallel_loop3A_2130 = arith.addi %parallel_loop3A_2129, %iota3A : vector<16xi32>
        %parallel_loop3A_2131 = arith.constant 2 : i32
        %parallel_loop3A_2132 = vector.broadcast %parallel_loop3A_2131 : i32 to vector<16xi32>
        %parallel_loop3A_2133 = arith.cmpi slt, %iota3A, %parallel_loop3A_2132 : vector<16xi32>
        tpu.vector_store_idx %arg13[%parallel_loop3A_2126, %parallel_loop3A_2130], %parallel_loop3A_2121 masked %parallel_loop3A_2133 : memref<128x64xf32, #tpu.memory_space<vmem>>[vector<16xi32>, vector<16xi32>], vector<16xf32>, vector<16xi1>
      } {sc.loop_unroll_factor = 1 : i64, sc.parallel_access}
      %lt3A_874 = arith.constant 63 : i32
      %lt3A_875 = arith.cmpi slt, %scan3A_43, %lt3A_874 : i32
      %convert_element_type3A = arith.extui %lt3A_875 : i1 to i32
      %cond3A = arith.constant 0 : i32
      %cond3A_876 = arith.cmpi ne, %convert_element_type3A, %cond3A : i32
      scf.if %cond3A_876 {
        %add3A_1699 = arith.constant 2 : i32
        %add3A_1700 = arith.addi %mul3A_46, %add3A_1699 : i32
        %dma_start3A_1701 = arith.constant 0 : i32
        %dma_start3A_1702 = arith.constant 0 : i32
        %dma_start3A_1703 = tpu.memref_slice %arg7[%dma_start3A_1701, %dma_start3A_1702] : memref<200x64xf32, #tpu.memory_space<vmem>> -> memref<128x64xf32, #tpu.memory_space<vmem>>
        %dma_start3A_1704 = arith.constant 0 : i32
        %dma_start3A_1705 = tpu.memref_slice %arg6[%add3A_1700, %dma_start3A_1704] : memref<128x200xi32, #tpu.memory_space<vmem>> -> memref<1x128xi32, #tpu.memory_space<vmem>>
        %dma_start3A_1706 = tpu.memref_squeeze %dma_start3A_1705 : memref<1x128xi32, #tpu.memory_space<vmem>> -> memref<128xi32, #tpu.memory_space<vmem>>
        %dma_start3A_1707 = arith.constant 0 : i32
        %dma_start3A_1708 = arith.constant 0 : i32
        %dma_start3A_1709 = tpu.memref_slice %arg3[%dma_start3A_1707, %dma_start3A_1708] : memref<1000000x64xf32, #tpu.memory_space<hbm>> -> memref<1000000x64xf32, #tpu.memory_space<hbm>>
        tpu.enqueue_indirect_dma source(%dma_start3A_1709 : memref<1000000x64xf32, #tpu.memory_space<hbm>>) target(%dma_start3A_1703 : memref<128x64xf32, #tpu.memory_space<vmem>>) offsets(%dma_start3A_1706 : memref<128xi32, #tpu.memory_space<vmem>>) semaphore(%arg14 : memref<!tpu.dma_semaphore, #tpu.memory_space<semaphore_mem>>)
        %dma_start3A_1710 = arith.constant 128 : i32
        %dma_start3A_1711 = arith.constant 0 : i32
        %dma_start3A_1712 = tpu.memref_slice %arg7[%dma_start3A_1710, %dma_start3A_1711] : memref<200x64xf32, #tpu.memory_space<vmem>> -> memref<72x64xf32, #tpu.memory_space<vmem>>
        %dma_start3A_1713 = arith.constant 128 : i32
        %dma_start3A_1714 = tpu.memref_slice %arg6[%add3A_1700, %dma_start3A_1713] : memref<128x200xi32, #tpu.memory_space<vmem>> -> memref<1x72xi32, #tpu.memory_space<vmem>>
        %dma_start3A_1715 = tpu.memref_squeeze %dma_start3A_1714 : memref<1x72xi32, #tpu.memory_space<vmem>> -> memref<72xi32, #tpu.memory_space<vmem>>
        %dma_start3A_1716 = arith.constant 0 : i32
        %dma_start3A_1717 = arith.constant 0 : i32
        %dma_start3A_1718 = tpu.memref_slice %arg3[%dma_start3A_1716, %dma_start3A_1717] : memref<1000000x64xf32, #tpu.memory_space<hbm>> -> memref<1000000x64xf32, #tpu.memory_space<hbm>>
        tpu.enqueue_indirect_dma source(%dma_start3A_1718 : memref<1000000x64xf32, #tpu.memory_space<hbm>>) target(%dma_start3A_1712 : memref<72x64xf32, #tpu.memory_space<vmem>>) offsets(%dma_start3A_1715 : memref<72xi32, #tpu.memory_space<vmem>>) semaphore(%arg14 : memref<!tpu.dma_semaphore, #tpu.memory_space<semaphore_mem>>)
      } else {
      }
      %add3A_877 = arith.constant 1 : i32
      %add3A_878 = arith.addi %mul3A_46, %add3A_877 : i32
      %dma_wait3A_879 = arith.constant 0 : i32
      %dma_wait3A_880 = arith.constant 0 : i32
      %dma_wait3A_881 = tpu.memref_slice %arg8[%dma_wait3A_879, %dma_wait3A_880] : memref<200x64xf32, #tpu.memory_space<vmem>> -> memref<128x64xf32, #tpu.memory_space<vmem>>
      %dma_wait3A_882 = arith.constant 0 : i32
      %dma_wait3A_883 = tpu.memref_slice %arg6[%add3A_878, %dma_wait3A_882] : memref<128x200xi32, #tpu.memory_space<vmem>> -> memref<1x128xi32, #tpu.memory_space<vmem>>
      %dma_wait3A_884 = tpu.memref_squeeze %dma_wait3A_883 : memref<1x128xi32, #tpu.memory_space<vmem>> -> memref<128xi32, #tpu.memory_space<vmem>>
      %dma_wait3A_885 = arith.constant 0 : i32
      %dma_wait3A_886 = arith.constant 0 : i32
      %dma_wait3A_887 = tpu.memref_slice %arg3[%dma_wait3A_885, %dma_wait3A_886] : memref<1000000x64xf32, #tpu.memory_space<hbm>> -> memref<1000000x64xf32, #tpu.memory_space<hbm>>
      tpu.wait_indirect_dma semaphore(%arg15 : memref<!tpu.dma_semaphore, #tpu.memory_space<semaphore_mem>>) src(%dma_wait3A_887 : memref<1000000x64xf32, #tpu.memory_space<hbm>>) dst(%dma_wait3A_881 : memref<128x64xf32, #tpu.memory_space<vmem>>)
      %dma_wait3A_888 = arith.constant 128 : i32
      %dma_wait3A_889 = arith.constant 0 : i32
      %dma_wait3A_890 = tpu.memref_slice %arg8[%dma_wait3A_888, %dma_wait3A_889] : memref<200x64xf32, #tpu.memory_space<vmem>> -> memref<72x64xf32, #tpu.memory_space<vmem>>
      %dma_wait3A_891 = arith.constant 128 : i32
      %dma_wait3A_892 = tpu.memref_slice %arg6[%add3A_878, %dma_wait3A_891] : memref<128x200xi32, #tpu.memory_space<vmem>> -> memref<1x72xi32, #tpu.memory_space<vmem>>
      %dma_wait3A_893 = tpu.memref_squeeze %dma_wait3A_892 : memref<1x72xi32, #tpu.memory_space<vmem>> -> memref<72xi32, #tpu.memory_space<vmem>>
      %dma_wait3A_894 = arith.constant 0 : i32
      %dma_wait3A_895 = arith.constant 0 : i32
      %dma_wait3A_896 = tpu.memref_slice %arg3[%dma_wait3A_894, %dma_wait3A_895] : memref<1000000x64xf32, #tpu.memory_space<hbm>> -> memref<1000000x64xf32, #tpu.memory_space<hbm>>
      tpu.wait_indirect_dma semaphore(%arg15 : memref<!tpu.dma_semaphore, #tpu.memory_space<semaphore_mem>>) src(%dma_wait3A_896 : memref<1000000x64xf32, #tpu.memory_space<hbm>>) dst(%dma_wait3A_890 : memref<72x64xf32, #tpu.memory_space<vmem>>)
      %add3A_897 = arith.constant 1 : i32
      %add3A_898 = arith.addi %mul3A_46, %add3A_897 : i32
      %broadcast_in_dim3A_899 = arith.constant 0.000000e+00 : f32
      %broadcast_in_dim3A_900 = vector.broadcast %broadcast_in_dim3A_899 : f32 to vector<16xf32>
      %parallel_loop3A_901 = arith.constant 0 : i32
      %parallel_loop3A_902 = arith.constant 32 : i32
      %parallel_loop3A_903 = arith.constant 1 : i32
      %parallel_loop3A_904:25 = scf.for %parallel_loop3A_1699 = %parallel_loop3A_901 to %parallel_loop3A_902 step %parallel_loop3A_903 iter_args(%parallel_loop3A_1700 = %broadcast_in_dim3A_900, %parallel_loop3A_1701 = %broadcast_in_dim3A_900, %parallel_loop3A_1702 = %broadcast_in_dim3A_900, %parallel_loop3A_1703 = %broadcast_in_dim3A_900, %parallel_loop3A_1704 = %broadcast_in_dim3A_900, %parallel_loop3A_1705 = %broadcast_in_dim3A_900, %parallel_loop3A_1706 = %broadcast_in_dim3A_900, %parallel_loop3A_1707 = %broadcast_in_dim3A_900, %parallel_loop3A_1708 = %broadcast_in_dim3A_900, %parallel_loop3A_1709 = %broadcast_in_dim3A_900, %parallel_loop3A_1710 = %broadcast_in_dim3A_900, %parallel_loop3A_1711 = %broadcast_in_dim3A_900, %parallel_loop3A_1712 = %broadcast_in_dim3A_900, %parallel_loop3A_1713 = %broadcast_in_dim3A_900, %parallel_loop3A_1714 = %broadcast_in_dim3A_900, %parallel_loop3A_1715 = %broadcast_in_dim3A_900, %parallel_loop3A_1716 = %broadcast_in_dim3A_900, %parallel_loop3A_1717 = %broadcast_in_dim3A_900, %parallel_loop3A_1718 = %broadcast_in_dim3A_900, %parallel_loop3A_1719 = %broadcast_in_dim3A_900, %parallel_loop3A_1720 = %broadcast_in_dim3A_900, %parallel_loop3A_1721 = %broadcast_in_dim3A_900, %parallel_loop3A_1722 = %broadcast_in_dim3A_900, %parallel_loop3A_1723 = %broadcast_in_dim3A_900, %parallel_loop3A_1724 = %broadcast_in_dim3A_900) -> (vector<16xf32>, vector<16xf32>, vector<16xf32>, vector<16xf32>, vector<16xf32>, vector<16xf32>, vector<16xf32>, vector<16xf32>, vector<16xf32>, vector<16xf32>, vector<16xf32>, vector<16xf32>, vector<16xf32>, vector<16xf32>, vector<16xf32>, vector<16xf32>, vector<16xf32>, vector<16xf32>, vector<16xf32>, vector<16xf32>, vector<16xf32>, vector<16xf32>, vector<16xf32>, vector<16xf32>, vector<16xf32>)  : i32 {
        %parallel_loop3A_1725 = arith.constant 25 : i32
        %parallel_loop3A_1726 = arith.muli %parallel_loop3A_1725, %parallel_loop3A_1699 : i32
        %parallel_loop3A_1727 = arith.constant 0 : i32
        %parallel_loop3A_1728 = arith.addi %parallel_loop3A_1726, %parallel_loop3A_1727 : i32
        %parallel_loop3A_1729 = arith.constant 2 : i32
        %parallel_loop3A_1730 = arith.shrui %parallel_loop3A_1728, %parallel_loop3A_1729 : i32
        %parallel_loop3A_1731 = arith.constant 3 : i32
        %parallel_loop3A_1732 = arith.andi %parallel_loop3A_1728, %parallel_loop3A_1731 : i32
        %parallel_loop3A_1733 = arith.constant 16 : i32
        %parallel_loop3A_1734 = arith.muli %parallel_loop3A_1732, %parallel_loop3A_1733 : i32
        %parallel_loop3A_1735 = arith.index_cast %parallel_loop3A_1730 : i32 to index
        %parallel_loop3A_1736 = arith.index_cast %parallel_loop3A_1734 : i32 to index
        %parallel_loop3A_1737 = tpu.vector_load %arg8[%parallel_loop3A_1735, %parallel_loop3A_1736] {strides = array<i32>} : memref<200x64xf32, #tpu.memory_space<vmem>>, vector<16xf32>,
        %parallel_loop3A_1738 = arith.mulf %parallel_loop3A_1737, %parallel_loop3A_1737 : vector<16xf32>
        %parallel_loop3A_1739 = arith.addf %parallel_loop3A_1700, %parallel_loop3A_1738 : vector<16xf32>
        %parallel_loop3A_1740 = arith.constant 1 : i32
        %parallel_loop3A_1741 = arith.addi %parallel_loop3A_1726, %parallel_loop3A_1740 : i32
        %parallel_loop3A_1742 = arith.constant 2 : i32
        %parallel_loop3A_1743 = arith.shrui %parallel_loop3A_1741, %parallel_loop3A_1742 : i32
        %parallel_loop3A_1744 = arith.constant 3 : i32
        %parallel_loop3A_1745 = arith.andi %parallel_loop3A_1741, %parallel_loop3A_1744 : i32
        %parallel_loop3A_1746 = arith.constant 16 : i32
        %parallel_loop3A_1747 = arith.muli %parallel_loop3A_1745, %parallel_loop3A_1746 : i32
        %parallel_loop3A_1748 = arith.index_cast %parallel_loop3A_1743 : i32 to index
        %parallel_loop3A_1749 = arith.index_cast %parallel_loop3A_1747 : i32 to index
        %parallel_loop3A_1750 = tpu.vector_load %arg8[%parallel_loop3A_1748, %parallel_loop3A_1749] {strides = array<i32>} : memref<200x64xf32, #tpu.memory_space<vmem>>, vector<16xf32>,
        %parallel_loop3A_1751 = arith.mulf %parallel_loop3A_1750, %parallel_loop3A_1750 : vector<16xf32>
        %parallel_loop3A_1752 = arith.addf %parallel_loop3A_1701, %parallel_loop3A_1751 : vector<16xf32>
        %parallel_loop3A_1753 = arith.constant 2 : i32
        %parallel_loop3A_1754 = arith.addi %parallel_loop3A_1726, %parallel_loop3A_1753 : i32
        %parallel_loop3A_1755 = arith.constant 2 : i32
        %parallel_loop3A_1756 = arith.shrui %parallel_loop3A_1754, %parallel_loop3A_1755 : i32
        %parallel_loop3A_1757 = arith.constant 3 : i32
        %parallel_loop3A_1758 = arith.andi %parallel_loop3A_1754, %parallel_loop3A_1757 : i32
        %parallel_loop3A_1759 = arith.constant 16 : i32
        %parallel_loop3A_1760 = arith.muli %parallel_loop3A_1758, %parallel_loop3A_1759 : i32
        %parallel_loop3A_1761 = arith.index_cast %parallel_loop3A_1756 : i32 to index
        %parallel_loop3A_1762 = arith.index_cast %parallel_loop3A_1760 : i32 to index
        %parallel_loop3A_1763 = tpu.vector_load %arg8[%parallel_loop3A_1761, %parallel_loop3A_1762] {strides = array<i32>} : memref<200x64xf32, #tpu.memory_space<vmem>>, vector<16xf32>,
        %parallel_loop3A_1764 = arith.mulf %parallel_loop3A_1763, %parallel_loop3A_1763 : vector<16xf32>
        %parallel_loop3A_1765 = arith.addf %parallel_loop3A_1702, %parallel_loop3A_1764 : vector<16xf32>
        %parallel_loop3A_1766 = arith.constant 3 : i32
        %parallel_loop3A_1767 = arith.addi %parallel_loop3A_1726, %parallel_loop3A_1766 : i32
        %parallel_loop3A_1768 = arith.constant 2 : i32
        %parallel_loop3A_1769 = arith.shrui %parallel_loop3A_1767, %parallel_loop3A_1768 : i32
        %parallel_loop3A_1770 = arith.constant 3 : i32
        %parallel_loop3A_1771 = arith.andi %parallel_loop3A_1767, %parallel_loop3A_1770 : i32
        %parallel_loop3A_1772 = arith.constant 16 : i32
        %parallel_loop3A_1773 = arith.muli %parallel_loop3A_1771, %parallel_loop3A_1772 : i32
        %parallel_loop3A_1774 = arith.index_cast %parallel_loop3A_1769 : i32 to index
        %parallel_loop3A_1775 = arith.index_cast %parallel_loop3A_1773 : i32 to index
        %parallel_loop3A_1776 = tpu.vector_load %arg8[%parallel_loop3A_1774, %parallel_loop3A_1775] {strides = array<i32>} : memref<200x64xf32, #tpu.memory_space<vmem>>, vector<16xf32>,
        %parallel_loop3A_1777 = arith.mulf %parallel_loop3A_1776, %parallel_loop3A_1776 : vector<16xf32>
        %parallel_loop3A_1778 = arith.addf %parallel_loop3A_1703, %parallel_loop3A_1777 : vector<16xf32>
        %parallel_loop3A_1779 = arith.constant 4 : i32
        %parallel_loop3A_1780 = arith.addi %parallel_loop3A_1726, %parallel_loop3A_1779 : i32
        %parallel_loop3A_1781 = arith.constant 2 : i32
        %parallel_loop3A_1782 = arith.shrui %parallel_loop3A_1780, %parallel_loop3A_1781 : i32
        %parallel_loop3A_1783 = arith.constant 3 : i32
        %parallel_loop3A_1784 = arith.andi %parallel_loop3A_1780, %parallel_loop3A_1783 : i32
        %parallel_loop3A_1785 = arith.constant 16 : i32
        %parallel_loop3A_1786 = arith.muli %parallel_loop3A_1784, %parallel_loop3A_1785 : i32
        %parallel_loop3A_1787 = arith.index_cast %parallel_loop3A_1782 : i32 to index
        %parallel_loop3A_1788 = arith.index_cast %parallel_loop3A_1786 : i32 to index
        %parallel_loop3A_1789 = tpu.vector_load %arg8[%parallel_loop3A_1787, %parallel_loop3A_1788] {strides = array<i32>} : memref<200x64xf32, #tpu.memory_space<vmem>>, vector<16xf32>,
        %parallel_loop3A_1790 = arith.mulf %parallel_loop3A_1789, %parallel_loop3A_1789 : vector<16xf32>
        %parallel_loop3A_1791 = arith.addf %parallel_loop3A_1704, %parallel_loop3A_1790 : vector<16xf32>
        %parallel_loop3A_1792 = arith.constant 5 : i32
        %parallel_loop3A_1793 = arith.addi %parallel_loop3A_1726, %parallel_loop3A_1792 : i32
        %parallel_loop3A_1794 = arith.constant 2 : i32
        %parallel_loop3A_1795 = arith.shrui %parallel_loop3A_1793, %parallel_loop3A_1794 : i32
        %parallel_loop3A_1796 = arith.constant 3 : i32
        %parallel_loop3A_1797 = arith.andi %parallel_loop3A_1793, %parallel_loop3A_1796 : i32
        %parallel_loop3A_1798 = arith.constant 16 : i32
        %parallel_loop3A_1799 = arith.muli %parallel_loop3A_1797, %parallel_loop3A_1798 : i32
        %parallel_loop3A_1800 = arith.index_cast %parallel_loop3A_1795 : i32 to index
        %parallel_loop3A_1801 = arith.index_cast %parallel_loop3A_1799 : i32 to index
        %parallel_loop3A_1802 = tpu.vector_load %arg8[%parallel_loop3A_1800, %parallel_loop3A_1801] {strides = array<i32>} : memref<200x64xf32, #tpu.memory_space<vmem>>, vector<16xf32>,
        %parallel_loop3A_1803 = arith.mulf %parallel_loop3A_1802, %parallel_loop3A_1802 : vector<16xf32>
        %parallel_loop3A_1804 = arith.addf %parallel_loop3A_1705, %parallel_loop3A_1803 : vector<16xf32>
        %parallel_loop3A_1805 = arith.constant 6 : i32
        %parallel_loop3A_1806 = arith.addi %parallel_loop3A_1726, %parallel_loop3A_1805 : i32
        %parallel_loop3A_1807 = arith.constant 2 : i32
        %parallel_loop3A_1808 = arith.shrui %parallel_loop3A_1806, %parallel_loop3A_1807 : i32
        %parallel_loop3A_1809 = arith.constant 3 : i32
        %parallel_loop3A_1810 = arith.andi %parallel_loop3A_1806, %parallel_loop3A_1809 : i32
        %parallel_loop3A_1811 = arith.constant 16 : i32
        %parallel_loop3A_1812 = arith.muli %parallel_loop3A_1810, %parallel_loop3A_1811 : i32
        %parallel_loop3A_1813 = arith.index_cast %parallel_loop3A_1808 : i32 to index
        %parallel_loop3A_1814 = arith.index_cast %parallel_loop3A_1812 : i32 to index
        %parallel_loop3A_1815 = tpu.vector_load %arg8[%parallel_loop3A_1813, %parallel_loop3A_1814] {strides = array<i32>} : memref<200x64xf32, #tpu.memory_space<vmem>>, vector<16xf32>,
        %parallel_loop3A_1816 = arith.mulf %parallel_loop3A_1815, %parallel_loop3A_1815 : vector<16xf32>
        %parallel_loop3A_1817 = arith.addf %parallel_loop3A_1706, %parallel_loop3A_1816 : vector<16xf32>
        %parallel_loop3A_1818 = arith.constant 7 : i32
        %parallel_loop3A_1819 = arith.addi %parallel_loop3A_1726, %parallel_loop3A_1818 : i32
        %parallel_loop3A_1820 = arith.constant 2 : i32
        %parallel_loop3A_1821 = arith.shrui %parallel_loop3A_1819, %parallel_loop3A_1820 : i32
        %parallel_loop3A_1822 = arith.constant 3 : i32
        %parallel_loop3A_1823 = arith.andi %parallel_loop3A_1819, %parallel_loop3A_1822 : i32
        %parallel_loop3A_1824 = arith.constant 16 : i32
        %parallel_loop3A_1825 = arith.muli %parallel_loop3A_1823, %parallel_loop3A_1824 : i32
        %parallel_loop3A_1826 = arith.index_cast %parallel_loop3A_1821 : i32 to index
        %parallel_loop3A_1827 = arith.index_cast %parallel_loop3A_1825 : i32 to index
        %parallel_loop3A_1828 = tpu.vector_load %arg8[%parallel_loop3A_1826, %parallel_loop3A_1827] {strides = array<i32>} : memref<200x64xf32, #tpu.memory_space<vmem>>, vector<16xf32>,
        %parallel_loop3A_1829 = arith.mulf %parallel_loop3A_1828, %parallel_loop3A_1828 : vector<16xf32>
        %parallel_loop3A_1830 = arith.addf %parallel_loop3A_1707, %parallel_loop3A_1829 : vector<16xf32>
        %parallel_loop3A_1831 = arith.constant 8 : i32
        %parallel_loop3A_1832 = arith.addi %parallel_loop3A_1726, %parallel_loop3A_1831 : i32
        %parallel_loop3A_1833 = arith.constant 2 : i32
        %parallel_loop3A_1834 = arith.shrui %parallel_loop3A_1832, %parallel_loop3A_1833 : i32
        %parallel_loop3A_1835 = arith.constant 3 : i32
        %parallel_loop3A_1836 = arith.andi %parallel_loop3A_1832, %parallel_loop3A_1835 : i32
        %parallel_loop3A_1837 = arith.constant 16 : i32
        %parallel_loop3A_1838 = arith.muli %parallel_loop3A_1836, %parallel_loop3A_1837 : i32
        %parallel_loop3A_1839 = arith.index_cast %parallel_loop3A_1834 : i32 to index
        %parallel_loop3A_1840 = arith.index_cast %parallel_loop3A_1838 : i32 to index
        %parallel_loop3A_1841 = tpu.vector_load %arg8[%parallel_loop3A_1839, %parallel_loop3A_1840] {strides = array<i32>} : memref<200x64xf32, #tpu.memory_space<vmem>>, vector<16xf32>,
        %parallel_loop3A_1842 = arith.mulf %parallel_loop3A_1841, %parallel_loop3A_1841 : vector<16xf32>
        %parallel_loop3A_1843 = arith.addf %parallel_loop3A_1708, %parallel_loop3A_1842 : vector<16xf32>
        %parallel_loop3A_1844 = arith.constant 9 : i32
        %parallel_loop3A_1845 = arith.addi %parallel_loop3A_1726, %parallel_loop3A_1844 : i32
        %parallel_loop3A_1846 = arith.constant 2 : i32
        %parallel_loop3A_1847 = arith.shrui %parallel_loop3A_1845, %parallel_loop3A_1846 : i32
        %parallel_loop3A_1848 = arith.constant 3 : i32
        %parallel_loop3A_1849 = arith.andi %parallel_loop3A_1845, %parallel_loop3A_1848 : i32
        %parallel_loop3A_1850 = arith.constant 16 : i32
        %parallel_loop3A_1851 = arith.muli %parallel_loop3A_1849, %parallel_loop3A_1850 : i32
        %parallel_loop3A_1852 = arith.index_cast %parallel_loop3A_1847 : i32 to index
        %parallel_loop3A_1853 = arith.index_cast %parallel_loop3A_1851 : i32 to index
        %parallel_loop3A_1854 = tpu.vector_load %arg8[%parallel_loop3A_1852, %parallel_loop3A_1853] {strides = array<i32>} : memref<200x64xf32, #tpu.memory_space<vmem>>, vector<16xf32>,
        %parallel_loop3A_1855 = arith.mulf %parallel_loop3A_1854, %parallel_loop3A_1854 : vector<16xf32>
        %parallel_loop3A_1856 = arith.addf %parallel_loop3A_1709, %parallel_loop3A_1855 : vector<16xf32>
        %parallel_loop3A_1857 = arith.constant 10 : i32
        %parallel_loop3A_1858 = arith.addi %parallel_loop3A_1726, %parallel_loop3A_1857 : i32
        %parallel_loop3A_1859 = arith.constant 2 : i32
        %parallel_loop3A_1860 = arith.shrui %parallel_loop3A_1858, %parallel_loop3A_1859 : i32
        %parallel_loop3A_1861 = arith.constant 3 : i32
        %parallel_loop3A_1862 = arith.andi %parallel_loop3A_1858, %parallel_loop3A_1861 : i32
        %parallel_loop3A_1863 = arith.constant 16 : i32
        %parallel_loop3A_1864 = arith.muli %parallel_loop3A_1862, %parallel_loop3A_1863 : i32
        %parallel_loop3A_1865 = arith.index_cast %parallel_loop3A_1860 : i32 to index
        %parallel_loop3A_1866 = arith.index_cast %parallel_loop3A_1864 : i32 to index
        %parallel_loop3A_1867 = tpu.vector_load %arg8[%parallel_loop3A_1865, %parallel_loop3A_1866] {strides = array<i32>} : memref<200x64xf32, #tpu.memory_space<vmem>>, vector<16xf32>,
        %parallel_loop3A_1868 = arith.mulf %parallel_loop3A_1867, %parallel_loop3A_1867 : vector<16xf32>
        %parallel_loop3A_1869 = arith.addf %parallel_loop3A_1710, %parallel_loop3A_1868 : vector<16xf32>
        %parallel_loop3A_1870 = arith.constant 11 : i32
        %parallel_loop3A_1871 = arith.addi %parallel_loop3A_1726, %parallel_loop3A_1870 : i32
        %parallel_loop3A_1872 = arith.constant 2 : i32
        %parallel_loop3A_1873 = arith.shrui %parallel_loop3A_1871, %parallel_loop3A_1872 : i32
        %parallel_loop3A_1874 = arith.constant 3 : i32
        %parallel_loop3A_1875 = arith.andi %parallel_loop3A_1871, %parallel_loop3A_1874 : i32
        %parallel_loop3A_1876 = arith.constant 16 : i32
        %parallel_loop3A_1877 = arith.muli %parallel_loop3A_1875, %parallel_loop3A_1876 : i32
        %parallel_loop3A_1878 = arith.index_cast %parallel_loop3A_1873 : i32 to index
        %parallel_loop3A_1879 = arith.index_cast %parallel_loop3A_1877 : i32 to index
        %parallel_loop3A_1880 = tpu.vector_load %arg8[%parallel_loop3A_1878, %parallel_loop3A_1879] {strides = array<i32>} : memref<200x64xf32, #tpu.memory_space<vmem>>, vector<16xf32>,
        %parallel_loop3A_1881 = arith.mulf %parallel_loop3A_1880, %parallel_loop3A_1880 : vector<16xf32>
        %parallel_loop3A_1882 = arith.addf %parallel_loop3A_1711, %parallel_loop3A_1881 : vector<16xf32>
        %parallel_loop3A_1883 = arith.constant 12 : i32
        %parallel_loop3A_1884 = arith.addi %parallel_loop3A_1726, %parallel_loop3A_1883 : i32
        %parallel_loop3A_1885 = arith.constant 2 : i32
        %parallel_loop3A_1886 = arith.shrui %parallel_loop3A_1884, %parallel_loop3A_1885 : i32
        %parallel_loop3A_1887 = arith.constant 3 : i32
        %parallel_loop3A_1888 = arith.andi %parallel_loop3A_1884, %parallel_loop3A_1887 : i32
        %parallel_loop3A_1889 = arith.constant 16 : i32
        %parallel_loop3A_1890 = arith.muli %parallel_loop3A_1888, %parallel_loop3A_1889 : i32
        %parallel_loop3A_1891 = arith.index_cast %parallel_loop3A_1886 : i32 to index
        %parallel_loop3A_1892 = arith.index_cast %parallel_loop3A_1890 : i32 to index
        %parallel_loop3A_1893 = tpu.vector_load %arg8[%parallel_loop3A_1891, %parallel_loop3A_1892] {strides = array<i32>} : memref<200x64xf32, #tpu.memory_space<vmem>>, vector<16xf32>,
        %parallel_loop3A_1894 = arith.mulf %parallel_loop3A_1893, %parallel_loop3A_1893 : vector<16xf32>
        %parallel_loop3A_1895 = arith.addf %parallel_loop3A_1712, %parallel_loop3A_1894 : vector<16xf32>
        %parallel_loop3A_1896 = arith.constant 13 : i32
        %parallel_loop3A_1897 = arith.addi %parallel_loop3A_1726, %parallel_loop3A_1896 : i32
        %parallel_loop3A_1898 = arith.constant 2 : i32
        %parallel_loop3A_1899 = arith.shrui %parallel_loop3A_1897, %parallel_loop3A_1898 : i32
        %parallel_loop3A_1900 = arith.constant 3 : i32
        %parallel_loop3A_1901 = arith.andi %parallel_loop3A_1897, %parallel_loop3A_1900 : i32
        %parallel_loop3A_1902 = arith.constant 16 : i32
        %parallel_loop3A_1903 = arith.muli %parallel_loop3A_1901, %parallel_loop3A_1902 : i32
        %parallel_loop3A_1904 = arith.index_cast %parallel_loop3A_1899 : i32 to index
        %parallel_loop3A_1905 = arith.index_cast %parallel_loop3A_1903 : i32 to index
        %parallel_loop3A_1906 = tpu.vector_load %arg8[%parallel_loop3A_1904, %parallel_loop3A_1905] {strides = array<i32>} : memref<200x64xf32, #tpu.memory_space<vmem>>, vector<16xf32>,
        %parallel_loop3A_1907 = arith.mulf %parallel_loop3A_1906, %parallel_loop3A_1906 : vector<16xf32>
        %parallel_loop3A_1908 = arith.addf %parallel_loop3A_1713, %parallel_loop3A_1907 : vector<16xf32>
        %parallel_loop3A_1909 = arith.constant 14 : i32
        %parallel_loop3A_1910 = arith.addi %parallel_loop3A_1726, %parallel_loop3A_1909 : i32
        %parallel_loop3A_1911 = arith.constant 2 : i32
        %parallel_loop3A_1912 = arith.shrui %parallel_loop3A_1910, %parallel_loop3A_1911 : i32
        %parallel_loop3A_1913 = arith.constant 3 : i32
        %parallel_loop3A_1914 = arith.andi %parallel_loop3A_1910, %parallel_loop3A_1913 : i32
        %parallel_loop3A_1915 = arith.constant 16 : i32
        %parallel_loop3A_1916 = arith.muli %parallel_loop3A_1914, %parallel_loop3A_1915 : i32
        %parallel_loop3A_1917 = arith.index_cast %parallel_loop3A_1912 : i32 to index
        %parallel_loop3A_1918 = arith.index_cast %parallel_loop3A_1916 : i32 to index
        %parallel_loop3A_1919 = tpu.vector_load %arg8[%parallel_loop3A_1917, %parallel_loop3A_1918] {strides = array<i32>} : memref<200x64xf32, #tpu.memory_space<vmem>>, vector<16xf32>,
        %parallel_loop3A_1920 = arith.mulf %parallel_loop3A_1919, %parallel_loop3A_1919 : vector<16xf32>
        %parallel_loop3A_1921 = arith.addf %parallel_loop3A_1714, %parallel_loop3A_1920 : vector<16xf32>
        %parallel_loop3A_1922 = arith.constant 15 : i32
        %parallel_loop3A_1923 = arith.addi %parallel_loop3A_1726, %parallel_loop3A_1922 : i32
        %parallel_loop3A_1924 = arith.constant 2 : i32
        %parallel_loop3A_1925 = arith.shrui %parallel_loop3A_1923, %parallel_loop3A_1924 : i32
        %parallel_loop3A_1926 = arith.constant 3 : i32
        %parallel_loop3A_1927 = arith.andi %parallel_loop3A_1923, %parallel_loop3A_1926 : i32
        %parallel_loop3A_1928 = arith.constant 16 : i32
        %parallel_loop3A_1929 = arith.muli %parallel_loop3A_1927, %parallel_loop3A_1928 : i32
        %parallel_loop3A_1930 = arith.index_cast %parallel_loop3A_1925 : i32 to index
        %parallel_loop3A_1931 = arith.index_cast %parallel_loop3A_1929 : i32 to index
        %parallel_loop3A_1932 = tpu.vector_load %arg8[%parallel_loop3A_1930, %parallel_loop3A_1931] {strides = array<i32>} : memref<200x64xf32, #tpu.memory_space<vmem>>, vector<16xf32>,
        %parallel_loop3A_1933 = arith.mulf %parallel_loop3A_1932, %parallel_loop3A_1932 : vector<16xf32>
        %parallel_loop3A_1934 = arith.addf %parallel_loop3A_1715, %parallel_loop3A_1933 : vector<16xf32>
        %parallel_loop3A_1935 = arith.constant 16 : i32
        %parallel_loop3A_1936 = arith.addi %parallel_loop3A_1726, %parallel_loop3A_1935 : i32
        %parallel_loop3A_1937 = arith.constant 2 : i32
        %parallel_loop3A_1938 = arith.shrui %parallel_loop3A_1936, %parallel_loop3A_1937 : i32
        %parallel_loop3A_1939 = arith.constant 3 : i32
        %parallel_loop3A_1940 = arith.andi %parallel_loop3A_1936, %parallel_loop3A_1939 : i32
        %parallel_loop3A_1941 = arith.constant 16 : i32
        %parallel_loop3A_1942 = arith.muli %parallel_loop3A_1940, %parallel_loop3A_1941 : i32
        %parallel_loop3A_1943 = arith.index_cast %parallel_loop3A_1938 : i32 to index
        %parallel_loop3A_1944 = arith.index_cast %parallel_loop3A_1942 : i32 to index
        %parallel_loop3A_1945 = tpu.vector_load %arg8[%parallel_loop3A_1943, %parallel_loop3A_1944] {strides = array<i32>} : memref<200x64xf32, #tpu.memory_space<vmem>>, vector<16xf32>,
        %parallel_loop3A_1946 = arith.mulf %parallel_loop3A_1945, %parallel_loop3A_1945 : vector<16xf32>
        %parallel_loop3A_1947 = arith.addf %parallel_loop3A_1716, %parallel_loop3A_1946 : vector<16xf32>
        %parallel_loop3A_1948 = arith.constant 17 : i32
        %parallel_loop3A_1949 = arith.addi %parallel_loop3A_1726, %parallel_loop3A_1948 : i32
        %parallel_loop3A_1950 = arith.constant 2 : i32
        %parallel_loop3A_1951 = arith.shrui %parallel_loop3A_1949, %parallel_loop3A_1950 : i32
        %parallel_loop3A_1952 = arith.constant 3 : i32
        %parallel_loop3A_1953 = arith.andi %parallel_loop3A_1949, %parallel_loop3A_1952 : i32
        %parallel_loop3A_1954 = arith.constant 16 : i32
        %parallel_loop3A_1955 = arith.muli %parallel_loop3A_1953, %parallel_loop3A_1954 : i32
        %parallel_loop3A_1956 = arith.index_cast %parallel_loop3A_1951 : i32 to index
        %parallel_loop3A_1957 = arith.index_cast %parallel_loop3A_1955 : i32 to index
        %parallel_loop3A_1958 = tpu.vector_load %arg8[%parallel_loop3A_1956, %parallel_loop3A_1957] {strides = array<i32>} : memref<200x64xf32, #tpu.memory_space<vmem>>, vector<16xf32>,
        %parallel_loop3A_1959 = arith.mulf %parallel_loop3A_1958, %parallel_loop3A_1958 : vector<16xf32>
        %parallel_loop3A_1960 = arith.addf %parallel_loop3A_1717, %parallel_loop3A_1959 : vector<16xf32>
        %parallel_loop3A_1961 = arith.constant 18 : i32
        %parallel_loop3A_1962 = arith.addi %parallel_loop3A_1726, %parallel_loop3A_1961 : i32
        %parallel_loop3A_1963 = arith.constant 2 : i32
        %parallel_loop3A_1964 = arith.shrui %parallel_loop3A_1962, %parallel_loop3A_1963 : i32
        %parallel_loop3A_1965 = arith.constant 3 : i32
        %parallel_loop3A_1966 = arith.andi %parallel_loop3A_1962, %parallel_loop3A_1965 : i32
        %parallel_loop3A_1967 = arith.constant 16 : i32
        %parallel_loop3A_1968 = arith.muli %parallel_loop3A_1966, %parallel_loop3A_1967 : i32
        %parallel_loop3A_1969 = arith.index_cast %parallel_loop3A_1964 : i32 to index
        %parallel_loop3A_1970 = arith.index_cast %parallel_loop3A_1968 : i32 to index
        %parallel_loop3A_1971 = tpu.vector_load %arg8[%parallel_loop3A_1969, %parallel_loop3A_1970] {strides = array<i32>} : memref<200x64xf32, #tpu.memory_space<vmem>>, vector<16xf32>,
        %parallel_loop3A_1972 = arith.mulf %parallel_loop3A_1971, %parallel_loop3A_1971 : vector<16xf32>
        %parallel_loop3A_1973 = arith.addf %parallel_loop3A_1718, %parallel_loop3A_1972 : vector<16xf32>
        %parallel_loop3A_1974 = arith.constant 19 : i32
        %parallel_loop3A_1975 = arith.addi %parallel_loop3A_1726, %parallel_loop3A_1974 : i32
        %parallel_loop3A_1976 = arith.constant 2 : i32
        %parallel_loop3A_1977 = arith.shrui %parallel_loop3A_1975, %parallel_loop3A_1976 : i32
        %parallel_loop3A_1978 = arith.constant 3 : i32
        %parallel_loop3A_1979 = arith.andi %parallel_loop3A_1975, %parallel_loop3A_1978 : i32
        %parallel_loop3A_1980 = arith.constant 16 : i32
        %parallel_loop3A_1981 = arith.muli %parallel_loop3A_1979, %parallel_loop3A_1980 : i32
        %parallel_loop3A_1982 = arith.index_cast %parallel_loop3A_1977 : i32 to index
        %parallel_loop3A_1983 = arith.index_cast %parallel_loop3A_1981 : i32 to index
        %parallel_loop3A_1984 = tpu.vector_load %arg8[%parallel_loop3A_1982, %parallel_loop3A_1983] {strides = array<i32>} : memref<200x64xf32, #tpu.memory_space<vmem>>, vector<16xf32>,
        %parallel_loop3A_1985 = arith.mulf %parallel_loop3A_1984, %parallel_loop3A_1984 : vector<16xf32>
        %parallel_loop3A_1986 = arith.addf %parallel_loop3A_1719, %parallel_loop3A_1985 : vector<16xf32>
        %parallel_loop3A_1987 = arith.constant 20 : i32
        %parallel_loop3A_1988 = arith.addi %parallel_loop3A_1726, %parallel_loop3A_1987 : i32
        %parallel_loop3A_1989 = arith.constant 2 : i32
        %parallel_loop3A_1990 = arith.shrui %parallel_loop3A_1988, %parallel_loop3A_1989 : i32
        %parallel_loop3A_1991 = arith.constant 3 : i32
        %parallel_loop3A_1992 = arith.andi %parallel_loop3A_1988, %parallel_loop3A_1991 : i32
        %parallel_loop3A_1993 = arith.constant 16 : i32
        %parallel_loop3A_1994 = arith.muli %parallel_loop3A_1992, %parallel_loop3A_1993 : i32
        %parallel_loop3A_1995 = arith.index_cast %parallel_loop3A_1990 : i32 to index
        %parallel_loop3A_1996 = arith.index_cast %parallel_loop3A_1994 : i32 to index
        %parallel_loop3A_1997 = tpu.vector_load %arg8[%parallel_loop3A_1995, %parallel_loop3A_1996] {strides = array<i32>} : memref<200x64xf32, #tpu.memory_space<vmem>>, vector<16xf32>,
        %parallel_loop3A_1998 = arith.mulf %parallel_loop3A_1997, %parallel_loop3A_1997 : vector<16xf32>
        %parallel_loop3A_1999 = arith.addf %parallel_loop3A_1720, %parallel_loop3A_1998 : vector<16xf32>
        %parallel_loop3A_2000 = arith.constant 21 : i32
        %parallel_loop3A_2001 = arith.addi %parallel_loop3A_1726, %parallel_loop3A_2000 : i32
        %parallel_loop3A_2002 = arith.constant 2 : i32
        %parallel_loop3A_2003 = arith.shrui %parallel_loop3A_2001, %parallel_loop3A_2002 : i32
        %parallel_loop3A_2004 = arith.constant 3 : i32
        %parallel_loop3A_2005 = arith.andi %parallel_loop3A_2001, %parallel_loop3A_2004 : i32
        %parallel_loop3A_2006 = arith.constant 16 : i32
        %parallel_loop3A_2007 = arith.muli %parallel_loop3A_2005, %parallel_loop3A_2006 : i32
        %parallel_loop3A_2008 = arith.index_cast %parallel_loop3A_2003 : i32 to index
        %parallel_loop3A_2009 = arith.index_cast %parallel_loop3A_2007 : i32 to index
        %parallel_loop3A_2010 = tpu.vector_load %arg8[%parallel_loop3A_2008, %parallel_loop3A_2009] {strides = array<i32>} : memref<200x64xf32, #tpu.memory_space<vmem>>, vector<16xf32>,
        %parallel_loop3A_2011 = arith.mulf %parallel_loop3A_2010, %parallel_loop3A_2010 : vector<16xf32>
        %parallel_loop3A_2012 = arith.addf %parallel_loop3A_1721, %parallel_loop3A_2011 : vector<16xf32>
        %parallel_loop3A_2013 = arith.constant 22 : i32
        %parallel_loop3A_2014 = arith.addi %parallel_loop3A_1726, %parallel_loop3A_2013 : i32
        %parallel_loop3A_2015 = arith.constant 2 : i32
        %parallel_loop3A_2016 = arith.shrui %parallel_loop3A_2014, %parallel_loop3A_2015 : i32
        %parallel_loop3A_2017 = arith.constant 3 : i32
        %parallel_loop3A_2018 = arith.andi %parallel_loop3A_2014, %parallel_loop3A_2017 : i32
        %parallel_loop3A_2019 = arith.constant 16 : i32
        %parallel_loop3A_2020 = arith.muli %parallel_loop3A_2018, %parallel_loop3A_2019 : i32
        %parallel_loop3A_2021 = arith.index_cast %parallel_loop3A_2016 : i32 to index
        %parallel_loop3A_2022 = arith.index_cast %parallel_loop3A_2020 : i32 to index
        %parallel_loop3A_2023 = tpu.vector_load %arg8[%parallel_loop3A_2021, %parallel_loop3A_2022] {strides = array<i32>} : memref<200x64xf32, #tpu.memory_space<vmem>>, vector<16xf32>,
        %parallel_loop3A_2024 = arith.mulf %parallel_loop3A_2023, %parallel_loop3A_2023 : vector<16xf32>
        %parallel_loop3A_2025 = arith.addf %parallel_loop3A_1722, %parallel_loop3A_2024 : vector<16xf32>
        %parallel_loop3A_2026 = arith.constant 23 : i32
        %parallel_loop3A_2027 = arith.addi %parallel_loop3A_1726, %parallel_loop3A_2026 : i32
        %parallel_loop3A_2028 = arith.constant 2 : i32
        %parallel_loop3A_2029 = arith.shrui %parallel_loop3A_2027, %parallel_loop3A_2028 : i32
        %parallel_loop3A_2030 = arith.constant 3 : i32
        %parallel_loop3A_2031 = arith.andi %parallel_loop3A_2027, %parallel_loop3A_2030 : i32
        %parallel_loop3A_2032 = arith.constant 16 : i32
        %parallel_loop3A_2033 = arith.muli %parallel_loop3A_2031, %parallel_loop3A_2032 : i32
        %parallel_loop3A_2034 = arith.index_cast %parallel_loop3A_2029 : i32 to index
        %parallel_loop3A_2035 = arith.index_cast %parallel_loop3A_2033 : i32 to index
        %parallel_loop3A_2036 = tpu.vector_load %arg8[%parallel_loop3A_2034, %parallel_loop3A_2035] {strides = array<i32>} : memref<200x64xf32, #tpu.memory_space<vmem>>, vector<16xf32>,
        %parallel_loop3A_2037 = arith.mulf %parallel_loop3A_2036, %parallel_loop3A_2036 : vector<16xf32>
        %parallel_loop3A_2038 = arith.addf %parallel_loop3A_1723, %parallel_loop3A_2037 : vector<16xf32>
        %parallel_loop3A_2039 = arith.constant 24 : i32
        %parallel_loop3A_2040 = arith.addi %parallel_loop3A_1726, %parallel_loop3A_2039 : i32
        %parallel_loop3A_2041 = arith.constant 2 : i32
        %parallel_loop3A_2042 = arith.shrui %parallel_loop3A_2040, %parallel_loop3A_2041 : i32
        %parallel_loop3A_2043 = arith.constant 3 : i32
        %parallel_loop3A_2044 = arith.andi %parallel_loop3A_2040, %parallel_loop3A_2043 : i32
        %parallel_loop3A_2045 = arith.constant 16 : i32
        %parallel_loop3A_2046 = arith.muli %parallel_loop3A_2044, %parallel_loop3A_2045 : i32
        %parallel_loop3A_2047 = arith.index_cast %parallel_loop3A_2042 : i32 to index
        %parallel_loop3A_2048 = arith.index_cast %parallel_loop3A_2046 : i32 to index
        %parallel_loop3A_2049 = tpu.vector_load %arg8[%parallel_loop3A_2047, %parallel_loop3A_2048] {strides = array<i32>} : memref<200x64xf32, #tpu.memory_space<vmem>>, vector<16xf32>,
        %parallel_loop3A_2050 = arith.mulf %parallel_loop3A_2049, %parallel_loop3A_2049 : vector<16xf32>
        %parallel_loop3A_2051 = arith.addf %parallel_loop3A_1724, %parallel_loop3A_2050 : vector<16xf32>
        scf.yield %parallel_loop3A_1739, %parallel_loop3A_1752, %parallel_loop3A_1765, %parallel_loop3A_1778, %parallel_loop3A_1791, %parallel_loop3A_1804, %parallel_loop3A_1817, %parallel_loop3A_1830, %parallel_loop3A_1843, %parallel_loop3A_1856, %parallel_loop3A_1869, %parallel_loop3A_1882, %parallel_loop3A_1895, %parallel_loop3A_1908, %parallel_loop3A_1921, %parallel_loop3A_1934, %parallel_loop3A_1947, %parallel_loop3A_1960, %parallel_loop3A_1973, %parallel_loop3A_1986, %parallel_loop3A_1999, %parallel_loop3A_2012, %parallel_loop3A_2025, %parallel_loop3A_2038, %parallel_loop3A_2051 : vector<16xf32>, vector<16xf32>, vector<16xf32>, vector<16xf32>, vector<16xf32>, vector<16xf32>, vector<16xf32>, vector<16xf32>, vector<16xf32>, vector<16xf32>, vector<16xf32>, vector<16xf32>, vector<16xf32>, vector<16xf32>, vector<16xf32>, vector<16xf32>, vector<16xf32>, vector<16xf32>, vector<16xf32>, vector<16xf32>, vector<16xf32>, vector<16xf32>, vector<16xf32>, vector<16xf32>, vector<16xf32>
      } {sc.loop_unroll_factor = 1 : i64, sc.parallel_access}
      %swap3A_905 = arith.constant 0 : index
      %swap3A_906 = tpu.vector_load %arg10[%swap3A_905] {strides = array<i32>} : memref<416xf32, #tpu.memory_space<vmem>>, vector<16xf32>,
      tpu.vector_store %arg10[%swap3A_905], %parallel_loop3A_904#0 {strides = array<i32>} : memref<416xf32, #tpu.memory_space<vmem>>, vector<16xf32>,
      %swap3A_907 = arith.constant 16 : index
      %swap3A_908 = tpu.vector_load %arg10[%swap3A_907] {strides = array<i32>} : memref<416xf32, #tpu.memory_space<vmem>>, vector<16xf32>,
      tpu.vector_store %arg10[%swap3A_907], %parallel_loop3A_904#1 {strides = array<i32>} : memref<416xf32, #tpu.memory_space<vmem>>, vector<16xf32>,
      %swap3A_909 = arith.constant 32 : index
      %swap3A_910 = tpu.vector_load %arg10[%swap3A_909] {strides = array<i32>} : memref<416xf32, #tpu.memory_space<vmem>>, vector<16xf32>,
      tpu.vector_store %arg10[%swap3A_909], %parallel_loop3A_904#2 {strides = array<i32>} : memref<416xf32, #tpu.memory_space<vmem>>, vector<16xf32>,
      %swap3A_911 = arith.constant 48 : index
      %swap3A_912 = tpu.vector_load %arg10[%swap3A_911] {strides = array<i32>} : memref<416xf32, #tpu.memory_space<vmem>>, vector<16xf32>,
      tpu.vector_store %arg10[%swap3A_911], %parallel_loop3A_904#3 {strides = array<i32>} : memref<416xf32, #tpu.memory_space<vmem>>, vector<16xf32>,
      %swap3A_913 = arith.constant 64 : index
      %swap3A_914 = tpu.vector_load %arg10[%swap3A_913] {strides = array<i32>} : memref<416xf32, #tpu.memory_space<vmem>>, vector<16xf32>,
      tpu.vector_store %arg10[%swap3A_913], %parallel_loop3A_904#4 {strides = array<i32>} : memref<416xf32, #tpu.memory_space<vmem>>, vector<16xf32>,
      %swap3A_915 = arith.constant 80 : index
      %swap3A_916 = tpu.vector_load %arg10[%swap3A_915] {strides = array<i32>} : memref<416xf32, #tpu.memory_space<vmem>>, vector<16xf32>,
      tpu.vector_store %arg10[%swap3A_915], %parallel_loop3A_904#5 {strides = array<i32>} : memref<416xf32, #tpu.memory_space<vmem>>, vector<16xf32>,
      %swap3A_917 = arith.constant 96 : index
      %swap3A_918 = tpu.vector_load %arg10[%swap3A_917] {strides = array<i32>} : memref<416xf32, #tpu.memory_space<vmem>>, vector<16xf32>,
      tpu.vector_store %arg10[%swap3A_917], %parallel_loop3A_904#6 {strides = array<i32>} : memref<416xf32, #tpu.memory_space<vmem>>, vector<16xf32>,
      %swap3A_919 = arith.constant 112 : index
      %swap3A_920 = tpu.vector_load %arg10[%swap3A_919] {strides = array<i32>} : memref<416xf32, #tpu.memory_space<vmem>>, vector<16xf32>,
      tpu.vector_store %arg10[%swap3A_919], %parallel_loop3A_904#7 {strides = array<i32>} : memref<416xf32, #tpu.memory_space<vmem>>, vector<16xf32>,
      %swap3A_921 = arith.constant 128 : index
      %swap3A_922 = tpu.vector_load %arg10[%swap3A_921] {strides = array<i32>} : memref<416xf32, #tpu.memory_space<vmem>>, vector<16xf32>,
      tpu.vector_store %arg10[%swap3A_921], %parallel_loop3A_904#8 {strides = array<i32>} : memref<416xf32, #tpu.memory_space<vmem>>, vector<16xf32>,
      %swap3A_923 = arith.constant 144 : index
      %swap3A_924 = tpu.vector_load %arg10[%swap3A_923] {strides = array<i32>} : memref<416xf32, #tpu.memory_space<vmem>>, vector<16xf32>,
      tpu.vector_store %arg10[%swap3A_923], %parallel_loop3A_904#9 {strides = array<i32>} : memref<416xf32, #tpu.memory_space<vmem>>, vector<16xf32>,
      %swap3A_925 = arith.constant 160 : index
      %swap3A_926 = tpu.vector_load %arg10[%swap3A_925] {strides = array<i32>} : memref<416xf32, #tpu.memory_space<vmem>>, vector<16xf32>,
      tpu.vector_store %arg10[%swap3A_925], %parallel_loop3A_904#10 {strides = array<i32>} : memref<416xf32, #tpu.memory_space<vmem>>, vector<16xf32>,
      %swap3A_927 = arith.constant 176 : index
      %swap3A_928 = tpu.vector_load %arg10[%swap3A_927] {strides = array<i32>} : memref<416xf32, #tpu.memory_space<vmem>>, vector<16xf32>,
      tpu.vector_store %arg10[%swap3A_927], %parallel_loop3A_904#11 {strides = array<i32>} : memref<416xf32, #tpu.memory_space<vmem>>, vector<16xf32>,
      %swap3A_929 = arith.constant 192 : index
      %swap3A_930 = tpu.vector_load %arg10[%swap3A_929] {strides = array<i32>} : memref<416xf32, #tpu.memory_space<vmem>>, vector<16xf32>,
      tpu.vector_store %arg10[%swap3A_929], %parallel_loop3A_904#12 {strides = array<i32>} : memref<416xf32, #tpu.memory_space<vmem>>, vector<16xf32>,
      %swap3A_931 = arith.constant 208 : index
      %swap3A_932 = tpu.vector_load %arg10[%swap3A_931] {strides = array<i32>} : memref<416xf32, #tpu.memory_space<vmem>>, vector<16xf32>,
      tpu.vector_store %arg10[%swap3A_931], %parallel_loop3A_904#13 {strides = array<i32>} : memref<416xf32, #tpu.memory_space<vmem>>, vector<16xf32>,
      %swap3A_933 = arith.constant 224 : index
      %swap3A_934 = tpu.vector_load %arg10[%swap3A_933] {strides = array<i32>} : memref<416xf32, #tpu.memory_space<vmem>>, vector<16xf32>,
      tpu.vector_store %arg10[%swap3A_933], %parallel_loop3A_904#14 {strides = array<i32>} : memref<416xf32, #tpu.memory_space<vmem>>, vector<16xf32>,
      %swap3A_935 = arith.constant 240 : index
      %swap3A_936 = tpu.vector_load %arg10[%swap3A_935] {strides = array<i32>} : memref<416xf32, #tpu.memory_space<vmem>>, vector<16xf32>,
      tpu.vector_store %arg10[%swap3A_935], %parallel_loop3A_904#15 {strides = array<i32>} : memref<416xf32, #tpu.memory_space<vmem>>, vector<16xf32>,
      %swap3A_937 = arith.constant 256 : index
      %swap3A_938 = tpu.vector_load %arg10[%swap3A_937] {strides = array<i32>} : memref<416xf32, #tpu.memory_space<vmem>>, vector<16xf32>,
      tpu.vector_store %arg10[%swap3A_937], %parallel_loop3A_904#16 {strides = array<i32>} : memref<416xf32, #tpu.memory_space<vmem>>, vector<16xf32>,
      %swap3A_939 = arith.constant 272 : index
      %swap3A_940 = tpu.vector_load %arg10[%swap3A_939] {strides = array<i32>} : memref<416xf32, #tpu.memory_space<vmem>>, vector<16xf32>,
      tpu.vector_store %arg10[%swap3A_939], %parallel_loop3A_904#17 {strides = array<i32>} : memref<416xf32, #tpu.memory_space<vmem>>, vector<16xf32>,
      %swap3A_941 = arith.constant 288 : index
      %swap3A_942 = tpu.vector_load %arg10[%swap3A_941] {strides = array<i32>} : memref<416xf32, #tpu.memory_space<vmem>>, vector<16xf32>,
      tpu.vector_store %arg10[%swap3A_941], %parallel_loop3A_904#18 {strides = array<i32>} : memref<416xf32, #tpu.memory_space<vmem>>, vector<16xf32>,
      %swap3A_943 = arith.constant 304 : index
      %swap3A_944 = tpu.vector_load %arg10[%swap3A_943] {strides = array<i32>} : memref<416xf32, #tpu.memory_space<vmem>>, vector<16xf32>,
      tpu.vector_store %arg10[%swap3A_943], %parallel_loop3A_904#19 {strides = array<i32>} : memref<416xf32, #tpu.memory_space<vmem>>, vector<16xf32>,
      %swap3A_945 = arith.constant 320 : index
      %swap3A_946 = tpu.vector_load %arg10[%swap3A_945] {strides = array<i32>} : memref<416xf32, #tpu.memory_space<vmem>>, vector<16xf32>,
      tpu.vector_store %arg10[%swap3A_945], %parallel_loop3A_904#20 {strides = array<i32>} : memref<416xf32, #tpu.memory_space<vmem>>, vector<16xf32>,
      %swap3A_947 = arith.constant 336 : index
      %swap3A_948 = tpu.vector_load %arg10[%swap3A_947] {strides = array<i32>} : memref<416xf32, #tpu.memory_space<vmem>>, vector<16xf32>,
      tpu.vector_store %arg10[%swap3A_947], %parallel_loop3A_904#21 {strides = array<i32>} : memref<416xf32, #tpu.memory_space<vmem>>, vector<16xf32>,
      %swap3A_949 = arith.constant 352 : index
      %swap3A_950 = tpu.vector_load %arg10[%swap3A_949] {strides = array<i32>} : memref<416xf32, #tpu.memory_space<vmem>>, vector<16xf32>,
      tpu.vector_store %arg10[%swap3A_949], %parallel_loop3A_904#22 {strides = array<i32>} : memref<416xf32, #tpu.memory_space<vmem>>, vector<16xf32>,
      %swap3A_951 = arith.constant 368 : index
      %swap3A_952 = tpu.vector_load %arg10[%swap3A_951] {strides = array<i32>} : memref<416xf32, #tpu.memory_space<vmem>>, vector<16xf32>,
      tpu.vector_store %arg10[%swap3A_951], %parallel_loop3A_904#23 {strides = array<i32>} : memref<416xf32, #tpu.memory_space<vmem>>, vector<16xf32>,
      %swap3A_953 = arith.constant 384 : index
      %swap3A_954 = tpu.vector_load %arg10[%swap3A_953] {strides = array<i32>} : memref<416xf32, #tpu.memory_space<vmem>>, vector<16xf32>,
      tpu.vector_store %arg10[%swap3A_953], %parallel_loop3A_904#24 {strides = array<i32>} : memref<416xf32, #tpu.memory_space<vmem>>, vector<16xf32>,
      %get3A_955 = arith.constant 0 : index
      %get3A_956 = tpu.vector_load %arg10[%get3A_955] {strides = array<i32>} : memref<416xf32, #tpu.memory_space<vmem>>, vector<16xf32>,
      %add3A_957 = arith.constant 200 : i32
      %add3A_958 = vector.broadcast %add3A_957 : i32 to vector<16xi32>
      %add3A_959 = arith.addi %add3A_958, %iota3A : vector<16xi32>
      %gather3A_960 = tpu.vector_load_idx %arg10[%add3A_959] : memref<416xf32, #tpu.memory_space<vmem>>[vector<16xi32>], vector<16xf32>,
      %add3A_961 = arith.addf %get3A_956, %gather3A_960 : vector<16xf32>
      %bitcast3A_962 = vector.bitcast %add3A_961 : vector<16xf32> to vector<16xi32>
      %shift_right_logical3A_963 = arith.constant 1 : i32
      %shift_right_logical3A_964 = vector.broadcast %shift_right_logical3A_963 : i32 to vector<16xi32>
      %shift_right_logical3A_965 = arith.shrui %bitcast3A_962, %shift_right_logical3A_964 : vector<16xi32>
      %sub3A_966 = arith.constant 1597463007 : i32
      %sub3A_967 = vector.broadcast %sub3A_966 : i32 to vector<16xi32>
      %sub3A_968 = arith.subi %sub3A_967, %shift_right_logical3A_965 : vector<16xi32>
      %bitcast3A_969 = vector.bitcast %sub3A_968 : vector<16xi32> to vector<16xf32>
      %mul3A_970 = arith.constant 5.000000e-01 : f32
      %mul3A_971 = vector.broadcast %mul3A_970 : f32 to vector<16xf32>
      %mul3A_972 = arith.mulf %mul3A_971, %add3A_961 : vector<16xf32>
      %mul3A_973 = arith.mulf %mul3A_972, %bitcast3A_969 : vector<16xf32>
      %mul3A_974 = arith.mulf %mul3A_973, %bitcast3A_969 : vector<16xf32>
      %sub3A_975 = arith.constant 1.500000e+00 : f32
      %sub3A_976 = vector.broadcast %sub3A_975 : f32 to vector<16xf32>
      %sub3A_977 = arith.subf %sub3A_976, %mul3A_974 : vector<16xf32>
      %mul3A_978 = arith.mulf %bitcast3A_969, %sub3A_977 : vector<16xf32>
      %mul3A_979 = arith.constant 5.000000e-01 : f32
      %mul3A_980 = vector.broadcast %mul3A_979 : f32 to vector<16xf32>
      %mul3A_981 = arith.mulf %mul3A_980, %add3A_961 : vector<16xf32>
      %mul3A_982 = arith.mulf %mul3A_981, %mul3A_978 : vector<16xf32>
      %mul3A_983 = arith.mulf %mul3A_982, %mul3A_978 : vector<16xf32>
      %sub3A_984 = arith.constant 1.500000e+00 : f32
      %sub3A_985 = vector.broadcast %sub3A_984 : f32 to vector<16xf32>
      %sub3A_986 = arith.subf %sub3A_985, %mul3A_983 : vector<16xf32>
      %mul3A_987 = arith.mulf %mul3A_978, %sub3A_986 : vector<16xf32>
      %mul3A_988 = arith.mulf %add3A_961, %mul3A_987 : vector<16xf32>
      %get3A_989 = arith.constant 0 : index
      %get3A_990 = tpu.vector_load %arg9[%get3A_989] {strides = array<i32>} : memref<208xf32, #tpu.memory_space<vmem>>, vector<16xf32>,
      %abs3A_991 = math.absf %get3A_990 : vector<16xf32>
      %mul3A_992 = arith.mulf %abs3A_991, %mul3A_988 : vector<16xf32>
      %max3A_993 = arith.constant 9.99999996E-13 : f32
      %max3A_994 = vector.broadcast %max3A_993 : f32 to vector<16xf32>
      %max3A_995 = arith.maximumf %mul3A_992, %max3A_994 : vector<16xf32>
      %div3A_996 = arith.divf %get3A_990, %max3A_995 : vector<16xf32>
      %swap3A_997 = arith.constant 0 : index
      %swap3A_998 = tpu.vector_load %arg11[%swap3A_997] {strides = array<i32>} : memref<208xf32, #tpu.memory_space<vmem>>, vector<16xf32>,
      tpu.vector_store %arg11[%swap3A_997], %div3A_996 {strides = array<i32>} : memref<208xf32, #tpu.memory_space<vmem>>, vector<16xf32>,
      %get3A_999 = arith.constant 16 : index
      %get3A_1000 = tpu.vector_load %arg10[%get3A_999] {strides = array<i32>} : memref<416xf32, #tpu.memory_space<vmem>>, vector<16xf32>,
      %add3A_1001 = arith.constant 216 : i32
      %add3A_1002 = vector.broadcast %add3A_1001 : i32 to vector<16xi32>
      %add3A_1003 = arith.addi %add3A_1002, %iota3A : vector<16xi32>
      %gather3A_1004 = tpu.vector_load_idx %arg10[%add3A_1003] : memref<416xf32, #tpu.memory_space<vmem>>[vector<16xi32>], vector<16xf32>,
      %add3A_1005 = arith.addf %get3A_1000, %gather3A_1004 : vector<16xf32>
      %bitcast3A_1006 = vector.bitcast %add3A_1005 : vector<16xf32> to vector<16xi32>
      %shift_right_logical3A_1007 = arith.constant 1 : i32
      %shift_right_logical3A_1008 = vector.broadcast %shift_right_logical3A_1007 : i32 to vector<16xi32>
      %shift_right_logical3A_1009 = arith.shrui %bitcast3A_1006, %shift_right_logical3A_1008 : vector<16xi32>
      %sub3A_1010 = arith.constant 1597463007 : i32
      %sub3A_1011 = vector.broadcast %sub3A_1010 : i32 to vector<16xi32>
      %sub3A_1012 = arith.subi %sub3A_1011, %shift_right_logical3A_1009 : vector<16xi32>
      %bitcast3A_1013 = vector.bitcast %sub3A_1012 : vector<16xi32> to vector<16xf32>
      %mul3A_1014 = arith.constant 5.000000e-01 : f32
      %mul3A_1015 = vector.broadcast %mul3A_1014 : f32 to vector<16xf32>
      %mul3A_1016 = arith.mulf %mul3A_1015, %add3A_1005 : vector<16xf32>
      %mul3A_1017 = arith.mulf %mul3A_1016, %bitcast3A_1013 : vector<16xf32>
      %mul3A_1018 = arith.mulf %mul3A_1017, %bitcast3A_1013 : vector<16xf32>
      %sub3A_1019 = arith.constant 1.500000e+00 : f32
      %sub3A_1020 = vector.broadcast %sub3A_1019 : f32 to vector<16xf32>
      %sub3A_1021 = arith.subf %sub3A_1020, %mul3A_1018 : vector<16xf32>
      %mul3A_1022 = arith.mulf %bitcast3A_1013, %sub3A_1021 : vector<16xf32>
      %mul3A_1023 = arith.constant 5.000000e-01 : f32
      %mul3A_1024 = vector.broadcast %mul3A_1023 : f32 to vector<16xf32>
      %mul3A_1025 = arith.mulf %mul3A_1024, %add3A_1005 : vector<16xf32>
      %mul3A_1026 = arith.mulf %mul3A_1025, %mul3A_1022 : vector<16xf32>
      %mul3A_1027 = arith.mulf %mul3A_1026, %mul3A_1022 : vector<16xf32>
      %sub3A_1028 = arith.constant 1.500000e+00 : f32
      %sub3A_1029 = vector.broadcast %sub3A_1028 : f32 to vector<16xf32>
      %sub3A_1030 = arith.subf %sub3A_1029, %mul3A_1027 : vector<16xf32>
      %mul3A_1031 = arith.mulf %mul3A_1022, %sub3A_1030 : vector<16xf32>
      %mul3A_1032 = arith.mulf %add3A_1005, %mul3A_1031 : vector<16xf32>
      %get3A_1033 = arith.constant 16 : index
      %get3A_1034 = tpu.vector_load %arg9[%get3A_1033] {strides = array<i32>} : memref<208xf32, #tpu.memory_space<vmem>>, vector<16xf32>,
      %abs3A_1035 = math.absf %get3A_1034 : vector<16xf32>
      %mul3A_1036 = arith.mulf %abs3A_1035, %mul3A_1032 : vector<16xf32>
      %max3A_1037 = arith.constant 9.99999996E-13 : f32
      %max3A_1038 = vector.broadcast %max3A_1037 : f32 to vector<16xf32>
      %max3A_1039 = arith.maximumf %mul3A_1036, %max3A_1038 : vector<16xf32>
      %div3A_1040 = arith.divf %get3A_1034, %max3A_1039 : vector<16xf32>
      %swap3A_1041 = arith.constant 16 : index
      %swap3A_1042 = tpu.vector_load %arg11[%swap3A_1041] {strides = array<i32>} : memref<208xf32, #tpu.memory_space<vmem>>, vector<16xf32>,
      tpu.vector_store %arg11[%swap3A_1041], %div3A_1040 {strides = array<i32>} : memref<208xf32, #tpu.memory_space<vmem>>, vector<16xf32>,
      %get3A_1043 = arith.constant 32 : index
      %get3A_1044 = tpu.vector_load %arg10[%get3A_1043] {strides = array<i32>} : memref<416xf32, #tpu.memory_space<vmem>>, vector<16xf32>,
      %add3A_1045 = arith.constant 232 : i32
      %add3A_1046 = vector.broadcast %add3A_1045 : i32 to vector<16xi32>
      %add3A_1047 = arith.addi %add3A_1046, %iota3A : vector<16xi32>
      %gather3A_1048 = tpu.vector_load_idx %arg10[%add3A_1047] : memref<416xf32, #tpu.memory_space<vmem>>[vector<16xi32>], vector<16xf32>,
      %add3A_1049 = arith.addf %get3A_1044, %gather3A_1048 : vector<16xf32>
      %bitcast3A_1050 = vector.bitcast %add3A_1049 : vector<16xf32> to vector<16xi32>
      %shift_right_logical3A_1051 = arith.constant 1 : i32
      %shift_right_logical3A_1052 = vector.broadcast %shift_right_logical3A_1051 : i32 to vector<16xi32>
      %shift_right_logical3A_1053 = arith.shrui %bitcast3A_1050, %shift_right_logical3A_1052 : vector<16xi32>
      %sub3A_1054 = arith.constant 1597463007 : i32
      %sub3A_1055 = vector.broadcast %sub3A_1054 : i32 to vector<16xi32>
      %sub3A_1056 = arith.subi %sub3A_1055, %shift_right_logical3A_1053 : vector<16xi32>
      %bitcast3A_1057 = vector.bitcast %sub3A_1056 : vector<16xi32> to vector<16xf32>
      %mul3A_1058 = arith.constant 5.000000e-01 : f32
      %mul3A_1059 = vector.broadcast %mul3A_1058 : f32 to vector<16xf32>
      %mul3A_1060 = arith.mulf %mul3A_1059, %add3A_1049 : vector<16xf32>
      %mul3A_1061 = arith.mulf %mul3A_1060, %bitcast3A_1057 : vector<16xf32>
      %mul3A_1062 = arith.mulf %mul3A_1061, %bitcast3A_1057 : vector<16xf32>
      %sub3A_1063 = arith.constant 1.500000e+00 : f32
      %sub3A_1064 = vector.broadcast %sub3A_1063 : f32 to vector<16xf32>
      %sub3A_1065 = arith.subf %sub3A_1064, %mul3A_1062 : vector<16xf32>
      %mul3A_1066 = arith.mulf %bitcast3A_1057, %sub3A_1065 : vector<16xf32>
      %mul3A_1067 = arith.constant 5.000000e-01 : f32
      %mul3A_1068 = vector.broadcast %mul3A_1067 : f32 to vector<16xf32>
      %mul3A_1069 = arith.mulf %mul3A_1068, %add3A_1049 : vector<16xf32>
      %mul3A_1070 = arith.mulf %mul3A_1069, %mul3A_1066 : vector<16xf32>
      %mul3A_1071 = arith.mulf %mul3A_1070, %mul3A_1066 : vector<16xf32>
      %sub3A_1072 = arith.constant 1.500000e+00 : f32
      %sub3A_1073 = vector.broadcast %sub3A_1072 : f32 to vector<16xf32>
      %sub3A_1074 = arith.subf %sub3A_1073, %mul3A_1071 : vector<16xf32>
      %mul3A_1075 = arith.mulf %mul3A_1066, %sub3A_1074 : vector<16xf32>
      %mul3A_1076 = arith.mulf %add3A_1049, %mul3A_1075 : vector<16xf32>
      %get3A_1077 = arith.constant 32 : index
      %get3A_1078 = tpu.vector_load %arg9[%get3A_1077] {strides = array<i32>} : memref<208xf32, #tpu.memory_space<vmem>>, vector<16xf32>,
      %abs3A_1079 = math.absf %get3A_1078 : vector<16xf32>
      %mul3A_1080 = arith.mulf %abs3A_1079, %mul3A_1076 : vector<16xf32>
      %max3A_1081 = arith.constant 9.99999996E-13 : f32
      %max3A_1082 = vector.broadcast %max3A_1081 : f32 to vector<16xf32>
      %max3A_1083 = arith.maximumf %mul3A_1080, %max3A_1082 : vector<16xf32>
      %div3A_1084 = arith.divf %get3A_1078, %max3A_1083 : vector<16xf32>
      %swap3A_1085 = arith.constant 32 : index
      %swap3A_1086 = tpu.vector_load %arg11[%swap3A_1085] {strides = array<i32>} : memref<208xf32, #tpu.memory_space<vmem>>, vector<16xf32>,
      tpu.vector_store %arg11[%swap3A_1085], %div3A_1084 {strides = array<i32>} : memref<208xf32, #tpu.memory_space<vmem>>, vector<16xf32>,
      %get3A_1087 = arith.constant 48 : index
      %get3A_1088 = tpu.vector_load %arg10[%get3A_1087] {strides = array<i32>} : memref<416xf32, #tpu.memory_space<vmem>>, vector<16xf32>,
      %add3A_1089 = arith.constant 248 : i32
      %add3A_1090 = vector.broadcast %add3A_1089 : i32 to vector<16xi32>
      %add3A_1091 = arith.addi %add3A_1090, %iota3A : vector<16xi32>
      %gather3A_1092 = tpu.vector_load_idx %arg10[%add3A_1091] : memref<416xf32, #tpu.memory_space<vmem>>[vector<16xi32>], vector<16xf32>,
      %add3A_1093 = arith.addf %get3A_1088, %gather3A_1092 : vector<16xf32>
      %bitcast3A_1094 = vector.bitcast %add3A_1093 : vector<16xf32> to vector<16xi32>
      %shift_right_logical3A_1095 = arith.constant 1 : i32
      %shift_right_logical3A_1096 = vector.broadcast %shift_right_logical3A_1095 : i32 to vector<16xi32>
      %shift_right_logical3A_1097 = arith.shrui %bitcast3A_1094, %shift_right_logical3A_1096 : vector<16xi32>
      %sub3A_1098 = arith.constant 1597463007 : i32
      %sub3A_1099 = vector.broadcast %sub3A_1098 : i32 to vector<16xi32>
      %sub3A_1100 = arith.subi %sub3A_1099, %shift_right_logical3A_1097 : vector<16xi32>
      %bitcast3A_1101 = vector.bitcast %sub3A_1100 : vector<16xi32> to vector<16xf32>
      %mul3A_1102 = arith.constant 5.000000e-01 : f32
      %mul3A_1103 = vector.broadcast %mul3A_1102 : f32 to vector<16xf32>
      %mul3A_1104 = arith.mulf %mul3A_1103, %add3A_1093 : vector<16xf32>
      %mul3A_1105 = arith.mulf %mul3A_1104, %bitcast3A_1101 : vector<16xf32>
      %mul3A_1106 = arith.mulf %mul3A_1105, %bitcast3A_1101 : vector<16xf32>
      %sub3A_1107 = arith.constant 1.500000e+00 : f32
      %sub3A_1108 = vector.broadcast %sub3A_1107 : f32 to vector<16xf32>
      %sub3A_1109 = arith.subf %sub3A_1108, %mul3A_1106 : vector<16xf32>
      %mul3A_1110 = arith.mulf %bitcast3A_1101, %sub3A_1109 : vector<16xf32>
      %mul3A_1111 = arith.constant 5.000000e-01 : f32
      %mul3A_1112 = vector.broadcast %mul3A_1111 : f32 to vector<16xf32>
      %mul3A_1113 = arith.mulf %mul3A_1112, %add3A_1093 : vector<16xf32>
      %mul3A_1114 = arith.mulf %mul3A_1113, %mul3A_1110 : vector<16xf32>
      %mul3A_1115 = arith.mulf %mul3A_1114, %mul3A_1110 : vector<16xf32>
      %sub3A_1116 = arith.constant 1.500000e+00 : f32
      %sub3A_1117 = vector.broadcast %sub3A_1116 : f32 to vector<16xf32>
      %sub3A_1118 = arith.subf %sub3A_1117, %mul3A_1115 : vector<16xf32>
      %mul3A_1119 = arith.mulf %mul3A_1110, %sub3A_1118 : vector<16xf32>
      %mul3A_1120 = arith.mulf %add3A_1093, %mul3A_1119 : vector<16xf32>
      %get3A_1121 = arith.constant 48 : index
      %get3A_1122 = tpu.vector_load %arg9[%get3A_1121] {strides = array<i32>} : memref<208xf32, #tpu.memory_space<vmem>>, vector<16xf32>,
      %abs3A_1123 = math.absf %get3A_1122 : vector<16xf32>
      %mul3A_1124 = arith.mulf %abs3A_1123, %mul3A_1120 : vector<16xf32>
      %max3A_1125 = arith.constant 9.99999996E-13 : f32
      %max3A_1126 = vector.broadcast %max3A_1125 : f32 to vector<16xf32>
      %max3A_1127 = arith.maximumf %mul3A_1124, %max3A_1126 : vector<16xf32>
      %div3A_1128 = arith.divf %get3A_1122, %max3A_1127 : vector<16xf32>
      %swap3A_1129 = arith.constant 48 : index
      %swap3A_1130 = tpu.vector_load %arg11[%swap3A_1129] {strides = array<i32>} : memref<208xf32, #tpu.memory_space<vmem>>, vector<16xf32>,
      tpu.vector_store %arg11[%swap3A_1129], %div3A_1128 {strides = array<i32>} : memref<208xf32, #tpu.memory_space<vmem>>, vector<16xf32>,
      %get3A_1131 = arith.constant 64 : index
      %get3A_1132 = tpu.vector_load %arg10[%get3A_1131] {strides = array<i32>} : memref<416xf32, #tpu.memory_space<vmem>>, vector<16xf32>,
      %add3A_1133 = arith.constant 264 : i32
      %add3A_1134 = vector.broadcast %add3A_1133 : i32 to vector<16xi32>
      %add3A_1135 = arith.addi %add3A_1134, %iota3A : vector<16xi32>
      %gather3A_1136 = tpu.vector_load_idx %arg10[%add3A_1135] : memref<416xf32, #tpu.memory_space<vmem>>[vector<16xi32>], vector<16xf32>,
      %add3A_1137 = arith.addf %get3A_1132, %gather3A_1136 : vector<16xf32>
      %bitcast3A_1138 = vector.bitcast %add3A_1137 : vector<16xf32> to vector<16xi32>
      %shift_right_logical3A_1139 = arith.constant 1 : i32
      %shift_right_logical3A_1140 = vector.broadcast %shift_right_logical3A_1139 : i32 to vector<16xi32>
      %shift_right_logical3A_1141 = arith.shrui %bitcast3A_1138, %shift_right_logical3A_1140 : vector<16xi32>
      %sub3A_1142 = arith.constant 1597463007 : i32
      %sub3A_1143 = vector.broadcast %sub3A_1142 : i32 to vector<16xi32>
      %sub3A_1144 = arith.subi %sub3A_1143, %shift_right_logical3A_1141 : vector<16xi32>
      %bitcast3A_1145 = vector.bitcast %sub3A_1144 : vector<16xi32> to vector<16xf32>
      %mul3A_1146 = arith.constant 5.000000e-01 : f32
      %mul3A_1147 = vector.broadcast %mul3A_1146 : f32 to vector<16xf32>
      %mul3A_1148 = arith.mulf %mul3A_1147, %add3A_1137 : vector<16xf32>
      %mul3A_1149 = arith.mulf %mul3A_1148, %bitcast3A_1145 : vector<16xf32>
      %mul3A_1150 = arith.mulf %mul3A_1149, %bitcast3A_1145 : vector<16xf32>
      %sub3A_1151 = arith.constant 1.500000e+00 : f32
      %sub3A_1152 = vector.broadcast %sub3A_1151 : f32 to vector<16xf32>
      %sub3A_1153 = arith.subf %sub3A_1152, %mul3A_1150 : vector<16xf32>
      %mul3A_1154 = arith.mulf %bitcast3A_1145, %sub3A_1153 : vector<16xf32>
      %mul3A_1155 = arith.constant 5.000000e-01 : f32
      %mul3A_1156 = vector.broadcast %mul3A_1155 : f32 to vector<16xf32>
      %mul3A_1157 = arith.mulf %mul3A_1156, %add3A_1137 : vector<16xf32>
      %mul3A_1158 = arith.mulf %mul3A_1157, %mul3A_1154 : vector<16xf32>
      %mul3A_1159 = arith.mulf %mul3A_1158, %mul3A_1154 : vector<16xf32>
      %sub3A_1160 = arith.constant 1.500000e+00 : f32
      %sub3A_1161 = vector.broadcast %sub3A_1160 : f32 to vector<16xf32>
      %sub3A_1162 = arith.subf %sub3A_1161, %mul3A_1159 : vector<16xf32>
      %mul3A_1163 = arith.mulf %mul3A_1154, %sub3A_1162 : vector<16xf32>
      %mul3A_1164 = arith.mulf %add3A_1137, %mul3A_1163 : vector<16xf32>
      %get3A_1165 = arith.constant 64 : index
      %get3A_1166 = tpu.vector_load %arg9[%get3A_1165] {strides = array<i32>} : memref<208xf32, #tpu.memory_space<vmem>>, vector<16xf32>,
      %abs3A_1167 = math.absf %get3A_1166 : vector<16xf32>
      %mul3A_1168 = arith.mulf %abs3A_1167, %mul3A_1164 : vector<16xf32>
      %max3A_1169 = arith.constant 9.99999996E-13 : f32
      %max3A_1170 = vector.broadcast %max3A_1169 : f32 to vector<16xf32>
      %max3A_1171 = arith.maximumf %mul3A_1168, %max3A_1170 : vector<16xf32>
      %div3A_1172 = arith.divf %get3A_1166, %max3A_1171 : vector<16xf32>
      %swap3A_1173 = arith.constant 64 : index
      %swap3A_1174 = tpu.vector_load %arg11[%swap3A_1173] {strides = array<i32>} : memref<208xf32, #tpu.memory_space<vmem>>, vector<16xf32>,
      tpu.vector_store %arg11[%swap3A_1173], %div3A_1172 {strides = array<i32>} : memref<208xf32, #tpu.memory_space<vmem>>, vector<16xf32>,
      %get3A_1175 = arith.constant 80 : index
      %get3A_1176 = tpu.vector_load %arg10[%get3A_1175] {strides = array<i32>} : memref<416xf32, #tpu.memory_space<vmem>>, vector<16xf32>,
      %add3A_1177 = arith.constant 280 : i32
      %add3A_1178 = vector.broadcast %add3A_1177 : i32 to vector<16xi32>
      %add3A_1179 = arith.addi %add3A_1178, %iota3A : vector<16xi32>
      %gather3A_1180 = tpu.vector_load_idx %arg10[%add3A_1179] : memref<416xf32, #tpu.memory_space<vmem>>[vector<16xi32>], vector<16xf32>,
      %add3A_1181 = arith.addf %get3A_1176, %gather3A_1180 : vector<16xf32>
      %bitcast3A_1182 = vector.bitcast %add3A_1181 : vector<16xf32> to vector<16xi32>
      %shift_right_logical3A_1183 = arith.constant 1 : i32
      %shift_right_logical3A_1184 = vector.broadcast %shift_right_logical3A_1183 : i32 to vector<16xi32>
      %shift_right_logical3A_1185 = arith.shrui %bitcast3A_1182, %shift_right_logical3A_1184 : vector<16xi32>
      %sub3A_1186 = arith.constant 1597463007 : i32
      %sub3A_1187 = vector.broadcast %sub3A_1186 : i32 to vector<16xi32>
      %sub3A_1188 = arith.subi %sub3A_1187, %shift_right_logical3A_1185 : vector<16xi32>
      %bitcast3A_1189 = vector.bitcast %sub3A_1188 : vector<16xi32> to vector<16xf32>
      %mul3A_1190 = arith.constant 5.000000e-01 : f32
      %mul3A_1191 = vector.broadcast %mul3A_1190 : f32 to vector<16xf32>
      %mul3A_1192 = arith.mulf %mul3A_1191, %add3A_1181 : vector<16xf32>
      %mul3A_1193 = arith.mulf %mul3A_1192, %bitcast3A_1189 : vector<16xf32>
      %mul3A_1194 = arith.mulf %mul3A_1193, %bitcast3A_1189 : vector<16xf32>
      %sub3A_1195 = arith.constant 1.500000e+00 : f32
      %sub3A_1196 = vector.broadcast %sub3A_1195 : f32 to vector<16xf32>
      %sub3A_1197 = arith.subf %sub3A_1196, %mul3A_1194 : vector<16xf32>
      %mul3A_1198 = arith.mulf %bitcast3A_1189, %sub3A_1197 : vector<16xf32>
      %mul3A_1199 = arith.constant 5.000000e-01 : f32
      %mul3A_1200 = vector.broadcast %mul3A_1199 : f32 to vector<16xf32>
      %mul3A_1201 = arith.mulf %mul3A_1200, %add3A_1181 : vector<16xf32>
      %mul3A_1202 = arith.mulf %mul3A_1201, %mul3A_1198 : vector<16xf32>
      %mul3A_1203 = arith.mulf %mul3A_1202, %mul3A_1198 : vector<16xf32>
      %sub3A_1204 = arith.constant 1.500000e+00 : f32
      %sub3A_1205 = vector.broadcast %sub3A_1204 : f32 to vector<16xf32>
      %sub3A_1206 = arith.subf %sub3A_1205, %mul3A_1203 : vector<16xf32>
      %mul3A_1207 = arith.mulf %mul3A_1198, %sub3A_1206 : vector<16xf32>
      %mul3A_1208 = arith.mulf %add3A_1181, %mul3A_1207 : vector<16xf32>
      %get3A_1209 = arith.constant 80 : index
      %get3A_1210 = tpu.vector_load %arg9[%get3A_1209] {strides = array<i32>} : memref<208xf32, #tpu.memory_space<vmem>>, vector<16xf32>,
      %abs3A_1211 = math.absf %get3A_1210 : vector<16xf32>
      %mul3A_1212 = arith.mulf %abs3A_1211, %mul3A_1208 : vector<16xf32>
      %max3A_1213 = arith.constant 9.99999996E-13 : f32
      %max3A_1214 = vector.broadcast %max3A_1213 : f32 to vector<16xf32>
      %max3A_1215 = arith.maximumf %mul3A_1212, %max3A_1214 : vector<16xf32>
      %div3A_1216 = arith.divf %get3A_1210, %max3A_1215 : vector<16xf32>
      %swap3A_1217 = arith.constant 80 : index
      %swap3A_1218 = tpu.vector_load %arg11[%swap3A_1217] {strides = array<i32>} : memref<208xf32, #tpu.memory_space<vmem>>, vector<16xf32>,
      tpu.vector_store %arg11[%swap3A_1217], %div3A_1216 {strides = array<i32>} : memref<208xf32, #tpu.memory_space<vmem>>, vector<16xf32>,
      %get3A_1219 = arith.constant 96 : index
      %get3A_1220 = tpu.vector_load %arg10[%get3A_1219] {strides = array<i32>} : memref<416xf32, #tpu.memory_space<vmem>>, vector<16xf32>,
      %add3A_1221 = arith.constant 296 : i32
      %add3A_1222 = vector.broadcast %add3A_1221 : i32 to vector<16xi32>
      %add3A_1223 = arith.addi %add3A_1222, %iota3A : vector<16xi32>
      %gather3A_1224 = tpu.vector_load_idx %arg10[%add3A_1223] : memref<416xf32, #tpu.memory_space<vmem>>[vector<16xi32>], vector<16xf32>,
      %add3A_1225 = arith.addf %get3A_1220, %gather3A_1224 : vector<16xf32>
      %bitcast3A_1226 = vector.bitcast %add3A_1225 : vector<16xf32> to vector<16xi32>
      %shift_right_logical3A_1227 = arith.constant 1 : i32
      %shift_right_logical3A_1228 = vector.broadcast %shift_right_logical3A_1227 : i32 to vector<16xi32>
      %shift_right_logical3A_1229 = arith.shrui %bitcast3A_1226, %shift_right_logical3A_1228 : vector<16xi32>
      %sub3A_1230 = arith.constant 1597463007 : i32
      %sub3A_1231 = vector.broadcast %sub3A_1230 : i32 to vector<16xi32>
      %sub3A_1232 = arith.subi %sub3A_1231, %shift_right_logical3A_1229 : vector<16xi32>
      %bitcast3A_1233 = vector.bitcast %sub3A_1232 : vector<16xi32> to vector<16xf32>
      %mul3A_1234 = arith.constant 5.000000e-01 : f32
      %mul3A_1235 = vector.broadcast %mul3A_1234 : f32 to vector<16xf32>
      %mul3A_1236 = arith.mulf %mul3A_1235, %add3A_1225 : vector<16xf32>
      %mul3A_1237 = arith.mulf %mul3A_1236, %bitcast3A_1233 : vector<16xf32>
      %mul3A_1238 = arith.mulf %mul3A_1237, %bitcast3A_1233 : vector<16xf32>
      %sub3A_1239 = arith.constant 1.500000e+00 : f32
      %sub3A_1240 = vector.broadcast %sub3A_1239 : f32 to vector<16xf32>
      %sub3A_1241 = arith.subf %sub3A_1240, %mul3A_1238 : vector<16xf32>
      %mul3A_1242 = arith.mulf %bitcast3A_1233, %sub3A_1241 : vector<16xf32>
      %mul3A_1243 = arith.constant 5.000000e-01 : f32
      %mul3A_1244 = vector.broadcast %mul3A_1243 : f32 to vector<16xf32>
      %mul3A_1245 = arith.mulf %mul3A_1244, %add3A_1225 : vector<16xf32>
      %mul3A_1246 = arith.mulf %mul3A_1245, %mul3A_1242 : vector<16xf32>
      %mul3A_1247 = arith.mulf %mul3A_1246, %mul3A_1242 : vector<16xf32>
      %sub3A_1248 = arith.constant 1.500000e+00 : f32
      %sub3A_1249 = vector.broadcast %sub3A_1248 : f32 to vector<16xf32>
      %sub3A_1250 = arith.subf %sub3A_1249, %mul3A_1247 : vector<16xf32>
      %mul3A_1251 = arith.mulf %mul3A_1242, %sub3A_1250 : vector<16xf32>
      %mul3A_1252 = arith.mulf %add3A_1225, %mul3A_1251 : vector<16xf32>
      %get3A_1253 = arith.constant 96 : index
      %get3A_1254 = tpu.vector_load %arg9[%get3A_1253] {strides = array<i32>} : memref<208xf32, #tpu.memory_space<vmem>>, vector<16xf32>,
      %abs3A_1255 = math.absf %get3A_1254 : vector<16xf32>
      %mul3A_1256 = arith.mulf %abs3A_1255, %mul3A_1252 : vector<16xf32>
      %max3A_1257 = arith.constant 9.99999996E-13 : f32
      %max3A_1258 = vector.broadcast %max3A_1257 : f32 to vector<16xf32>
      %max3A_1259 = arith.maximumf %mul3A_1256, %max3A_1258 : vector<16xf32>
      %div3A_1260 = arith.divf %get3A_1254, %max3A_1259 : vector<16xf32>
      %swap3A_1261 = arith.constant 96 : index
      %swap3A_1262 = tpu.vector_load %arg11[%swap3A_1261] {strides = array<i32>} : memref<208xf32, #tpu.memory_space<vmem>>, vector<16xf32>,
      tpu.vector_store %arg11[%swap3A_1261], %div3A_1260 {strides = array<i32>} : memref<208xf32, #tpu.memory_space<vmem>>, vector<16xf32>,
      %get3A_1263 = arith.constant 112 : index
      %get3A_1264 = tpu.vector_load %arg10[%get3A_1263] {strides = array<i32>} : memref<416xf32, #tpu.memory_space<vmem>>, vector<16xf32>,
      %add3A_1265 = arith.constant 312 : i32
      %add3A_1266 = vector.broadcast %add3A_1265 : i32 to vector<16xi32>
      %add3A_1267 = arith.addi %add3A_1266, %iota3A : vector<16xi32>
      %gather3A_1268 = tpu.vector_load_idx %arg10[%add3A_1267] : memref<416xf32, #tpu.memory_space<vmem>>[vector<16xi32>], vector<16xf32>,
      %add3A_1269 = arith.addf %get3A_1264, %gather3A_1268 : vector<16xf32>
      %bitcast3A_1270 = vector.bitcast %add3A_1269 : vector<16xf32> to vector<16xi32>
      %shift_right_logical3A_1271 = arith.constant 1 : i32
      %shift_right_logical3A_1272 = vector.broadcast %shift_right_logical3A_1271 : i32 to vector<16xi32>
      %shift_right_logical3A_1273 = arith.shrui %bitcast3A_1270, %shift_right_logical3A_1272 : vector<16xi32>
      %sub3A_1274 = arith.constant 1597463007 : i32
      %sub3A_1275 = vector.broadcast %sub3A_1274 : i32 to vector<16xi32>
      %sub3A_1276 = arith.subi %sub3A_1275, %shift_right_logical3A_1273 : vector<16xi32>
      %bitcast3A_1277 = vector.bitcast %sub3A_1276 : vector<16xi32> to vector<16xf32>
      %mul3A_1278 = arith.constant 5.000000e-01 : f32
      %mul3A_1279 = vector.broadcast %mul3A_1278 : f32 to vector<16xf32>
      %mul3A_1280 = arith.mulf %mul3A_1279, %add3A_1269 : vector<16xf32>
      %mul3A_1281 = arith.mulf %mul3A_1280, %bitcast3A_1277 : vector<16xf32>
      %mul3A_1282 = arith.mulf %mul3A_1281, %bitcast3A_1277 : vector<16xf32>
      %sub3A_1283 = arith.constant 1.500000e+00 : f32
      %sub3A_1284 = vector.broadcast %sub3A_1283 : f32 to vector<16xf32>
      %sub3A_1285 = arith.subf %sub3A_1284, %mul3A_1282 : vector<16xf32>
      %mul3A_1286 = arith.mulf %bitcast3A_1277, %sub3A_1285 : vector<16xf32>
      %mul3A_1287 = arith.constant 5.000000e-01 : f32
      %mul3A_1288 = vector.broadcast %mul3A_1287 : f32 to vector<16xf32>
      %mul3A_1289 = arith.mulf %mul3A_1288, %add3A_1269 : vector<16xf32>
      %mul3A_1290 = arith.mulf %mul3A_1289, %mul3A_1286 : vector<16xf32>
      %mul3A_1291 = arith.mulf %mul3A_1290, %mul3A_1286 : vector<16xf32>
      %sub3A_1292 = arith.constant 1.500000e+00 : f32
      %sub3A_1293 = vector.broadcast %sub3A_1292 : f32 to vector<16xf32>
      %sub3A_1294 = arith.subf %sub3A_1293, %mul3A_1291 : vector<16xf32>
      %mul3A_1295 = arith.mulf %mul3A_1286, %sub3A_1294 : vector<16xf32>
      %mul3A_1296 = arith.mulf %add3A_1269, %mul3A_1295 : vector<16xf32>
      %get3A_1297 = arith.constant 112 : index
      %get3A_1298 = tpu.vector_load %arg9[%get3A_1297] {strides = array<i32>} : memref<208xf32, #tpu.memory_space<vmem>>, vector<16xf32>,
      %abs3A_1299 = math.absf %get3A_1298 : vector<16xf32>
      %mul3A_1300 = arith.mulf %abs3A_1299, %mul3A_1296 : vector<16xf32>
      %max3A_1301 = arith.constant 9.99999996E-13 : f32
      %max3A_1302 = vector.broadcast %max3A_1301 : f32 to vector<16xf32>
      %max3A_1303 = arith.maximumf %mul3A_1300, %max3A_1302 : vector<16xf32>
      %div3A_1304 = arith.divf %get3A_1298, %max3A_1303 : vector<16xf32>
      %swap3A_1305 = arith.constant 112 : index
      %swap3A_1306 = tpu.vector_load %arg11[%swap3A_1305] {strides = array<i32>} : memref<208xf32, #tpu.memory_space<vmem>>, vector<16xf32>,
      tpu.vector_store %arg11[%swap3A_1305], %div3A_1304 {strides = array<i32>} : memref<208xf32, #tpu.memory_space<vmem>>, vector<16xf32>,
      %get3A_1307 = arith.constant 128 : index
      %get3A_1308 = tpu.vector_load %arg10[%get3A_1307] {strides = array<i32>} : memref<416xf32, #tpu.memory_space<vmem>>, vector<16xf32>,
      %add3A_1309 = arith.constant 328 : i32
      %add3A_1310 = vector.broadcast %add3A_1309 : i32 to vector<16xi32>
      %add3A_1311 = arith.addi %add3A_1310, %iota3A : vector<16xi32>
      %gather3A_1312 = tpu.vector_load_idx %arg10[%add3A_1311] : memref<416xf32, #tpu.memory_space<vmem>>[vector<16xi32>], vector<16xf32>,
      %add3A_1313 = arith.addf %get3A_1308, %gather3A_1312 : vector<16xf32>
      %bitcast3A_1314 = vector.bitcast %add3A_1313 : vector<16xf32> to vector<16xi32>
      %shift_right_logical3A_1315 = arith.constant 1 : i32
      %shift_right_logical3A_1316 = vector.broadcast %shift_right_logical3A_1315 : i32 to vector<16xi32>
      %shift_right_logical3A_1317 = arith.shrui %bitcast3A_1314, %shift_right_logical3A_1316 : vector<16xi32>
      %sub3A_1318 = arith.constant 1597463007 : i32
      %sub3A_1319 = vector.broadcast %sub3A_1318 : i32 to vector<16xi32>
      %sub3A_1320 = arith.subi %sub3A_1319, %shift_right_logical3A_1317 : vector<16xi32>
      %bitcast3A_1321 = vector.bitcast %sub3A_1320 : vector<16xi32> to vector<16xf32>
      %mul3A_1322 = arith.constant 5.000000e-01 : f32
      %mul3A_1323 = vector.broadcast %mul3A_1322 : f32 to vector<16xf32>
      %mul3A_1324 = arith.mulf %mul3A_1323, %add3A_1313 : vector<16xf32>
      %mul3A_1325 = arith.mulf %mul3A_1324, %bitcast3A_1321 : vector<16xf32>
      %mul3A_1326 = arith.mulf %mul3A_1325, %bitcast3A_1321 : vector<16xf32>
      %sub3A_1327 = arith.constant 1.500000e+00 : f32
      %sub3A_1328 = vector.broadcast %sub3A_1327 : f32 to vector<16xf32>
      %sub3A_1329 = arith.subf %sub3A_1328, %mul3A_1326 : vector<16xf32>
      %mul3A_1330 = arith.mulf %bitcast3A_1321, %sub3A_1329 : vector<16xf32>
      %mul3A_1331 = arith.constant 5.000000e-01 : f32
      %mul3A_1332 = vector.broadcast %mul3A_1331 : f32 to vector<16xf32>
      %mul3A_1333 = arith.mulf %mul3A_1332, %add3A_1313 : vector<16xf32>
      %mul3A_1334 = arith.mulf %mul3A_1333, %mul3A_1330 : vector<16xf32>
      %mul3A_1335 = arith.mulf %mul3A_1334, %mul3A_1330 : vector<16xf32>
      %sub3A_1336 = arith.constant 1.500000e+00 : f32
      %sub3A_1337 = vector.broadcast %sub3A_1336 : f32 to vector<16xf32>
      %sub3A_1338 = arith.subf %sub3A_1337, %mul3A_1335 : vector<16xf32>
      %mul3A_1339 = arith.mulf %mul3A_1330, %sub3A_1338 : vector<16xf32>
      %mul3A_1340 = arith.mulf %add3A_1313, %mul3A_1339 : vector<16xf32>
      %get3A_1341 = arith.constant 128 : index
      %get3A_1342 = tpu.vector_load %arg9[%get3A_1341] {strides = array<i32>} : memref<208xf32, #tpu.memory_space<vmem>>, vector<16xf32>,
      %abs3A_1343 = math.absf %get3A_1342 : vector<16xf32>
      %mul3A_1344 = arith.mulf %abs3A_1343, %mul3A_1340 : vector<16xf32>
      %max3A_1345 = arith.constant 9.99999996E-13 : f32
      %max3A_1346 = vector.broadcast %max3A_1345 : f32 to vector<16xf32>
      %max3A_1347 = arith.maximumf %mul3A_1344, %max3A_1346 : vector<16xf32>
      %div3A_1348 = arith.divf %get3A_1342, %max3A_1347 : vector<16xf32>
      %swap3A_1349 = arith.constant 128 : index
      %swap3A_1350 = tpu.vector_load %arg11[%swap3A_1349] {strides = array<i32>} : memref<208xf32, #tpu.memory_space<vmem>>, vector<16xf32>,
      tpu.vector_store %arg11[%swap3A_1349], %div3A_1348 {strides = array<i32>} : memref<208xf32, #tpu.memory_space<vmem>>, vector<16xf32>,
      %get3A_1351 = arith.constant 144 : index
      %get3A_1352 = tpu.vector_load %arg10[%get3A_1351] {strides = array<i32>} : memref<416xf32, #tpu.memory_space<vmem>>, vector<16xf32>,
      %add3A_1353 = arith.constant 344 : i32
      %add3A_1354 = vector.broadcast %add3A_1353 : i32 to vector<16xi32>
      %add3A_1355 = arith.addi %add3A_1354, %iota3A : vector<16xi32>
      %gather3A_1356 = tpu.vector_load_idx %arg10[%add3A_1355] : memref<416xf32, #tpu.memory_space<vmem>>[vector<16xi32>], vector<16xf32>,
      %add3A_1357 = arith.addf %get3A_1352, %gather3A_1356 : vector<16xf32>
      %bitcast3A_1358 = vector.bitcast %add3A_1357 : vector<16xf32> to vector<16xi32>
      %shift_right_logical3A_1359 = arith.constant 1 : i32
      %shift_right_logical3A_1360 = vector.broadcast %shift_right_logical3A_1359 : i32 to vector<16xi32>
      %shift_right_logical3A_1361 = arith.shrui %bitcast3A_1358, %shift_right_logical3A_1360 : vector<16xi32>
      %sub3A_1362 = arith.constant 1597463007 : i32
      %sub3A_1363 = vector.broadcast %sub3A_1362 : i32 to vector<16xi32>
      %sub3A_1364 = arith.subi %sub3A_1363, %shift_right_logical3A_1361 : vector<16xi32>
      %bitcast3A_1365 = vector.bitcast %sub3A_1364 : vector<16xi32> to vector<16xf32>
      %mul3A_1366 = arith.constant 5.000000e-01 : f32
      %mul3A_1367 = vector.broadcast %mul3A_1366 : f32 to vector<16xf32>
      %mul3A_1368 = arith.mulf %mul3A_1367, %add3A_1357 : vector<16xf32>
      %mul3A_1369 = arith.mulf %mul3A_1368, %bitcast3A_1365 : vector<16xf32>
      %mul3A_1370 = arith.mulf %mul3A_1369, %bitcast3A_1365 : vector<16xf32>
      %sub3A_1371 = arith.constant 1.500000e+00 : f32
      %sub3A_1372 = vector.broadcast %sub3A_1371 : f32 to vector<16xf32>
      %sub3A_1373 = arith.subf %sub3A_1372, %mul3A_1370 : vector<16xf32>
      %mul3A_1374 = arith.mulf %bitcast3A_1365, %sub3A_1373 : vector<16xf32>
      %mul3A_1375 = arith.constant 5.000000e-01 : f32
      %mul3A_1376 = vector.broadcast %mul3A_1375 : f32 to vector<16xf32>
      %mul3A_1377 = arith.mulf %mul3A_1376, %add3A_1357 : vector<16xf32>
      %mul3A_1378 = arith.mulf %mul3A_1377, %mul3A_1374 : vector<16xf32>
      %mul3A_1379 = arith.mulf %mul3A_1378, %mul3A_1374 : vector<16xf32>
      %sub3A_1380 = arith.constant 1.500000e+00 : f32
      %sub3A_1381 = vector.broadcast %sub3A_1380 : f32 to vector<16xf32>
      %sub3A_1382 = arith.subf %sub3A_1381, %mul3A_1379 : vector<16xf32>
      %mul3A_1383 = arith.mulf %mul3A_1374, %sub3A_1382 : vector<16xf32>
      %mul3A_1384 = arith.mulf %add3A_1357, %mul3A_1383 : vector<16xf32>
      %get3A_1385 = arith.constant 144 : index
      %get3A_1386 = tpu.vector_load %arg9[%get3A_1385] {strides = array<i32>} : memref<208xf32, #tpu.memory_space<vmem>>, vector<16xf32>,
      %abs3A_1387 = math.absf %get3A_1386 : vector<16xf32>
      %mul3A_1388 = arith.mulf %abs3A_1387, %mul3A_1384 : vector<16xf32>
      %max3A_1389 = arith.constant 9.99999996E-13 : f32
      %max3A_1390 = vector.broadcast %max3A_1389 : f32 to vector<16xf32>
      %max3A_1391 = arith.maximumf %mul3A_1388, %max3A_1390 : vector<16xf32>
      %div3A_1392 = arith.divf %get3A_1386, %max3A_1391 : vector<16xf32>
      %swap3A_1393 = arith.constant 144 : index
      %swap3A_1394 = tpu.vector_load %arg11[%swap3A_1393] {strides = array<i32>} : memref<208xf32, #tpu.memory_space<vmem>>, vector<16xf32>,
      tpu.vector_store %arg11[%swap3A_1393], %div3A_1392 {strides = array<i32>} : memref<208xf32, #tpu.memory_space<vmem>>, vector<16xf32>,
      %get3A_1395 = arith.constant 160 : index
      %get3A_1396 = tpu.vector_load %arg10[%get3A_1395] {strides = array<i32>} : memref<416xf32, #tpu.memory_space<vmem>>, vector<16xf32>,
      %add3A_1397 = arith.constant 360 : i32
      %add3A_1398 = vector.broadcast %add3A_1397 : i32 to vector<16xi32>
      %add3A_1399 = arith.addi %add3A_1398, %iota3A : vector<16xi32>
      %gather3A_1400 = tpu.vector_load_idx %arg10[%add3A_1399] : memref<416xf32, #tpu.memory_space<vmem>>[vector<16xi32>], vector<16xf32>,
      %add3A_1401 = arith.addf %get3A_1396, %gather3A_1400 : vector<16xf32>
      %bitcast3A_1402 = vector.bitcast %add3A_1401 : vector<16xf32> to vector<16xi32>
      %shift_right_logical3A_1403 = arith.constant 1 : i32
      %shift_right_logical3A_1404 = vector.broadcast %shift_right_logical3A_1403 : i32 to vector<16xi32>
      %shift_right_logical3A_1405 = arith.shrui %bitcast3A_1402, %shift_right_logical3A_1404 : vector<16xi32>
      %sub3A_1406 = arith.constant 1597463007 : i32
      %sub3A_1407 = vector.broadcast %sub3A_1406 : i32 to vector<16xi32>
      %sub3A_1408 = arith.subi %sub3A_1407, %shift_right_logical3A_1405 : vector<16xi32>
      %bitcast3A_1409 = vector.bitcast %sub3A_1408 : vector<16xi32> to vector<16xf32>
      %mul3A_1410 = arith.constant 5.000000e-01 : f32
      %mul3A_1411 = vector.broadcast %mul3A_1410 : f32 to vector<16xf32>
      %mul3A_1412 = arith.mulf %mul3A_1411, %add3A_1401 : vector<16xf32>
      %mul3A_1413 = arith.mulf %mul3A_1412, %bitcast3A_1409 : vector<16xf32>
      %mul3A_1414 = arith.mulf %mul3A_1413, %bitcast3A_1409 : vector<16xf32>
      %sub3A_1415 = arith.constant 1.500000e+00 : f32
      %sub3A_1416 = vector.broadcast %sub3A_1415 : f32 to vector<16xf32>
      %sub3A_1417 = arith.subf %sub3A_1416, %mul3A_1414 : vector<16xf32>
      %mul3A_1418 = arith.mulf %bitcast3A_1409, %sub3A_1417 : vector<16xf32>
      %mul3A_1419 = arith.constant 5.000000e-01 : f32
      %mul3A_1420 = vector.broadcast %mul3A_1419 : f32 to vector<16xf32>
      %mul3A_1421 = arith.mulf %mul3A_1420, %add3A_1401 : vector<16xf32>
      %mul3A_1422 = arith.mulf %mul3A_1421, %mul3A_1418 : vector<16xf32>
      %mul3A_1423 = arith.mulf %mul3A_1422, %mul3A_1418 : vector<16xf32>
      %sub3A_1424 = arith.constant 1.500000e+00 : f32
      %sub3A_1425 = vector.broadcast %sub3A_1424 : f32 to vector<16xf32>
      %sub3A_1426 = arith.subf %sub3A_1425, %mul3A_1423 : vector<16xf32>
      %mul3A_1427 = arith.mulf %mul3A_1418, %sub3A_1426 : vector<16xf32>
      %mul3A_1428 = arith.mulf %add3A_1401, %mul3A_1427 : vector<16xf32>
      %get3A_1429 = arith.constant 160 : index
      %get3A_1430 = tpu.vector_load %arg9[%get3A_1429] {strides = array<i32>} : memref<208xf32, #tpu.memory_space<vmem>>, vector<16xf32>,
      %abs3A_1431 = math.absf %get3A_1430 : vector<16xf32>
      %mul3A_1432 = arith.mulf %abs3A_1431, %mul3A_1428 : vector<16xf32>
      %max3A_1433 = arith.constant 9.99999996E-13 : f32
      %max3A_1434 = vector.broadcast %max3A_1433 : f32 to vector<16xf32>
      %max3A_1435 = arith.maximumf %mul3A_1432, %max3A_1434 : vector<16xf32>
      %div3A_1436 = arith.divf %get3A_1430, %max3A_1435 : vector<16xf32>
      %swap3A_1437 = arith.constant 160 : index
      %swap3A_1438 = tpu.vector_load %arg11[%swap3A_1437] {strides = array<i32>} : memref<208xf32, #tpu.memory_space<vmem>>, vector<16xf32>,
      tpu.vector_store %arg11[%swap3A_1437], %div3A_1436 {strides = array<i32>} : memref<208xf32, #tpu.memory_space<vmem>>, vector<16xf32>,
      %get3A_1439 = arith.constant 176 : index
      %get3A_1440 = tpu.vector_load %arg10[%get3A_1439] {strides = array<i32>} : memref<416xf32, #tpu.memory_space<vmem>>, vector<16xf32>,
      %add3A_1441 = arith.constant 376 : i32
      %add3A_1442 = vector.broadcast %add3A_1441 : i32 to vector<16xi32>
      %add3A_1443 = arith.addi %add3A_1442, %iota3A : vector<16xi32>
      %gather3A_1444 = tpu.vector_load_idx %arg10[%add3A_1443] : memref<416xf32, #tpu.memory_space<vmem>>[vector<16xi32>], vector<16xf32>,
      %add3A_1445 = arith.addf %get3A_1440, %gather3A_1444 : vector<16xf32>
      %bitcast3A_1446 = vector.bitcast %add3A_1445 : vector<16xf32> to vector<16xi32>
      %shift_right_logical3A_1447 = arith.constant 1 : i32
      %shift_right_logical3A_1448 = vector.broadcast %shift_right_logical3A_1447 : i32 to vector<16xi32>
      %shift_right_logical3A_1449 = arith.shrui %bitcast3A_1446, %shift_right_logical3A_1448 : vector<16xi32>
      %sub3A_1450 = arith.constant 1597463007 : i32
      %sub3A_1451 = vector.broadcast %sub3A_1450 : i32 to vector<16xi32>
      %sub3A_1452 = arith.subi %sub3A_1451, %shift_right_logical3A_1449 : vector<16xi32>
      %bitcast3A_1453 = vector.bitcast %sub3A_1452 : vector<16xi32> to vector<16xf32>
      %mul3A_1454 = arith.constant 5.000000e-01 : f32
      %mul3A_1455 = vector.broadcast %mul3A_1454 : f32 to vector<16xf32>
      %mul3A_1456 = arith.mulf %mul3A_1455, %add3A_1445 : vector<16xf32>
      %mul3A_1457 = arith.mulf %mul3A_1456, %bitcast3A_1453 : vector<16xf32>
      %mul3A_1458 = arith.mulf %mul3A_1457, %bitcast3A_1453 : vector<16xf32>
      %sub3A_1459 = arith.constant 1.500000e+00 : f32
      %sub3A_1460 = vector.broadcast %sub3A_1459 : f32 to vector<16xf32>
      %sub3A_1461 = arith.subf %sub3A_1460, %mul3A_1458 : vector<16xf32>
      %mul3A_1462 = arith.mulf %bitcast3A_1453, %sub3A_1461 : vector<16xf32>
      %mul3A_1463 = arith.constant 5.000000e-01 : f32
      %mul3A_1464 = vector.broadcast %mul3A_1463 : f32 to vector<16xf32>
      %mul3A_1465 = arith.mulf %mul3A_1464, %add3A_1445 : vector<16xf32>
      %mul3A_1466 = arith.mulf %mul3A_1465, %mul3A_1462 : vector<16xf32>
      %mul3A_1467 = arith.mulf %mul3A_1466, %mul3A_1462 : vector<16xf32>
      %sub3A_1468 = arith.constant 1.500000e+00 : f32
      %sub3A_1469 = vector.broadcast %sub3A_1468 : f32 to vector<16xf32>
      %sub3A_1470 = arith.subf %sub3A_1469, %mul3A_1467 : vector<16xf32>
      %mul3A_1471 = arith.mulf %mul3A_1462, %sub3A_1470 : vector<16xf32>
      %mul3A_1472 = arith.mulf %add3A_1445, %mul3A_1471 : vector<16xf32>
      %get3A_1473 = arith.constant 176 : index
      %get3A_1474 = tpu.vector_load %arg9[%get3A_1473] {strides = array<i32>} : memref<208xf32, #tpu.memory_space<vmem>>, vector<16xf32>,
      %abs3A_1475 = math.absf %get3A_1474 : vector<16xf32>
      %mul3A_1476 = arith.mulf %abs3A_1475, %mul3A_1472 : vector<16xf32>
      %max3A_1477 = arith.constant 9.99999996E-13 : f32
      %max3A_1478 = vector.broadcast %max3A_1477 : f32 to vector<16xf32>
      %max3A_1479 = arith.maximumf %mul3A_1476, %max3A_1478 : vector<16xf32>
      %div3A_1480 = arith.divf %get3A_1474, %max3A_1479 : vector<16xf32>
      %swap3A_1481 = arith.constant 176 : index
      %swap3A_1482 = tpu.vector_load %arg11[%swap3A_1481] {strides = array<i32>} : memref<208xf32, #tpu.memory_space<vmem>>, vector<16xf32>,
      tpu.vector_store %arg11[%swap3A_1481], %div3A_1480 {strides = array<i32>} : memref<208xf32, #tpu.memory_space<vmem>>, vector<16xf32>,
      %get3A_1483 = arith.constant 192 : index
      %get3A_1484 = tpu.vector_load %arg10[%get3A_1483] {strides = array<i32>} : memref<416xf32, #tpu.memory_space<vmem>>, vector<16xf32>,
      %add3A_1485 = arith.constant 392 : i32
      %add3A_1486 = vector.broadcast %add3A_1485 : i32 to vector<16xi32>
      %add3A_1487 = arith.addi %add3A_1486, %iota3A : vector<16xi32>
      %gather3A_1488 = tpu.vector_load_idx %arg10[%add3A_1487] : memref<416xf32, #tpu.memory_space<vmem>>[vector<16xi32>], vector<16xf32>,
      %add3A_1489 = arith.addf %get3A_1484, %gather3A_1488 : vector<16xf32>
      %bitcast3A_1490 = vector.bitcast %add3A_1489 : vector<16xf32> to vector<16xi32>
      %shift_right_logical3A_1491 = arith.constant 1 : i32
      %shift_right_logical3A_1492 = vector.broadcast %shift_right_logical3A_1491 : i32 to vector<16xi32>
      %shift_right_logical3A_1493 = arith.shrui %bitcast3A_1490, %shift_right_logical3A_1492 : vector<16xi32>
      %sub3A_1494 = arith.constant 1597463007 : i32
      %sub3A_1495 = vector.broadcast %sub3A_1494 : i32 to vector<16xi32>
      %sub3A_1496 = arith.subi %sub3A_1495, %shift_right_logical3A_1493 : vector<16xi32>
      %bitcast3A_1497 = vector.bitcast %sub3A_1496 : vector<16xi32> to vector<16xf32>
      %mul3A_1498 = arith.constant 5.000000e-01 : f32
      %mul3A_1499 = vector.broadcast %mul3A_1498 : f32 to vector<16xf32>
      %mul3A_1500 = arith.mulf %mul3A_1499, %add3A_1489 : vector<16xf32>
      %mul3A_1501 = arith.mulf %mul3A_1500, %bitcast3A_1497 : vector<16xf32>
      %mul3A_1502 = arith.mulf %mul3A_1501, %bitcast3A_1497 : vector<16xf32>
      %sub3A_1503 = arith.constant 1.500000e+00 : f32
      %sub3A_1504 = vector.broadcast %sub3A_1503 : f32 to vector<16xf32>
      %sub3A_1505 = arith.subf %sub3A_1504, %mul3A_1502 : vector<16xf32>
      %mul3A_1506 = arith.mulf %bitcast3A_1497, %sub3A_1505 : vector<16xf32>
      %mul3A_1507 = arith.constant 5.000000e-01 : f32
      %mul3A_1508 = vector.broadcast %mul3A_1507 : f32 to vector<16xf32>
      %mul3A_1509 = arith.mulf %mul3A_1508, %add3A_1489 : vector<16xf32>
      %mul3A_1510 = arith.mulf %mul3A_1509, %mul3A_1506 : vector<16xf32>
      %mul3A_1511 = arith.mulf %mul3A_1510, %mul3A_1506 : vector<16xf32>
      %sub3A_1512 = arith.constant 1.500000e+00 : f32
      %sub3A_1513 = vector.broadcast %sub3A_1512 : f32 to vector<16xf32>
      %sub3A_1514 = arith.subf %sub3A_1513, %mul3A_1511 : vector<16xf32>
      %mul3A_1515 = arith.mulf %mul3A_1506, %sub3A_1514 : vector<16xf32>
      %mul3A_1516 = arith.mulf %add3A_1489, %mul3A_1515 : vector<16xf32>
      %get3A_1517 = arith.constant 192 : index
      %get3A_1518 = tpu.vector_load %arg9[%get3A_1517] {strides = array<i32>} : memref<208xf32, #tpu.memory_space<vmem>>, vector<16xf32>,
      %abs3A_1519 = math.absf %get3A_1518 : vector<16xf32>
      %mul3A_1520 = arith.mulf %abs3A_1519, %mul3A_1516 : vector<16xf32>
      %max3A_1521 = arith.constant 9.99999996E-13 : f32
      %max3A_1522 = vector.broadcast %max3A_1521 : f32 to vector<16xf32>
      %max3A_1523 = arith.maximumf %mul3A_1520, %max3A_1522 : vector<16xf32>
      %div3A_1524 = arith.divf %get3A_1518, %max3A_1523 : vector<16xf32>
      %swap3A_1525 = arith.constant 192 : index
      %swap3A_1526 = tpu.vector_load %arg11[%swap3A_1525] {strides = array<i32>} : memref<208xf32, #tpu.memory_space<vmem>>, vector<16xf32>,
      tpu.vector_store %arg11[%swap3A_1525], %div3A_1524 {strides = array<i32>} : memref<208xf32, #tpu.memory_space<vmem>>, vector<16xf32>,
      %get3A_1527 = arith.constant 0 : index
      %get3A_1528 = tpu.vector_load %arg11[%get3A_1527] {strides = array<i32>} : memref<208xf32, #tpu.memory_space<vmem>>, vector<16xf32>,
      %swap3A_1529 = arith.constant 0 : index
      %swap3A_1530 = tpu.vector_load %arg12[%swap3A_1529] {strides = array<i32>} : memref<400xf32, #tpu.memory_space<vmem>>, vector<16xf32>,
      tpu.vector_store %arg12[%swap3A_1529], %get3A_1528 {strides = array<i32>} : memref<400xf32, #tpu.memory_space<vmem>>, vector<16xf32>,
      %get3A_1531 = arith.constant 16 : index
      %get3A_1532 = tpu.vector_load %arg11[%get3A_1531] {strides = array<i32>} : memref<208xf32, #tpu.memory_space<vmem>>, vector<16xf32>,
      %swap3A_1533 = arith.constant 16 : index
      %swap3A_1534 = tpu.vector_load %arg12[%swap3A_1533] {strides = array<i32>} : memref<400xf32, #tpu.memory_space<vmem>>, vector<16xf32>,
      tpu.vector_store %arg12[%swap3A_1533], %get3A_1532 {strides = array<i32>} : memref<400xf32, #tpu.memory_space<vmem>>, vector<16xf32>,
      %get3A_1535 = arith.constant 32 : index
      %get3A_1536 = tpu.vector_load %arg11[%get3A_1535] {strides = array<i32>} : memref<208xf32, #tpu.memory_space<vmem>>, vector<16xf32>,
      %swap3A_1537 = arith.constant 32 : index
      %swap3A_1538 = tpu.vector_load %arg12[%swap3A_1537] {strides = array<i32>} : memref<400xf32, #tpu.memory_space<vmem>>, vector<16xf32>,
      tpu.vector_store %arg12[%swap3A_1537], %get3A_1536 {strides = array<i32>} : memref<400xf32, #tpu.memory_space<vmem>>, vector<16xf32>,
      %get3A_1539 = arith.constant 48 : index
      %get3A_1540 = tpu.vector_load %arg11[%get3A_1539] {strides = array<i32>} : memref<208xf32, #tpu.memory_space<vmem>>, vector<16xf32>,
      %swap3A_1541 = arith.constant 48 : index
      %swap3A_1542 = tpu.vector_load %arg12[%swap3A_1541] {strides = array<i32>} : memref<400xf32, #tpu.memory_space<vmem>>, vector<16xf32>,
      tpu.vector_store %arg12[%swap3A_1541], %get3A_1540 {strides = array<i32>} : memref<400xf32, #tpu.memory_space<vmem>>, vector<16xf32>,
      %get3A_1543 = arith.constant 64 : index
      %get3A_1544 = tpu.vector_load %arg11[%get3A_1543] {strides = array<i32>} : memref<208xf32, #tpu.memory_space<vmem>>, vector<16xf32>,
      %swap3A_1545 = arith.constant 64 : index
      %swap3A_1546 = tpu.vector_load %arg12[%swap3A_1545] {strides = array<i32>} : memref<400xf32, #tpu.memory_space<vmem>>, vector<16xf32>,
      tpu.vector_store %arg12[%swap3A_1545], %get3A_1544 {strides = array<i32>} : memref<400xf32, #tpu.memory_space<vmem>>, vector<16xf32>,
      %get3A_1547 = arith.constant 80 : index
      %get3A_1548 = tpu.vector_load %arg11[%get3A_1547] {strides = array<i32>} : memref<208xf32, #tpu.memory_space<vmem>>, vector<16xf32>,
      %swap3A_1549 = arith.constant 80 : index
      %swap3A_1550 = tpu.vector_load %arg12[%swap3A_1549] {strides = array<i32>} : memref<400xf32, #tpu.memory_space<vmem>>, vector<16xf32>,
      tpu.vector_store %arg12[%swap3A_1549], %get3A_1548 {strides = array<i32>} : memref<400xf32, #tpu.memory_space<vmem>>, vector<16xf32>,
      %get3A_1551 = arith.constant 96 : index
      %get3A_1552 = tpu.vector_load %arg11[%get3A_1551] {strides = array<i32>} : memref<208xf32, #tpu.memory_space<vmem>>, vector<16xf32>,
      %swap3A_1553 = arith.constant 96 : index
      %swap3A_1554 = tpu.vector_load %arg12[%swap3A_1553] {strides = array<i32>} : memref<400xf32, #tpu.memory_space<vmem>>, vector<16xf32>,
      tpu.vector_store %arg12[%swap3A_1553], %get3A_1552 {strides = array<i32>} : memref<400xf32, #tpu.memory_space<vmem>>, vector<16xf32>,
      %get3A_1555 = arith.constant 112 : index
      %get3A_1556 = tpu.vector_load %arg11[%get3A_1555] {strides = array<i32>} : memref<208xf32, #tpu.memory_space<vmem>>, vector<16xf32>,
      %swap3A_1557 = arith.constant 112 : index
      %swap3A_1558 = tpu.vector_load %arg12[%swap3A_1557] {strides = array<i32>} : memref<400xf32, #tpu.memory_space<vmem>>, vector<16xf32>,
      tpu.vector_store %arg12[%swap3A_1557], %get3A_1556 {strides = array<i32>} : memref<400xf32, #tpu.memory_space<vmem>>, vector<16xf32>,
      %get3A_1559 = arith.constant 128 : index
      %get3A_1560 = tpu.vector_load %arg11[%get3A_1559] {strides = array<i32>} : memref<208xf32, #tpu.memory_space<vmem>>, vector<16xf32>,
      %swap3A_1561 = arith.constant 128 : index
      %swap3A_1562 = tpu.vector_load %arg12[%swap3A_1561] {strides = array<i32>} : memref<400xf32, #tpu.memory_space<vmem>>, vector<16xf32>,
      tpu.vector_store %arg12[%swap3A_1561], %get3A_1560 {strides = array<i32>} : memref<400xf32, #tpu.memory_space<vmem>>, vector<16xf32>,
      %get3A_1563 = arith.constant 144 : index
      %get3A_1564 = tpu.vector_load %arg11[%get3A_1563] {strides = array<i32>} : memref<208xf32, #tpu.memory_space<vmem>>, vector<16xf32>,
      %swap3A_1565 = arith.constant 144 : index
      %swap3A_1566 = tpu.vector_load %arg12[%swap3A_1565] {strides = array<i32>} : memref<400xf32, #tpu.memory_space<vmem>>, vector<16xf32>,
      tpu.vector_store %arg12[%swap3A_1565], %get3A_1564 {strides = array<i32>} : memref<400xf32, #tpu.memory_space<vmem>>, vector<16xf32>,
      %get3A_1567 = arith.constant 160 : index
      %get3A_1568 = tpu.vector_load %arg11[%get3A_1567] {strides = array<i32>} : memref<208xf32, #tpu.memory_space<vmem>>, vector<16xf32>,
      %swap3A_1569 = arith.constant 160 : index
      %swap3A_1570 = tpu.vector_load %arg12[%swap3A_1569] {strides = array<i32>} : memref<400xf32, #tpu.memory_space<vmem>>, vector<16xf32>,
      tpu.vector_store %arg12[%swap3A_1569], %get3A_1568 {strides = array<i32>} : memref<400xf32, #tpu.memory_space<vmem>>, vector<16xf32>,
      %get3A_1571 = arith.constant 176 : index
      %get3A_1572 = tpu.vector_load %arg11[%get3A_1571] {strides = array<i32>} : memref<208xf32, #tpu.memory_space<vmem>>, vector<16xf32>,
      %swap3A_1573 = arith.constant 176 : index
      %swap3A_1574 = tpu.vector_load %arg12[%swap3A_1573] {strides = array<i32>} : memref<400xf32, #tpu.memory_space<vmem>>, vector<16xf32>,
      tpu.vector_store %arg12[%swap3A_1573], %get3A_1572 {strides = array<i32>} : memref<400xf32, #tpu.memory_space<vmem>>, vector<16xf32>,
      %add3A_1575 = arith.constant 192 : i32
      %add3A_1576 = vector.broadcast %add3A_1575 : i32 to vector<16xi32>
      %add3A_1577 = arith.addi %add3A_1576, %iota3A : vector<16xi32>
      %rem3A_1578 = arith.constant 200 : i32
      %rem3A_1579 = vector.broadcast %rem3A_1578 : i32 to vector<16xi32>
      %rem3A_1580 = arith.remsi %add3A_1577, %rem3A_1579 : vector<16xi32>
      %gather3A_1581 = tpu.vector_load_idx %arg11[%rem3A_1580] : memref<208xf32, #tpu.memory_space<vmem>>[vector<16xi32>], vector<16xf32>,
      %swap3A_1582 = arith.constant 192 : index
      %swap3A_1583 = tpu.vector_load %arg12[%swap3A_1582] {strides = array<i32>} : memref<400xf32, #tpu.memory_space<vmem>>, vector<16xf32>,
      tpu.vector_store %arg12[%swap3A_1582], %gather3A_1581 {strides = array<i32>} : memref<400xf32, #tpu.memory_space<vmem>>, vector<16xf32>,
      %add3A_1584 = arith.constant 208 : i32
      %add3A_1585 = vector.broadcast %add3A_1584 : i32 to vector<16xi32>
      %add3A_1586 = arith.addi %add3A_1585, %iota3A : vector<16xi32>
      %rem3A_1587 = arith.constant 200 : i32
      %rem3A_1588 = vector.broadcast %rem3A_1587 : i32 to vector<16xi32>
      %rem3A_1589 = arith.remsi %add3A_1586, %rem3A_1588 : vector<16xi32>
      %gather3A_1590 = tpu.vector_load_idx %arg11[%rem3A_1589] : memref<208xf32, #tpu.memory_space<vmem>>[vector<16xi32>], vector<16xf32>,
      %swap3A_1591 = arith.constant 208 : index
      %swap3A_1592 = tpu.vector_load %arg12[%swap3A_1591] {strides = array<i32>} : memref<400xf32, #tpu.memory_space<vmem>>, vector<16xf32>,
      tpu.vector_store %arg12[%swap3A_1591], %gather3A_1590 {strides = array<i32>} : memref<400xf32, #tpu.memory_space<vmem>>, vector<16xf32>,
      %add3A_1593 = arith.constant 224 : i32
      %add3A_1594 = vector.broadcast %add3A_1593 : i32 to vector<16xi32>
      %add3A_1595 = arith.addi %add3A_1594, %iota3A : vector<16xi32>
      %rem3A_1596 = arith.constant 200 : i32
      %rem3A_1597 = vector.broadcast %rem3A_1596 : i32 to vector<16xi32>
      %rem3A_1598 = arith.remsi %add3A_1595, %rem3A_1597 : vector<16xi32>
      %gather3A_1599 = tpu.vector_load_idx %arg11[%rem3A_1598] : memref<208xf32, #tpu.memory_space<vmem>>[vector<16xi32>], vector<16xf32>,
      %swap3A_1600 = arith.constant 224 : index
      %swap3A_1601 = tpu.vector_load %arg12[%swap3A_1600] {strides = array<i32>} : memref<400xf32, #tpu.memory_space<vmem>>, vector<16xf32>,
      tpu.vector_store %arg12[%swap3A_1600], %gather3A_1599 {strides = array<i32>} : memref<400xf32, #tpu.memory_space<vmem>>, vector<16xf32>,
      %add3A_1602 = arith.constant 240 : i32
      %add3A_1603 = vector.broadcast %add3A_1602 : i32 to vector<16xi32>
      %add3A_1604 = arith.addi %add3A_1603, %iota3A : vector<16xi32>
      %rem3A_1605 = arith.constant 200 : i32
      %rem3A_1606 = vector.broadcast %rem3A_1605 : i32 to vector<16xi32>
      %rem3A_1607 = arith.remsi %add3A_1604, %rem3A_1606 : vector<16xi32>
      %gather3A_1608 = tpu.vector_load_idx %arg11[%rem3A_1607] : memref<208xf32, #tpu.memory_space<vmem>>[vector<16xi32>], vector<16xf32>,
      %swap3A_1609 = arith.constant 240 : index
      %swap3A_1610 = tpu.vector_load %arg12[%swap3A_1609] {strides = array<i32>} : memref<400xf32, #tpu.memory_space<vmem>>, vector<16xf32>,
      tpu.vector_store %arg12[%swap3A_1609], %gather3A_1608 {strides = array<i32>} : memref<400xf32, #tpu.memory_space<vmem>>, vector<16xf32>,
      %add3A_1611 = arith.constant 256 : i32
      %add3A_1612 = vector.broadcast %add3A_1611 : i32 to vector<16xi32>
      %add3A_1613 = arith.addi %add3A_1612, %iota3A : vector<16xi32>
      %rem3A_1614 = arith.constant 200 : i32
      %rem3A_1615 = vector.broadcast %rem3A_1614 : i32 to vector<16xi32>
      %rem3A_1616 = arith.remsi %add3A_1613, %rem3A_1615 : vector<16xi32>
      %gather3A_1617 = tpu.vector_load_idx %arg11[%rem3A_1616] : memref<208xf32, #tpu.memory_space<vmem>>[vector<16xi32>], vector<16xf32>,
      %swap3A_1618 = arith.constant 256 : index
      %swap3A_1619 = tpu.vector_load %arg12[%swap3A_1618] {strides = array<i32>} : memref<400xf32, #tpu.memory_space<vmem>>, vector<16xf32>,
      tpu.vector_store %arg12[%swap3A_1618], %gather3A_1617 {strides = array<i32>} : memref<400xf32, #tpu.memory_space<vmem>>, vector<16xf32>,
      %add3A_1620 = arith.constant 272 : i32
      %add3A_1621 = vector.broadcast %add3A_1620 : i32 to vector<16xi32>
      %add3A_1622 = arith.addi %add3A_1621, %iota3A : vector<16xi32>
      %rem3A_1623 = arith.constant 200 : i32
      %rem3A_1624 = vector.broadcast %rem3A_1623 : i32 to vector<16xi32>
      %rem3A_1625 = arith.remsi %add3A_1622, %rem3A_1624 : vector<16xi32>
      %gather3A_1626 = tpu.vector_load_idx %arg11[%rem3A_1625] : memref<208xf32, #tpu.memory_space<vmem>>[vector<16xi32>], vector<16xf32>,
      %swap3A_1627 = arith.constant 272 : index
      %swap3A_1628 = tpu.vector_load %arg12[%swap3A_1627] {strides = array<i32>} : memref<400xf32, #tpu.memory_space<vmem>>, vector<16xf32>,
      tpu.vector_store %arg12[%swap3A_1627], %gather3A_1626 {strides = array<i32>} : memref<400xf32, #tpu.memory_space<vmem>>, vector<16xf32>,
      %add3A_1629 = arith.constant 288 : i32
      %add3A_1630 = vector.broadcast %add3A_1629 : i32 to vector<16xi32>
      %add3A_1631 = arith.addi %add3A_1630, %iota3A : vector<16xi32>
      %rem3A_1632 = arith.constant 200 : i32
      %rem3A_1633 = vector.broadcast %rem3A_1632 : i32 to vector<16xi32>
      %rem3A_1634 = arith.remsi %add3A_1631, %rem3A_1633 : vector<16xi32>
      %gather3A_1635 = tpu.vector_load_idx %arg11[%rem3A_1634] : memref<208xf32, #tpu.memory_space<vmem>>[vector<16xi32>], vector<16xf32>,
      %swap3A_1636 = arith.constant 288 : index
      %swap3A_1637 = tpu.vector_load %arg12[%swap3A_1636] {strides = array<i32>} : memref<400xf32, #tpu.memory_space<vmem>>, vector<16xf32>,
      tpu.vector_store %arg12[%swap3A_1636], %gather3A_1635 {strides = array<i32>} : memref<400xf32, #tpu.memory_space<vmem>>, vector<16xf32>,
      %add3A_1638 = arith.constant 304 : i32
      %add3A_1639 = vector.broadcast %add3A_1638 : i32 to vector<16xi32>
      %add3A_1640 = arith.addi %add3A_1639, %iota3A : vector<16xi32>
      %rem3A_1641 = arith.constant 200 : i32
      %rem3A_1642 = vector.broadcast %rem3A_1641 : i32 to vector<16xi32>
      %rem3A_1643 = arith.remsi %add3A_1640, %rem3A_1642 : vector<16xi32>
      %gather3A_1644 = tpu.vector_load_idx %arg11[%rem3A_1643] : memref<208xf32, #tpu.memory_space<vmem>>[vector<16xi32>], vector<16xf32>,
      %swap3A_1645 = arith.constant 304 : index
      %swap3A_1646 = tpu.vector_load %arg12[%swap3A_1645] {strides = array<i32>} : memref<400xf32, #tpu.memory_space<vmem>>, vector<16xf32>,
      tpu.vector_store %arg12[%swap3A_1645], %gather3A_1644 {strides = array<i32>} : memref<400xf32, #tpu.memory_space<vmem>>, vector<16xf32>,
      %add3A_1647 = arith.constant 320 : i32
      %add3A_1648 = vector.broadcast %add3A_1647 : i32 to vector<16xi32>
      %add3A_1649 = arith.addi %add3A_1648, %iota3A : vector<16xi32>
      %rem3A_1650 = arith.constant 200 : i32
      %rem3A_1651 = vector.broadcast %rem3A_1650 : i32 to vector<16xi32>
      %rem3A_1652 = arith.remsi %add3A_1649, %rem3A_1651 : vector<16xi32>
      %gather3A_1653 = tpu.vector_load_idx %arg11[%rem3A_1652] : memref<208xf32, #tpu.memory_space<vmem>>[vector<16xi32>], vector<16xf32>,
      %swap3A_1654 = arith.constant 320 : index
      %swap3A_1655 = tpu.vector_load %arg12[%swap3A_1654] {strides = array<i32>} : memref<400xf32, #tpu.memory_space<vmem>>, vector<16xf32>,
      tpu.vector_store %arg12[%swap3A_1654], %gather3A_1653 {strides = array<i32>} : memref<400xf32, #tpu.memory_space<vmem>>, vector<16xf32>,
      %add3A_1656 = arith.constant 336 : i32
      %add3A_1657 = vector.broadcast %add3A_1656 : i32 to vector<16xi32>
      %add3A_1658 = arith.addi %add3A_1657, %iota3A : vector<16xi32>
      %rem3A_1659 = arith.constant 200 : i32
      %rem3A_1660 = vector.broadcast %rem3A_1659 : i32 to vector<16xi32>
      %rem3A_1661 = arith.remsi %add3A_1658, %rem3A_1660 : vector<16xi32>
      %gather3A_1662 = tpu.vector_load_idx %arg11[%rem3A_1661] : memref<208xf32, #tpu.memory_space<vmem>>[vector<16xi32>], vector<16xf32>,
      %swap3A_1663 = arith.constant 336 : index
      %swap3A_1664 = tpu.vector_load %arg12[%swap3A_1663] {strides = array<i32>} : memref<400xf32, #tpu.memory_space<vmem>>, vector<16xf32>,
      tpu.vector_store %arg12[%swap3A_1663], %gather3A_1662 {strides = array<i32>} : memref<400xf32, #tpu.memory_space<vmem>>, vector<16xf32>,
      %add3A_1665 = arith.constant 352 : i32
      %add3A_1666 = vector.broadcast %add3A_1665 : i32 to vector<16xi32>
      %add3A_1667 = arith.addi %add3A_1666, %iota3A : vector<16xi32>
      %rem3A_1668 = arith.constant 200 : i32
      %rem3A_1669 = vector.broadcast %rem3A_1668 : i32 to vector<16xi32>
      %rem3A_1670 = arith.remsi %add3A_1667, %rem3A_1669 : vector<16xi32>
      %gather3A_1671 = tpu.vector_load_idx %arg11[%rem3A_1670] : memref<208xf32, #tpu.memory_space<vmem>>[vector<16xi32>], vector<16xf32>,
      %swap3A_1672 = arith.constant 352 : index
      %swap3A_1673 = tpu.vector_load %arg12[%swap3A_1672] {strides = array<i32>} : memref<400xf32, #tpu.memory_space<vmem>>, vector<16xf32>,
      tpu.vector_store %arg12[%swap3A_1672], %gather3A_1671 {strides = array<i32>} : memref<400xf32, #tpu.memory_space<vmem>>, vector<16xf32>,
      %add3A_1674 = arith.constant 368 : i32
      %add3A_1675 = vector.broadcast %add3A_1674 : i32 to vector<16xi32>
      %add3A_1676 = arith.addi %add3A_1675, %iota3A : vector<16xi32>
      %rem3A_1677 = arith.constant 200 : i32
      %rem3A_1678 = vector.broadcast %rem3A_1677 : i32 to vector<16xi32>
      %rem3A_1679 = arith.remsi %add3A_1676, %rem3A_1678 : vector<16xi32>
      %gather3A_1680 = tpu.vector_load_idx %arg11[%rem3A_1679] : memref<208xf32, #tpu.memory_space<vmem>>[vector<16xi32>], vector<16xf32>,
      %swap3A_1681 = arith.constant 368 : index
      %swap3A_1682 = tpu.vector_load %arg12[%swap3A_1681] {strides = array<i32>} : memref<400xf32, #tpu.memory_space<vmem>>, vector<16xf32>,
      tpu.vector_store %arg12[%swap3A_1681], %gather3A_1680 {strides = array<i32>} : memref<400xf32, #tpu.memory_space<vmem>>, vector<16xf32>,
      %add3A_1683 = arith.constant 384 : i32
      %add3A_1684 = vector.broadcast %add3A_1683 : i32 to vector<16xi32>
      %add3A_1685 = arith.addi %add3A_1684, %iota3A : vector<16xi32>
      %rem3A_1686 = arith.constant 200 : i32
      %rem3A_1687 = vector.broadcast %rem3A_1686 : i32 to vector<16xi32>
      %rem3A_1688 = arith.remsi %add3A_1685, %rem3A_1687 : vector<16xi32>
      %gather3A_1689 = tpu.vector_load_idx %arg11[%rem3A_1688] : memref<208xf32, #tpu.memory_space<vmem>>[vector<16xi32>], vector<16xf32>,
      %swap3A_1690 = arith.constant 384 : index
      %swap3A_1691 = tpu.vector_load %arg12[%swap3A_1690] {strides = array<i32>} : memref<400xf32, #tpu.memory_space<vmem>>, vector<16xf32>,
      tpu.vector_store %arg12[%swap3A_1690], %gather3A_1689 {strides = array<i32>} : memref<400xf32, #tpu.memory_space<vmem>>, vector<16xf32>,
      %lt3A_1692 = arith.constant 8 : i32
      %lt3A_1693 = vector.broadcast %lt3A_1692 : i32 to vector<16xi32>
      %lt3A_1694 = arith.cmpi slt, %iota3A, %lt3A_1693 : vector<16xi32>
      %parallel_loop3A_1695 = arith.constant 0 : i32
      %parallel_loop3A_1696 = arith.constant 32 : i32
      %parallel_loop3A_1697 = arith.constant 1 : i32
      scf.for %parallel_loop3A_1699 = %parallel_loop3A_1695 to %parallel_loop3A_1696 step %parallel_loop3A_1697  : i32 {
        %parallel_loop3A_1700 = arith.constant 25 : i32
        %parallel_loop3A_1701 = arith.muli %parallel_loop3A_1700, %parallel_loop3A_1699 : i32
        %parallel_loop3A_1702 = arith.constant 0 : i32
        %parallel_loop3A_1703 = arith.addi %parallel_loop3A_1701, %parallel_loop3A_1702 : i32
        %parallel_loop3A_1704 = arith.constant 2 : i32
        %parallel_loop3A_1705 = arith.shrui %parallel_loop3A_1703, %parallel_loop3A_1704 : i32
        %parallel_loop3A_1706 = arith.constant 3 : i32
        %parallel_loop3A_1707 = arith.andi %parallel_loop3A_1703, %parallel_loop3A_1706 : i32
        %parallel_loop3A_1708 = arith.constant 16 : i32
        %parallel_loop3A_1709 = arith.muli %parallel_loop3A_1707, %parallel_loop3A_1708 : i32
        %parallel_loop3A_1710 = arith.index_cast %parallel_loop3A_1705 : i32 to index
        %parallel_loop3A_1711 = arith.index_cast %parallel_loop3A_1709 : i32 to index
        %parallel_loop3A_1712 = tpu.vector_load %arg8[%parallel_loop3A_1710, %parallel_loop3A_1711] {strides = array<i32>} : memref<200x64xf32, #tpu.memory_space<vmem>>, vector<16xf32>,
        %parallel_loop3A_1713 = arith.constant 0 : index
        %parallel_loop3A_1714 = tpu.vector_load %arg12[%parallel_loop3A_1713] {strides = array<i32>} : memref<400xf32, #tpu.memory_space<vmem>>, vector<16xf32>,
        %parallel_loop3A_1715 = arith.mulf %parallel_loop3A_1712, %parallel_loop3A_1714 : vector<16xf32>
        %parallel_loop3A_1716 = arith.addf %broadcast_in_dim3A_900, %parallel_loop3A_1715 : vector<16xf32>
        %parallel_loop3A_1717 = arith.constant 1 : i32
        %parallel_loop3A_1718 = arith.addi %parallel_loop3A_1701, %parallel_loop3A_1717 : i32
        %parallel_loop3A_1719 = arith.constant 2 : i32
        %parallel_loop3A_1720 = arith.shrui %parallel_loop3A_1718, %parallel_loop3A_1719 : i32
        %parallel_loop3A_1721 = arith.constant 3 : i32
        %parallel_loop3A_1722 = arith.andi %parallel_loop3A_1718, %parallel_loop3A_1721 : i32
        %parallel_loop3A_1723 = arith.constant 16 : i32
        %parallel_loop3A_1724 = arith.muli %parallel_loop3A_1722, %parallel_loop3A_1723 : i32
        %parallel_loop3A_1725 = arith.index_cast %parallel_loop3A_1720 : i32 to index
        %parallel_loop3A_1726 = arith.index_cast %parallel_loop3A_1724 : i32 to index
        %parallel_loop3A_1727 = tpu.vector_load %arg8[%parallel_loop3A_1725, %parallel_loop3A_1726] {strides = array<i32>} : memref<200x64xf32, #tpu.memory_space<vmem>>, vector<16xf32>,
        %parallel_loop3A_1728 = arith.constant 16 : index
        %parallel_loop3A_1729 = tpu.vector_load %arg12[%parallel_loop3A_1728] {strides = array<i32>} : memref<400xf32, #tpu.memory_space<vmem>>, vector<16xf32>,
        %parallel_loop3A_1730 = arith.mulf %parallel_loop3A_1727, %parallel_loop3A_1729 : vector<16xf32>
        %parallel_loop3A_1731 = arith.addf %broadcast_in_dim3A_900, %parallel_loop3A_1730 : vector<16xf32>
        %parallel_loop3A_1732 = arith.constant 2 : i32
        %parallel_loop3A_1733 = arith.addi %parallel_loop3A_1701, %parallel_loop3A_1732 : i32
        %parallel_loop3A_1734 = arith.constant 2 : i32
        %parallel_loop3A_1735 = arith.shrui %parallel_loop3A_1733, %parallel_loop3A_1734 : i32
        %parallel_loop3A_1736 = arith.constant 3 : i32
        %parallel_loop3A_1737 = arith.andi %parallel_loop3A_1733, %parallel_loop3A_1736 : i32
        %parallel_loop3A_1738 = arith.constant 16 : i32
        %parallel_loop3A_1739 = arith.muli %parallel_loop3A_1737, %parallel_loop3A_1738 : i32
        %parallel_loop3A_1740 = arith.index_cast %parallel_loop3A_1735 : i32 to index
        %parallel_loop3A_1741 = arith.index_cast %parallel_loop3A_1739 : i32 to index
        %parallel_loop3A_1742 = tpu.vector_load %arg8[%parallel_loop3A_1740, %parallel_loop3A_1741] {strides = array<i32>} : memref<200x64xf32, #tpu.memory_space<vmem>>, vector<16xf32>,
        %parallel_loop3A_1743 = arith.constant 32 : index
        %parallel_loop3A_1744 = tpu.vector_load %arg12[%parallel_loop3A_1743] {strides = array<i32>} : memref<400xf32, #tpu.memory_space<vmem>>, vector<16xf32>,
        %parallel_loop3A_1745 = arith.mulf %parallel_loop3A_1742, %parallel_loop3A_1744 : vector<16xf32>
        %parallel_loop3A_1746 = arith.addf %parallel_loop3A_1716, %parallel_loop3A_1745 : vector<16xf32>
        %parallel_loop3A_1747 = arith.constant 3 : i32
        %parallel_loop3A_1748 = arith.addi %parallel_loop3A_1701, %parallel_loop3A_1747 : i32
        %parallel_loop3A_1749 = arith.constant 2 : i32
        %parallel_loop3A_1750 = arith.shrui %parallel_loop3A_1748, %parallel_loop3A_1749 : i32
        %parallel_loop3A_1751 = arith.constant 3 : i32
        %parallel_loop3A_1752 = arith.andi %parallel_loop3A_1748, %parallel_loop3A_1751 : i32
        %parallel_loop3A_1753 = arith.constant 16 : i32
        %parallel_loop3A_1754 = arith.muli %parallel_loop3A_1752, %parallel_loop3A_1753 : i32
        %parallel_loop3A_1755 = arith.index_cast %parallel_loop3A_1750 : i32 to index
        %parallel_loop3A_1756 = arith.index_cast %parallel_loop3A_1754 : i32 to index
        %parallel_loop3A_1757 = tpu.vector_load %arg8[%parallel_loop3A_1755, %parallel_loop3A_1756] {strides = array<i32>} : memref<200x64xf32, #tpu.memory_space<vmem>>, vector<16xf32>,
        %parallel_loop3A_1758 = arith.constant 48 : index
        %parallel_loop3A_1759 = tpu.vector_load %arg12[%parallel_loop3A_1758] {strides = array<i32>} : memref<400xf32, #tpu.memory_space<vmem>>, vector<16xf32>,
        %parallel_loop3A_1760 = arith.mulf %parallel_loop3A_1757, %parallel_loop3A_1759 : vector<16xf32>
        %parallel_loop3A_1761 = arith.addf %parallel_loop3A_1731, %parallel_loop3A_1760 : vector<16xf32>
        %parallel_loop3A_1762 = arith.constant 4 : i32
        %parallel_loop3A_1763 = arith.addi %parallel_loop3A_1701, %parallel_loop3A_1762 : i32
        %parallel_loop3A_1764 = arith.constant 2 : i32
        %parallel_loop3A_1765 = arith.shrui %parallel_loop3A_1763, %parallel_loop3A_1764 : i32
        %parallel_loop3A_1766 = arith.constant 3 : i32
        %parallel_loop3A_1767 = arith.andi %parallel_loop3A_1763, %parallel_loop3A_1766 : i32
        %parallel_loop3A_1768 = arith.constant 16 : i32
        %parallel_loop3A_1769 = arith.muli %parallel_loop3A_1767, %parallel_loop3A_1768 : i32
        %parallel_loop3A_1770 = arith.index_cast %parallel_loop3A_1765 : i32 to index
        %parallel_loop3A_1771 = arith.index_cast %parallel_loop3A_1769 : i32 to index
        %parallel_loop3A_1772 = tpu.vector_load %arg8[%parallel_loop3A_1770, %parallel_loop3A_1771] {strides = array<i32>} : memref<200x64xf32, #tpu.memory_space<vmem>>, vector<16xf32>,
        %parallel_loop3A_1773 = arith.constant 64 : index
        %parallel_loop3A_1774 = tpu.vector_load %arg12[%parallel_loop3A_1773] {strides = array<i32>} : memref<400xf32, #tpu.memory_space<vmem>>, vector<16xf32>,
        %parallel_loop3A_1775 = arith.mulf %parallel_loop3A_1772, %parallel_loop3A_1774 : vector<16xf32>
        %parallel_loop3A_1776 = arith.addf %parallel_loop3A_1746, %parallel_loop3A_1775 : vector<16xf32>
        %parallel_loop3A_1777 = arith.constant 5 : i32
        %parallel_loop3A_1778 = arith.addi %parallel_loop3A_1701, %parallel_loop3A_1777 : i32
        %parallel_loop3A_1779 = arith.constant 2 : i32
        %parallel_loop3A_1780 = arith.shrui %parallel_loop3A_1778, %parallel_loop3A_1779 : i32
        %parallel_loop3A_1781 = arith.constant 3 : i32
        %parallel_loop3A_1782 = arith.andi %parallel_loop3A_1778, %parallel_loop3A_1781 : i32
        %parallel_loop3A_1783 = arith.constant 16 : i32
        %parallel_loop3A_1784 = arith.muli %parallel_loop3A_1782, %parallel_loop3A_1783 : i32
        %parallel_loop3A_1785 = arith.index_cast %parallel_loop3A_1780 : i32 to index
        %parallel_loop3A_1786 = arith.index_cast %parallel_loop3A_1784 : i32 to index
        %parallel_loop3A_1787 = tpu.vector_load %arg8[%parallel_loop3A_1785, %parallel_loop3A_1786] {strides = array<i32>} : memref<200x64xf32, #tpu.memory_space<vmem>>, vector<16xf32>,
        %parallel_loop3A_1788 = arith.constant 80 : index
        %parallel_loop3A_1789 = tpu.vector_load %arg12[%parallel_loop3A_1788] {strides = array<i32>} : memref<400xf32, #tpu.memory_space<vmem>>, vector<16xf32>,
        %parallel_loop3A_1790 = arith.mulf %parallel_loop3A_1787, %parallel_loop3A_1789 : vector<16xf32>
        %parallel_loop3A_1791 = arith.addf %parallel_loop3A_1761, %parallel_loop3A_1790 : vector<16xf32>
        %parallel_loop3A_1792 = arith.constant 6 : i32
        %parallel_loop3A_1793 = arith.addi %parallel_loop3A_1701, %parallel_loop3A_1792 : i32
        %parallel_loop3A_1794 = arith.constant 2 : i32
        %parallel_loop3A_1795 = arith.shrui %parallel_loop3A_1793, %parallel_loop3A_1794 : i32
        %parallel_loop3A_1796 = arith.constant 3 : i32
        %parallel_loop3A_1797 = arith.andi %parallel_loop3A_1793, %parallel_loop3A_1796 : i32
        %parallel_loop3A_1798 = arith.constant 16 : i32
        %parallel_loop3A_1799 = arith.muli %parallel_loop3A_1797, %parallel_loop3A_1798 : i32
        %parallel_loop3A_1800 = arith.index_cast %parallel_loop3A_1795 : i32 to index
        %parallel_loop3A_1801 = arith.index_cast %parallel_loop3A_1799 : i32 to index
        %parallel_loop3A_1802 = tpu.vector_load %arg8[%parallel_loop3A_1800, %parallel_loop3A_1801] {strides = array<i32>} : memref<200x64xf32, #tpu.memory_space<vmem>>, vector<16xf32>,
        %parallel_loop3A_1803 = arith.constant 96 : index
        %parallel_loop3A_1804 = tpu.vector_load %arg12[%parallel_loop3A_1803] {strides = array<i32>} : memref<400xf32, #tpu.memory_space<vmem>>, vector<16xf32>,
        %parallel_loop3A_1805 = arith.mulf %parallel_loop3A_1802, %parallel_loop3A_1804 : vector<16xf32>
        %parallel_loop3A_1806 = arith.addf %parallel_loop3A_1776, %parallel_loop3A_1805 : vector<16xf32>
        %parallel_loop3A_1807 = arith.constant 7 : i32
        %parallel_loop3A_1808 = arith.addi %parallel_loop3A_1701, %parallel_loop3A_1807 : i32
        %parallel_loop3A_1809 = arith.constant 2 : i32
        %parallel_loop3A_1810 = arith.shrui %parallel_loop3A_1808, %parallel_loop3A_1809 : i32
        %parallel_loop3A_1811 = arith.constant 3 : i32
        %parallel_loop3A_1812 = arith.andi %parallel_loop3A_1808, %parallel_loop3A_1811 : i32
        %parallel_loop3A_1813 = arith.constant 16 : i32
        %parallel_loop3A_1814 = arith.muli %parallel_loop3A_1812, %parallel_loop3A_1813 : i32
        %parallel_loop3A_1815 = arith.index_cast %parallel_loop3A_1810 : i32 to index
        %parallel_loop3A_1816 = arith.index_cast %parallel_loop3A_1814 : i32 to index
        %parallel_loop3A_1817 = tpu.vector_load %arg8[%parallel_loop3A_1815, %parallel_loop3A_1816] {strides = array<i32>} : memref<200x64xf32, #tpu.memory_space<vmem>>, vector<16xf32>,
        %parallel_loop3A_1818 = arith.constant 112 : index
        %parallel_loop3A_1819 = tpu.vector_load %arg12[%parallel_loop3A_1818] {strides = array<i32>} : memref<400xf32, #tpu.memory_space<vmem>>, vector<16xf32>,
        %parallel_loop3A_1820 = arith.mulf %parallel_loop3A_1817, %parallel_loop3A_1819 : vector<16xf32>
        %parallel_loop3A_1821 = arith.addf %parallel_loop3A_1791, %parallel_loop3A_1820 : vector<16xf32>
        %parallel_loop3A_1822 = arith.constant 8 : i32
        %parallel_loop3A_1823 = arith.addi %parallel_loop3A_1701, %parallel_loop3A_1822 : i32
        %parallel_loop3A_1824 = arith.constant 2 : i32
        %parallel_loop3A_1825 = arith.shrui %parallel_loop3A_1823, %parallel_loop3A_1824 : i32
        %parallel_loop3A_1826 = arith.constant 3 : i32
        %parallel_loop3A_1827 = arith.andi %parallel_loop3A_1823, %parallel_loop3A_1826 : i32
        %parallel_loop3A_1828 = arith.constant 16 : i32
        %parallel_loop3A_1829 = arith.muli %parallel_loop3A_1827, %parallel_loop3A_1828 : i32
        %parallel_loop3A_1830 = arith.index_cast %parallel_loop3A_1825 : i32 to index
        %parallel_loop3A_1831 = arith.index_cast %parallel_loop3A_1829 : i32 to index
        %parallel_loop3A_1832 = tpu.vector_load %arg8[%parallel_loop3A_1830, %parallel_loop3A_1831] {strides = array<i32>} : memref<200x64xf32, #tpu.memory_space<vmem>>, vector<16xf32>,
        %parallel_loop3A_1833 = arith.constant 128 : index
        %parallel_loop3A_1834 = tpu.vector_load %arg12[%parallel_loop3A_1833] {strides = array<i32>} : memref<400xf32, #tpu.memory_space<vmem>>, vector<16xf32>,
        %parallel_loop3A_1835 = arith.mulf %parallel_loop3A_1832, %parallel_loop3A_1834 : vector<16xf32>
        %parallel_loop3A_1836 = arith.addf %parallel_loop3A_1806, %parallel_loop3A_1835 : vector<16xf32>
        %parallel_loop3A_1837 = arith.constant 9 : i32
        %parallel_loop3A_1838 = arith.addi %parallel_loop3A_1701, %parallel_loop3A_1837 : i32
        %parallel_loop3A_1839 = arith.constant 2 : i32
        %parallel_loop3A_1840 = arith.shrui %parallel_loop3A_1838, %parallel_loop3A_1839 : i32
        %parallel_loop3A_1841 = arith.constant 3 : i32
        %parallel_loop3A_1842 = arith.andi %parallel_loop3A_1838, %parallel_loop3A_1841 : i32
        %parallel_loop3A_1843 = arith.constant 16 : i32
        %parallel_loop3A_1844 = arith.muli %parallel_loop3A_1842, %parallel_loop3A_1843 : i32
        %parallel_loop3A_1845 = arith.index_cast %parallel_loop3A_1840 : i32 to index
        %parallel_loop3A_1846 = arith.index_cast %parallel_loop3A_1844 : i32 to index
        %parallel_loop3A_1847 = tpu.vector_load %arg8[%parallel_loop3A_1845, %parallel_loop3A_1846] {strides = array<i32>} : memref<200x64xf32, #tpu.memory_space<vmem>>, vector<16xf32>,
        %parallel_loop3A_1848 = arith.constant 144 : index
        %parallel_loop3A_1849 = tpu.vector_load %arg12[%parallel_loop3A_1848] {strides = array<i32>} : memref<400xf32, #tpu.memory_space<vmem>>, vector<16xf32>,
        %parallel_loop3A_1850 = arith.mulf %parallel_loop3A_1847, %parallel_loop3A_1849 : vector<16xf32>
        %parallel_loop3A_1851 = arith.addf %parallel_loop3A_1821, %parallel_loop3A_1850 : vector<16xf32>
        %parallel_loop3A_1852 = arith.constant 10 : i32
        %parallel_loop3A_1853 = arith.addi %parallel_loop3A_1701, %parallel_loop3A_1852 : i32
        %parallel_loop3A_1854 = arith.constant 2 : i32
        %parallel_loop3A_1855 = arith.shrui %parallel_loop3A_1853, %parallel_loop3A_1854 : i32
        %parallel_loop3A_1856 = arith.constant 3 : i32
        %parallel_loop3A_1857 = arith.andi %parallel_loop3A_1853, %parallel_loop3A_1856 : i32
        %parallel_loop3A_1858 = arith.constant 16 : i32
        %parallel_loop3A_1859 = arith.muli %parallel_loop3A_1857, %parallel_loop3A_1858 : i32
        %parallel_loop3A_1860 = arith.index_cast %parallel_loop3A_1855 : i32 to index
        %parallel_loop3A_1861 = arith.index_cast %parallel_loop3A_1859 : i32 to index
        %parallel_loop3A_1862 = tpu.vector_load %arg8[%parallel_loop3A_1860, %parallel_loop3A_1861] {strides = array<i32>} : memref<200x64xf32, #tpu.memory_space<vmem>>, vector<16xf32>,
        %parallel_loop3A_1863 = arith.constant 160 : index
        %parallel_loop3A_1864 = tpu.vector_load %arg12[%parallel_loop3A_1863] {strides = array<i32>} : memref<400xf32, #tpu.memory_space<vmem>>, vector<16xf32>,
        %parallel_loop3A_1865 = arith.mulf %parallel_loop3A_1862, %parallel_loop3A_1864 : vector<16xf32>
        %parallel_loop3A_1866 = arith.addf %parallel_loop3A_1836, %parallel_loop3A_1865 : vector<16xf32>
        %parallel_loop3A_1867 = arith.constant 11 : i32
        %parallel_loop3A_1868 = arith.addi %parallel_loop3A_1701, %parallel_loop3A_1867 : i32
        %parallel_loop3A_1869 = arith.constant 2 : i32
        %parallel_loop3A_1870 = arith.shrui %parallel_loop3A_1868, %parallel_loop3A_1869 : i32
        %parallel_loop3A_1871 = arith.constant 3 : i32
        %parallel_loop3A_1872 = arith.andi %parallel_loop3A_1868, %parallel_loop3A_1871 : i32
        %parallel_loop3A_1873 = arith.constant 16 : i32
        %parallel_loop3A_1874 = arith.muli %parallel_loop3A_1872, %parallel_loop3A_1873 : i32
        %parallel_loop3A_1875 = arith.index_cast %parallel_loop3A_1870 : i32 to index
        %parallel_loop3A_1876 = arith.index_cast %parallel_loop3A_1874 : i32 to index
        %parallel_loop3A_1877 = tpu.vector_load %arg8[%parallel_loop3A_1875, %parallel_loop3A_1876] {strides = array<i32>} : memref<200x64xf32, #tpu.memory_space<vmem>>, vector<16xf32>,
        %parallel_loop3A_1878 = arith.constant 176 : index
        %parallel_loop3A_1879 = tpu.vector_load %arg12[%parallel_loop3A_1878] {strides = array<i32>} : memref<400xf32, #tpu.memory_space<vmem>>, vector<16xf32>,
        %parallel_loop3A_1880 = arith.mulf %parallel_loop3A_1877, %parallel_loop3A_1879 : vector<16xf32>
        %parallel_loop3A_1881 = arith.addf %parallel_loop3A_1851, %parallel_loop3A_1880 : vector<16xf32>
        %parallel_loop3A_1882 = arith.constant 12 : i32
        %parallel_loop3A_1883 = arith.addi %parallel_loop3A_1701, %parallel_loop3A_1882 : i32
        %parallel_loop3A_1884 = arith.constant 2 : i32
        %parallel_loop3A_1885 = arith.shrui %parallel_loop3A_1883, %parallel_loop3A_1884 : i32
        %parallel_loop3A_1886 = arith.constant 3 : i32
        %parallel_loop3A_1887 = arith.andi %parallel_loop3A_1883, %parallel_loop3A_1886 : i32
        %parallel_loop3A_1888 = arith.constant 16 : i32
        %parallel_loop3A_1889 = arith.muli %parallel_loop3A_1887, %parallel_loop3A_1888 : i32
        %parallel_loop3A_1890 = arith.index_cast %parallel_loop3A_1885 : i32 to index
        %parallel_loop3A_1891 = arith.index_cast %parallel_loop3A_1889 : i32 to index
        %parallel_loop3A_1892 = tpu.vector_load %arg8[%parallel_loop3A_1890, %parallel_loop3A_1891] {strides = array<i32>} : memref<200x64xf32, #tpu.memory_space<vmem>>, vector<16xf32>,
        %parallel_loop3A_1893 = arith.constant 192 : index
        %parallel_loop3A_1894 = tpu.vector_load %arg12[%parallel_loop3A_1893] {strides = array<i32>} : memref<400xf32, #tpu.memory_space<vmem>>, vector<16xf32>,
        %parallel_loop3A_1895 = arith.mulf %parallel_loop3A_1892, %parallel_loop3A_1894 : vector<16xf32>
        %parallel_loop3A_1896 = arith.constant 0.000000e+00 : f32
        %parallel_loop3A_1897 = vector.broadcast %parallel_loop3A_1896 : f32 to vector<16xf32>
        %parallel_loop3A_1898 = arith.select %lt3A_1694, %parallel_loop3A_1895, %parallel_loop3A_1897 : vector<16xi1>, vector<16xf32>
        %parallel_loop3A_1899 = arith.addf %parallel_loop3A_1866, %parallel_loop3A_1898 : vector<16xf32>
        %parallel_loop3A_1900 = arith.constant 0.000000e+00 : f32
        %parallel_loop3A_1901 = vector.broadcast %parallel_loop3A_1900 : f32 to vector<16xf32>
        %parallel_loop3A_1902 = arith.select %lt3A_1694, %parallel_loop3A_1901, %parallel_loop3A_1895 : vector<16xi1>, vector<16xf32>
        %parallel_loop3A_1903 = arith.addf %broadcast_in_dim3A_900, %parallel_loop3A_1902 : vector<16xf32>
        %parallel_loop3A_1904 = arith.constant 13 : i32
        %parallel_loop3A_1905 = arith.addi %parallel_loop3A_1701, %parallel_loop3A_1904 : i32
        %parallel_loop3A_1906 = arith.constant 2 : i32
        %parallel_loop3A_1907 = arith.shrui %parallel_loop3A_1905, %parallel_loop3A_1906 : i32
        %parallel_loop3A_1908 = arith.constant 3 : i32
        %parallel_loop3A_1909 = arith.andi %parallel_loop3A_1905, %parallel_loop3A_1908 : i32
        %parallel_loop3A_1910 = arith.constant 16 : i32
        %parallel_loop3A_1911 = arith.muli %parallel_loop3A_1909, %parallel_loop3A_1910 : i32
        %parallel_loop3A_1912 = arith.index_cast %parallel_loop3A_1907 : i32 to index
        %parallel_loop3A_1913 = arith.index_cast %parallel_loop3A_1911 : i32 to index
        %parallel_loop3A_1914 = tpu.vector_load %arg8[%parallel_loop3A_1912, %parallel_loop3A_1913] {strides = array<i32>} : memref<200x64xf32, #tpu.memory_space<vmem>>, vector<16xf32>,
        %parallel_loop3A_1915 = arith.constant 208 : index
        %parallel_loop3A_1916 = tpu.vector_load %arg12[%parallel_loop3A_1915] {strides = array<i32>} : memref<400xf32, #tpu.memory_space<vmem>>, vector<16xf32>,
        %parallel_loop3A_1917 = arith.mulf %parallel_loop3A_1914, %parallel_loop3A_1916 : vector<16xf32>
        %parallel_loop3A_1918 = arith.addf %broadcast_in_dim3A_900, %parallel_loop3A_1917 : vector<16xf32>
        %parallel_loop3A_1919 = arith.constant 14 : i32
        %parallel_loop3A_1920 = arith.addi %parallel_loop3A_1701, %parallel_loop3A_1919 : i32
        %parallel_loop3A_1921 = arith.constant 2 : i32
        %parallel_loop3A_1922 = arith.shrui %parallel_loop3A_1920, %parallel_loop3A_1921 : i32
        %parallel_loop3A_1923 = arith.constant 3 : i32
        %parallel_loop3A_1924 = arith.andi %parallel_loop3A_1920, %parallel_loop3A_1923 : i32
        %parallel_loop3A_1925 = arith.constant 16 : i32
        %parallel_loop3A_1926 = arith.muli %parallel_loop3A_1924, %parallel_loop3A_1925 : i32
        %parallel_loop3A_1927 = arith.index_cast %parallel_loop3A_1922 : i32 to index
        %parallel_loop3A_1928 = arith.index_cast %parallel_loop3A_1926 : i32 to index
        %parallel_loop3A_1929 = tpu.vector_load %arg8[%parallel_loop3A_1927, %parallel_loop3A_1928] {strides = array<i32>} : memref<200x64xf32, #tpu.memory_space<vmem>>, vector<16xf32>,
        %parallel_loop3A_1930 = arith.constant 224 : index
        %parallel_loop3A_1931 = tpu.vector_load %arg12[%parallel_loop3A_1930] {strides = array<i32>} : memref<400xf32, #tpu.memory_space<vmem>>, vector<16xf32>,
        %parallel_loop3A_1932 = arith.mulf %parallel_loop3A_1929, %parallel_loop3A_1931 : vector<16xf32>
        %parallel_loop3A_1933 = arith.addf %parallel_loop3A_1903, %parallel_loop3A_1932 : vector<16xf32>
        %parallel_loop3A_1934 = arith.constant 15 : i32
        %parallel_loop3A_1935 = arith.addi %parallel_loop3A_1701, %parallel_loop3A_1934 : i32
        %parallel_loop3A_1936 = arith.constant 2 : i32
        %parallel_loop3A_1937 = arith.shrui %parallel_loop3A_1935, %parallel_loop3A_1936 : i32
        %parallel_loop3A_1938 = arith.constant 3 : i32
        %parallel_loop3A_1939 = arith.andi %parallel_loop3A_1935, %parallel_loop3A_1938 : i32
        %parallel_loop3A_1940 = arith.constant 16 : i32
        %parallel_loop3A_1941 = arith.muli %parallel_loop3A_1939, %parallel_loop3A_1940 : i32
        %parallel_loop3A_1942 = arith.index_cast %parallel_loop3A_1937 : i32 to index
        %parallel_loop3A_1943 = arith.index_cast %parallel_loop3A_1941 : i32 to index
        %parallel_loop3A_1944 = tpu.vector_load %arg8[%parallel_loop3A_1942, %parallel_loop3A_1943] {strides = array<i32>} : memref<200x64xf32, #tpu.memory_space<vmem>>, vector<16xf32>,
        %parallel_loop3A_1945 = arith.constant 240 : index
        %parallel_loop3A_1946 = tpu.vector_load %arg12[%parallel_loop3A_1945] {strides = array<i32>} : memref<400xf32, #tpu.memory_space<vmem>>, vector<16xf32>,
        %parallel_loop3A_1947 = arith.mulf %parallel_loop3A_1944, %parallel_loop3A_1946 : vector<16xf32>
        %parallel_loop3A_1948 = arith.addf %parallel_loop3A_1918, %parallel_loop3A_1947 : vector<16xf32>
        %parallel_loop3A_1949 = arith.constant 16 : i32
        %parallel_loop3A_1950 = arith.addi %parallel_loop3A_1701, %parallel_loop3A_1949 : i32
        %parallel_loop3A_1951 = arith.constant 2 : i32
        %parallel_loop3A_1952 = arith.shrui %parallel_loop3A_1950, %parallel_loop3A_1951 : i32
        %parallel_loop3A_1953 = arith.constant 3 : i32
        %parallel_loop3A_1954 = arith.andi %parallel_loop3A_1950, %parallel_loop3A_1953 : i32
        %parallel_loop3A_1955 = arith.constant 16 : i32
        %parallel_loop3A_1956 = arith.muli %parallel_loop3A_1954, %parallel_loop3A_1955 : i32
        %parallel_loop3A_1957 = arith.index_cast %parallel_loop3A_1952 : i32 to index
        %parallel_loop3A_1958 = arith.index_cast %parallel_loop3A_1956 : i32 to index
        %parallel_loop3A_1959 = tpu.vector_load %arg8[%parallel_loop3A_1957, %parallel_loop3A_1958] {strides = array<i32>} : memref<200x64xf32, #tpu.memory_space<vmem>>, vector<16xf32>,
        %parallel_loop3A_1960 = arith.constant 256 : index
        %parallel_loop3A_1961 = tpu.vector_load %arg12[%parallel_loop3A_1960] {strides = array<i32>} : memref<400xf32, #tpu.memory_space<vmem>>, vector<16xf32>,
        %parallel_loop3A_1962 = arith.mulf %parallel_loop3A_1959, %parallel_loop3A_1961 : vector<16xf32>
        %parallel_loop3A_1963 = arith.addf %parallel_loop3A_1933, %parallel_loop3A_1962 : vector<16xf32>
        %parallel_loop3A_1964 = arith.constant 17 : i32
        %parallel_loop3A_1965 = arith.addi %parallel_loop3A_1701, %parallel_loop3A_1964 : i32
        %parallel_loop3A_1966 = arith.constant 2 : i32
        %parallel_loop3A_1967 = arith.shrui %parallel_loop3A_1965, %parallel_loop3A_1966 : i32
        %parallel_loop3A_1968 = arith.constant 3 : i32
        %parallel_loop3A_1969 = arith.andi %parallel_loop3A_1965, %parallel_loop3A_1968 : i32
        %parallel_loop3A_1970 = arith.constant 16 : i32
        %parallel_loop3A_1971 = arith.muli %parallel_loop3A_1969, %parallel_loop3A_1970 : i32
        %parallel_loop3A_1972 = arith.index_cast %parallel_loop3A_1967 : i32 to index
        %parallel_loop3A_1973 = arith.index_cast %parallel_loop3A_1971 : i32 to index
        %parallel_loop3A_1974 = tpu.vector_load %arg8[%parallel_loop3A_1972, %parallel_loop3A_1973] {strides = array<i32>} : memref<200x64xf32, #tpu.memory_space<vmem>>, vector<16xf32>,
        %parallel_loop3A_1975 = arith.constant 272 : index
        %parallel_loop3A_1976 = tpu.vector_load %arg12[%parallel_loop3A_1975] {strides = array<i32>} : memref<400xf32, #tpu.memory_space<vmem>>, vector<16xf32>,
        %parallel_loop3A_1977 = arith.mulf %parallel_loop3A_1974, %parallel_loop3A_1976 : vector<16xf32>
        %parallel_loop3A_1978 = arith.addf %parallel_loop3A_1948, %parallel_loop3A_1977 : vector<16xf32>
        %parallel_loop3A_1979 = arith.constant 18 : i32
        %parallel_loop3A_1980 = arith.addi %parallel_loop3A_1701, %parallel_loop3A_1979 : i32
        %parallel_loop3A_1981 = arith.constant 2 : i32
        %parallel_loop3A_1982 = arith.shrui %parallel_loop3A_1980, %parallel_loop3A_1981 : i32
        %parallel_loop3A_1983 = arith.constant 3 : i32
        %parallel_loop3A_1984 = arith.andi %parallel_loop3A_1980, %parallel_loop3A_1983 : i32
        %parallel_loop3A_1985 = arith.constant 16 : i32
        %parallel_loop3A_1986 = arith.muli %parallel_loop3A_1984, %parallel_loop3A_1985 : i32
        %parallel_loop3A_1987 = arith.index_cast %parallel_loop3A_1982 : i32 to index
        %parallel_loop3A_1988 = arith.index_cast %parallel_loop3A_1986 : i32 to index
        %parallel_loop3A_1989 = tpu.vector_load %arg8[%parallel_loop3A_1987, %parallel_loop3A_1988] {strides = array<i32>} : memref<200x64xf32, #tpu.memory_space<vmem>>, vector<16xf32>,
        %parallel_loop3A_1990 = arith.constant 288 : index
        %parallel_loop3A_1991 = tpu.vector_load %arg12[%parallel_loop3A_1990] {strides = array<i32>} : memref<400xf32, #tpu.memory_space<vmem>>, vector<16xf32>,
        %parallel_loop3A_1992 = arith.mulf %parallel_loop3A_1989, %parallel_loop3A_1991 : vector<16xf32>
        %parallel_loop3A_1993 = arith.addf %parallel_loop3A_1963, %parallel_loop3A_1992 : vector<16xf32>
        %parallel_loop3A_1994 = arith.constant 19 : i32
        %parallel_loop3A_1995 = arith.addi %parallel_loop3A_1701, %parallel_loop3A_1994 : i32
        %parallel_loop3A_1996 = arith.constant 2 : i32
        %parallel_loop3A_1997 = arith.shrui %parallel_loop3A_1995, %parallel_loop3A_1996 : i32
        %parallel_loop3A_1998 = arith.constant 3 : i32
        %parallel_loop3A_1999 = arith.andi %parallel_loop3A_1995, %parallel_loop3A_1998 : i32
        %parallel_loop3A_2000 = arith.constant 16 : i32
        %parallel_loop3A_2001 = arith.muli %parallel_loop3A_1999, %parallel_loop3A_2000 : i32
        %parallel_loop3A_2002 = arith.index_cast %parallel_loop3A_1997 : i32 to index
        %parallel_loop3A_2003 = arith.index_cast %parallel_loop3A_2001 : i32 to index
        %parallel_loop3A_2004 = tpu.vector_load %arg8[%parallel_loop3A_2002, %parallel_loop3A_2003] {strides = array<i32>} : memref<200x64xf32, #tpu.memory_space<vmem>>, vector<16xf32>,
        %parallel_loop3A_2005 = arith.constant 304 : index
        %parallel_loop3A_2006 = tpu.vector_load %arg12[%parallel_loop3A_2005] {strides = array<i32>} : memref<400xf32, #tpu.memory_space<vmem>>, vector<16xf32>,
        %parallel_loop3A_2007 = arith.mulf %parallel_loop3A_2004, %parallel_loop3A_2006 : vector<16xf32>
        %parallel_loop3A_2008 = arith.addf %parallel_loop3A_1978, %parallel_loop3A_2007 : vector<16xf32>
        %parallel_loop3A_2009 = arith.constant 20 : i32
        %parallel_loop3A_2010 = arith.addi %parallel_loop3A_1701, %parallel_loop3A_2009 : i32
        %parallel_loop3A_2011 = arith.constant 2 : i32
        %parallel_loop3A_2012 = arith.shrui %parallel_loop3A_2010, %parallel_loop3A_2011 : i32
        %parallel_loop3A_2013 = arith.constant 3 : i32
        %parallel_loop3A_2014 = arith.andi %parallel_loop3A_2010, %parallel_loop3A_2013 : i32
        %parallel_loop3A_2015 = arith.constant 16 : i32
        %parallel_loop3A_2016 = arith.muli %parallel_loop3A_2014, %parallel_loop3A_2015 : i32
        %parallel_loop3A_2017 = arith.index_cast %parallel_loop3A_2012 : i32 to index
        %parallel_loop3A_2018 = arith.index_cast %parallel_loop3A_2016 : i32 to index
        %parallel_loop3A_2019 = tpu.vector_load %arg8[%parallel_loop3A_2017, %parallel_loop3A_2018] {strides = array<i32>} : memref<200x64xf32, #tpu.memory_space<vmem>>, vector<16xf32>,
        %parallel_loop3A_2020 = arith.constant 320 : index
        %parallel_loop3A_2021 = tpu.vector_load %arg12[%parallel_loop3A_2020] {strides = array<i32>} : memref<400xf32, #tpu.memory_space<vmem>>, vector<16xf32>,
        %parallel_loop3A_2022 = arith.mulf %parallel_loop3A_2019, %parallel_loop3A_2021 : vector<16xf32>
        %parallel_loop3A_2023 = arith.addf %parallel_loop3A_1993, %parallel_loop3A_2022 : vector<16xf32>
        %parallel_loop3A_2024 = arith.constant 21 : i32
        %parallel_loop3A_2025 = arith.addi %parallel_loop3A_1701, %parallel_loop3A_2024 : i32
        %parallel_loop3A_2026 = arith.constant 2 : i32
        %parallel_loop3A_2027 = arith.shrui %parallel_loop3A_2025, %parallel_loop3A_2026 : i32
        %parallel_loop3A_2028 = arith.constant 3 : i32
        %parallel_loop3A_2029 = arith.andi %parallel_loop3A_2025, %parallel_loop3A_2028 : i32
        %parallel_loop3A_2030 = arith.constant 16 : i32
        %parallel_loop3A_2031 = arith.muli %parallel_loop3A_2029, %parallel_loop3A_2030 : i32
        %parallel_loop3A_2032 = arith.index_cast %parallel_loop3A_2027 : i32 to index
        %parallel_loop3A_2033 = arith.index_cast %parallel_loop3A_2031 : i32 to index
        %parallel_loop3A_2034 = tpu.vector_load %arg8[%parallel_loop3A_2032, %parallel_loop3A_2033] {strides = array<i32>} : memref<200x64xf32, #tpu.memory_space<vmem>>, vector<16xf32>,
        %parallel_loop3A_2035 = arith.constant 336 : index
        %parallel_loop3A_2036 = tpu.vector_load %arg12[%parallel_loop3A_2035] {strides = array<i32>} : memref<400xf32, #tpu.memory_space<vmem>>, vector<16xf32>,
        %parallel_loop3A_2037 = arith.mulf %parallel_loop3A_2034, %parallel_loop3A_2036 : vector<16xf32>
        %parallel_loop3A_2038 = arith.addf %parallel_loop3A_2008, %parallel_loop3A_2037 : vector<16xf32>
        %parallel_loop3A_2039 = arith.constant 22 : i32
        %parallel_loop3A_2040 = arith.addi %parallel_loop3A_1701, %parallel_loop3A_2039 : i32
        %parallel_loop3A_2041 = arith.constant 2 : i32
        %parallel_loop3A_2042 = arith.shrui %parallel_loop3A_2040, %parallel_loop3A_2041 : i32
        %parallel_loop3A_2043 = arith.constant 3 : i32
        %parallel_loop3A_2044 = arith.andi %parallel_loop3A_2040, %parallel_loop3A_2043 : i32
        %parallel_loop3A_2045 = arith.constant 16 : i32
        %parallel_loop3A_2046 = arith.muli %parallel_loop3A_2044, %parallel_loop3A_2045 : i32
        %parallel_loop3A_2047 = arith.index_cast %parallel_loop3A_2042 : i32 to index
        %parallel_loop3A_2048 = arith.index_cast %parallel_loop3A_2046 : i32 to index
        %parallel_loop3A_2049 = tpu.vector_load %arg8[%parallel_loop3A_2047, %parallel_loop3A_2048] {strides = array<i32>} : memref<200x64xf32, #tpu.memory_space<vmem>>, vector<16xf32>,
        %parallel_loop3A_2050 = arith.constant 352 : index
        %parallel_loop3A_2051 = tpu.vector_load %arg12[%parallel_loop3A_2050] {strides = array<i32>} : memref<400xf32, #tpu.memory_space<vmem>>, vector<16xf32>,
        %parallel_loop3A_2052 = arith.mulf %parallel_loop3A_2049, %parallel_loop3A_2051 : vector<16xf32>
        %parallel_loop3A_2053 = arith.addf %parallel_loop3A_2023, %parallel_loop3A_2052 : vector<16xf32>
        %parallel_loop3A_2054 = arith.constant 23 : i32
        %parallel_loop3A_2055 = arith.addi %parallel_loop3A_1701, %parallel_loop3A_2054 : i32
        %parallel_loop3A_2056 = arith.constant 2 : i32
        %parallel_loop3A_2057 = arith.shrui %parallel_loop3A_2055, %parallel_loop3A_2056 : i32
        %parallel_loop3A_2058 = arith.constant 3 : i32
        %parallel_loop3A_2059 = arith.andi %parallel_loop3A_2055, %parallel_loop3A_2058 : i32
        %parallel_loop3A_2060 = arith.constant 16 : i32
        %parallel_loop3A_2061 = arith.muli %parallel_loop3A_2059, %parallel_loop3A_2060 : i32
        %parallel_loop3A_2062 = arith.index_cast %parallel_loop3A_2057 : i32 to index
        %parallel_loop3A_2063 = arith.index_cast %parallel_loop3A_2061 : i32 to index
        %parallel_loop3A_2064 = tpu.vector_load %arg8[%parallel_loop3A_2062, %parallel_loop3A_2063] {strides = array<i32>} : memref<200x64xf32, #tpu.memory_space<vmem>>, vector<16xf32>,
        %parallel_loop3A_2065 = arith.constant 368 : index
        %parallel_loop3A_2066 = tpu.vector_load %arg12[%parallel_loop3A_2065] {strides = array<i32>} : memref<400xf32, #tpu.memory_space<vmem>>, vector<16xf32>,
        %parallel_loop3A_2067 = arith.mulf %parallel_loop3A_2064, %parallel_loop3A_2066 : vector<16xf32>
        %parallel_loop3A_2068 = arith.addf %parallel_loop3A_2038, %parallel_loop3A_2067 : vector<16xf32>
        %parallel_loop3A_2069 = arith.constant 24 : i32
        %parallel_loop3A_2070 = arith.addi %parallel_loop3A_1701, %parallel_loop3A_2069 : i32
        %parallel_loop3A_2071 = arith.constant 2 : i32
        %parallel_loop3A_2072 = arith.shrui %parallel_loop3A_2070, %parallel_loop3A_2071 : i32
        %parallel_loop3A_2073 = arith.constant 3 : i32
        %parallel_loop3A_2074 = arith.andi %parallel_loop3A_2070, %parallel_loop3A_2073 : i32
        %parallel_loop3A_2075 = arith.constant 16 : i32
        %parallel_loop3A_2076 = arith.muli %parallel_loop3A_2074, %parallel_loop3A_2075 : i32
        %parallel_loop3A_2077 = arith.index_cast %parallel_loop3A_2072 : i32 to index
        %parallel_loop3A_2078 = arith.index_cast %parallel_loop3A_2076 : i32 to index
        %parallel_loop3A_2079 = tpu.vector_load %arg8[%parallel_loop3A_2077, %parallel_loop3A_2078] {strides = array<i32>} : memref<200x64xf32, #tpu.memory_space<vmem>>, vector<16xf32>,
        %parallel_loop3A_2080 = arith.constant 384 : index
        %parallel_loop3A_2081 = tpu.vector_load %arg12[%parallel_loop3A_2080] {strides = array<i32>} : memref<400xf32, #tpu.memory_space<vmem>>, vector<16xf32>,
        %parallel_loop3A_2082 = arith.mulf %parallel_loop3A_2079, %parallel_loop3A_2081 : vector<16xf32>
        %parallel_loop3A_2083 = arith.addf %parallel_loop3A_2053, %parallel_loop3A_2082 : vector<16xf32>
        %parallel_loop3A_2084 = arith.addf %parallel_loop3A_1899, %parallel_loop3A_1881 : vector<16xf32>
        %parallel_loop3A_2085 = vector.shape_cast %xor3A_4 : vector<16xi32> to vector<16x1xi32>
        %parallel_loop3A_2086 = vector.shape_cast %parallel_loop3A_2085 : vector<16x1xi32> to vector<16xi32>
        %parallel_loop3A_2087 = tpu.dynamic_gather %parallel_loop3A_2084[%parallel_loop3A_2086] in [0] : vector<16xf32>, vector<16xi32> -> vector<16xf32>
        %parallel_loop3A_2088 = arith.addf %parallel_loop3A_2084, %parallel_loop3A_2087 : vector<16xf32>
        %parallel_loop3A_2089 = vector.shape_cast %xor3A_7 : vector<16xi32> to vector<16x1xi32>
        %parallel_loop3A_2090 = vector.shape_cast %parallel_loop3A_2089 : vector<16x1xi32> to vector<16xi32>
        %parallel_loop3A_2091 = tpu.dynamic_gather %parallel_loop3A_2088[%parallel_loop3A_2090] in [0] : vector<16xf32>, vector<16xi32> -> vector<16xf32>
        %parallel_loop3A_2092 = arith.addf %parallel_loop3A_2088, %parallel_loop3A_2091 : vector<16xf32>
        %parallel_loop3A_2093 = vector.shape_cast %xor3A_10 : vector<16xi32> to vector<16x1xi32>
        %parallel_loop3A_2094 = vector.shape_cast %parallel_loop3A_2093 : vector<16x1xi32> to vector<16xi32>
        %parallel_loop3A_2095 = tpu.dynamic_gather %parallel_loop3A_2092[%parallel_loop3A_2094] in [0] : vector<16xf32>, vector<16xi32> -> vector<16xf32>
        %parallel_loop3A_2096 = arith.addf %parallel_loop3A_2092, %parallel_loop3A_2095 : vector<16xf32>
        %parallel_loop3A_2097 = vector.shape_cast %xor3A_13 : vector<16xi32> to vector<16x1xi32>
        %parallel_loop3A_2098 = vector.shape_cast %parallel_loop3A_2097 : vector<16x1xi32> to vector<16xi32>
        %parallel_loop3A_2099 = tpu.dynamic_gather %parallel_loop3A_2096[%parallel_loop3A_2098] in [0] : vector<16xf32>, vector<16xi32> -> vector<16xf32>
        %parallel_loop3A_2100 = arith.addf %parallel_loop3A_2096, %parallel_loop3A_2099 : vector<16xf32>
        %parallel_loop3A_2101 = arith.addf %parallel_loop3A_2083, %parallel_loop3A_2068 : vector<16xf32>
        %parallel_loop3A_2102 = vector.shape_cast %xor3A_4 : vector<16xi32> to vector<16x1xi32>
        %parallel_loop3A_2103 = vector.shape_cast %parallel_loop3A_2102 : vector<16x1xi32> to vector<16xi32>
        %parallel_loop3A_2104 = tpu.dynamic_gather %parallel_loop3A_2101[%parallel_loop3A_2103] in [0] : vector<16xf32>, vector<16xi32> -> vector<16xf32>
        %parallel_loop3A_2105 = arith.addf %parallel_loop3A_2101, %parallel_loop3A_2104 : vector<16xf32>
        %parallel_loop3A_2106 = vector.shape_cast %xor3A_7 : vector<16xi32> to vector<16x1xi32>
        %parallel_loop3A_2107 = vector.shape_cast %parallel_loop3A_2106 : vector<16x1xi32> to vector<16xi32>
        %parallel_loop3A_2108 = tpu.dynamic_gather %parallel_loop3A_2105[%parallel_loop3A_2107] in [0] : vector<16xf32>, vector<16xi32> -> vector<16xf32>
        %parallel_loop3A_2109 = arith.addf %parallel_loop3A_2105, %parallel_loop3A_2108 : vector<16xf32>
        %parallel_loop3A_2110 = vector.shape_cast %xor3A_10 : vector<16xi32> to vector<16x1xi32>
        %parallel_loop3A_2111 = vector.shape_cast %parallel_loop3A_2110 : vector<16x1xi32> to vector<16xi32>
        %parallel_loop3A_2112 = tpu.dynamic_gather %parallel_loop3A_2109[%parallel_loop3A_2111] in [0] : vector<16xf32>, vector<16xi32> -> vector<16xf32>
        %parallel_loop3A_2113 = arith.addf %parallel_loop3A_2109, %parallel_loop3A_2112 : vector<16xf32>
        %parallel_loop3A_2114 = vector.shape_cast %xor3A_13 : vector<16xi32> to vector<16x1xi32>
        %parallel_loop3A_2115 = vector.shape_cast %parallel_loop3A_2114 : vector<16x1xi32> to vector<16xi32>
        %parallel_loop3A_2116 = tpu.dynamic_gather %parallel_loop3A_2113[%parallel_loop3A_2115] in [0] : vector<16xf32>, vector<16xi32> -> vector<16xf32>
        %parallel_loop3A_2117 = arith.addf %parallel_loop3A_2113, %parallel_loop3A_2116 : vector<16xf32>
        %parallel_loop3A_2118 = arith.constant 1 : i32
        %parallel_loop3A_2119 = vector.broadcast %parallel_loop3A_2118 : i32 to vector<16xi32>
        %parallel_loop3A_2120 = arith.cmpi slt, %iota3A, %parallel_loop3A_2119 : vector<16xi32>
        %parallel_loop3A_2121 = arith.select %parallel_loop3A_2120, %parallel_loop3A_2100, %parallel_loop3A_2117 : vector<16xi1>, vector<16xf32>
        %parallel_loop3A_2122 = arith.constant 0 : i32
        %parallel_loop3A_2123 = vector.broadcast %parallel_loop3A_2122 : i32 to vector<16xi32>
        %parallel_loop3A_2124 = arith.muli %iota3A, %parallel_loop3A_2123 : vector<16xi32>
        %parallel_loop3A_2125 = vector.broadcast %add3A_898 : i32 to vector<16xi32>
        %parallel_loop3A_2126 = arith.addi %parallel_loop3A_2124, %parallel_loop3A_2125 : vector<16xi32>
        %parallel_loop3A_2127 = arith.constant 2 : i32
        %parallel_loop3A_2128 = arith.muli %parallel_loop3A_2127, %parallel_loop3A_1699 : i32
        %parallel_loop3A_2129 = vector.broadcast %parallel_loop3A_2128 : i32 to vector<16xi32>
        %parallel_loop3A_2130 = arith.addi %parallel_loop3A_2129, %iota3A : vector<16xi32>
        %parallel_loop3A_2131 = arith.constant 2 : i32
        %parallel_loop3A_2132 = vector.broadcast %parallel_loop3A_2131 : i32 to vector<16xi32>
        %parallel_loop3A_2133 = arith.cmpi slt, %iota3A, %parallel_loop3A_2132 : vector<16xi32>
        tpu.vector_store_idx %arg13[%parallel_loop3A_2126, %parallel_loop3A_2130], %parallel_loop3A_2121 masked %parallel_loop3A_2133 : memref<128x64xf32, #tpu.memory_space<vmem>>[vector<16xi32>, vector<16xi32>], vector<16xf32>, vector<16xi1>
      } {sc.loop_unroll_factor = 1 : i64, sc.parallel_access}
      %scan3A_1698 = arith.constant 0 : i32
      scf.yield %scan3A_1698 : i32
    }
    %scan3A_42 = arith.constant 64 : i32
    "tpu.region"() ({
      %run_scoped3A = tpu.sem_alloc : memref<!tpu.dma_semaphore, #tpu.memory_space<semaphore_mem>>
      %dma_start3A_43 = arith.constant 0 : i32
      %dma_start3A_44 = tpu.memref_slice %arg5[%mul3A_2, %dma_start3A_43] : memref<4096x64xf32, #tpu.memory_space<hbm>> -> memref<128x64xf32, #tpu.memory_space<hbm>>
      %dma_start3A_45 = arith.constant 0 : i32
      %dma_start3A_46 = tpu.memref_slice %arg5[%mul3A_2, %dma_start3A_45] : memref<4096x64xf32, #tpu.memory_space<hbm>> -> memref<128x64xf32, #tpu.memory_space<hbm>>
      tpu.enqueue_dma source(%arg13 : memref<128x64xf32, #tpu.memory_space<vmem>>) target(%dma_start3A_46 : memref<128x64xf32, #tpu.memory_space<hbm>>) target_semaphore(%run_scoped3A : memref<!tpu.dma_semaphore, #tpu.memory_space<semaphore_mem>>)
      %dma_wait3A = arith.constant 0 : i32
      %dma_wait3A_47 = tpu.memref_slice %arg5[%mul3A_2, %dma_wait3A] : memref<4096x64xf32, #tpu.memory_space<hbm>> -> memref<128x64xf32, #tpu.memory_space<hbm>>
      %dma_wait3A_48 = arith.constant 0 : i32
      %dma_wait3A_49 = tpu.memref_slice %arg5[%mul3A_2, %dma_wait3A_48] : memref<4096x64xf32, #tpu.memory_space<hbm>> -> memref<128x64xf32, #tpu.memory_space<hbm>>
      tpu.wait_dma2 semaphore(%run_scoped3A : memref<!tpu.dma_semaphore, #tpu.memory_space<semaphore_mem>>) src(%arg13 : memref<128x64xf32, #tpu.memory_space<vmem>>) dst(%dma_wait3A_49 : memref<128x64xf32, #tpu.memory_space<hbm>>)
      tpu.yield
    }) : () -> ()
    return
  }
}

</mosaic_0001>

<sc_bundles>
// kernel: kernel.3.cloned.1.call-start
scs
__scs_entry_jumppad:
0x0: {  	(pc) =	sbr.rel $0x88, $3  }
0x1: {  	(tag) =	ssettag $0x0;
	lr =	simm.s32 $0x1  }
0x2: {  	[smem:$0x3F9E] =	sst lr;
	_ =	strace $0xD0000000  }
0x3: {  	_ = 	snop  }
0x4: {  	_ = 	snop  }
0x5: {  	_ = 	snop  }
0x6: {  	_ = 	snop  }
0x7: {  	_ = 	snop  }
__scs_overlays_trampoline_lowered:
0x8: {  	[smem:$0x3FAD] =	sst s0  }
0x9: {  	[smem:$0x3FAE] =	sst s1  }
0xa: {  	[smem:$0x3FAF] =	sst s2  }
0xb: {  	[smem:$0x3FB0] =	sst s3  }
0xc: {  	[smem:$0x3FB1] =	sst s4  }
0xd: {  	[smem:$0x3FB2] =	sst s5  }
0xe: {  	[smem:$0x3FB3] =	sst s6  }
0xf: {  	[smem:$0x3FB4] =	sst s7  }
0x10: {  	[smem:$0x3FB5] =	sst s8  }
0x11: {  	[smem:$0x3FB6] =	sst s9;
	s0 =	simm.s32 @!p0 $0x0  }
0x12: {  	s1 =	sld [smem:$0x3F9C];
	s0 =	simm.s32 @p0 $0x1  }
0x13: {  	[smem:$0x3FB7] =	sst s0;
	s0 =	simm.s32 @!p1 $0x0  }
0x14: {  	s2 =	sld [smem:$0x3F9B];
	s0 =	simm.s32 @p1 $0x1  }
0x15: {  	[smem:$0x3FB8] =	sst s0;
	s0 =	simm.s32 @!p2 $0x0  }
0x16: {  	s3 =	sld [smem:$0x3FDB];
	s0 =	simm.s32 @p2 $0x1  }
0x17: {  	s4 =	simm.s32 $0x1BF5;
	[smem:$0x3FBA] =	sst s0  }
0x18: {  	s0 =	sld [smem:$0x3F9D];
	_ =	swait.ge [sflag:s4], $0x0  }
0x19: {  	s7 =	sld [smem:$0x3F9E]  }
0x1a: {  	s8 =	sadd.s32 $0xFFFFE003, lr  }
0x1b: {  	s9 =	sadd.s32 $0xFFFFFEF7, lr;
	s5 =	simm.s32 $0xFFFFFFFF;
	p2 =	slt.u32 s8, $0xFFFFF086  }
0x1c: {  	p1 =	slt.u32 s9, $0xF7A;
	s5 =	simm.s32 @!p2 $0x0  }
0x1d: {  	s5 =	simm.s32 @p1 $0x1;
	p0 =	seq.s32 s7, s2  }
0x1e: {  	s7 =	smul.u32 @!p0 $0xF7A, s2;
	p2 =	seq.s32 @!p0 s5, $0x0  }
0x1f: {  	s9 =	smul.u32 $0xF7A, s1;
	s8 =	simm.s32 @!p0 $0x1BF5;
	p2 =	por !p2, p0  }
0x20: {  	[sflag:s8] =	ssyncset.s32 @!p0 $0xFFFFF086;
	s6 =	sadd.s32 @!p0 s3, s7;
	s7 =	simm.s32 @!p0 $0x108  }
0x21: {  	s3 =	sadd.s32 s3, s9;
	s6 =	sadd.s32 @!p0 $0x88, s6;
	s7 =	simm.s32 @p2 $0x1082  }
0x22: {  	[simem:s7], [sflag:s8] =	dma.local @!p0 [hbm:s6], $0xF7A  }
0x23: {  	s9 =	sor.u32 $0xD0000000, s2;
	s6 =	simm.s32 $0x108;
	_ =	swait.ge @!p0 [sflag:s8], $0x0  }
0x24: {  	s3 =	sadd.s32 $0x88, s3;
	s6 =	simm.s32 @!p1 $0x1082;
	[sflag:s4] =	ssyncset.s32 $0xFFFFF086  }
0x25: {  	[simem:s6], [sflag:s4] =	dma.local [hbm:s3], $0xF7A  }
0x26: {  	[smem:$0x3F9E] =	sst s1;
	(tag) =	ssettag s2;
	_ =	strace s9  }
0x27: {  	s1 =	sld [smem:$0x3FAE]  }
0x28: {  	s2 =	sld [smem:$0x3FAF]  }
0x29: {  	s4 =	sld [smem:$0x3FB1]  }
0x2a: {  	p0 =	seq.s32 s5, $0x0;
	s5 =	sld [smem:$0x3FB2]  }
0x2b: {  	s6 =	sld [smem:$0x3FB3]  }
0x2c: {  	s7 =	sld [smem:$0x3FB4]  }
0x2d: {  	s3 =	simm.s32 $0x108;
	s8 =	sld [smem:$0x3FB5]  }
0x2e: {  	s3 =	simm.s32 @!p0 $0x1082;
	s9 =	sld [smem:$0x3FB6]  }
0x2f: {  	lr =	sadd.s32 s0, s3;
	s0 =	sld [smem:$0x3FAD]  }
0x30: {  	s3 =	sld [smem:$0x3FB0]  }
0x31: {  	[smem:$0x3FB9] =	sst s10  }
0x32: {  	s10 =	sld [smem:$0x3FB7];
	_ =	sdelay $0x3  }
0x33: {  	p0 =	seq.s32 s10, $0x1;
	s10 =	sld [smem:$0x3FB9];
	_ =	sdelay $0x3  }
0x34: {  	[smem:$0x3FB9] =	sst s10  }
0x35: {  	s10 =	sld [smem:$0x3FB8];
	_ =	sdelay $0x3  }
0x36: {  	p1 =	seq.s32 s10, $0x1;
	s10 =	sld [smem:$0x3FB9];
	_ =	sdelay $0x3  }
0x37: {  	[smem:$0x3FB9] =	sst s10  }
0x38: {  	s10 =	sld [smem:$0x3FBA]  }
0x39: {  	_ = 	snop;
	(pc) =	sbr.ind lr, $3  }
0x3a: {  	_ = 	snop  }
0x3b: {  	_ = 	snop  }
0x3c: {  	p2 =	seq.s32 s10, $0x1;
	s10 =	sld [smem:$0x3FB9]  }
0x3d: {  	_ =	shalt  }
0x3e: {  	_ =	shalt  }
0x3f: {  	_ =	shalt  }
0x40: {  	_ =	shalt  }
0x41: {  	_ =	shalt  }
0x42: {  	_ =	shalt  }
0x43: {  	_ =	shalt  }
0x44: {  	_ =	shalt  }
0x45: {  	_ =	shalt  }
0x46: {  	_ =	shalt  }
0x47: {  	_ =	shalt  }
0x48: {  	_ =	shalt  }
0x49: {  	_ =	shalt  }
0x4a: {  	_ =	shalt  }
0x4b: {  	_ =	shalt  }
0x4c: {  	_ =	shalt  }
0x4d: {  	_ =	shalt  }
0x4e: {  	_ =	shalt  }
0x4f: {  	_ =	shalt  }
0x50: {  	_ =	shalt  }
0x51: {  	_ =	shalt  }
0x52: {  	_ =	shalt  }
0x53: {  	_ =	shalt  }
0x54: {  	_ =	shalt  }
0x55: {  	_ =	shalt  }
0x56: {  	_ =	shalt  }
0x57: {  	_ =	shalt  }
0x58: {  	_ =	shalt  }
0x59: {  	_ =	shalt  }
0x5a: {  	_ =	shalt  }
0x5b: {  	_ =	shalt  }
0x5c: {  	_ =	shalt  }
0x5d: {  	_ =	shalt  }
0x5e: {  	_ =	shalt  }
0x5f: {  	_ =	shalt  }
0x60: {  	_ =	shalt  }
0x61: {  	_ =	shalt  }
0x62: {  	_ =	shalt  }
0x63: {  	_ =	shalt  }
0x64: {  	_ =	shalt  }
0x65: {  	_ =	shalt  }
0x66: {  	_ =	shalt  }
0x67: {  	_ =	shalt  }
0x68: {  	_ =	shalt  }
0x69: {  	_ =	shalt  }
0x6a: {  	_ =	shalt  }
0x6b: {  	_ =	shalt  }
0x6c: {  	_ =	shalt  }
0x6d: {  	_ =	shalt  }
0x6e: {  	_ =	shalt  }
0x6f: {  	_ =	shalt  }
0x70: {  	_ =	shalt  }
0x71: {  	_ =	shalt  }
0x72: {  	_ =	shalt  }
0x73: {  	_ =	shalt  }
0x74: {  	_ =	shalt  }
0x75: {  	_ =	shalt  }
0x76: {  	_ =	shalt  }
0x77: {  	_ =	shalt  }
0x78: {  	_ =	shalt  }
0x79: {  	_ =	shalt  }
0x7a: {  	_ =	shalt  }
0x7b: {  	_ =	shalt  }
0x7c: {  	_ =	shalt  }
0x7d: {  	_ =	shalt  }
0x7e: {  	_ =	shalt  }
0x7f: {  	_ =	shalt  }
0x80: {  	_ =	shalt  }
0x81: {  	_ =	shalt  }
0x82: {  	_ =	shalt  }
0x83: {  	_ =	shalt  }
0x84: {  	_ =	shalt  }
0x85: {  	_ =	shalt  }
0x86: {  	_ =	shalt  }
0x87: {  	_ =	shalt  }
.Lfunc_end0:
.L_simem_size_0:
called_computation_lowered:
.L_overlay_start_0:
0x88: {  	s2 =	sld [smem:$0x3FD9]  }
0x89: {  	s3 =	sld [smem:$0x3FFE];
	_ =	sdelay $0x1  }
0x8a: {  	s1 =	srdreg.scid  }
0x8b: {  	s0 =	sand.u32 $0x1, s1  }
0x8c: {  	s17 =	sshll.u32 s0, $0xA;
	s2 =	sadd.s32 s3, s2  }
0x8d: {  	s2 =	sadd.s32 s2, s17  }
0x8e: {  	[smem:$0x3FC5] =	sst s2  }
0x8f: {  	_ = 	snop  }
0x90: {  	s2 =	sld [smem:$0x3FC7]  }
0x91: {  	s18 =	sld [smem:$0x3FD0];
	(tm) =	ssettm $0x1  }
0x92: {  	s4 =	sld [smem:$0x3FFB];
	_ =	sdelay $0x3  }
0x93: {  	_ =	strace s4  }
0x94: {  	s4 =	sld [smem:$0x3FFC];
	_ =	sdelay $0x3  }
0x95: {  	_ =	strace s4  }
0x96: {  	s4 =	sld [smem:$0x3FFD];
	_ =	sdelay $0x3  }
0x97: {  	_ =	strace s4  }
0x98: {  	_ =	strace $0x8FFFFFFF  }
0x99: {  	s19 =	sld [smem:$0x3FDB];
	_ =	sdelay $0x1  }
0x9a: {  	s5 =	simm.s32 $_scs_section_size  }
0x9b: {  	s6 =	simm.s32 $_size__tile_overlayer_lowered;
	s7 =	simm.s32 $_tile_overlayer_lowered  }
0x9c: {  	s22 =	simm.s32 $0x1BFF;
	s21 =	sshll.u32 s7, $0x1;
	s4 =	sadd.s32 s5, s19  }
0x9d: {  	s8 =	simm.s32 $0x0;
	s20 =	sshll.u32 s6, $0x1;
	s6 =	sadd.s32 s21, s4  }
0x9e: {  	[timem:s8], [sflag:s22] =	dma.local [hbm:s6], s20  }
0x9f: {  	_ =	swait.ge [sflag:s22], s20  }
0xa0: {  	s5 =	ssub.s32 $0x0, s20;
	[sflag:s22] =	ssyncset.done $0x0  }
0xa1: {  	[sflag:s22] =	ssyncadd.s32 s5;
	_ =	sdelay $0x1  }
0xa2: {  	s23 =	simm.s32 $0x1B8B  }
0xa3: {  	_ =	swait.ge [sflag:s23], $0x1  }
0xa4: {  	[sflag:s23] =	ssyncset.done $0x0  }
0xa5: {  	s25 =	simm.s32 $0x1B8E;
	s24 =	sld [smem:$0x3FFE];
	[sflag:s23] =	ssyncadd.s32 $0xFFFFFFFF  }
0xa6: {  	s26 =	simm.s32 $execute0_lowered;
	[smem:$0x3FD2] =	sst s25  }
0xa7: {  	s6 =	sshll.u32 s26, $0x1;
	_ =	strace $0x80000046;
	[dreg:$0x1] =	wrdreg $0xFFFFFFFF  }
0xa8: {  	s28 =	simm.s32 $_size_execute0_lowered;
	s4 =	sadd.s32 s4, s6;
	[dreg:$0x0] =	wrdreg $0x0  }
0xa9: {  	s6 =	sshll.u32 s28, $0x1;
	[dreg:$0x2] =	wrdreg s4  }
0xaa: {  	[dreg:$0x3] =	wrdreg s6  }
0xab: {  	[dreg:$0x4] =	wrdreg $0xC0  }
0xac: {  	_ =	task [dreg:s8], $0x5FFFF  }
0xad: {  	[dreg:$0x1] =	wrdreg $0xFFFFFFFF  }
0xae: {  	[dreg:$0x0] =	wrdreg $0x60  }
0xaf: {  	[dreg:$0x2] =	wrdreg s24  }
0xb0: {  	[dreg:$0x3] =	wrdreg s2  }
0xb1: {  	[dreg:$0x4] =	wrdreg s18  }
0xb2: {  	[dreg:$0x5] =	wrdreg $0x9  }
0xb3: {  	_ =	task.clear_ibuf [dreg:s8], $0x6FFFF;
	_ =	strace $0x90000046  }
0xb4: {  	s29 =	simm.s32 $0x9;
	_ =	strace $0x80000048  }
0xb5: {  	_ =	swait.ge [sflag:s29], $0x1  }
0xb6: {  	[sflag:s29] =	ssyncadd.s32 $0xFFFFFFFF  }
0xb7: {  	_ =	strace $0x90000048  }
0xb8: {  	_ =	sfence  }
0xb9: {  	s30 =	sld [smem:$0x0];
	_ =	sdelay $0x2  }
0xba: {  	s31 =	sshll.u32 s1, $0xD;
	s1 =	sshrl.u32 s1, $0x2  }
0xbb: {  	s3 =	sand.u32 $0x4000, s31;
	s1 =	sadd.s32 s1, s30  }
0xbc: {  	s0 =	sor.u32 s3, s0;
	s1 =	sshll.u32 s1, $0x11  }
0xbd: {  	s0 =	sor.u32 s1, s0  }
0xbe: {  	s0 =	sadd.s32 $0x8F2B, s0  }
0xbf: {  	[sflag:s0] =	ssyncadd.remote.s32 $0x1  }
0xc0: {  	_ =	sfence.sel $0xFFFF  }
0xc1: {  	[dreg:$0x0] =	wrdreg $0xFFFFFFFF;
	(pc) =	sbr.abs _section_cstart, $3  }
0xc2: {  	[dreg:$0x1] =	wrdreg $0xFFFFFFFF  }
0xc3: {  	_ =	task.clear_ibuf [dreg:s8], $0x2FFFF;
	_ =	strace $0x9FFFFFFF  }
0xc4: {  	(tm) =	ssettm $0x7FFFFFFF  }
0xc5: {  	_ =	shalt  }
tec
execute0_lowered:
.L_overlay_start_1:
0x0: {  	(tag) =	ssettag $0x1  }
0x1: {  	v0 =	vlaneseq.u32  }
0x2: {  	v2 =	vimm.s32 $0xC7C6C5C4;
	vm1 =	vcmask $0x1F10;
	v4 =	vimm.s32 $0xEFCDAB89  }
0x3: {  	v5 =	vimm.s32 $0x67452301;
	v51 =	vimm.s32 $0xDCFE98BA;
	v52 =	vimm.s32 $0x54761032  }
0x4: {  	s1 =	srdreg.scid;
	v10 =	vimm.s32 $0xBA98FEDC;
	v11 =	vimm.s32 $0x32107654;
	v54 =	vimm.s32 $0xFEDCBA98  }
0x5: {  	s0 =	stileid.u32;
	v59 =	vadd.s32 $0xD8, v0;
	v60 =	vadd.s32 $0xE8, v0;
	v1 =	vadd.s32 $0x128, v0;
	s5 =	sand.u32 $0x1, s1  }
0x6: {  	v3 =	vadd.s32 $0x138, v0;
	v2 =	vunpack.c.0.s8.s32 v2;
	s2 =	sshll.u32 s0, $0x8;
	[tilespmem:$0x1FF20] =	vst v1;
	v1 =	vimm.s32 $0xC3C2C1C0;
	s3 =	sshll.u32 s5, $0x7  }
0x7: {  	s4 =	rddreg [dreg:$0x0];
	v4 =	vunpack.c.l.s4.s8 v4;
	v6 =	vadd.s32 $0x148, v0;
	[tilespmem:$0x1FF30] =	vst v3;
	v1 =	vunpack.c.0.s8.s32 v1;
	s7 =	sor.u32 s3, s2;
	s3 =	simm.s32 $0x0  }
0x8: {  	v7 =	vadd.s32 $0x158, v0;
	v55 =	vadd.s32 $0x168, v0;
	v3 =	vimm.s32 $0x76543210;
	[tilespmem:$0x1FF40] =	vst v6;
	[smem:$0x7FF] =	sst s3  }
0x9: {  	s6 =	rddreg [dreg:$0x2];
	v3 =	vunpack.c.l.s4.s8 v3;
	v1 =	vsel vm1, v2, v1;
	v2 =	vunpack.c.l.s4.s8 v5;
	_ =	strace $0x80000047;
	[tilespmem:$0x1FF50] =	vst v7  }
0xa: {  	v61 =	vadd.s32 $0xF8, v0;
	v62 =	vadd.s32 $0x108, v0;
	v57 =	vadd.s32 $0x178, v0;
	[tilespmem:$0x1FF70] =	vst v55  }
0xb: {  	v50 =	vunpack.c.0.s8.s32 v3;
	v3 =	vunpack.c.0.s8.s32 v4;
	[tilespmem:$0x1FF80] =	vst v57;
	v2 =	vunpack.c.0.s8.s32 v2  }
0xc: {  	s10 =	simm.s32 $0x80;
	s11 =	simm.s32 $0x6400;
	s12 =	simm.s32 $0x48;
	v63 =	vadd.s32 $0x118, v0;
	v4 =	vunpack.c.l.s4.s8 v51;
	v5 =	vunpack.c.l.s4.s8 v52;
	[tilespmem:$0x1FFB0] =	vst v59  }
0xd: {  	s13 =	simm.s32 $0x8400;
	s14 =	simm.s32 $0x9600;
	s15 =	simm.s32 $0xB600;
	v53 =	vunpack.c.l.s4.s8 v11;
	[tilespmem:$0x1FFC0] =	vst v60;
	v2 =	vcombine.low v2, v3;
	v3 =	vunpack.c.l.s4.s8 v10  }
0xe: {  	s16 =	simm.s32 $0x1;
	s17 =	simm.s32 $0xC8D0;
	s18 =	simm.s32 $0xCA70;
	v13 =	vunpack.c.l.s4.s8 v54;
	[tilespmem:$0x1FFD0] =	vst v61;
	v4 =	vunpack.c.0.s8.s32 v4;
	v5 =	vunpack.c.0.s8.s32 v5  }
0xf: {  	s19 =	simm.s32 $0xCCD0;
	s20 =	simm.s32 $0x2;
	s5 =	ssub.s32 $0x2, s5;
	[tilespmem:$0x1FFE0] =	vst v62;
	v1 =	vcombine.low v1, v50;
	v10 =	vunpack.c.0.s8.s32 v53;
	v3 =	vunpack.c.0.s8.s32 v3  }
0x10: {  	vm0 =	vmmov $0xff;
	s9 =	sshrl.u32 s5, $0x1;
	v56 =	vunpack.c.0.s8.s32 v13;
	s8 =	smul.u32 $0x19, s7;
	s7 =	sshll.u32 s7, $0x3;
	[tilespmem:$0x1FFF0] =	vst v63  }
0x11: {  	s21 =	simm.s32 $0x0;
	s9 =	ssub.s32 s5, s9;
	s6 =	sadd.s32 s6, s7;
	[tilespmem:$0x1FF60] =	vst v50;
	v4 =	vcombine.low v5, v4;
	v1 =	vand.u32 $0xFF, v1;
	v3 =	vcombine.low v10, v3  }
0x12: {  	v58 =	vadd.s32 $0xC8, v0;
	s7 =	smax.u32 s9, $0x1;
	s9 =	simm.s32 $0xC800;
	vm1 =	vmmov $0x1;
	s8 =	sadd.s32 s8, s4;
	[tilespmem:$0x1FF90] =	vst v1;
	v1 =	vand.u32 $0xF, v56  }
0x13: {  	s4 =	sadd.s32 $0xF42A00, s4;
	s5 =	sadd.s32 $0x600, s8;
	s8 =	simm.s32 $0x3;
	v15 =	vand.u32 $0xF, v2;
	v16 =	vand.u32 $0xF, v4;
	[tilespmem:$0x1FFA0] =	vst v1;
	v17 =	vand.u32 $0xF, v3  }
.LBB2_1:
0x14: {  	[tilespmem:s3], [sflag:$0x3] =	stream.linear.gather [hbm4b:s5+s3], $0x6400, $0x38;
	[tilespmem:$0xECD0] =	vst v63  }
0x15: {  	_ =	swait.ge [sflag:s8], $0x6400  }
0x16: {  	[sflag:s8] =	ssyncset.done $0x0  }
0x17: {  	[sflag:s8] =	ssyncadd.s32 $0xFFFF9C00  }
0x18: {  	s0 =	rddreg [dreg:$0x1]  }
0x19: {  	[tilespmem:s9], [sflag:$0x3] =	stream.linear.gather [hbm4b:s0+s3], $0xC8, $0x38;
	[tilespmem:$0xECD0] =	vst v63  }
0x1a: {  	_ =	swait.ge [sflag:s8], $0xC8  }
0x1b: {  	[sflag:s8] =	ssyncset.done $0x0  }
0x1c: {  	[sflag:s8] =	ssyncadd.s32 $0xFFFFFF38  }
0x1d: {  	v1 =	vld [tilespmem:$0xC8C0];
	_ =	sdelay $0x4  }
0x1e: {  	v1 =	vnsel vm0, $0x0, v1  }
0x1f: {  	[tilespmem:$0xC8C0] =	vst v1  }
0x20: {  	[tilespmem:s11], [sflag:$0x1] =	stream.indirect.gather [hbm4b:s4+s10], $0x40, s3, s10, $0xb8;
	[tilespmem:$0xECD0] =	vst v63  }
0x21: {  	s22 =	simm.s32 $0x0  }
0x22: {  	[tilespmem:s13], [sflag:$0x1] =	stream.indirect.gather [hbm4b:s4+s12], $0x40, s10, s12, $0xb8;
	[tilespmem:$0xECD0] =	vst v63  }
.LBB2_2:
0x23: {  	s23 =	sshllo.u32 s22, $0x1  }
0x24: {  	s24 =	smul.u32 $0x320, s23;
	_ =	sdelay $0x1  }
0x25: {  	s24 =	sshra.s32 s24, $0x2  }
0x26: {  	[tilespmem:s14], [sflag:$0x2] =	stream.indirect.gather [hbm4b:s4+s10], $0x40, s24, s10, $0xb8;
	[tilespmem:$0xECD0] =	vst v63  }
0x27: {  	s24 =	sadd.s32 $0x80, s24  }
0x28: {  	[tilespmem:s15], [sflag:$0x2] =	stream.indirect.gather [hbm4b:s4+s12], $0x40, s24, s12, $0xb8;
	[tilespmem:$0xECD0] =	vst v63  }
0x29: {  	_ =	swait.ge [sflag:s16], $0x2000  }
0x2a: {  	[sflag:s16] =	ssyncset.done $0x0  }
0x2b: {  	[sflag:s16] =	ssyncadd.s32 $0xFFFFE000  }
0x2c: {  	_ =	swait.ge [sflag:s16], $0x1200  }
0x2d: {  	s26 =	simm.s32 $0x170;
	[sflag:s16] =	ssyncset.done $0x0  }
0x2e: {  	s25 =	simm.s32 $0x160;
	s24 =	sand.u32 $0x7FF0, s26;
	[sflag:s16] =	ssyncadd.s32 $0xFFFFEE00  }
0x2f: {  	s25 =	sand.u32 $0x7FF0, s25;
	s26 =	simm.s32 $0x150;
	v1 =	vld [tilespmem:s24+$0x6400]  }
0x30: {  	s31 =	simm.s32 $0x130;
	s26 =	sand.u32 $0x7FF0, s26;
	v2 =	vld [tilespmem:s25+$0x6400]  }
0x31: {  	s0 =	simm.s32 $0x120;
	s24 =	sand.u32 $0x7FF0, s31;
	v3 =	vld [tilespmem:s26+$0x6400]  }
0x32: {  	s1 =	simm.s32 $0x110;
	s25 =	sand.u32 $0x7FF0, s0;
	v4 =	vld [tilespmem:s24+$0x6400]  }
0x33: {  	s2 =	simm.s32 $0xF0;
	s26 =	sand.u32 $0x7FF0, s1;
	v5 =	vld [tilespmem:s25+$0x6400]  }
0x34: {  	v20 =	vimm.f32 $0.0e+00;
	v23 =	vimm.f32 $0.0e+00;
	s0 =	simm.s32 $0xD0;
	s24 =	sand.u32 $0x7FF0, s2;
	v18 =	vld [tilespmem:s26+$0x6400]  }
0x35: {  	v25 =	vimm.f32 $0.0e+00;
	v24 =	vimm.f32 $0.0e+00;
	v26 =	vimm.f32 $0.0e+00;
	s1 =	simm.s32 $0xB0;
	s25 =	sand.u32 $0x7FF0, s0;
	v10 =	vld [tilespmem:s24+$0x6400]  }
0x36: {  	v27 =	vimm.f32 $0.0e+00;
	v29 =	vimm.f32 $0.0e+00;
	v30 =	vimm.f32 $0.0e+00;
	s31 =	simm.s32 $0xE0;
	s26 =	sand.u32 $0x7FF0, s1;
	v45 =	vld [tilespmem:s25+$0x6400]  }
0x37: {  	v33 =	vimm.f32 $0.0e+00;
	v31 =	vimm.f32 $0.0e+00;
	v35 =	vimm.f32 $0.0e+00;
	s2 =	simm.s32 $0xA0;
	s24 =	sand.u32 $0x7FF0, s31;
	v46 =	vld [tilespmem:s26+$0x6400]  }
0x38: {  	v37 =	vimm.f32 $0.0e+00;
	v39 =	vimm.f32 $0.0e+00;
	v40 =	vimm.f32 $0.0e+00;
	s0 =	simm.s32 $0x70;
	v44 =	vld [tilespmem:s24+$0x6400];
	s24 =	sand.u32 $0x7FF0, s2  }
0x39: {  	s30 =	simm.s32 $0x30;
	v42 =	vimm.f32 $0.0e+00;
	v28 =	vimm.f32 $0.0e+00;
	v43 =	vimm.f32 $0.0e+00;
	s26 =	sand.u32 $0x7FF0, s0;
	v50 =	vld [tilespmem:s24+$0x6400]  }
0x3a: {  	s28 =	simm.s32 $0x60;
	v41 =	vimm.f32 $0.0e+00;
	s31 =	simm.s32 $0x90;
	s2 =	sand.u32 $0x7FF0, s30;
	v1 =	vmul.f32 v1, v1;
	v49 =	vmul.f32 v18, v18;
	v18 =	vld [tilespmem:s26+$0x6400]  }
0x3b: {  	s29 =	simm.s32 $0x50;
	v38 =	vimm.f32 $0.0e+00;
	s28 =	sand.u32 $0x7FF0, s28;
	s25 =	sand.u32 $0x7FF0, s31;
	v2 =	vmul.f32 v2, v2;
	v47 =	vmul.f32 v4, v4;
	v4 =	vld [tilespmem:s2+$0x6400]  }
0x3c: {  	v36 =	vimm.f32 $0.0e+00;
	s1 =	sand.u32 $0x7FF0, s29;
	s29 =	simm.s32 $0x10;
	s31 =	simm.s32 $0x20;
	v3 =	vmul.f32 v3, v3;
	v19 =	vadd.f32 v1, v20;
	v1 =	vld [tilespmem:s25+$0x6400]  }
0x3d: {  	v34 =	vimm.f32 $0.0e+00;
	s30 =	simm.s32 $0x0;
	s24 =	sshll.u32 s22, $0x1;
	v48 =	vmul.f32 v5, v5;
	s26 =	simm.s32 $0x300;
	v21 =	vadd.f32 v2, v20;
	v2 =	vld [tilespmem:s28+$0x6400]  }
0x3e: {  	v32 =	vimm.f32 $0.0e+00;
	v10 =	vmul.f32 v10, v10;
	v22 =	vadd.f32 v3, v20;
	s25 =	simm.s32 $0x0;
	s28 =	sand.u32 $0x7FF0, s29;
	v3 =	vld [tilespmem:s1+$0x6400];
	s29 =	sand.u32 $0x7FF0, s31  }
.LBB2_3:
0x3f: {  	p0 =	sne.s32 s26, $0x31E0;
	s2 =	sand.u32 $0x30, s25;
	s30 =	sand.u32 $0x3FC0, s30;
	v5 =	vld [tilespmem:s29+$0x6400];
	v44 =	vmul.f32 v44, v44;
	v20 =	vadd.f32 v48, v20;
	v23 =	vadd.f32 v47, v23  }
0x40: {  	v45 =	vmul.f32 v45, v45;
	s2 =	sor.u32 s2, s30;
	v47 =	vld [tilespmem:s28+$0x6400];
	v25 =	vadd.f32 v10, v25;
	v24 =	vadd.f32 v49, v24  }
0x41: {  	v46 =	vmul.f32 v46, v46;
	v10 =	vmul.f32 v50, v50;
	v26 =	vadd.f32 v44, v26;
	v44 =	vld [tilespmem:s2+$0x6580]  }
0x42: {  	v1 =	vmul.f32 v1, v1;
	v18 =	vmul.f32 v18, v18;
	v27 =	vadd.f32 v45, v27;
	v48 =	vld [tilespmem:s2+$0x6400]  }
0x43: {  	v2 =	vmul.f32 v2, v2;
	v30 =	vadd.f32 v46, v30;
	v29 =	vadd.f32 v10, v29;
	v45 =	vld [tilespmem:s2+$0x6440]  }
0x44: {  	v31 =	vadd.f32 v1, v31;
	v3 =	vmul.f32 v3, v3;
	v33 =	vadd.f32 v18, v33;
	v10 =	vld [tilespmem:s2+$0x6480]  }
0x45: {  	v4 =	vmul.f32 v4, v4;
	v35 =	vadd.f32 v2, v35;
	v1 =	vmul.f32 v5, v5;
	v2 =	vld [tilespmem:s2+$0x64C0]  }
0x46: {  	v37 =	vadd.f32 v3, v37;
	v5 =	vmul.f32 v47, v47;
	v3 =	vld [tilespmem:s2+$0x6500];
	v18 =	vmul.f32 v44, v44  }
0x47: {  	s29 =	sand.u32 $0x7FF0, s26;
	s28 =	sadd.s32 $0xFFFFFFF0, s26;
	v40 =	vadd.f32 v4, v40;
	v39 =	vadd.f32 v1, v39;
	v44 =	vmul.f32 v48, v48;
	v1 =	vld [tilespmem:s2+$0x6540]  }
0x48: {  	s28 =	sand.u32 $0x7FF0, s28;
	s2 =	sadd.s32 $0xFFFFFFE0, s26;
	v42 =	vadd.f32 v5, v42;
	v4 =	vld [tilespmem:s29+$0x6400];
	v5 =	vmul.f32 v45, v45;
	v28 =	vadd.f32 v18, v28  }
0x49: {  	s29 =	sadd.s32 $0xFFFFFFC0, s26;
	s2 =	sand.u32 $0x7FF0, s2;
	v47 =	vld [tilespmem:s28+$0x6400];
	v43 =	vadd.f32 v44, v43;
	v10 =	vmul.f32 v10, v10  }
0x4a: {  	s28 =	sadd.s32 $0xFFFFFFB0, s26;
	s29 =	sand.u32 $0x7FF0, s29;
	v48 =	vld [tilespmem:s2+$0x6400];
	v41 =	vadd.f32 v5, v41;
	v2 =	vmul.f32 v2, v2  }
0x4b: {  	s2 =	sadd.s32 $0xFFFFFFA0, s26;
	s28 =	sand.u32 $0x7FF0, s28;
	v5 =	vld [tilespmem:s29+$0x6400];
	v38 =	vadd.f32 v10, v38;
	v3 =	vmul.f32 v3, v3  }
0x4c: {  	s29 =	sadd.s32 $0xFFFFFF80, s26;
	s2 =	sand.u32 $0x7FF0, s2;
	v10 =	vld [tilespmem:s28+$0x6400];
	v36 =	vadd.f32 v2, v36;
	v1 =	vmul.f32 v1, v1  }
0x4d: {  	s28 =	sadd.s32 $0xFFFFFF70, s26;
	s29 =	sand.u32 $0x7FF0, s29;
	v49 =	vld [tilespmem:s2+$0x6400];
	v34 =	vadd.f32 v3, v34  }
0x4e: {  	s2 =	sadd.s32 $0xFFFFFF60, s26;
	s28 =	sand.u32 $0x7FF0, s28;
	v51 =	vld [tilespmem:s29+$0x6400];
	v32 =	vadd.f32 v1, v32  }
0x4f: {  	s29 =	sadd.s32 $0xFFFFFF40, s26;
	s2 =	sand.u32 $0x7FF0, s2;
	v44 =	vld [tilespmem:s28+$0x6400]  }
0x50: {  	s28 =	sadd.s32 $0xFFFFFF30, s26;
	s29 =	sand.u32 $0x7FF0, s29;
	v45 =	vld [tilespmem:s2+$0x6400]  }
0x51: {  	s2 =	sadd.s32 $0xFFFFFF20, s26;
	s28 =	sand.u32 $0x7FF0, s28;
	v46 =	vld [tilespmem:s29+$0x6400]  }
0x52: {  	s30 =	sadd.s32 $0xFFFFFEF0, s26;
	s29 =	sadd.s32 $0xFFFFFF00, s26;
	s2 =	sand.u32 $0x7FF0, s2;
	v50 =	vld [tilespmem:s28+$0x6400]  }
.Ltmp0:
0x53: {  	v3 =	vmul.f32 v4, v4;
	s28 =	sadd.s32 $0xFFFFFEE0, s26;
	s29 =	sand.u32 $0x7FF0, s29;
	v1 =	vld [tilespmem:s2+$0x6400];
	(pc) =	sbr.rel @p0 .LBB2_3-.Ltmp0, $4  }
0x54: {  	v4 =	vmul.f32 v47, v47;
	s2 =	sand.u32 $0x7FF0, s28;
	s28 =	sand.u32 $0x7FF0, s30;
	v18 =	vld [tilespmem:s29+$0x6400]  }
0x55: {  	s31 =	sadd.s32 $0xFFFFFEC0, s26;
	v52 =	vmul.f32 v48, v48;
	v19 =	vadd.f32 v3, v19;
	s30 =	sadd.s32 $0xFFFFFEB0, s26;
	s29 =	sadd.s32 $0xFFFFFEA0, s26;
	v2 =	vld [tilespmem:s28+$0x6400]  }
0x56: {  	s31 =	sand.u32 $0x7FF0, s31;
	v47 =	vmul.f32 v5, v5;
	v21 =	vadd.f32 v4, v21;
	v48 =	vmul.f32 v10, v10;
	s28 =	sand.u32 $0x7FF0, s29;
	s29 =	sand.u32 $0x7FF0, s30;
	v3 =	vld [tilespmem:s2+$0x6400]  }
0x57: {  	s25 =	sadd.s32 $0x10, s25;
	v22 =	vadd.f32 v52, v22;
	v49 =	vmul.f32 v49, v49;
	v10 =	vmul.f32 v51, v51;
	s30 =	sadd.s32 $0xFFFFFE90, s26;
	s26 =	sadd.s32 $0x190, s26;
	v4 =	vld [tilespmem:s31+$0x6400]  }
0x58: {  	s2 =	sand.u32 $0x30, s25;
	s1 =	sand.u32 $0x3FC0, s30;
	v51 =	vld [tilespmem:s28+$0x6400]  }
0x59: {  	v52 =	vld [tilespmem:s29+$0x6400];
	s2 =	sor.u32 s2, s1  }
0x5a: {  	v5 =	vld [tilespmem:s2+$0x6400];
	_ =	sdelay $0x1  }
0x5b: {  	v53 =	vld [tilespmem:s2+$0x6580]  }
0x5c: {  	v54 =	vld [tilespmem:s2+$0x6440];
	v51 =	vmul.f32 v51, v51  }
0x5d: {  	v55 =	vld [tilespmem:s2+$0x6480];
	v52 =	vmul.f32 v52, v52  }
0x5e: {  	v56 =	vld [tilespmem:s2+$0x64C0];
	v4 =	vmul.f32 v4, v4;
	v5 =	vmul.f32 v5, v5;
	v42 =	vadd.f32 v51, v42  }
0x5f: {  	v57 =	vld [tilespmem:s2+$0x6500];
	v3 =	vmul.f32 v3, v3;
	v39 =	vadd.f32 v52, v39  }
0x60: {  	v2 =	vmul.f32 v2, v2;
	v4 =	vadd.f32 v4, v40;
	v5 =	vadd.f32 v5, v43;
	v43 =	vld [tilespmem:s2+$0x6540];
	[tilespmem:$0xC8E0] =	vst v42  }
0x61: {  	v18 =	vmul.f32 v18, v18;
	v3 =	vadd.f32 v3, v37;
	[tilespmem:$0xC8F0] =	vst v39  }
0x62: {  	v1 =	vmul.f32 v1, v1;
	v2 =	vadd.f32 v2, v35;
	[tilespmem:$0xC900] =	vst v4  }
0x63: {  	v18 =	vadd.f32 v18, v33;
	[tilespmem:$0xC920] =	vst v3  }
0x64: {  	v1 =	vadd.f32 v1, v31;
	[tilespmem:$0xC930] =	vst v2  }
0x65: {  	[tilespmem:$0xC940] =	vst v18  }
0x66: {  	[tilespmem:$0xC960] =	vst v1  }
0x67: {  	v54 =	vmul.f32 v54, v54;
	[tilespmem:$0xCA20] =	vst v22  }
0x68: {  	v4 =	vmul.f32 v55, v55;
	[tilespmem:$0xCA30] =	vst v21  }
0x69: {  	v54 =	vadd.f32 v54, v41;
	v3 =	vmul.f32 v50, v50;
	[tilespmem:$0xCA40] =	vst v19  }
0x6a: {  	v2 =	vmul.f32 v46, v46;
	[tilespmem:$0xC8D0] =	vst v5;
	v4 =	vadd.f32 v4, v38  }
0x6b: {  	v18 =	vmul.f32 v56, v56;
	[tilespmem:$0xC910] =	vst v54;
	v3 =	vadd.f32 v3, v29  }
0x6c: {  	v1 =	vmul.f32 v44, v44;
	v2 =	vadd.f32 v2, v30;
	[tilespmem:$0xC950] =	vst v4  }
0x6d: {  	v18 =	vadd.f32 v18, v36;
	v4 =	vmul.f32 v45, v45;
	[tilespmem:$0xC970] =	vst v3  }
0x6e: {  	v1 =	vadd.f32 v1, v26;
	[tilespmem:$0xC980] =	vst v2;
	v2 =	vmul.f32 v57, v57  }
0x6f: {  	[tilespmem:$0xC990] =	vst v18;
	v3 =	vadd.f32 v4, v27;
	v4 =	vadd.f32 v10, v25  }
0x70: {  	[tilespmem:$0xC9B0] =	vst v1;
	v2 =	vadd.f32 v2, v34  }
0x71: {  	v1 =	vadd.f32 v49, v24;
	[tilespmem:$0xC9C0] =	vst v4  }
0x72: {  	v4 =	vmul.f32 v43, v43;
	[tilespmem:$0xC9D0] =	vst v2;
	v2 =	vadd.f32 v47, v23  }
0x73: {  	[tilespmem:$0xC9E0] =	vst v1  }
0x74: {  	v1 =	vadd.f32 v4, v32;
	[tilespmem:$0xCA00] =	vst v2;
	v2 =	vmul.f32 v53, v53  }
0x75: {  	[tilespmem:$0xC9A0] =	vst v3;
	v3 =	vadd.f32 v48, v20  }
0x76: {  	[tilespmem:$0xCA10] =	vst v1;
	v1 =	vadd.f32 v2, v28  }
0x77: {  	[tilespmem:$0xC9F0] =	vst v3  }
0x78: {  	[tilespmem:$0xCA50] =	vst v1  }
0x79: {  	v1 =	vld.idx.msk [tilespmem:v58+s17+$0x0], $0xffff;
	_ =	sdelay $0x4  }
0x7a: {  	v1 =	vadd.f32 v1, v5;
	_ =	sdelay $0x1  }
0x7b: {  	v2 =	vshrl.u32 v1, $0x1;
	v3 =	vmul.f32 $5.000000000e-01, v1  }
0x7c: {  	v2 =	vsub.s32 $0x5F3759DF, v2  }
0x7d: {  	v4 =	vmul.f32 v2, v3;
	_ =	sdelay $0x1  }
0x7e: {  	v4 =	vmul.f32 v2, v4;
	_ =	sdelay $0x1  }
0x7f: {  	v4 =	vsub.f32 $1.500000000e+00, v4;
	_ =	sdelay $0x1  }
0x80: {  	v2 =	vmul.f32 v2, v4;
	_ =	sdelay $0x1  }
0x81: {  	v3 =	vmul.f32 v2, v3;
	_ =	sdelay $0x1  }
0x82: {  	v3 =	vmul.f32 v3, v2;
	_ =	sdelay $0x1  }
0x83: {  	v4 =	vld [tilespmem:$0xC800];
	v3 =	vsub.f32 $1.500000000e+00, v3;
	_ =	sdelay $0x1  }
0x84: {  	v2 =	vmul.f32 v3, v2;
	_ =	sdelay $0x1  }
0x85: {  	v1 =	vmul.f32 v2, v1  }
0x86: {  	v2 =	vand.u32 $0x7FFFFFFF, v4  }
0x87: {  	v1 =	vmul.f32 v1, v2;
	_ =	sdelay $0x1  }
0x88: {  	v1 =	vmax.f32 v1, $9.999999960e-13  }
0x89: {  	(erf) = vrcp.f32 v1;
	_ =	sdelay $0x8  }
0x8a: {  	v1 =	vpop (erf)  }
0x8b: {  	v19 =	vmul.f32 v1, v4;
	_ =	sdelay $0x1  }
0x8c: {  	v1 =	vld [tilespmem:$0xC8E0];
	[tilespmem:$0xCA70] =	vst v19  }
0x8d: {  	v2 =	vld.idx.msk [tilespmem:v59+s17+$0x0], $0xffff;
	_ =	sdelay $0x4  }
0x8e: {  	v1 =	vadd.f32 v2, v1;
	_ =	sdelay $0x1  }
0x8f: {  	v2 =	vshrl.u32 v1, $0x1;
	v3 =	vmul.f32 $5.000000000e-01, v1  }
0x90: {  	v2 =	vsub.s32 $0x5F3759DF, v2  }
0x91: {  	v4 =	vmul.f32 v2, v3;
	_ =	sdelay $0x1  }
0x92: {  	v4 =	vmul.f32 v2, v4;
	_ =	sdelay $0x1  }
0x93: {  	v4 =	vsub.f32 $1.500000000e+00, v4;
	_ =	sdelay $0x1  }
0x94: {  	v2 =	vmul.f32 v2, v4;
	_ =	sdelay $0x1  }
0x95: {  	v3 =	vmul.f32 v2, v3;
	_ =	sdelay $0x1  }
0x96: {  	v3 =	vmul.f32 v3, v2;
	_ =	sdelay $0x1  }
0x97: {  	v4 =	vld [tilespmem:$0xC810];
	v3 =	vsub.f32 $1.500000000e+00, v3;
	_ =	sdelay $0x1  }
0x98: {  	v2 =	vmul.f32 v3, v2;
	_ =	sdelay $0x1  }
0x99: {  	v1 =	vmul.f32 v2, v1  }
0x9a: {  	v2 =	vand.u32 $0x7FFFFFFF, v4  }
0x9b: {  	v1 =	vmul.f32 v1, v2;
	_ =	sdelay $0x1  }
0x9c: {  	v1 =	vmax.f32 v1, $9.999999960e-13  }
0x9d: {  	(erf) = vrcp.f32 v1;
	_ =	sdelay $0x8  }
0x9e: {  	v1 =	vpop (erf)  }
0x9f: {  	v1 =	vmul.f32 v1, v4;
	_ =	sdelay $0x1  }
0xa0: {  	[tilespmem:$0xCA80] =	vst v1;
	v1 =	vld [tilespmem:$0xC8F0]  }
0xa1: {  	v2 =	vld.idx.msk [tilespmem:v60+s17+$0x0], $0xffff;
	_ =	sdelay $0x4  }
0xa2: {  	v1 =	vadd.f32 v2, v1;
	_ =	sdelay $0x1  }
0xa3: {  	v2 =	vshrl.u32 v1, $0x1;
	v3 =	vmul.f32 $5.000000000e-01, v1  }
0xa4: {  	v2 =	vsub.s32 $0x5F3759DF, v2  }
0xa5: {  	v4 =	vmul.f32 v2, v3;
	_ =	sdelay $0x1  }
0xa6: {  	v4 =	vmul.f32 v2, v4;
	_ =	sdelay $0x1  }
0xa7: {  	v4 =	vsub.f32 $1.500000000e+00, v4;
	_ =	sdelay $0x1  }
0xa8: {  	v2 =	vmul.f32 v2, v4;
	_ =	sdelay $0x1  }
0xa9: {  	v3 =	vmul.f32 v2, v3;
	_ =	sdelay $0x1  }
0xaa: {  	v3 =	vmul.f32 v3, v2;
	_ =	sdelay $0x1  }
0xab: {  	v4 =	vld [tilespmem:$0xC820];
	v3 =	vsub.f32 $1.500000000e+00, v3;
	_ =	sdelay $0x1  }
0xac: {  	v2 =	vmul.f32 v3, v2;
	_ =	sdelay $0x1  }
0xad: {  	v1 =	vmul.f32 v2, v1  }
0xae: {  	v2 =	vand.u32 $0x7FFFFFFF, v4  }
0xaf: {  	v1 =	vmul.f32 v1, v2;
	_ =	sdelay $0x1  }
0xb0: {  	v1 =	vmax.f32 v1, $9.999999960e-13  }
0xb1: {  	(erf) = vrcp.f32 v1;
	_ =	sdelay $0x8  }
0xb2: {  	v1 =	vpop (erf)  }
0xb3: {  	v1 =	vmul.f32 v1, v4;
	_ =	sdelay $0x1  }
0xb4: {  	[tilespmem:$0xCA90] =	vst v1;
	v1 =	vld [tilespmem:$0xC900]  }
0xb5: {  	v2 =	vld.idx.msk [tilespmem:v61+s17+$0x0], $0xffff;
	_ =	sdelay $0x4  }
0xb6: {  	v1 =	vadd.f32 v2, v1;
	_ =	sdelay $0x1  }
0xb7: {  	v2 =	vshrl.u32 v1, $0x1;
	v3 =	vmul.f32 $5.000000000e-01, v1  }
0xb8: {  	v2 =	vsub.s32 $0x5F3759DF, v2  }
0xb9: {  	v4 =	vmul.f32 v2, v3;
	_ =	sdelay $0x1  }
0xba: {  	v4 =	vmul.f32 v2, v4;
	_ =	sdelay $0x1  }
0xbb: {  	v4 =	vsub.f32 $1.500000000e+00, v4;
	_ =	sdelay $0x1  }
0xbc: {  	v2 =	vmul.f32 v2, v4;
	_ =	sdelay $0x1  }
0xbd: {  	v3 =	vmul.f32 v2, v3;
	_ =	sdelay $0x1  }
0xbe: {  	v3 =	vmul.f32 v3, v2;
	_ =	sdelay $0x1  }
0xbf: {  	v4 =	vld [tilespmem:$0xC830];
	v3 =	vsub.f32 $1.500000000e+00, v3;
	_ =	sdelay $0x1  }
0xc0: {  	v2 =	vmul.f32 v3, v2;
	_ =	sdelay $0x1  }
0xc1: {  	v1 =	vmul.f32 v2, v1  }
0xc2: {  	v2 =	vand.u32 $0x7FFFFFFF, v4  }
0xc3: {  	v1 =	vmul.f32 v1, v2;
	_ =	sdelay $0x1  }
0xc4: {  	v1 =	vmax.f32 v1, $9.999999960e-13  }
0xc5: {  	(erf) = vrcp.f32 v1;
	_ =	sdelay $0x8  }
0xc6: {  	v1 =	vpop (erf)  }
0xc7: {  	v1 =	vmul.f32 v1, v4;
	_ =	sdelay $0x1  }
0xc8: {  	[tilespmem:$0xCAA0] =	vst v1;
	v1 =	vld [tilespmem:$0xC910]  }
0xc9: {  	v2 =	vld.idx.msk [tilespmem:v62+s17+$0x0], $0xffff;
	_ =	sdelay $0x4  }
0xca: {  	v1 =	vadd.f32 v2, v1;
	_ =	sdelay $0x1  }
0xcb: {  	v2 =	vshrl.u32 v1, $0x1;
	v3 =	vmul.f32 $5.000000000e-01, v1  }
0xcc: {  	v2 =	vsub.s32 $0x5F3759DF, v2  }
0xcd: {  	v4 =	vmul.f32 v2, v3;
	_ =	sdelay $0x1  }
0xce: {  	v4 =	vmul.f32 v2, v4;
	_ =	sdelay $0x1  }
0xcf: {  	v4 =	vsub.f32 $1.500000000e+00, v4;
	_ =	sdelay $0x1  }
0xd0: {  	v2 =	vmul.f32 v2, v4;
	_ =	sdelay $0x1  }
0xd1: {  	v3 =	vmul.f32 v2, v3;
	_ =	sdelay $0x1  }
0xd2: {  	v3 =	vmul.f32 v3, v2;
	_ =	sdelay $0x1  }
0xd3: {  	v4 =	vld [tilespmem:$0xC840];
	v3 =	vsub.f32 $1.500000000e+00, v3;
	_ =	sdelay $0x1  }
0xd4: {  	v2 =	vmul.f32 v3, v2;
	_ =	sdelay $0x1  }
0xd5: {  	v1 =	vmul.f32 v2, v1  }
0xd6: {  	v2 =	vand.u32 $0x7FFFFFFF, v4  }
0xd7: {  	v1 =	vmul.f32 v1, v2;
	_ =	sdelay $0x1  }
0xd8: {  	v1 =	vmax.f32 v1, $9.999999960e-13  }
0xd9: {  	(erf) = vrcp.f32 v1;
	_ =	sdelay $0x8  }
0xda: {  	v1 =	vpop (erf)  }
0xdb: {  	v1 =	vmul.f32 v1, v4;
	_ =	sdelay $0x1  }
0xdc: {  	[tilespmem:$0xCAB0] =	vst v1;
	v1 =	vld [tilespmem:$0xC920]  }
0xdd: {  	v2 =	vld.idx.msk [tilespmem:v63+s17+$0x0], $0xffff;
	_ =	sdelay $0x4  }
0xde: {  	v1 =	vadd.f32 v2, v1;
	_ =	sdelay $0x1  }
0xdf: {  	v2 =	vshrl.u32 v1, $0x1;
	v3 =	vmul.f32 $5.000000000e-01, v1  }
0xe0: {  	v2 =	vsub.s32 $0x5F3759DF, v2  }
0xe1: {  	v4 =	vmul.f32 v2, v3;
	_ =	sdelay $0x1  }
0xe2: {  	v4 =	vmul.f32 v2, v4;
	_ =	sdelay $0x1  }
0xe3: {  	v4 =	vsub.f32 $1.500000000e+00, v4;
	_ =	sdelay $0x1  }
0xe4: {  	v2 =	vmul.f32 v2, v4;
	_ =	sdelay $0x1  }
0xe5: {  	v3 =	vmul.f32 v2, v3;
	_ =	sdelay $0x1  }
0xe6: {  	v3 =	vmul.f32 v3, v2;
	_ =	sdelay $0x1  }
0xe7: {  	v4 =	vld [tilespmem:$0xC850];
	v3 =	vsub.f32 $1.500000000e+00, v3;
	_ =	sdelay $0x1  }
0xe8: {  	v2 =	vmul.f32 v3, v2;
	_ =	sdelay $0x1  }
0xe9: {  	v1 =	vmul.f32 v2, v1  }
0xea: {  	v2 =	vand.u32 $0x7FFFFFFF, v4  }
0xeb: {  	v1 =	vmul.f32 v1, v2;
	_ =	sdelay $0x1  }
0xec: {  	v1 =	vmax.f32 v1, $9.999999960e-13  }
0xed: {  	(erf) = vrcp.f32 v1;
	_ =	sdelay $0x4  }
0xee: {  	v2 =	vld [tilespmem:$0x1FF20];
	_ =	sdelay $0x3  }
0xef: {  	v1 =	vpop (erf)  }
0xf0: {  	v1 =	vmul.f32 v1, v4;
	_ =	sdelay $0x1  }
0xf1: {  	[tilespmem:$0xCAC0] =	vst v1;
	v1 =	vld [tilespmem:$0xC930]  }
0xf2: {  	v2 =	vld.idx.msk [tilespmem:v2+s17+$0x0], $0xffff;
	_ =	sdelay $0x4  }
0xf3: {  	v1 =	vadd.f32 v2, v1;
	_ =	sdelay $0x1  }
0xf4: {  	v2 =	vshrl.u32 v1, $0x1;
	v3 =	vmul.f32 $5.000000000e-01, v1  }
0xf5: {  	v2 =	vsub.s32 $0x5F3759DF, v2  }
0xf6: {  	v4 =	vmul.f32 v2, v3;
	_ =	sdelay $0x1  }
0xf7: {  	v4 =	vmul.f32 v2, v4;
	_ =	sdelay $0x1  }
0xf8: {  	v4 =	vsub.f32 $1.500000000e+00, v4;
	_ =	sdelay $0x1  }
0xf9: {  	v2 =	vmul.f32 v2, v4;
	_ =	sdelay $0x1  }
0xfa: {  	v3 =	vmul.f32 v2, v3;
	_ =	sdelay $0x1  }
0xfb: {  	v3 =	vmul.f32 v3, v2;
	_ =	sdelay $0x1  }
0xfc: {  	v4 =	vld [tilespmem:$0xC860];
	v3 =	vsub.f32 $1.500000000e+00, v3;
	_ =	sdelay $0x1  }
0xfd: {  	v2 =	vmul.f32 v3, v2;
	_ =	sdelay $0x1  }
0xfe: {  	v1 =	vmul.f32 v2, v1  }
0xff: {  	v2 =	vand.u32 $0x7FFFFFFF, v4  }
0x100: {  	v1 =	vmul.f32 v1, v2;
	_ =	sdelay $0x1  }
0x101: {  	v1 =	vmax.f32 v1, $9.999999960e-13  }
0x102: {  	(erf) = vrcp.f32 v1;
	_ =	sdelay $0x4  }
0x103: {  	v2 =	vld [tilespmem:$0x1FF30];
	_ =	sdelay $0x3  }
0x104: {  	v1 =	vpop (erf)  }
0x105: {  	v1 =	vmul.f32 v1, v4;
	_ =	sdelay $0x1  }
0x106: {  	[tilespmem:$0xCAD0] =	vst v1;
	v1 =	vld [tilespmem:$0xC940]  }
0x107: {  	v2 =	vld.idx.msk [tilespmem:v2+s17+$0x0], $0xffff;
	_ =	sdelay $0x4  }
0x108: {  	v1 =	vadd.f32 v2, v1;
	_ =	sdelay $0x1  }
0x109: {  	v2 =	vshrl.u32 v1, $0x1;
	v3 =	vmul.f32 $5.000000000e-01, v1  }
0x10a: {  	v2 =	vsub.s32 $0x5F3759DF, v2  }
0x10b: {  	v4 =	vmul.f32 v2, v3;
	_ =	sdelay $0x1  }
0x10c: {  	v4 =	vmul.f32 v2, v4;
	_ =	sdelay $0x1  }
0x10d: {  	v4 =	vsub.f32 $1.500000000e+00, v4;
	_ =	sdelay $0x1  }
0x10e: {  	v2 =	vmul.f32 v2, v4;
	_ =	sdelay $0x1  }
0x10f: {  	v3 =	vmul.f32 v2, v3;
	_ =	sdelay $0x1  }
0x110: {  	v3 =	vmul.f32 v3, v2;
	_ =	sdelay $0x1  }
0x111: {  	v4 =	vld [tilespmem:$0xC870];
	v3 =	vsub.f32 $1.500000000e+00, v3;
	_ =	sdelay $0x1  }
0x112: {  	v2 =	vmul.f32 v3, v2;
	_ =	sdelay $0x1  }
0x113: {  	v1 =	vmul.f32 v2, v1  }
0x114: {  	v2 =	vand.u32 $0x7FFFFFFF, v4  }
0x115: {  	v1 =	vmul.f32 v1, v2;
	_ =	sdelay $0x1  }
0x116: {  	v1 =	vmax.f32 v1, $9.999999960e-13  }
0x117: {  	(erf) = vrcp.f32 v1;
	_ =	sdelay $0x4  }
0x118: {  	v2 =	vld [tilespmem:$0x1FF40];
	_ =	sdelay $0x3  }
0x119: {  	v1 =	vpop (erf)  }
0x11a: {  	v1 =	vmul.f32 v1, v4;
	_ =	sdelay $0x1  }
0x11b: {  	[tilespmem:$0xCAE0] =	vst v1;
	v1 =	vld [tilespmem:$0xC950]  }
0x11c: {  	v2 =	vld.idx.msk [tilespmem:v2+s17+$0x0], $0xffff;
	_ =	sdelay $0x4  }
0x11d: {  	v1 =	vadd.f32 v2, v1;
	_ =	sdelay $0x1  }
0x11e: {  	v2 =	vshrl.u32 v1, $0x1;
	v3 =	vmul.f32 $5.000000000e-01, v1  }
0x11f: {  	v2 =	vsub.s32 $0x5F3759DF, v2  }
0x120: {  	v4 =	vmul.f32 v2, v3;
	_ =	sdelay $0x1  }
0x121: {  	v4 =	vmul.f32 v2, v4;
	_ =	sdelay $0x1  }
0x122: {  	v4 =	vsub.f32 $1.500000000e+00, v4;
	_ =	sdelay $0x1  }
0x123: {  	v2 =	vmul.f32 v2, v4;
	_ =	sdelay $0x1  }
0x124: {  	v3 =	vmul.f32 v2, v3;
	_ =	sdelay $0x1  }
0x125: {  	v3 =	vmul.f32 v3, v2;
	_ =	sdelay $0x1  }
0x126: {  	v4 =	vld [tilespmem:$0xC880];
	v3 =	vsub.f32 $1.500000000e+00, v3;
	_ =	sdelay $0x1  }
0x127: {  	v2 =	vmul.f32 v3, v2;
	_ =	sdelay $0x1  }
0x128: {  	v1 =	vmul.f32 v2, v1  }
0x129: {  	v2 =	vand.u32 $0x7FFFFFFF, v4  }
0x12a: {  	v1 =	vmul.f32 v1, v2;
	_ =	sdelay $0x1  }
0x12b: {  	v1 =	vmax.f32 v1, $9.999999960e-13  }
0x12c: {  	(erf) = vrcp.f32 v1;
	_ =	sdelay $0x4  }
0x12d: {  	v2 =	vld [tilespmem:$0x1FF50];
	_ =	sdelay $0x3  }
0x12e: {  	v1 =	vpop (erf)  }
0x12f: {  	v1 =	vmul.f32 v1, v4;
	_ =	sdelay $0x1  }
0x130: {  	[tilespmem:$0xCAF0] =	vst v1;
	v1 =	vld [tilespmem:$0xC960]  }
0x131: {  	v2 =	vld.idx.msk [tilespmem:v2+s17+$0x0], $0xffff;
	_ =	sdelay $0x4  }
0x132: {  	v1 =	vadd.f32 v2, v1;
	_ =	sdelay $0x1  }
0x133: {  	v2 =	vshrl.u32 v1, $0x1;
	v3 =	vmul.f32 $5.000000000e-01, v1  }
0x134: {  	v2 =	vsub.s32 $0x5F3759DF, v2  }
0x135: {  	v4 =	vmul.f32 v2, v3;
	_ =	sdelay $0x1  }
0x136: {  	v4 =	vmul.f32 v2, v4;
	_ =	sdelay $0x1  }
0x137: {  	v4 =	vsub.f32 $1.500000000e+00, v4;
	_ =	sdelay $0x1  }
0x138: {  	v2 =	vmul.f32 v2, v4;
	_ =	sdelay $0x1  }
0x139: {  	v3 =	vmul.f32 v2, v3;
	_ =	sdelay $0x1  }
0x13a: {  	v3 =	vmul.f32 v3, v2;
	_ =	sdelay $0x1  }
0x13b: {  	v4 =	vld [tilespmem:$0xC890];
	v3 =	vsub.f32 $1.500000000e+00, v3;
	_ =	sdelay $0x1  }
0x13c: {  	v2 =	vmul.f32 v3, v2;
	_ =	sdelay $0x1  }
0x13d: {  	v1 =	vmul.f32 v2, v1  }
0x13e: {  	v2 =	vand.u32 $0x7FFFFFFF, v4  }
0x13f: {  	v1 =	vmul.f32 v1, v2;
	_ =	sdelay $0x1  }
0x140: {  	v1 =	vmax.f32 v1, $9.999999960e-13  }
0x141: {  	(erf) = vrcp.f32 v1;
	_ =	sdelay $0x4  }
0x142: {  	v2 =	vld [tilespmem:$0x1FF70];
	_ =	sdelay $0x3  }
0x143: {  	v1 =	vpop (erf)  }
0x144: {  	v1 =	vmul.f32 v1, v4;
	_ =	sdelay $0x1  }
0x145: {  	[tilespmem:$0xCB00] =	vst v1;
	v1 =	vld [tilespmem:$0xC970]  }
0x146: {  	v2 =	vld.idx.msk [tilespmem:v2+s17+$0x0], $0xffff;
	_ =	sdelay $0x4  }
0x147: {  	v1 =	vadd.f32 v2, v1;
	_ =	sdelay $0x1  }
0x148: {  	v2 =	vshrl.u32 v1, $0x1;
	v3 =	vmul.f32 $5.000000000e-01, v1  }
0x149: {  	v2 =	vsub.s32 $0x5F3759DF, v2  }
0x14a: {  	v4 =	vmul.f32 v2, v3;
	_ =	sdelay $0x1  }
0x14b: {  	v4 =	vmul.f32 v2, v4;
	_ =	sdelay $0x1  }
0x14c: {  	v4 =	vsub.f32 $1.500000000e+00, v4;
	_ =	sdelay $0x1  }
0x14d: {  	v2 =	vmul.f32 v2, v4;
	_ =	sdelay $0x1  }
0x14e: {  	v3 =	vmul.f32 v2, v3;
	_ =	sdelay $0x1  }
0x14f: {  	v3 =	vmul.f32 v3, v2;
	_ =	sdelay $0x1  }
0x150: {  	v4 =	vld [tilespmem:$0xC8A0];
	v3 =	vsub.f32 $1.500000000e+00, v3;
	_ =	sdelay $0x1  }
0x151: {  	v2 =	vmul.f32 v3, v2;
	_ =	sdelay $0x1  }
0x152: {  	v1 =	vmul.f32 v2, v1  }
0x153: {  	v2 =	vand.u32 $0x7FFFFFFF, v4  }
0x154: {  	v1 =	vmul.f32 v1, v2;
	_ =	sdelay $0x1  }
0x155: {  	v1 =	vmax.f32 v1, $9.999999960e-13  }
0x156: {  	(erf) = vrcp.f32 v1;
	_ =	sdelay $0x4  }
0x157: {  	v2 =	vld [tilespmem:$0x1FF80];
	_ =	sdelay $0x3  }
0x158: {  	v1 =	vpop (erf)  }
0x159: {  	v1 =	vmul.f32 v1, v4;
	_ =	sdelay $0x1  }
0x15a: {  	[tilespmem:$0xCB10] =	vst v1;
	v1 =	vld [tilespmem:$0xC980]  }
0x15b: {  	v2 =	vld.idx.msk [tilespmem:v2+s17+$0x0], $0xffff;
	_ =	sdelay $0x4  }
0x15c: {  	v1 =	vadd.f32 v2, v1;
	_ =	sdelay $0x1  }
0x15d: {  	v2 =	vshrl.u32 v1, $0x1;
	v3 =	vmul.f32 $5.000000000e-01, v1  }
0x15e: {  	v2 =	vsub.s32 $0x5F3759DF, v2  }
0x15f: {  	v4 =	vmul.f32 v2, v3;
	_ =	sdelay $0x1  }
0x160: {  	v4 =	vmul.f32 v2, v4;
	_ =	sdelay $0x1  }
0x161: {  	v4 =	vsub.f32 $1.500000000e+00, v4;
	_ =	sdelay $0x1  }
0x162: {  	v2 =	vmul.f32 v2, v4;
	_ =	sdelay $0x1  }
0x163: {  	v3 =	vmul.f32 v2, v3;
	_ =	sdelay $0x1  }
0x164: {  	v3 =	vmul.f32 v3, v2;
	_ =	sdelay $0x1  }
0x165: {  	v4 =	vld [tilespmem:$0xC8B0];
	v3 =	vsub.f32 $1.500000000e+00, v3;
	_ =	sdelay $0x1  }
0x166: {  	v2 =	vmul.f32 v3, v2;
	_ =	sdelay $0x1  }
0x167: {  	v1 =	vmul.f32 v2, v1  }
0x168: {  	v2 =	vand.u32 $0x7FFFFFFF, v4  }
0x169: {  	v1 =	vmul.f32 v1, v2;
	_ =	sdelay $0x1  }
0x16a: {  	v1 =	vmax.f32 v1, $9.999999960e-13  }
0x16b: {  	(erf) = vrcp.f32 v1;
	_ =	sdelay $0x7  }
0x16c: {  	v20 =	vadd.s32 $0x188, v0  }
0x16d: {  	v1 =	vpop (erf)  }
0x16e: {  	v1 =	vmul.f32 v1, v4;
	_ =	sdelay $0x1  }
0x16f: {  	[tilespmem:$0xCB20] =	vst v1;
	v1 =	vld [tilespmem:$0xC990]  }
0x170: {  	v2 =	vld.idx.msk [tilespmem:v20+s17+$0x0], $0xffff;
	_ =	sdelay $0x4  }
0x171: {  	v1 =	vadd.f32 v2, v1;
	_ =	sdelay $0x1  }
0x172: {  	v2 =	vshrl.u32 v1, $0x1;
	v3 =	vmul.f32 $5.000000000e-01, v1  }
0x173: {  	v2 =	vsub.s32 $0x5F3759DF, v2  }
0x174: {  	v4 =	vmul.f32 v2, v3;
	_ =	sdelay $0x1  }
0x175: {  	v4 =	vmul.f32 v2, v4;
	_ =	sdelay $0x1  }
0x176: {  	v4 =	vsub.f32 $1.500000000e+00, v4;
	_ =	sdelay $0x1  }
0x177: {  	v2 =	vmul.f32 v2, v4;
	_ =	sdelay $0x1  }
0x178: {  	v3 =	vmul.f32 v2, v3;
	_ =	sdelay $0x1  }
0x179: {  	v3 =	vmul.f32 v3, v2;
	_ =	sdelay $0x1  }
0x17a: {  	v4 =	vld [tilespmem:$0xC8C0];
	v3 =	vsub.f32 $1.500000000e+00, v3;
	_ =	sdelay $0x1  }
0x17b: {  	v2 =	vmul.f32 v3, v2;
	_ =	sdelay $0x1  }
0x17c: {  	v1 =	vmul.f32 v2, v1  }
0x17d: {  	v2 =	vand.u32 $0x7FFFFFFF, v4  }
0x17e: {  	v1 =	vmul.f32 v1, v2;
	_ =	sdelay $0x1  }
0x17f: {  	v1 =	vmax.f32 v1, $9.999999960e-13  }
0x180: {  	(erf) = vrcp.f32 v1;
	_ =	sdelay $0x8  }
0x181: {  	v1 =	vpop (erf)  }
0x182: {  	v1 =	vmul.f32 v1, v4;
	_ =	sdelay $0x1  }
0x183: {  	[tilespmem:$0xCB30] =	vst v1;
	v1 =	vld [tilespmem:$0xCAB0]  }
0x184: {  	v2 =	vld [tilespmem:$0xCA80];
	_ =	sdelay $0x1  }
0x185: {  	v5 =	vld [tilespmem:$0xCAC0]  }
0x186: {  	v3 =	vld [tilespmem:$0xCA90]  }
0x187: {  	[tilespmem:$0xCB80] =	vst v1;
	v1 =	vld [tilespmem:$0xCB00]  }
0x188: {  	[tilespmem:$0xCB50] =	vst v2;
	v2 =	vld [tilespmem:$0xCAD0]  }
0x189: {  	v4 =	vld [tilespmem:$0xCAA0]  }
0x18a: {  	[tilespmem:$0xCB90] =	vst v5;
	v5 =	vld [tilespmem:$0xCB10]  }
0x18b: {  	[tilespmem:$0xCB60] =	vst v3;
	v3 =	vld [tilespmem:$0xCAE0]  }
0x18c: {  	[tilespmem:$0xCBD0] =	vst v1;
	v1 =	vld [tilespmem:$0x1FF90]  }
0x18d: {  	[tilespmem:$0xCBA0] =	vst v2;
	v2 =	vld [tilespmem:$0xCB20]  }
0x18e: {  	[tilespmem:$0xCB70] =	vst v4;
	v4 =	vld [tilespmem:$0xCAF0]  }
0x18f: {  	[tilespmem:$0xCB40] =	vst v19  }
0x190: {  	[tilespmem:$0xCBE0] =	vst v5  }
0x191: {  	[tilespmem:$0xCBB0] =	vst v3  }
0x192: {  	[tilespmem:$0xCBF0] =	vst v2  }
0x193: {  	[tilespmem:$0xCBC0] =	vst v4  }
0x194: {  	v1 =	vld.idx.msk [tilespmem:v1+s18+$0x0], $0xffff  }
0x195: {  	v21 =	vadd.s32 $0x8, v0;
	_ =	sdelay $0x3  }
0x196: {  	[tilespmem:$0xCC00] =	vst v1  }
0x197: {  	v1 =	vld.idx.msk [tilespmem:v21+s18+$0x0], $0xffff  }
0x198: {  	v22 =	vadd.s32 $0x18, v0;
	_ =	sdelay $0x3  }
0x199: {  	[tilespmem:$0xCC10] =	vst v1  }
0x19a: {  	v1 =	vld.idx.msk [tilespmem:v22+s18+$0x0], $0xffff  }
0x19b: {  	v23 =	vadd.s32 $0x28, v0;
	_ =	sdelay $0x3  }
0x19c: {  	[tilespmem:$0xCC20] =	vst v1  }
0x19d: {  	v1 =	vld.idx.msk [tilespmem:v23+s18+$0x0], $0xffff  }
0x19e: {  	v24 =	vadd.s32 $0x38, v0;
	_ =	sdelay $0x3  }
0x19f: {  	[tilespmem:$0xCC30] =	vst v1  }
0x1a0: {  	v1 =	vld.idx.msk [tilespmem:v24+s18+$0x0], $0xffff  }
0x1a1: {  	v25 =	vadd.s32 $0x48, v0;
	_ =	sdelay $0x3  }
0x1a2: {  	[tilespmem:$0xCC40] =	vst v1  }
0x1a3: {  	v1 =	vld.idx.msk [tilespmem:v25+s18+$0x0], $0xffff  }
0x1a4: {  	v26 =	vadd.s32 $0x58, v0;
	_ =	sdelay $0x3  }
0x1a5: {  	[tilespmem:$0xCC50] =	vst v1  }
0x1a6: {  	v1 =	vld.idx.msk [tilespmem:v26+s18+$0x0], $0xffff  }
0x1a7: {  	v27 =	vadd.s32 $0x68, v0;
	_ =	sdelay $0x3  }
0x1a8: {  	[tilespmem:$0xCC60] =	vst v1  }
0x1a9: {  	v1 =	vld.idx.msk [tilespmem:v27+s18+$0x0], $0xffff  }
0x1aa: {  	v28 =	vadd.s32 $0x78, v0;
	_ =	sdelay $0x3  }
0x1ab: {  	[tilespmem:$0xCC70] =	vst v1  }
0x1ac: {  	v1 =	vld.idx.msk [tilespmem:v28+s18+$0x0], $0xffff  }
0x1ad: {  	v29 =	vadd.s32 $0x88, v0  }
0x1ae: {  	v33 =	vld [tilespmem:$0xCB90]  }
0x1af: {  	v48 =	vld [tilespmem:$0xCB40]  }
0x1b0: {  	v45 =	vld [tilespmem:$0xCB60]  }
0x1b1: {  	v3 =	vld [tilespmem:$0xCBE0];
	[tilespmem:$0xCC80] =	vst v1  }
0x1b2: {  	v1 =	vld.idx.msk [tilespmem:v29+s18+$0x0], $0xffff  }
0x1b3: {  	v30 =	vadd.s32 $0x98, v0;
	v44 =	vld [tilespmem:$0xCB50]  }
0x1b4: {  	v34 =	vld [tilespmem:$0xCBA0]  }
0x1b5: {  	v37 =	vld [tilespmem:$0xCBF0]  }
0x1b6: {  	v40 =	vld [tilespmem:$0xCB70]  }
0x1b7: {  	v41 =	vld [tilespmem:$0xCB80];
	[tilespmem:$0xCC90] =	vst v1  }
0x1b8: {  	v1 =	vld.idx.msk [tilespmem:v30+s18+$0x0], $0xffff  }
0x1b9: {  	v31 =	vadd.s32 $0xA8, v0;
	v4 =	vld [tilespmem:$0xCBB0]  }
0x1ba: {  	v5 =	vld [tilespmem:$0xCBC0]  }
0x1bb: {  	v2 =	vld [tilespmem:$0xCBD0]  }
0x1bc: {  	v49 =	vld [tilespmem:$0xCC00]  }
0x1bd: {  	v46 =	vld [tilespmem:$0xCC10];
	[tilespmem:$0xCCA0] =	vst v1  }
0x1be: {  	v1 =	vld.idx.msk [tilespmem:v31+s18+$0x0], $0xffff  }
0x1bf: {  	v32 =	vadd.s32 $0xB8, v0;
	v47 =	vld [tilespmem:$0xCC20]  }
0x1c0: {  	v42 =	vld [tilespmem:$0xCC30]  }
0x1c1: {  	v43 =	vld [tilespmem:$0xCC40]  }
0x1c2: {  	v35 =	vld [tilespmem:$0xCC50]  }
0x1c3: {  	v36 =	vld [tilespmem:$0xCC60];
	[tilespmem:$0xCCB0] =	vst v1  }
0x1c4: {  	v1 =	vld.idx.msk [tilespmem:v32+s18+$0x0], $0xffff  }
0x1c5: {  	v10 =	vld [tilespmem:$0xCC70]  }
0x1c6: {  	v18 =	vld [tilespmem:$0xCC80]  }
0x1c7: {  	v39 =	vld [tilespmem:$0xCC90]  }
0x1c8: {  	v38 =	vld [tilespmem:$0xCCA0]  }
0x1c9: {  	s26 =	simm.s32 $0x170;
	[tilespmem:$0xCCC0] =	vst v1;
	v1 =	vld [tilespmem:$0xCCB0]  }
0x1ca: {  	s0 =	simm.s32 $0x90;
	s2 =	sand.u32 $0x7FF0, s26;
	v19 =	vld [tilespmem:$0xCCC0]  }
0x1cb: {  	s25 =	sand.u32 $0x7FF0, s0;
	s26 =	simm.s32 $0xA0;
	v50 =	vld [tilespmem:s2+$0x6400]  }
0x1cc: {  	s28 =	simm.s32 $0x10;
	s26 =	sand.u32 $0x7FF0, s26;
	v51 =	vld [tilespmem:s25+$0x6400]  }
0x1cd: {  	s1 =	simm.s32 $0x70;
	s28 =	sand.u32 $0x7FF0, s28;
	v52 =	vld [tilespmem:s26+$0x6400]  }
0x1ce: {  	s0 =	simm.s32 $0x130;
	s2 =	sand.u32 $0x7FF0, s1;
	v59 =	vld [tilespmem:s28+$0x6400]  }
0x1cf: {  	s1 =	simm.s32 $0x50;
	s25 =	sand.u32 $0x7FF0, s0;
	v53 =	vld [tilespmem:s2+$0x6400]  }
0x1d0: {  	s0 =	simm.s32 $0x60;
	s26 =	sand.u32 $0x7FF0, s1;
	v54 =	vld [tilespmem:s25+$0x6400]  }
0x1d1: {  	s1 =	simm.s32 $0x30;
	s0 =	sand.u32 $0x7FF0, s0;
	v55 =	vld [tilespmem:s26+$0x6400]  }
0x1d2: {  	s29 =	simm.s32 $0x20;
	s2 =	sand.u32 $0x7FF0, s1;
	v56 =	vld [tilespmem:s0+$0x6400];
	s1 =	simm.s32 $0xF0  }
0x1d3: {  	s25 =	simm.s32 $0x0;
	v57 =	vld [tilespmem:s2+$0x6400];
	s0 =	sand.u32 $0x7FF0, s1;
	s1 =	simm.s32 $0x0  }
0x1d4: {  	v14 =	vmov v58;
	v58 =	vld [tilespmem:s0+$0x6400];
	s0 =	sand.u32 $0x7FF0, s29;
	s29 =	sand.u32 $0x30, s25;
	s26 =	sand.u32 $0x3FC0, s1  }
0x1d5: {  	s26 =	sor.u32 s29, s26;
	v60 =	vld [tilespmem:s0+$0x6400]  }
0x1d6: {  	s1 =	simm.s32 $0xD0;
	v61 =	vld [tilespmem:s26+$0x64C0]  }
0x1d7: {  	s28 =	simm.s32 $0xE0;
	s2 =	sand.u32 $0x7FF0, s1;
	v62 =	vld [tilespmem:s26+$0x6400]  }
0x1d8: {  	s0 =	sand.u32 $0x7FF0, s28;
	v63 =	vld [tilespmem:s2+$0x6400]  }
0x1d9: {  	v6 =	vld [tilespmem:s0+$0x6400]  }
0x1da: {  	v2 =	vmul.f32 v2, v51;
	v7 =	vld [tilespmem:s26+$0x6440]  }
0x1db: {  	v1 =	vmul.f32 v1, v50;
	v3 =	vmul.f32 v3, v52;
	v8 =	vld [tilespmem:s26+$0x6500]  }
0x1dc: {  	s1 =	simm.s32 $0x110;
	v4 =	vmul.f32 v4, v53;
	v51 =	vld [tilespmem:s26+$0x6480];
	v10 =	vmul.f32 v10, v54  }
0x1dd: {  	s28 =	simm.s32 $0x120;
	s2 =	sand.u32 $0x7FF0, s1;
	v53 =	vld [tilespmem:s26+$0x6540];
	v52 =	vmul.f32 v33, v55;
	v54 =	vmul.f32 v34, v56  }
0x1de: {  	s0 =	sand.u32 $0x7FF0, s28;
	v9 =	vld [tilespmem:s2+$0x6400];
	v56 =	vmul.f32 v42, v58;
	v49 =	vmul.f32 v49, v61  }
0x1df: {  	s1 =	simm.s32 $0x150;
	v50 =	vld [tilespmem:s0+$0x6400];
	v58 =	vmul.f32 v48, v62;
	v62 =	vmul.f32 v46, v63  }
0x1e0: {  	s28 =	simm.s32 $0x160;
	s2 =	sand.u32 $0x7FF0, s1;
	v34 =	vmul.f32 v44, v59;
	v33 =	vld [tilespmem:$0xCBF0];
	v44 =	vmul.f32 v45, v60  }
0x1e1: {  	s0 =	sand.u32 $0x7FF0, s28;
	v55 =	vld [tilespmem:s2+$0x6400];
	v61 =	vsel vm0, $0x0, v49;
	v63 =	vadd.f32 $0.0e+00, v58;
	v62 =	vadd.f32 $0.0e+00, v62  }
0x1e2: {  	v40 =	vmul.f32 v40, v57;
	v57 =	vld [tilespmem:s0+$0x6400];
	v60 =	vadd.f32 $0.0e+00, v61;
	v61 =	vadd.f32 $0.0e+00, v34  }
0x1e3: {  	s29 =	simm.s32 $0xB0;
	v42 =	vld [tilespmem:$0xCCB0];
	v6 =	vmul.f32 v47, v6;
	v7 =	vmul.f32 v41, v7;
	v63 =	vadd.f32 v44, v63  }
0x1e4: {  	s28 =	sand.u32 $0x7FF0, s29;
	v45 =	vld [tilespmem:$0xCC40];
	v9 =	vmul.f32 v35, v9;
	v41 =	vadd.f32 v56, v62;
	v40 =	vadd.f32 v40, v61  }
0x1e5: {  	v48 =	vld [tilespmem:s28+$0x6400];
	v8 =	vmul.f32 v43, v8;
	v6 =	vadd.f32 v6, v60;
	v7 =	vadd.f32 v7, v63  }
0x1e6: {  	v46 =	vld [tilespmem:s26+$0x6580];
	v5 =	vmul.f32 v5, v51;
	v9 =	vadd.f32 v9, v41;
	v40 =	vadd.f32 v52, v40  }
0x1e7: {  	v43 =	vld [tilespmem:$0xCBE0];
	v6 =	vadd.f32 v8, v6;
	v8 =	vmul.f32 v36, v50;
	v7 =	vadd.f32 v54, v7  }
0x1e8: {  	v47 =	vld [tilespmem:$0xCBB0];
	v9 =	vadd.f32 v10, v9;
	v4 =	vadd.f32 v4, v40  }
0x1e9: {  	v51 =	vld [tilespmem:$0xCC20];
	v6 =	vadd.f32 v8, v6;
	v8 =	vmul.f32 v18, v53;
	v5 =	vadd.f32 v5, v7  }
0x1ea: {  	v35 =	vld [tilespmem:$0xCC90];
	v10 =	vmul.f32 v39, v55;
	v2 =	vadd.f32 v2, v4;
	v4 =	vmul.f32 v37, v48  }
0x1eb: {  	v58 =	vld [tilespmem:$0xCC00];
	v7 =	vmul.f32 v38, v57;
	v6 =	vadd.f32 v8, v6;
	v3 =	vadd.f32 v3, v5  }
0x1ec: {  	v34 =	vld [tilespmem:$0xCCC0];
	v8 =	vadd.f32 v10, v9;
	v2 =	vadd.f32 v4, v2;
	v4 =	vnsel vm0, $0x0, v49  }
0x1ed: {  	v44 =	vld [tilespmem:$0xCBD0];
	v5 =	vadd.f32 v7, v6;
	v6 =	vmul.f32 v19, v46;
	v3 =	vadd.f32 v4, v3  }
0x1ee: {  	v56 =	vld [tilespmem:$0xCB70];
	v1 =	vadd.f32 v1, v8  }
0x1ef: {  	v41 =	vld [tilespmem:$0xCC50];
	v4 =	vadd.f32 v6, v5;
	v2 =	vadd.f32 v3, v2  }
0x1f0: {  	v36 =	vld [tilespmem:$0xCCA0]  }
0x1f1: {  	v50 =	vld [tilespmem:$0xCB90];
	v1 =	vadd.f32 v4, v1;
	v3 =	vperm.xlane v2, v15  }
0x1f2: {  	v52 =	vld [tilespmem:$0xCB60]  }
0x1f3: {  	v39 =	vld [tilespmem:$0xCC80];
	v4 =	vperm.xlane v1, v15;
	v2 =	vadd.f32 v3, v2  }
0x1f4: {  	v55 =	vld [tilespmem:$0xCC30]  }
0x1f5: {  	v54 =	vld [tilespmem:$0xCB50];
	v1 =	vadd.f32 v4, v1;
	v3 =	vperm.xlane v2, v16  }
0x1f6: {  	v40 =	vld [tilespmem:$0xCC60]  }
0x1f7: {  	v53 =	vld [tilespmem:$0xCC10];
	v4 =	vperm.xlane v1, v16;
	v2 =	vadd.f32 v3, v2  }
0x1f8: {  	v38 =	vld [tilespmem:$0xCBC0]  }
0x1f9: {  	v57 =	vld [tilespmem:$0xCB40];
	v3 =	vadd.f32 v4, v1;
	v4 =	vperm.xlane v2, v17  }
0x1fa: {  	v6 =	vld [tilespmem:$0x1FFA0]  }
0x1fb: {  	s1 =	simm.s32 $0x220;
	v4 =	vadd.f32 v4, v2;
	v2 =	vld [tilespmem:$0x1FF60]  }
0x1fc: {  	s2 =	sand.u32 $0x7FF0, s1;
	v48 =	vld [tilespmem:$0xCC70]  }
0x1fd: {  	s26 =	simm.s32 $0x300;
	v10 =	vld [tilespmem:s2+$0x6400]  }
0x1fe: {  	s28 =	sand.u32 $0x7FF0, s26;
	v49 =	vld [tilespmem:$0xCBA0];
	v5 =	vperm.xlane v3, v17  }
0x1ff: {  	v1 =	vld [tilespmem:s28+$0x6400];
	s28 =	simm.s32 $0x200  }
0x200: {  	s24 =	sshll.u32 s24, $0x6;
	v46 =	vld [tilespmem:$0xCB80];
	s1 =	sand.u32 $0x7FF0, s28;
	s28 =	simm.s32 $0x1E0;
	v5 =	vadd.f32 v5, v3;
	v19 =	vcombine.low v6, v2  }
0x201: {  	s29 =	simm.s32 $0x230;
	v37 =	vor.u32 s24, v0;
	v3 =	vld [tilespmem:s1+$0x6400];
	s1 =	sand.u32 $0x7FF0, s28  }
0x202: {  	s0 =	sand.u32 $0x7FF0, s29;
	v8 =	vadd.s32 s25, v37;
	s28 =	simm.s32 $0x1F0;
	v59 =	vld [tilespmem:s1+$0x6400];
	v6 =	vperm.xlane v4, v19;
	v7 =	vperm.xlane v5, v19  }
0x203: {  	s28 =	sand.u32 $0x7FF0, s28;
	v2 =	vld [tilespmem:s0+$0x6400];
	s0 =	simm.s32 $0x2C0  }
0x204: {  	s30 =	simm.s32 $0x1A0;
	v60 =	vld [tilespmem:s28+$0x6400];
	s2 =	sand.u32 $0x7FF0, s0;
	s0 =	simm.s32 $0x1C0;
	v4 =	vadd.f32 v6, v4;
	v5 =	vadd.f32 v7, v5  }
0x205: {  	s31 =	sand.u32 $0x7FF0, s30;
	s28 =	simm.s32 $0x280;
	v18 =	vld [tilespmem:s2+$0x6400];
	s2 =	sand.u32 $0x7FF0, s0  }
0x206: {  	s29 =	simm.s32 $0x190;
	s1 =	sand.u32 $0x7FF0, s28;
	s0 =	simm.s32 $0x1B0;
	v61 =	vld [tilespmem:s2+$0x6400];
	v4 =	vsel vm1, v4, v5  }
0x207: {  	s24 =	simm.s32 $0x10;
	s28 =	simm.s32 $0x490;
	s30 =	sand.u32 $0x7FF0, s0;
	[tilespmem:v8+s19+$0x0] =	vst.idx.msk $0x3, v4;
	v4 =	vld [tilespmem:s1+$0x6400]  }
.LBB2_5:
0x208: {  	p0 =	sne.s32 s28, $0x31E0;
	s0 =	sand.u32 $0x30, s24;
	s2 =	sand.u32 $0x3FC0, s29;
	v5 =	vld [tilespmem:s31+$0x6400]  }
0x209: {  	s29 =	sor.u32 s0, s2;
	v6 =	vld [tilespmem:s30+$0x6400]  }
0x20a: {  	s0 =	sadd.s32 $0xFFFFFF60, s26;
	v7 =	vld [tilespmem:s29+$0x64C0]  }
0x20b: {  	v9 =	vmul.f32 v44, v10;
	v1 =	vmul.f32 v42, v1;
	s2 =	sadd.s32 $0xFFFFFF70, s26;
	s0 =	sand.u32 $0x7FF0, s0;
	v8 =	vld [tilespmem:s29+$0x6400]  }
0x20c: {  	v3 =	vmul.f32 v47, v3;
	v2 =	vmul.f32 v43, v2;
	v10 =	vld [tilespmem:s0+$0x6400];
	s0 =	sand.u32 $0x7FF0, s2  }
0x20d: {  	v18 =	vmul.f32 v48, v18;
	v42 =	vmul.f32 v50, v59;
	v43 =	vld [tilespmem:s0+$0x6400]  }
0x20e: {  	v48 =	vmul.f32 v49, v60;
	v44 =	vmul.f32 v56, v61;
	s0 =	sadd.s32 $0xFFFFFFA0, s26;
	v47 =	vld [tilespmem:s29+$0x6440]  }
0x20f: {  	v4 =	vmul.f32 v55, v4;
	s2 =	sadd.s32 $0xFFFFFFB0, s26;
	s0 =	sand.u32 $0x7FF0, s0;
	v7 =	vmul.f32 v58, v7;
	v49 =	vld [tilespmem:s29+$0x6500]  }
0x210: {  	v5 =	vmul.f32 v54, v5;
	v8 =	vmul.f32 v57, v8;
	v50 =	vld [tilespmem:s0+$0x6400];
	s0 =	sand.u32 $0x7FF0, s2  }
0x211: {  	v6 =	vmul.f32 v52, v6;
	v52 =	vsel vm0, $0x0, v7;
	v10 =	vmul.f32 v53, v10;
	v53 =	vld [tilespmem:s0+$0x6400]  }
0x212: {  	s0 =	sadd.s32 $0xFFFFFFE0, s26;
	v8 =	vadd.f32 $0.0e+00, v8;
	v54 =	vld [tilespmem:s29+$0x6480];
	v52 =	vadd.f32 $0.0e+00, v52;
	v43 =	vmul.f32 v51, v43  }
0x213: {  	v5 =	vadd.f32 $0.0e+00, v5;
	s2 =	sadd.s32 $0xFFFFFFF0, s26;
	s0 =	sand.u32 $0x7FF0, s0;
	v46 =	vmul.f32 v46, v47;
	v10 =	vadd.f32 $0.0e+00, v10;
	v47 =	vld [tilespmem:s29+$0x6540]  }
0x214: {  	s30 =	sadd.s32 $0xFFFFFF40, s26;
	s26 =	smov.u32 s28;
	v6 =	vadd.f32 v6, v8;
	v8 =	vadd.f32 v43, v52;
	v43 =	vmul.f32 v45, v49;
	v45 =	vld [tilespmem:s0+$0x6400];
	s0 =	sand.u32 $0x7FF0, s2  }
0x215: {  	v5 =	vadd.f32 v44, v5;
	s2 =	sand.u32 $0x7FF0, s30;
	v4 =	vadd.f32 v4, v10;
	v10 =	vmul.f32 v41, v50;
	v41 =	vld [tilespmem:s0+$0x6400]  }
0x216: {  	v6 =	vadd.f32 v46, v6;
	v46 =	vld [tilespmem:s2+$0x6400];
	v8 =	vadd.f32 v43, v8;
	v40 =	vmul.f32 v40, v53  }
0x217: {  	v5 =	vadd.f32 v42, v5;
	v38 =	vmul.f32 v38, v54;
	v4 =	vadd.f32 v10, v4;
	v10 =	vld [tilespmem:s29+$0x6580]  }
0x218: {  	v49 =	vld [tilespmem:$0xCBF0];
	v6 =	vadd.f32 v48, v6;
	v8 =	vadd.f32 v40, v8;
	v39 =	vmul.f32 v39, v47  }
0x219: {  	v3 =	vadd.f32 v3, v5;
	v42 =	vld [tilespmem:$0xCCB0];
	v4 =	vadd.f32 v18, v4;
	v5 =	vmul.f32 v35, v45  }
0x21a: {  	v18 =	vld [tilespmem:$0xCCC0];
	v6 =	vadd.f32 v38, v6;
	v8 =	vadd.f32 v39, v8;
	v35 =	vmul.f32 v36, v41  }
0x21b: {  	v3 =	vadd.f32 v9, v3;
	v44 =	vld [tilespmem:$0xCBD0];
	v9 =	vmul.f32 v33, v46;
	v4 =	vadd.f32 v5, v4  }
0x21c: {  	v43 =	vld [tilespmem:$0xCBE0];
	v2 =	vadd.f32 v2, v6;
	v5 =	vadd.f32 v35, v8;
	v6 =	vmul.f32 v34, v10  }
0x21d: {  	v7 =	vnsel vm0, $0x0, v7;
	v35 =	vld [tilespmem:$0xCC90];
	v3 =	vadd.f32 v9, v3;
	v1 =	vadd.f32 v1, v4;
	v33 =	vmovc v49  }
0x21e: {  	v36 =	vld [tilespmem:$0xCCA0];
	v2 =	vadd.f32 v7, v2;
	v4 =	vadd.f32 v6, v5  }
0x21f: {  	v47 =	vld [tilespmem:$0xCBB0];
	v34 =	vmov v18  }
0x220: {  	v38 =	vld [tilespmem:$0xCBC0];
	v2 =	vadd.f32 v2, v3;
	v1 =	vadd.f32 v4, v1  }
0x221: {  	v48 =	vld [tilespmem:$0xCC70]  }
0x222: {  	v39 =	vld [tilespmem:$0xCC80];
	v3 =	vperm.xlane v2, v15;
	v4 =	vperm.xlane v1, v15  }
0x223: {  	v50 =	vld [tilespmem:$0xCB90]  }
0x224: {  	v49 =	vld [tilespmem:$0xCBA0];
	v2 =	vadd.f32 v3, v2;
	v1 =	vadd.f32 v4, v1  }
0x225: {  	v41 =	vld [tilespmem:$0xCC50]  }
0x226: {  	v40 =	vld [tilespmem:$0xCC60];
	v3 =	vperm.xlane v2, v16;
	v4 =	vperm.xlane v1, v16  }
0x227: {  	v56 =	vld [tilespmem:$0xCB70]  }
0x228: {  	v46 =	vld [tilespmem:$0xCB80];
	v2 =	vadd.f32 v3, v2;
	v1 =	vadd.f32 v4, v1  }
0x229: {  	v55 =	vld [tilespmem:$0xCC30]  }
0x22a: {  	v45 =	vld [tilespmem:$0xCC40];
	v3 =	vperm.xlane v2, v17;
	v4 =	vperm.xlane v1, v17  }
0x22b: {  	v54 =	vld [tilespmem:$0xCB50]  }
0x22c: {  	v52 =	vld [tilespmem:$0xCB60];
	v2 =	vadd.f32 v3, v2;
	v1 =	vadd.f32 v4, v1  }
0x22d: {  	s25 =	sadd.s32 $0x2, s25;
	v53 =	vld [tilespmem:$0xCC10]  }
0x22e: {  	v5 =	vadd.s32 s25, v37;
	v51 =	vld [tilespmem:$0xCC20];
	v3 =	vperm.xlane v2, v19;
	v4 =	vperm.xlane v1, v19  }
0x22f: {  	v57 =	vld [tilespmem:$0xCB40]  }
0x230: {  	s0 =	sadd.s32 $0xFFFFFF20, s28;
	s2 =	sand.u32 $0x7FF0, s28;
	v58 =	vld [tilespmem:$0xCC00];
	v2 =	vadd.f32 v3, v2;
	v3 =	vadd.f32 v4, v1  }
0x231: {  	s0 =	sand.u32 $0x7FF0, s0;
	s29 =	sadd.s32 $0xFFFFFF30, s28;
	v1 =	vld [tilespmem:s2+$0x6400]  }
0x232: {  	s2 =	sadd.s32 $0xFFFFFF00, s28;
	v10 =	vld [tilespmem:s0+$0x6400];
	s0 =	sand.u32 $0x7FF0, s29;
	v3 =	vsel vm1, v2, v3  }
0x233: {  	s2 =	sand.u32 $0x7FF0, s2;
	v2 =	vld [tilespmem:s0+$0x6400];
	s0 =	sadd.s32 $0xFFFFFFC0, s28;
	[tilespmem:v5+s19+$0x0] =	vst.idx.msk $0x3, v3  }
0x234: {  	s29 =	sadd.s32 $0xFFFFFEE0, s28;
	v3 =	vld [tilespmem:s2+$0x6400];
	s0 =	sand.u32 $0x7FF0, s0  }
.Ltmp1:
0x235: {  	s2 =	sand.u32 $0x7FF0, s29;
	s29 =	sadd.s32 $0xFFFFFEF0, s28;
	v18 =	vld [tilespmem:s0+$0x6400];
	(pc) =	sbr.rel @p0 .LBB2_5-.Ltmp1, $4  }
0x236: {  	s24 =	sadd.s32 $0x10, s24;
	s0 =	sadd.s32 $0xFFFFFEC0, s28;
	v59 =	vld [tilespmem:s2+$0x6400];
	s2 =	sand.u32 $0x7FF0, s29  }
0x237: {  	s30 =	sadd.s32 $0xFFFFFEA0, s28;
	s0 =	sand.u32 $0x7FF0, s0;
	v60 =	vld [tilespmem:s2+$0x6400];
	s2 =	sadd.s32 $0xFFFFFF80, s28  }
0x238: {  	s1 =	sadd.s32 $0xFFFFFEB0, s28;
	s29 =	sadd.s32 $0xFFFFFE90, s28;
	v61 =	vld [tilespmem:s0+$0x6400];
	s0 =	sand.u32 $0x7FF0, s2  }
0x239: {  	s31 =	sand.u32 $0x7FF0, s30;
	s30 =	sand.u32 $0x7FF0, s1;
	s28 =	sadd.s32 $0x190, s28;
	v4 =	vld [tilespmem:s0+$0x6400]  }
0x23a: {  	s0 =	sand.u32 $0x30, s24;
	s1 =	sand.u32 $0x3FC0, s29;
	v5 =	vld [tilespmem:s31+$0x6400]  }
0x23b: {  	v6 =	vld [tilespmem:s30+$0x6400];
	s0 =	sor.u32 s0, s1  }
0x23c: {  	s2 =	sadd.s32 $0xFFFFFF60, s26;
	v7 =	vld [tilespmem:s0+$0x64C0]  }
0x23d: {  	v9 =	vmul.f32 v44, v10;
	v1 =	vmul.f32 v42, v1;
	s1 =	sand.u32 $0x7FF0, s2;
	s2 =	sadd.s32 $0xFFFFFF70, s26;
	v8 =	vld [tilespmem:s0+$0x6400]  }
0x23e: {  	v3 =	vmul.f32 v47, v3;
	v2 =	vmul.f32 v43, v2;
	v10 =	vld [tilespmem:s1+$0x6400];
	s24 =	sand.u32 $0x7FF0, s2  }
0x23f: {  	v18 =	vmul.f32 v48, v18;
	v42 =	vmul.f32 v50, v59;
	v43 =	vld [tilespmem:s24+$0x6400]  }
0x240: {  	s30 =	sadd.s32 $0xFFFFFFA0, s26;
	v59 =	vld [tilespmem:s0+$0x6440];
	v48 =	vmul.f32 v49, v60;
	v44 =	vmul.f32 v56, v61  }
0x241: {  	s31 =	sadd.s32 $0xFFFFFFB0, s26;
	s1 =	sand.u32 $0x7FF0, s30;
	v61 =	vld [tilespmem:s0+$0x6500];
	v4 =	vmul.f32 v55, v4;
	v7 =	vmul.f32 v58, v7  }
0x242: {  	s2 =	sand.u32 $0x7FF0, s31;
	v62 =	vld [tilespmem:s1+$0x6400];
	v5 =	vmul.f32 v54, v5;
	v8 =	vmul.f32 v57, v8  }
0x243: {  	v6 =	vmul.f32 v52, v6;
	v10 =	vmul.f32 v53, v10;
	v57 =	vld [tilespmem:s2+$0x6400];
	v63 =	vsel vm0, $0x0, v7  }
0x244: {  	s24 =	sadd.s32 $0xFFFFFFE0, s26;
	v58 =	vld [tilespmem:s0+$0x6480];
	v43 =	vmul.f32 v51, v43;
	v8 =	vadd.f32 $0.0e+00, v8;
	v52 =	vadd.f32 $0.0e+00, v63  }
0x245: {  	s30 =	sadd.s32 $0xFFFFFFF0, s26;
	s1 =	sand.u32 $0x7FF0, s24;
	v5 =	vadd.f32 $0.0e+00, v5;
	v46 =	vmul.f32 v46, v59;
	v59 =	vld [tilespmem:s0+$0x6540];
	v10 =	vadd.f32 $0.0e+00, v10  }
0x246: {  	s31 =	sadd.s32 $0xFFFFFF40, s26;
	s26 =	sand.u32 $0x7FF0, s30;
	v60 =	vmul.f32 v45, v61;
	v61 =	vld [tilespmem:s1+$0x6400];
	v6 =	vadd.f32 v6, v8;
	v8 =	vadd.f32 v43, v52  }
0x247: {  	s30 =	sand.u32 $0x7FF0, s31;
	v5 =	vadd.f32 v44, v5;
	v4 =	vadd.f32 v4, v10;
	v10 =	vmul.f32 v41, v62;
	v62 =	vld [tilespmem:s26+$0x6400]  }
0x248: {  	v63 =	vld [tilespmem:s30+$0x6400];
	v40 =	vmul.f32 v40, v57;
	v6 =	vadd.f32 v46, v6;
	v8 =	vadd.f32 v60, v8  }
0x249: {  	v5 =	vadd.f32 v42, v5;
	v38 =	vmul.f32 v38, v58;
	v4 =	vadd.f32 v10, v4;
	v10 =	vld [tilespmem:s0+$0x6580]  }
0x24a: {  	v39 =	vmul.f32 v39, v59;
	v6 =	vadd.f32 v48, v6;
	v8 =	vadd.f32 v40, v8  }
0x24b: {  	v3 =	vadd.f32 v3, v5;
	v5 =	vmul.f32 v35, v61;
	v4 =	vadd.f32 v18, v4  }
0x24c: {  	v18 =	vmul.f32 v36, v62;
	v6 =	vadd.f32 v38, v6;
	v8 =	vadd.f32 v39, v8  }
0x24d: {  	v3 =	vadd.f32 v9, v3;
	v9 =	vmul.f32 v33, v63;
	v4 =	vadd.f32 v5, v4  }
0x24e: {  	v2 =	vadd.f32 v2, v6;
	v6 =	vmul.f32 v34, v10;
	v5 =	vadd.f32 v18, v8  }
0x24f: {  	v7 =	vnsel vm0, $0x0, v7;
	v3 =	vadd.f32 v9, v3;
	v1 =	vadd.f32 v1, v4  }
0x250: {  	v2 =	vadd.f32 v7, v2;
	v4 =	vadd.f32 v6, v5;
	_ =	sdelay $0x1  }
0x251: {  	v2 =	vadd.f32 v2, v3;
	v1 =	vadd.f32 v4, v1;
	_ =	sdelay $0x1  }
0x252: {  	v3 =	vperm.xlane v2, v15;
	v4 =	vperm.xlane v1, v15;
	_ =	sdelay $0x1  }
0x253: {  	v2 =	vadd.f32 v3, v2;
	v1 =	vadd.f32 v4, v1;
	_ =	sdelay $0x1  }
0x254: {  	v3 =	vperm.xlane v2, v16;
	v4 =	vperm.xlane v1, v16;
	_ =	sdelay $0x1  }
0x255: {  	v2 =	vadd.f32 v3, v2;
	v1 =	vadd.f32 v4, v1;
	_ =	sdelay $0x1  }
0x256: {  	v3 =	vperm.xlane v2, v17;
	v4 =	vperm.xlane v1, v17;
	_ =	sdelay $0x1  }
0x257: {  	v2 =	vadd.f32 v3, v2;
	v1 =	vadd.f32 v4, v1  }
0x258: {  	s31 =	sadd.s32 $0x2, s25  }
0x259: {  	v5 =	vadd.s32 s31, v37;
	v3 =	vperm.xlane v2, v19;
	v4 =	vperm.xlane v1, v19  }
0x25a: {  	p0 =	seq.s32 s22, $0x3F  }
0x25b: {  	s0 =	smul.u32 @!p0 $0x640, s22;
	v2 =	vadd.f32 v3, v2;
	v1 =	vadd.f32 v4, v1;
	_ =	sdelay $0x1  }
0x25c: {  	s0 =	sshra.s32 @!p0 s0, $0x2;
	v1 =	vsel vm1, v2, v1  }
0x25d: {  	s24 =	simm.s32 @!p0 $0x6400;
	s2 =	simm.s32 @!p0 $0x80;
	s1 =	sadd.s32 @!p0 $0x190, s0;
	[tilespmem:v5+s19+$0x0] =	vst.idx.msk $0x3, v1  }
0x25e: {  	[tilespmem:s24], [sflag:$0x1] =	stream.indirect.gather @!p0 [hbm4b:s4+s2], $0x40, s1, s2, $0xb8;
	[tilespmem:$0xECD0] =	vst v63  }
0x25f: {  	s0 =	sadd.s32 @!p0 $0x210, s0;
	s1 =	simm.s32 @!p0 $0x48;
	s2 =	simm.s32 @!p0 $0x8400  }
0x260: {  	[tilespmem:s2], [sflag:$0x1] =	stream.indirect.gather @!p0 [hbm4b:s4+s1], $0x40, s0, s1, $0xb8;
	[tilespmem:$0xECD0] =	vst v63  }
0x261: {  	_ =	swait.ge [sflag:s20], $0x2000  }
0x262: {  	[sflag:s20] =	ssyncset.done $0x0  }
0x263: {  	[sflag:s20] =	ssyncadd.s32 $0xFFFFE000  }
0x264: {  	_ =	swait.ge [sflag:s20], $0x1200  }
0x265: {  	s1 =	simm.s32 $0x170;
	[sflag:s20] =	ssyncset.done $0x0  }
0x266: {  	s2 =	simm.s32 $0x160;
	s0 =	sand.u32 $0x7FF0, s1;
	[sflag:s20] =	ssyncadd.s32 $0xFFFFEE00  }
0x267: {  	s24 =	simm.s32 $0x150;
	s1 =	sand.u32 $0x7FF0, s2;
	v1 =	vld [tilespmem:s0+$0x9600]  }
0x268: {  	s25 =	simm.s32 $0x130;
	s2 =	sand.u32 $0x7FF0, s24;
	v2 =	vld [tilespmem:s1+$0x9600]  }
0x269: {  	s26 =	simm.s32 $0x120;
	s0 =	sand.u32 $0x7FF0, s25;
	v3 =	vld [tilespmem:s2+$0x9600]  }
0x26a: {  	s30 =	simm.s32 $0x110;
	s1 =	sand.u32 $0x7FF0, s26;
	v4 =	vld [tilespmem:s0+$0x9600]  }
0x26b: {  	s31 =	simm.s32 $0xF0;
	s2 =	sand.u32 $0x7FF0, s30;
	v5 =	vld [tilespmem:s1+$0x9600]  }
0x26c: {  	v47 =	vimm.f32 $0.0e+00;
	v50 =	vimm.f32 $0.0e+00;
	s0 =	sand.u32 $0x7FF0, s31;
	v6 =	vld [tilespmem:s2+$0x9600];
	s1 =	simm.s32 $0xE0  }
0x26d: {  	v49 =	vimm.f32 $0.0e+00;
	v56 =	vimm.f32 $0.0e+00;
	v55 =	vimm.f32 $0.0e+00;
	s2 =	simm.s32 $0xD0;
	v7 =	vld [tilespmem:s0+$0x9600];
	s0 =	sand.u32 $0x7FF0, s1  }
0x26e: {  	v54 =	vimm.f32 $0.0e+00;
	v53 =	vimm.f32 $0.0e+00;
	v45 =	vimm.f32 $0.0e+00;
	s25 =	simm.s32 $0xA0;
	s1 =	sand.u32 $0x7FF0, s2;
	v58 =	vld [tilespmem:s0+$0x9600]  }
0x26f: {  	v51 =	vimm.f32 $0.0e+00;
	v44 =	vimm.f32 $0.0e+00;
	v42 =	vimm.f32 $0.0e+00;
	s24 =	simm.s32 $0xB0;
	s31 =	simm.s32 $0x60;
	v59 =	vld [tilespmem:s1+$0x9600];
	s0 =	sand.u32 $0x7FF0, s25  }
0x270: {  	v41 =	vimm.f32 $0.0e+00;
	v43 =	vimm.f32 $0.0e+00;
	v57 =	vimm.f32 $0.0e+00;
	s2 =	sand.u32 $0x7FF0, s24;
	v63 =	vld [tilespmem:s0+$0x9600];
	s0 =	sand.u32 $0x7FF0, s31;
	s31 =	simm.s32 $0x30  }
0x271: {  	v52 =	vimm.f32 $0.0e+00;
	v46 =	vimm.f32 $0.0e+00;
	s26 =	simm.s32 $0x90;
	v60 =	vld [tilespmem:s2+$0x9600];
	v1 =	vmul.f32 v1, v1;
	s31 =	sand.u32 $0x7FF0, s31  }
0x272: {  	v34 =	vimm.f32 $0.0e+00;
	s30 =	simm.s32 $0x70;
	s1 =	sand.u32 $0x7FF0, s26;
	v2 =	vmul.f32 v2, v2;
	v62 =	vmul.f32 v5, v5;
	v5 =	vld [tilespmem:s31+$0x9600]  }
0x273: {  	v48 =	vimm.f32 $0.0e+00;
	s2 =	sand.u32 $0x7FF0, s30;
	v3 =	vmul.f32 v3, v3;
	v33 =	vadd.f32 v1, v34;
	v1 =	vld [tilespmem:s1+$0x9600]  }
0x274: {  	s29 =	simm.s32 $0x0;
	v40 =	vimm.f32 $0.0e+00;
	v38 =	vimm.f32 $0.0e+00;
	s24 =	simm.s32 $0x0;
	s25 =	simm.s32 $0x50;
	v35 =	vadd.f32 v2, v34;
	v2 =	vld [tilespmem:s2+$0x9600]  }
0x275: {  	v39 =	vimm.f32 $0.0e+00;
	s26 =	simm.s32 $0x10;
	s30 =	simm.s32 $0x20;
	v61 =	vmul.f32 v4, v4;
	v36 =	vadd.f32 v3, v34;
	s1 =	sand.u32 $0x7FF0, s25;
	v3 =	vld [tilespmem:s0+$0x9600]  }
0x276: {  	v37 =	vimm.f32 $0.0e+00;
	s26 =	sand.u32 $0x7FF0, s26;
	s28 =	sand.u32 $0x7FF0, s30;
	v10 =	vmul.f32 v6, v6;
	v18 =	vmul.f32 v7, v7;
	s25 =	simm.s32 $0x300;
	v4 =	vld [tilespmem:s1+$0x9600]  }
.LBB2_7:
0x277: {  	p0 =	sne.s32 s25, $0x31E0;
	s0 =	sand.u32 $0x30, s24;
	s1 =	sand.u32 $0x3FC0, s29;
	v6 =	vld [tilespmem:s28+$0x9600];
	v7 =	vmul.f32 v58, v58;
	v34 =	vadd.f32 v62, v34;
	v37 =	vadd.f32 v61, v37  }
0x278: {  	v9 =	vmul.f32 v59, v59;
	s0 =	sor.u32 s0, s1;
	v8 =	vld [tilespmem:s26+$0x9600];
	v39 =	vadd.f32 v18, v39;
	v38 =	vadd.f32 v10, v38  }
0x279: {  	v10 =	vmul.f32 v63, v63;
	v18 =	vmul.f32 v60, v60;
	v40 =	vadd.f32 v7, v40;
	v7 =	vld [tilespmem:s0+$0x9780]  }
0x27a: {  	v1 =	vmul.f32 v1, v1;
	v2 =	vmul.f32 v2, v2;
	v42 =	vadd.f32 v9, v42;
	v58 =	vld [tilespmem:s0+$0x9600]  }
0x27b: {  	v3 =	vmul.f32 v3, v3;
	v43 =	vadd.f32 v10, v43;
	v44 =	vadd.f32 v18, v44;
	v9 =	vld [tilespmem:s0+$0x9640]  }
0x27c: {  	v45 =	vadd.f32 v1, v45;
	v4 =	vmul.f32 v4, v4;
	v47 =	vadd.f32 v2, v47;
	v2 =	vld [tilespmem:s0+$0x9680]  }
0x27d: {  	v5 =	vmul.f32 v5, v5;
	v50 =	vadd.f32 v3, v50;
	v1 =	vmul.f32 v6, v6;
	v3 =	vld [tilespmem:s0+$0x96C0]  }
0x27e: {  	v51 =	vadd.f32 v4, v51;
	v6 =	vmul.f32 v8, v8;
	v4 =	vld [tilespmem:s0+$0x9700];
	v7 =	vmul.f32 v7, v7  }
0x27f: {  	s2 =	sand.u32 $0x7FF0, s25;
	s1 =	sadd.s32 $0xFFFFFFF0, s25;
	v55 =	vadd.f32 v5, v55;
	v54 =	vadd.f32 v1, v54;
	v8 =	vmul.f32 v58, v58;
	v1 =	vld [tilespmem:s0+$0x9740]  }
0x280: {  	s1 =	sand.u32 $0x7FF0, s1;
	s0 =	sadd.s32 $0xFFFFFFE0, s25;
	v57 =	vadd.f32 v6, v57;
	v5 =	vld [tilespmem:s2+$0x9600];
	v6 =	vmul.f32 v9, v9;
	v41 =	vadd.f32 v7, v41  }
0x281: {  	s2 =	sadd.s32 $0xFFFFFFC0, s25;
	s0 =	sand.u32 $0x7FF0, s0;
	v7 =	vld [tilespmem:s1+$0x9600];
	v53 =	vadd.f32 v8, v53;
	v2 =	vmul.f32 v2, v2  }
0x282: {  	s1 =	sadd.s32 $0xFFFFFFB0, s25;
	s2 =	sand.u32 $0x7FF0, s2;
	v8 =	vld [tilespmem:s0+$0x9600];
	v56 =	vadd.f32 v6, v56;
	v3 =	vmul.f32 v3, v3  }
0x283: {  	s0 =	sadd.s32 $0xFFFFFFA0, s25;
	s1 =	sand.u32 $0x7FF0, s1;
	v6 =	vld [tilespmem:s2+$0x9600];
	v52 =	vadd.f32 v2, v52;
	v2 =	vmul.f32 v4, v4  }
0x284: {  	s2 =	sadd.s32 $0xFFFFFF80, s25;
	s0 =	sand.u32 $0x7FF0, s0;
	v9 =	vld [tilespmem:s1+$0x9600];
	v49 =	vadd.f32 v3, v49;
	v1 =	vmul.f32 v1, v1  }
0x285: {  	s1 =	sadd.s32 $0xFFFFFF70, s25;
	s2 =	sand.u32 $0x7FF0, s2;
	v10 =	vld [tilespmem:s0+$0x9600];
	v48 =	vadd.f32 v2, v48  }
0x286: {  	s0 =	sadd.s32 $0xFFFFFF60, s25;
	s1 =	sand.u32 $0x7FF0, s1;
	v18 =	vld [tilespmem:s2+$0x9600];
	v46 =	vadd.f32 v1, v46  }
0x287: {  	s2 =	sadd.s32 $0xFFFFFF40, s25;
	s0 =	sand.u32 $0x7FF0, s0;
	v58 =	vld [tilespmem:s1+$0x9600]  }
0x288: {  	s1 =	sadd.s32 $0xFFFFFF30, s25;
	s2 =	sand.u32 $0x7FF0, s2;
	v59 =	vld [tilespmem:s0+$0x9600]  }
0x289: {  	s0 =	sadd.s32 $0xFFFFFF20, s25;
	s1 =	sand.u32 $0x7FF0, s1;
	v60 =	vld [tilespmem:s2+$0x9600]  }
0x28a: {  	s26 =	sadd.s32 $0xFFFFFEF0, s25;
	s2 =	sadd.s32 $0xFFFFFF00, s25;
	s0 =	sand.u32 $0x7FF0, s0;
	v63 =	vld [tilespmem:s1+$0x9600]  }
.Ltmp2:
0x28b: {  	v4 =	vmul.f32 v5, v5;
	s1 =	sadd.s32 $0xFFFFFEE0, s25;
	s2 =	sand.u32 $0x7FF0, s2;
	v1 =	vld [tilespmem:s0+$0x9600];
	(pc) =	sbr.rel @p0 .LBB2_7-.Ltmp2, $4  }
0x28c: {  	v5 =	vmul.f32 v7, v7;
	s0 =	sand.u32 $0x7FF0, s1;
	s1 =	sand.u32 $0x7FF0, s26;
	v2 =	vld [tilespmem:s2+$0x9600]  }
0x28d: {  	s28 =	sadd.s32 $0xFFFFFEB0, s25;
	s29 =	sadd.s32 $0xFFFFFEC0, s25;
	v7 =	vmul.f32 v8, v8;
	v33 =	vadd.f32 v4, v33;
	s2 =	sadd.s32 $0xFFFFFEA0, s25;
	v3 =	vld [tilespmem:s1+$0x9600]  }
0x28e: {  	s28 =	sand.u32 $0x7FF0, s28;
	v61 =	vmul.f32 v6, v6;
	v35 =	vadd.f32 v5, v35;
	v62 =	vmul.f32 v9, v9;
	s26 =	sand.u32 $0x7FF0, s2;
	s1 =	sand.u32 $0x7FF0, s29;
	v4 =	vld [tilespmem:s0+$0x9600]  }
0x28f: {  	s24 =	sadd.s32 $0x10, s24;
	v36 =	vadd.f32 v7, v36;
	v10 =	vmul.f32 v10, v10;
	v18 =	vmul.f32 v18, v18;
	s29 =	sadd.s32 $0xFFFFFE90, s25;
	s25 =	sadd.s32 $0x190, s25;
	v5 =	vld [tilespmem:s1+$0x9600]  }
0x290: {  	s0 =	sand.u32 $0x30, s24;
	s1 =	sand.u32 $0x3FC0, s29;
	v6 =	vld [tilespmem:s26+$0x9600]  }
0x291: {  	v7 =	vld [tilespmem:s28+$0x9600];
	s0 =	sor.u32 s0, s1  }
0x292: {  	v8 =	vld [tilespmem:s0+$0x9780]  }
0x293: {  	v9 =	vld [tilespmem:s0+$0x9640]  }
0x294: {  	v11 =	vld [tilespmem:s0+$0x9600];
	v4 =	vmul.f32 v4, v4  }
0x295: {  	v12 =	vld [tilespmem:s0+$0x9680];
	v3 =	vmul.f32 v3, v3;
	v6 =	vmul.f32 v6, v6  }
0x296: {  	v2 =	vmul.f32 v2, v2;
	v13 =	vld [tilespmem:s0+$0x96C0];
	v7 =	vmul.f32 v7, v7;
	v4 =	vadd.f32 v4, v51  }
0x297: {  	v1 =	vmul.f32 v1, v1;
	v3 =	vadd.f32 v3, v50;
	v6 =	vadd.f32 v6, v57;
	v57 =	vld [tilespmem:s0+$0x9700]  }
0x298: {  	v2 =	vadd.f32 v2, v47;
	v7 =	vadd.f32 v7, v54;
	v54 =	vld [tilespmem:s0+$0x9740];
	[tilespmem:$0xC920] =	vst v4  }
0x299: {  	v1 =	vadd.f32 v1, v45;
	[tilespmem:$0xC930] =	vst v3  }
0x29a: {  	[tilespmem:$0xC940] =	vst v2  }
0x29b: {  	v5 =	vmul.f32 v5, v5;
	[tilespmem:$0xC960] =	vst v1  }
0x29c: {  	[tilespmem:$0xCA20] =	vst v36  }
0x29d: {  	v5 =	vadd.f32 v5, v55;
	[tilespmem:$0xCA30] =	vst v35  }
0x29e: {  	v9 =	vmul.f32 v9, v9;
	[tilespmem:$0xCA40] =	vst v33  }
0x29f: {  	v4 =	vmul.f32 v12, v12;
	[tilespmem:$0xC900] =	vst v5  }
0x2a0: {  	v2 =	vmul.f32 v63, v63;
	[tilespmem:$0xC8E0] =	vst v6;
	v6 =	vadd.f32 v9, v56  }
0x2a1: {  	v1 =	vmul.f32 v58, v58;
	[tilespmem:$0xC8F0] =	vst v7;
	v3 =	vadd.f32 v4, v52  }
0x2a2: {  	v5 =	vmul.f32 v11, v11;
	v2 =	vadd.f32 v2, v43;
	[tilespmem:$0xC910] =	vst v6  }
0x2a3: {  	v4 =	vmul.f32 v60, v60;
	v1 =	vadd.f32 v1, v40;
	[tilespmem:$0xC950] =	vst v3  }
0x2a4: {  	v5 =	vadd.f32 v5, v53;
	v3 =	vmul.f32 v59, v59;
	[tilespmem:$0xC970] =	vst v2  }
0x2a5: {  	v4 =	vadd.f32 v4, v44;
	[tilespmem:$0xC9B0] =	vst v1  }
0x2a6: {  	[tilespmem:$0xC8D0] =	vst v5;
	v2 =	vadd.f32 v3, v42;
	v3 =	vmul.f32 v57, v57  }
0x2a7: {  	[tilespmem:$0xC980] =	vst v4;
	v4 =	vadd.f32 v18, v39  }
0x2a8: {  	[tilespmem:$0xC9A0] =	vst v2;
	v2 =	vadd.f32 v3, v48  }
0x2a9: {  	v6 =	vmul.f32 v13, v13;
	v1 =	vadd.f32 v10, v38;
	[tilespmem:$0xC9C0] =	vst v4  }
0x2aa: {  	v4 =	vmul.f32 v54, v54;
	[tilespmem:$0xC9D0] =	vst v2;
	v2 =	vadd.f32 v61, v37  }
0x2ab: {  	v6 =	vadd.f32 v6, v49;
	[tilespmem:$0xC9E0] =	vst v1  }
0x2ac: {  	v1 =	vadd.f32 v4, v46;
	[tilespmem:$0xCA00] =	vst v2;
	v2 =	vmul.f32 v8, v8  }
0x2ad: {  	[tilespmem:$0xC990] =	vst v6;
	v3 =	vadd.f32 v62, v34  }
0x2ae: {  	[tilespmem:$0xCA10] =	vst v1;
	v1 =	vadd.f32 v2, v41  }
0x2af: {  	[tilespmem:$0xC9F0] =	vst v3  }
0x2b0: {  	[tilespmem:$0xCA50] =	vst v1  }
0x2b1: {  	v1 =	vld.idx.msk [tilespmem:v14+s17+$0x0], $0xffff;
	_ =	sdelay $0x4  }
0x2b2: {  	v1 =	vadd.f32 v1, v5;
	_ =	sdelay $0x1  }
0x2b3: {  	v2 =	vshrl.u32 v1, $0x1;
	v3 =	vmul.f32 $5.000000000e-01, v1  }
0x2b4: {  	v2 =	vsub.s32 $0x5F3759DF, v2  }
0x2b5: {  	v4 =	vmul.f32 v2, v3;
	_ =	sdelay $0x1  }
0x2b6: {  	v4 =	vmul.f32 v2, v4;
	_ =	sdelay $0x1  }
0x2b7: {  	v4 =	vsub.f32 $1.500000000e+00, v4;
	_ =	sdelay $0x1  }
0x2b8: {  	v2 =	vmul.f32 v2, v4;
	_ =	sdelay $0x1  }
0x2b9: {  	v3 =	vmul.f32 v2, v3;
	_ =	sdelay $0x1  }
0x2ba: {  	v3 =	vmul.f32 v3, v2;
	_ =	sdelay $0x1  }
0x2bb: {  	v4 =	vld [tilespmem:$0xC800];
	v3 =	vsub.f32 $1.500000000e+00, v3;
	_ =	sdelay $0x1  }
0x2bc: {  	v2 =	vmul.f32 v3, v2;
	_ =	sdelay $0x1  }
0x2bd: {  	v1 =	vmul.f32 v2, v1  }
0x2be: {  	v2 =	vand.u32 $0x7FFFFFFF, v4  }
0x2bf: {  	v1 =	vmul.f32 v1, v2;
	_ =	sdelay $0x1  }
0x2c0: {  	v1 =	vmax.f32 v1, $9.999999960e-13  }
0x2c1: {  	(erf) = vrcp.f32 v1;
	_ =	sdelay $0x4  }
0x2c2: {  	v59 =	vld [tilespmem:$0x1FFB0];
	_ =	sdelay $0x3  }
0x2c3: {  	v1 =	vpop (erf)  }
0x2c4: {  	v51 =	vmul.f32 v1, v4;
	_ =	sdelay $0x1  }
0x2c5: {  	v1 =	vld [tilespmem:$0xC8E0];
	[tilespmem:$0xCA70] =	vst v51  }
0x2c6: {  	v2 =	vld.idx.msk [tilespmem:v59+s17+$0x0], $0xffff;
	_ =	sdelay $0x4  }
0x2c7: {  	v1 =	vadd.f32 v2, v1;
	_ =	sdelay $0x1  }
0x2c8: {  	v2 =	vshrl.u32 v1, $0x1;
	v3 =	vmul.f32 $5.000000000e-01, v1  }
0x2c9: {  	v2 =	vsub.s32 $0x5F3759DF, v2  }
0x2ca: {  	v4 =	vmul.f32 v2, v3;
	_ =	sdelay $0x1  }
0x2cb: {  	v4 =	vmul.f32 v2, v4;
	_ =	sdelay $0x1  }
0x2cc: {  	v4 =	vsub.f32 $1.500000000e+00, v4;
	_ =	sdelay $0x1  }
0x2cd: {  	v2 =	vmul.f32 v2, v4;
	_ =	sdelay $0x1  }
0x2ce: {  	v3 =	vmul.f32 v2, v3;
	_ =	sdelay $0x1  }
0x2cf: {  	v3 =	vmul.f32 v3, v2;
	_ =	sdelay $0x1  }
0x2d0: {  	v4 =	vld [tilespmem:$0xC810];
	v3 =	vsub.f32 $1.500000000e+00, v3;
	_ =	sdelay $0x1  }
0x2d1: {  	v2 =	vmul.f32 v3, v2;
	_ =	sdelay $0x1  }
0x2d2: {  	v1 =	vmul.f32 v2, v1  }
0x2d3: {  	v2 =	vand.u32 $0x7FFFFFFF, v4  }
0x2d4: {  	v1 =	vmul.f32 v1, v2;
	_ =	sdelay $0x1  }
0x2d5: {  	v1 =	vmax.f32 v1, $9.999999960e-13  }
0x2d6: {  	(erf) = vrcp.f32 v1;
	_ =	sdelay $0x4  }
0x2d7: {  	v60 =	vld [tilespmem:$0x1FFC0];
	_ =	sdelay $0x3  }
0x2d8: {  	v1 =	vpop (erf)  }
0x2d9: {  	v1 =	vmul.f32 v1, v4;
	_ =	sdelay $0x1  }
0x2da: {  	[tilespmem:$0xCA80] =	vst v1;
	v1 =	vld [tilespmem:$0xC8F0]  }
0x2db: {  	v2 =	vld.idx.msk [tilespmem:v60+s17+$0x0], $0xffff;
	_ =	sdelay $0x4  }
0x2dc: {  	v1 =	vadd.f32 v2, v1;
	_ =	sdelay $0x1  }
0x2dd: {  	v2 =	vshrl.u32 v1, $0x1;
	v3 =	vmul.f32 $5.000000000e-01, v1  }
0x2de: {  	v2 =	vsub.s32 $0x5F3759DF, v2  }
0x2df: {  	v4 =	vmul.f32 v2, v3;
	_ =	sdelay $0x1  }
0x2e0: {  	v4 =	vmul.f32 v2, v4;
	_ =	sdelay $0x1  }
0x2e1: {  	v4 =	vsub.f32 $1.500000000e+00, v4;
	_ =	sdelay $0x1  }
0x2e2: {  	v2 =	vmul.f32 v2, v4;
	_ =	sdelay $0x1  }
0x2e3: {  	v3 =	vmul.f32 v2, v3;
	_ =	sdelay $0x1  }
0x2e4: {  	v3 =	vmul.f32 v3, v2;
	_ =	sdelay $0x1  }
0x2e5: {  	v4 =	vld [tilespmem:$0xC820];
	v3 =	vsub.f32 $1.500000000e+00, v3;
	_ =	sdelay $0x1  }
0x2e6: {  	v2 =	vmul.f32 v3, v2;
	_ =	sdelay $0x1  }
0x2e7: {  	v1 =	vmul.f32 v2, v1  }
0x2e8: {  	v2 =	vand.u32 $0x7FFFFFFF, v4  }
0x2e9: {  	v1 =	vmul.f32 v1, v2;
	_ =	sdelay $0x1  }
0x2ea: {  	v1 =	vmax.f32 v1, $9.999999960e-13  }
0x2eb: {  	(erf) = vrcp.f32 v1;
	_ =	sdelay $0x4  }
0x2ec: {  	v61 =	vld [tilespmem:$0x1FFD0];
	_ =	sdelay $0x3  }
0x2ed: {  	v1 =	vpop (erf)  }
0x2ee: {  	v1 =	vmul.f32 v1, v4;
	_ =	sdelay $0x1  }
0x2ef: {  	[tilespmem:$0xCA90] =	vst v1;
	v1 =	vld [tilespmem:$0xC900]  }
0x2f0: {  	v2 =	vld.idx.msk [tilespmem:v61+s17+$0x0], $0xffff;
	_ =	sdelay $0x4  }
0x2f1: {  	v1 =	vadd.f32 v2, v1;
	_ =	sdelay $0x1  }
0x2f2: {  	v2 =	vshrl.u32 v1, $0x1;
	v3 =	vmul.f32 $5.000000000e-01, v1  }
0x2f3: {  	v2 =	vsub.s32 $0x5F3759DF, v2  }
0x2f4: {  	v4 =	vmul.f32 v2, v3;
	_ =	sdelay $0x1  }
0x2f5: {  	v4 =	vmul.f32 v2, v4;
	_ =	sdelay $0x1  }
0x2f6: {  	v4 =	vsub.f32 $1.500000000e+00, v4;
	_ =	sdelay $0x1  }
0x2f7: {  	v2 =	vmul.f32 v2, v4;
	_ =	sdelay $0x1  }
0x2f8: {  	v3 =	vmul.f32 v2, v3;
	_ =	sdelay $0x1  }
0x2f9: {  	v3 =	vmul.f32 v3, v2;
	_ =	sdelay $0x1  }
0x2fa: {  	v4 =	vld [tilespmem:$0xC830];
	v3 =	vsub.f32 $1.500000000e+00, v3;
	_ =	sdelay $0x1  }
0x2fb: {  	v2 =	vmul.f32 v3, v2;
	_ =	sdelay $0x1  }
0x2fc: {  	v1 =	vmul.f32 v2, v1  }
0x2fd: {  	v2 =	vand.u32 $0x7FFFFFFF, v4  }
0x2fe: {  	v1 =	vmul.f32 v1, v2;
	_ =	sdelay $0x1  }
0x2ff: {  	v1 =	vmax.f32 v1, $9.999999960e-13  }
0x300: {  	(erf) = vrcp.f32 v1;
	_ =	sdelay $0x4  }
0x301: {  	v62 =	vld [tilespmem:$0x1FFE0];
	_ =	sdelay $0x3  }
0x302: {  	v1 =	vpop (erf)  }
0x303: {  	v1 =	vmul.f32 v1, v4;
	_ =	sdelay $0x1  }
0x304: {  	[tilespmem:$0xCAA0] =	vst v1;
	v1 =	vld [tilespmem:$0xC910]  }
0x305: {  	v2 =	vld.idx.msk [tilespmem:v62+s17+$0x0], $0xffff;
	_ =	sdelay $0x4  }
0x306: {  	v1 =	vadd.f32 v2, v1;
	_ =	sdelay $0x1  }
0x307: {  	v2 =	vshrl.u32 v1, $0x1;
	v3 =	vmul.f32 $5.000000000e-01, v1  }
0x308: {  	v2 =	vsub.s32 $0x5F3759DF, v2  }
0x309: {  	v4 =	vmul.f32 v2, v3;
	_ =	sdelay $0x1  }
0x30a: {  	v4 =	vmul.f32 v2, v4;
	_ =	sdelay $0x1  }
0x30b: {  	v4 =	vsub.f32 $1.500000000e+00, v4;
	_ =	sdelay $0x1  }
0x30c: {  	v2 =	vmul.f32 v2, v4;
	_ =	sdelay $0x1  }
0x30d: {  	v3 =	vmul.f32 v2, v3;
	_ =	sdelay $0x1  }
0x30e: {  	v3 =	vmul.f32 v3, v2;
	_ =	sdelay $0x1  }
0x30f: {  	v4 =	vld [tilespmem:$0xC840];
	v3 =	vsub.f32 $1.500000000e+00, v3;
	_ =	sdelay $0x1  }
0x310: {  	v2 =	vmul.f32 v3, v2;
	_ =	sdelay $0x1  }
0x311: {  	v1 =	vmul.f32 v2, v1  }
0x312: {  	v2 =	vand.u32 $0x7FFFFFFF, v4  }
0x313: {  	v1 =	vmul.f32 v1, v2;
	_ =	sdelay $0x1  }
0x314: {  	v1 =	vmax.f32 v1, $9.999999960e-13  }
0x315: {  	(erf) = vrcp.f32 v1;
	_ =	sdelay $0x4  }
0x316: {  	v63 =	vld [tilespmem:$0x1FFF0];
	_ =	sdelay $0x3  }
0x317: {  	v1 =	vpop (erf)  }
0x318: {  	v1 =	vmul.f32 v1, v4;
	_ =	sdelay $0x1  }
0x319: {  	[tilespmem:$0xCAB0] =	vst v1;
	v1 =	vld [tilespmem:$0xC920]  }
0x31a: {  	v2 =	vld.idx.msk [tilespmem:v63+s17+$0x0], $0xffff;
	_ =	sdelay $0x4  }
0x31b: {  	v1 =	vadd.f32 v2, v1;
	_ =	sdelay $0x1  }
0x31c: {  	v2 =	vshrl.u32 v1, $0x1;
	v3 =	vmul.f32 $5.000000000e-01, v1  }
0x31d: {  	v2 =	vsub.s32 $0x5F3759DF, v2  }
0x31e: {  	v4 =	vmul.f32 v2, v3;
	_ =	sdelay $0x1  }
0x31f: {  	v4 =	vmul.f32 v2, v4;
	_ =	sdelay $0x1  }
0x320: {  	v4 =	vsub.f32 $1.500000000e+00, v4;
	_ =	sdelay $0x1  }
0x321: {  	v2 =	vmul.f32 v2, v4;
	_ =	sdelay $0x1  }
0x322: {  	v3 =	vmul.f32 v2, v3;
	_ =	sdelay $0x1  }
0x323: {  	v3 =	vmul.f32 v3, v2;
	_ =	sdelay $0x1  }
0x324: {  	v4 =	vld [tilespmem:$0xC850];
	v3 =	vsub.f32 $1.500000000e+00, v3;
	_ =	sdelay $0x1  }
0x325: {  	v2 =	vmul.f32 v3, v2;
	_ =	sdelay $0x1  }
0x326: {  	v1 =	vmul.f32 v2, v1  }
0x327: {  	v2 =	vand.u32 $0x7FFFFFFF, v4  }
0x328: {  	v1 =	vmul.f32 v1, v2;
	_ =	sdelay $0x1  }
0x329: {  	v1 =	vmax.f32 v1, $9.999999960e-13  }
0x32a: {  	(erf) = vrcp.f32 v1;
	_ =	sdelay $0x4  }
0x32b: {  	v2 =	vld [tilespmem:$0x1FF20];
	_ =	sdelay $0x3  }
0x32c: {  	v1 =	vpop (erf)  }
0x32d: {  	v1 =	vmul.f32 v1, v4;
	_ =	sdelay $0x1  }
0x32e: {  	[tilespmem:$0xCAC0] =	vst v1;
	v1 =	vld [tilespmem:$0xC930]  }
0x32f: {  	v2 =	vld.idx.msk [tilespmem:v2+s17+$0x0], $0xffff;
	_ =	sdelay $0x4  }
0x330: {  	v1 =	vadd.f32 v2, v1;
	_ =	sdelay $0x1  }
0x331: {  	v2 =	vshrl.u32 v1, $0x1;
	v3 =	vmul.f32 $5.000000000e-01, v1  }
0x332: {  	v2 =	vsub.s32 $0x5F3759DF, v2  }
0x333: {  	v4 =	vmul.f32 v2, v3;
	_ =	sdelay $0x1  }
0x334: {  	v4 =	vmul.f32 v2, v4;
	_ =	sdelay $0x1  }
0x335: {  	v4 =	vsub.f32 $1.500000000e+00, v4;
	_ =	sdelay $0x1  }
0x336: {  	v2 =	vmul.f32 v2, v4;
	_ =	sdelay $0x1  }
0x337: {  	v3 =	vmul.f32 v2, v3;
	_ =	sdelay $0x1  }
0x338: {  	v3 =	vmul.f32 v3, v2;
	_ =	sdelay $0x1  }
0x339: {  	v4 =	vld [tilespmem:$0xC860];
	v3 =	vsub.f32 $1.500000000e+00, v3;
	_ =	sdelay $0x1  }
0x33a: {  	v2 =	vmul.f32 v3, v2;
	_ =	sdelay $0x1  }
0x33b: {  	v1 =	vmul.f32 v2, v1  }
0x33c: {  	v2 =	vand.u32 $0x7FFFFFFF, v4  }
0x33d: {  	v1 =	vmul.f32 v1, v2;
	_ =	sdelay $0x1  }
0x33e: {  	v1 =	vmax.f32 v1, $9.999999960e-13  }
0x33f: {  	(erf) = vrcp.f32 v1;
	_ =	sdelay $0x4  }
0x340: {  	v2 =	vld [tilespmem:$0x1FF30];
	_ =	sdelay $0x3  }
0x341: {  	v1 =	vpop (erf)  }
0x342: {  	v1 =	vmul.f32 v1, v4;
	_ =	sdelay $0x1  }
0x343: {  	[tilespmem:$0xCAD0] =	vst v1;
	v1 =	vld [tilespmem:$0xC940]  }
0x344: {  	v2 =	vld.idx.msk [tilespmem:v2+s17+$0x0], $0xffff;
	_ =	sdelay $0x4  }
0x345: {  	v1 =	vadd.f32 v2, v1;
	_ =	sdelay $0x1  }
0x346: {  	v2 =	vshrl.u32 v1, $0x1;
	v3 =	vmul.f32 $5.000000000e-01, v1  }
0x347: {  	v2 =	vsub.s32 $0x5F3759DF, v2  }
0x348: {  	v4 =	vmul.f32 v2, v3;
	_ =	sdelay $0x1  }
0x349: {  	v4 =	vmul.f32 v2, v4;
	_ =	sdelay $0x1  }
0x34a: {  	v4 =	vsub.f32 $1.500000000e+00, v4;
	_ =	sdelay $0x1  }
0x34b: {  	v2 =	vmul.f32 v2, v4;
	_ =	sdelay $0x1  }
0x34c: {  	v3 =	vmul.f32 v2, v3;
	_ =	sdelay $0x1  }
0x34d: {  	v3 =	vmul.f32 v3, v2;
	_ =	sdelay $0x1  }
0x34e: {  	v4 =	vld [tilespmem:$0xC870];
	v3 =	vsub.f32 $1.500000000e+00, v3;
	_ =	sdelay $0x1  }
0x34f: {  	v2 =	vmul.f32 v3, v2;
	_ =	sdelay $0x1  }
0x350: {  	v1 =	vmul.f32 v2, v1  }
0x351: {  	v2 =	vand.u32 $0x7FFFFFFF, v4  }
0x352: {  	v1 =	vmul.f32 v1, v2;
	_ =	sdelay $0x1  }
0x353: {  	v1 =	vmax.f32 v1, $9.999999960e-13  }
0x354: {  	(erf) = vrcp.f32 v1;
	_ =	sdelay $0x4  }
0x355: {  	v2 =	vld [tilespmem:$0x1FF40];
	_ =	sdelay $0x3  }
0x356: {  	v1 =	vpop (erf)  }
0x357: {  	v1 =	vmul.f32 v1, v4;
	_ =	sdelay $0x1  }
0x358: {  	[tilespmem:$0xCAE0] =	vst v1;
	v1 =	vld [tilespmem:$0xC950]  }
0x359: {  	v2 =	vld.idx.msk [tilespmem:v2+s17+$0x0], $0xffff;
	_ =	sdelay $0x4  }
0x35a: {  	v1 =	vadd.f32 v2, v1;
	_ =	sdelay $0x1  }
0x35b: {  	v2 =	vshrl.u32 v1, $0x1;
	v3 =	vmul.f32 $5.000000000e-01, v1  }
0x35c: {  	v2 =	vsub.s32 $0x5F3759DF, v2  }
0x35d: {  	v4 =	vmul.f32 v2, v3;
	_ =	sdelay $0x1  }
0x35e: {  	v4 =	vmul.f32 v2, v4;
	_ =	sdelay $0x1  }
0x35f: {  	v4 =	vsub.f32 $1.500000000e+00, v4;
	_ =	sdelay $0x1  }
0x360: {  	v2 =	vmul.f32 v2, v4;
	_ =	sdelay $0x1  }
0x361: {  	v3 =	vmul.f32 v2, v3;
	_ =	sdelay $0x1  }
0x362: {  	v3 =	vmul.f32 v3, v2;
	_ =	sdelay $0x1  }
0x363: {  	v4 =	vld [tilespmem:$0xC880];
	v3 =	vsub.f32 $1.500000000e+00, v3;
	_ =	sdelay $0x1  }
0x364: {  	v2 =	vmul.f32 v3, v2;
	_ =	sdelay $0x1  }
0x365: {  	v1 =	vmul.f32 v2, v1  }
0x366: {  	v2 =	vand.u32 $0x7FFFFFFF, v4  }
0x367: {  	v1 =	vmul.f32 v1, v2;
	_ =	sdelay $0x1  }
0x368: {  	v1 =	vmax.f32 v1, $9.999999960e-13  }
0x369: {  	(erf) = vrcp.f32 v1;
	_ =	sdelay $0x4  }
0x36a: {  	v2 =	vld [tilespmem:$0x1FF50];
	_ =	sdelay $0x3  }
0x36b: {  	v1 =	vpop (erf)  }
0x36c: {  	v1 =	vmul.f32 v1, v4;
	_ =	sdelay $0x1  }
0x36d: {  	[tilespmem:$0xCAF0] =	vst v1;
	v1 =	vld [tilespmem:$0xC960]  }
0x36e: {  	v2 =	vld.idx.msk [tilespmem:v2+s17+$0x0], $0xffff;
	_ =	sdelay $0x4  }
0x36f: {  	v1 =	vadd.f32 v2, v1;
	_ =	sdelay $0x1  }
0x370: {  	v2 =	vshrl.u32 v1, $0x1;
	v3 =	vmul.f32 $5.000000000e-01, v1  }
0x371: {  	v2 =	vsub.s32 $0x5F3759DF, v2  }
0x372: {  	v4 =	vmul.f32 v2, v3;
	_ =	sdelay $0x1  }
0x373: {  	v4 =	vmul.f32 v2, v4;
	_ =	sdelay $0x1  }
0x374: {  	v4 =	vsub.f32 $1.500000000e+00, v4;
	_ =	sdelay $0x1  }
0x375: {  	v2 =	vmul.f32 v2, v4;
	_ =	sdelay $0x1  }
0x376: {  	v3 =	vmul.f32 v2, v3;
	_ =	sdelay $0x1  }
0x377: {  	v3 =	vmul.f32 v3, v2;
	_ =	sdelay $0x1  }
0x378: {  	v4 =	vld [tilespmem:$0xC890];
	v3 =	vsub.f32 $1.500000000e+00, v3;
	_ =	sdelay $0x1  }
0x379: {  	v2 =	vmul.f32 v3, v2;
	_ =	sdelay $0x1  }
0x37a: {  	v1 =	vmul.f32 v2, v1  }
0x37b: {  	v2 =	vand.u32 $0x7FFFFFFF, v4  }
0x37c: {  	v1 =	vmul.f32 v1, v2;
	_ =	sdelay $0x1  }
0x37d: {  	v1 =	vmax.f32 v1, $9.999999960e-13  }
0x37e: {  	(erf) = vrcp.f32 v1;
	_ =	sdelay $0x4  }
0x37f: {  	v2 =	vld [tilespmem:$0x1FF70];
	_ =	sdelay $0x3  }
0x380: {  	v1 =	vpop (erf)  }
0x381: {  	v1 =	vmul.f32 v1, v4;
	_ =	sdelay $0x1  }
0x382: {  	[tilespmem:$0xCB00] =	vst v1;
	v1 =	vld [tilespmem:$0xC970]  }
0x383: {  	v2 =	vld.idx.msk [tilespmem:v2+s17+$0x0], $0xffff;
	_ =	sdelay $0x4  }
0x384: {  	v1 =	vadd.f32 v2, v1;
	_ =	sdelay $0x1  }
0x385: {  	v2 =	vshrl.u32 v1, $0x1;
	v3 =	vmul.f32 $5.000000000e-01, v1  }
0x386: {  	v2 =	vsub.s32 $0x5F3759DF, v2  }
0x387: {  	v4 =	vmul.f32 v2, v3;
	_ =	sdelay $0x1  }
0x388: {  	v4 =	vmul.f32 v2, v4;
	_ =	sdelay $0x1  }
0x389: {  	v4 =	vsub.f32 $1.500000000e+00, v4;
	_ =	sdelay $0x1  }
0x38a: {  	v2 =	vmul.f32 v2, v4;
	_ =	sdelay $0x1  }
0x38b: {  	v3 =	vmul.f32 v2, v3;
	_ =	sdelay $0x1  }
0x38c: {  	v3 =	vmul.f32 v3, v2;
	_ =	sdelay $0x1  }
0x38d: {  	v4 =	vld [tilespmem:$0xC8A0];
	v3 =	vsub.f32 $1.500000000e+00, v3;
	_ =	sdelay $0x1  }
0x38e: {  	v2 =	vmul.f32 v3, v2;
	_ =	sdelay $0x1  }
0x38f: {  	v1 =	vmul.f32 v2, v1  }
0x390: {  	v2 =	vand.u32 $0x7FFFFFFF, v4  }
0x391: {  	v1 =	vmul.f32 v1, v2;
	_ =	sdelay $0x1  }
0x392: {  	v1 =	vmax.f32 v1, $9.999999960e-13  }
0x393: {  	(erf) = vrcp.f32 v1;
	_ =	sdelay $0x4  }
0x394: {  	v2 =	vld [tilespmem:$0x1FF80];
	_ =	sdelay $0x3  }
0x395: {  	v1 =	vpop (erf)  }
0x396: {  	v1 =	vmul.f32 v1, v4;
	_ =	sdelay $0x1  }
0x397: {  	[tilespmem:$0xCB10] =	vst v1;
	v1 =	vld [tilespmem:$0xC980]  }
0x398: {  	v2 =	vld.idx.msk [tilespmem:v2+s17+$0x0], $0xffff;
	_ =	sdelay $0x4  }
0x399: {  	v1 =	vadd.f32 v2, v1;
	_ =	sdelay $0x1  }
0x39a: {  	v2 =	vshrl.u32 v1, $0x1;
	v3 =	vmul.f32 $5.000000000e-01, v1  }
0x39b: {  	v2 =	vsub.s32 $0x5F3759DF, v2  }
0x39c: {  	v4 =	vmul.f32 v2, v3;
	_ =	sdelay $0x1  }
0x39d: {  	v4 =	vmul.f32 v2, v4;
	_ =	sdelay $0x1  }
0x39e: {  	v4 =	vsub.f32 $1.500000000e+00, v4;
	_ =	sdelay $0x1  }
0x39f: {  	v2 =	vmul.f32 v2, v4;
	_ =	sdelay $0x1  }
0x3a0: {  	v3 =	vmul.f32 v2, v3;
	_ =	sdelay $0x1  }
0x3a1: {  	v3 =	vmul.f32 v3, v2;
	_ =	sdelay $0x1  }
0x3a2: {  	v4 =	vld [tilespmem:$0xC8B0];
	v3 =	vsub.f32 $1.500000000e+00, v3;
	_ =	sdelay $0x1  }
0x3a3: {  	v2 =	vmul.f32 v3, v2;
	_ =	sdelay $0x1  }
0x3a4: {  	v1 =	vmul.f32 v2, v1  }
0x3a5: {  	v2 =	vand.u32 $0x7FFFFFFF, v4  }
0x3a6: {  	v1 =	vmul.f32 v1, v2;
	_ =	sdelay $0x1  }
0x3a7: {  	v1 =	vmax.f32 v1, $9.999999960e-13  }
0x3a8: {  	(erf) = vrcp.f32 v1;
	_ =	sdelay $0x8  }
0x3a9: {  	v1 =	vpop (erf)  }
0x3aa: {  	v1 =	vmul.f32 v1, v4;
	_ =	sdelay $0x1  }
0x3ab: {  	[tilespmem:$0xCB20] =	vst v1;
	v1 =	vld [tilespmem:$0xC990]  }
0x3ac: {  	v2 =	vld.idx.msk [tilespmem:v20+s17+$0x0], $0xffff;
	_ =	sdelay $0x4  }
0x3ad: {  	v1 =	vadd.f32 v2, v1;
	_ =	sdelay $0x1  }
0x3ae: {  	v2 =	vshrl.u32 v1, $0x1;
	v3 =	vmul.f32 $5.000000000e-01, v1  }
0x3af: {  	v2 =	vsub.s32 $0x5F3759DF, v2  }
0x3b0: {  	v4 =	vmul.f32 v2, v3;
	_ =	sdelay $0x1  }
0x3b1: {  	v4 =	vmul.f32 v2, v4;
	_ =	sdelay $0x1  }
0x3b2: {  	v4 =	vsub.f32 $1.500000000e+00, v4;
	_ =	sdelay $0x1  }
0x3b3: {  	v2 =	vmul.f32 v2, v4;
	_ =	sdelay $0x1  }
0x3b4: {  	v3 =	vmul.f32 v2, v3;
	_ =	sdelay $0x1  }
0x3b5: {  	v3 =	vmul.f32 v3, v2;
	_ =	sdelay $0x1  }
0x3b6: {  	v4 =	vld [tilespmem:$0xC8C0];
	v3 =	vsub.f32 $1.500000000e+00, v3;
	_ =	sdelay $0x1  }
0x3b7: {  	v2 =	vmul.f32 v3, v2;
	_ =	sdelay $0x1  }
0x3b8: {  	v1 =	vmul.f32 v2, v1  }
0x3b9: {  	v2 =	vand.u32 $0x7FFFFFFF, v4  }
0x3ba: {  	v1 =	vmul.f32 v1, v2;
	_ =	sdelay $0x1  }
0x3bb: {  	v1 =	vmax.f32 v1, $9.999999960e-13  }
0x3bc: {  	(erf) = vrcp.f32 v1;
	_ =	sdelay $0x8  }
0x3bd: {  	v1 =	vpop (erf)  }
0x3be: {  	v1 =	vmul.f32 v1, v4;
	_ =	sdelay $0x1  }
0x3bf: {  	[tilespmem:$0xCB30] =	vst v1;
	v1 =	vld [tilespmem:$0xCAB0]  }
0x3c0: {  	v2 =	vld [tilespmem:$0xCA80];
	_ =	sdelay $0x1  }
0x3c1: {  	v5 =	vld [tilespmem:$0xCAC0]  }
0x3c2: {  	v3 =	vld [tilespmem:$0xCA90]  }
0x3c3: {  	[tilespmem:$0xCB80] =	vst v1;
	v1 =	vld [tilespmem:$0xCB00]  }
0x3c4: {  	[tilespmem:$0xCB50] =	vst v2;
	v2 =	vld [tilespmem:$0xCAD0]  }
0x3c5: {  	v4 =	vld [tilespmem:$0xCAA0]  }
0x3c6: {  	[tilespmem:$0xCB90] =	vst v5;
	v5 =	vld [tilespmem:$0xCB10]  }
0x3c7: {  	[tilespmem:$0xCB60] =	vst v3;
	v3 =	vld [tilespmem:$0xCAE0]  }
0x3c8: {  	[tilespmem:$0xCBD0] =	vst v1;
	v1 =	vld [tilespmem:$0x1FF90]  }
0x3c9: {  	[tilespmem:$0xCBA0] =	vst v2;
	v2 =	vld [tilespmem:$0xCB20]  }
0x3ca: {  	[tilespmem:$0xCB70] =	vst v4;
	v4 =	vld [tilespmem:$0xCAF0]  }
0x3cb: {  	[tilespmem:$0xCB40] =	vst v51  }
0x3cc: {  	[tilespmem:$0xCBE0] =	vst v5  }
0x3cd: {  	[tilespmem:$0xCBB0] =	vst v3  }
0x3ce: {  	[tilespmem:$0xCBF0] =	vst v2  }
0x3cf: {  	[tilespmem:$0xCBC0] =	vst v4  }
0x3d0: {  	v1 =	vld.idx.msk [tilespmem:v1+s18+$0x0], $0xffff;
	_ =	sdelay $0x4  }
0x3d1: {  	[tilespmem:$0xCC00] =	vst v1  }
0x3d2: {  	v1 =	vld.idx.msk [tilespmem:v21+s18+$0x0], $0xffff;
	_ =	sdelay $0x4  }
0x3d3: {  	[tilespmem:$0xCC10] =	vst v1  }
0x3d4: {  	v1 =	vld.idx.msk [tilespmem:v22+s18+$0x0], $0xffff;
	_ =	sdelay $0x4  }
0x3d5: {  	[tilespmem:$0xCC20] =	vst v1  }
0x3d6: {  	v1 =	vld.idx.msk [tilespmem:v23+s18+$0x0], $0xffff;
	_ =	sdelay $0x4  }
0x3d7: {  	[tilespmem:$0xCC30] =	vst v1  }
0x3d8: {  	v1 =	vld.idx.msk [tilespmem:v24+s18+$0x0], $0xffff;
	_ =	sdelay $0x4  }
0x3d9: {  	[tilespmem:$0xCC40] =	vst v1  }
0x3da: {  	v1 =	vld.idx.msk [tilespmem:v25+s18+$0x0], $0xffff;
	_ =	sdelay $0x4  }
0x3db: {  	[tilespmem:$0xCC50] =	vst v1  }
0x3dc: {  	v1 =	vld.idx.msk [tilespmem:v26+s18+$0x0], $0xffff;
	_ =	sdelay $0x4  }
0x3dd: {  	[tilespmem:$0xCC60] =	vst v1  }
0x3de: {  	v1 =	vld.idx.msk [tilespmem:v27+s18+$0x0], $0xffff;
	_ =	sdelay $0x1  }
0x3df: {  	v8 =	vld [tilespmem:$0xCB90]  }
0x3e0: {  	v44 =	vld [tilespmem:$0xCB40]  }
0x3e1: {  	v39 =	vld [tilespmem:$0xCB60]  }
0x3e2: {  	v3 =	vld [tilespmem:$0xCBE0];
	[tilespmem:$0xCC70] =	vst v1  }
0x3e3: {  	v1 =	vld.idx.msk [tilespmem:v28+s18+$0x0], $0xffff  }
0x3e4: {  	v20 =	vld [tilespmem:$0xCB50]  }
0x3e5: {  	v9 =	vld [tilespmem:$0xCBA0]  }
0x3e6: {  	v12 =	vld [tilespmem:$0xCB70]  }
0x3e7: {  	v42 =	vld [tilespmem:$0xCB70]  }
0x3e8: {  	v13 =	vld [tilespmem:$0xCB80];
	[tilespmem:$0xCC80] =	vst v1  }
0x3e9: {  	v1 =	vld.idx.msk [tilespmem:v29+s18+$0x0], $0xffff  }
0x3ea: {  	v4 =	vld [tilespmem:$0xCBB0]  }
0x3eb: {  	v5 =	vld [tilespmem:$0xCBC0]  }
0x3ec: {  	v2 =	vld [tilespmem:$0xCBD0]  }
0x3ed: {  	v22 =	vld [tilespmem:$0xCB60]  }
0x3ee: {  	v43 =	vld [tilespmem:$0xCC10];
	[tilespmem:$0xCC90] =	vst v1  }
0x3ef: {  	v1 =	vld.idx.msk [tilespmem:v30+s18+$0x0], $0xffff  }
0x3f0: {  	v23 =	vld [tilespmem:$0xCC10]  }
0x3f1: {  	v38 =	vld [tilespmem:$0xCC20]  }
0x3f2: {  	v18 =	vld [tilespmem:$0xCC30]  }
0x3f3: {  	v21 =	vld [tilespmem:$0xCC40]  }
0x3f4: {  	v26 =	vld [tilespmem:$0xCBF0];
	[tilespmem:$0xCCA0] =	vst v1  }
0x3f5: {  	v1 =	vld.idx.msk [tilespmem:v31+s18+$0x0], $0xffff  }
0x3f6: {  	v10 =	vld [tilespmem:$0xCC50]  }
0x3f7: {  	v11 =	vld [tilespmem:$0xCC60]  }
0x3f8: {  	v6 =	vld [tilespmem:$0xCC70]  }
0x3f9: {  	v28 =	vld [tilespmem:$0xCC20]  }
0x3fa: {  	v7 =	vld [tilespmem:$0xCC80];
	[tilespmem:$0xCCB0] =	vst v1  }
0x3fb: {  	v1 =	vld.idx.msk [tilespmem:v32+s18+$0x0], $0xffff  }
0x3fc: {  	v29 =	vld [tilespmem:$0xCB40]  }
0x3fd: {  	v27 =	vld [tilespmem:$0xCC90]  }
0x3fe: {  	v30 =	vld [tilespmem:$0xCC00]  }
0x3ff: {  	v25 =	vld [tilespmem:$0xCCA0]  }
0x400: {  	s1 =	simm.s32 $0x170;
	[tilespmem:$0xCCC0] =	vst v1;
	v1 =	vld [tilespmem:$0xCCB0]  }
0x401: {  	s2 =	simm.s32 $0x90;
	s0 =	sand.u32 $0x7FF0, s1;
	v24 =	vld [tilespmem:$0xCCC0]  }
0x402: {  	s1 =	sand.u32 $0x7FF0, s2;
	s2 =	simm.s32 $0xA0;
	v31 =	vld [tilespmem:s0+$0x9600]  }
0x403: {  	s24 =	simm.s32 $0x70;
	s25 =	sand.u32 $0x7FF0, s2;
	v32 =	vld [tilespmem:s1+$0x9600]  }
0x404: {  	s26 =	simm.s32 $0x130;
	s0 =	sand.u32 $0x7FF0, s24;
	v33 =	vld [tilespmem:s25+$0x9600]  }
0x405: {  	s31 =	simm.s32 $0x50;
	s24 =	sand.u32 $0x7FF0, s26;
	v34 =	vld [tilespmem:s0+$0x9600]  }
0x406: {  	s25 =	sand.u32 $0x7FF0, s31;
	s26 =	simm.s32 $0x60;
	v35 =	vld [tilespmem:s24+$0x9600]  }
0x407: {  	s31 =	simm.s32 $0x30;
	v36 =	vld [tilespmem:s25+$0x9600];
	s24 =	sand.u32 $0x7FF0, s26  }
0x408: {  	s0 =	sand.u32 $0x7FF0, s31;
	s25 =	simm.s32 $0xF0;
	v37 =	vld [tilespmem:s24+$0x9600]  }
0x409: {  	s1 =	simm.s32 $0x0;
	s26 =	simm.s32 $0x10;
	v52 =	vld [tilespmem:s0+$0x9600];
	s31 =	sand.u32 $0x7FF0, s25  }
0x40a: {  	s24 =	simm.s32 $0x0;
	s25 =	simm.s32 $0x20;
	s2 =	sand.u32 $0x7FF0, s26;
	v53 =	vld [tilespmem:s31+$0x9600]  }
0x40b: {  	s1 =	sand.u32 $0x3FC0, s1;
	s26 =	sand.u32 $0x7FF0, s25;
	s31 =	sand.u32 $0x30, s24;
	v40 =	vld [tilespmem:s2+$0x9600]  }
0x40c: {  	s1 =	sor.u32 s31, s1;
	v41 =	vld [tilespmem:s26+$0x9600]  }
0x40d: {  	v54 =	vld [tilespmem:s1+$0x96C0]  }
0x40e: {  	s26 =	simm.s32 $0xD0;
	v55 =	vld [tilespmem:s1+$0x9600]  }
0x40f: {  	s31 =	simm.s32 $0xE0;
	s0 =	sand.u32 $0x7FF0, s26;
	v46 =	vld [tilespmem:s1+$0x9640];
	v2 =	vmul.f32 v2, v32;
	v1 =	vmul.f32 v1, v31  }
0x410: {  	s25 =	sand.u32 $0x7FF0, s31;
	v3 =	vmul.f32 v3, v33;
	v56 =	vld [tilespmem:s0+$0x9600];
	v4 =	vmul.f32 v4, v34  }
0x411: {  	v45 =	vld [tilespmem:s25+$0x9600];
	v8 =	vmul.f32 v8, v36;
	v6 =	vmul.f32 v6, v35  }
0x412: {  	s26 =	simm.s32 $0x110;
	v57 =	vld [tilespmem:s1+$0x9700];
	v12 =	vmul.f32 v12, v52;
	v9 =	vmul.f32 v9, v37  }
0x413: {  	s31 =	simm.s32 $0x120;
	v49 =	vld [tilespmem:s1+$0x9680];
	s0 =	sand.u32 $0x7FF0, s26;
	v18 =	vmul.f32 v18, v53;
	v52 =	vmul.f32 v30, v54  }
0x414: {  	s2 =	sand.u32 $0x7FF0, s31;
	v48 =	vld [tilespmem:s0+$0x9600];
	v22 =	vmul.f32 v22, v41;
	v29 =	vmul.f32 v29, v55  }
0x415: {  	v32 =	vld [tilespmem:s2+$0x9600];
	v30 =	vmul.f32 v20, v40;
	v23 =	vmul.f32 v23, v56;
	v20 =	vsel vm0, $0x0, v52  }
0x416: {  	v50 =	vld [tilespmem:s1+$0x9740];
	s25 =	simm.s32 $0x150;
	v28 =	vmul.f32 v28, v45;
	v31 =	vadd.f32 $0.0e+00, v29;
	v56 =	vadd.f32 $0.0e+00, v20  }
0x417: {  	v33 =	vld [tilespmem:$0xCB80];
	s26 =	simm.s32 $0x160;
	s0 =	sand.u32 $0x7FF0, s25;
	v13 =	vmul.f32 v13, v46;
	v30 =	vadd.f32 $0.0e+00, v30;
	v23 =	vadd.f32 $0.0e+00, v23  }
0x418: {  	s31 =	simm.s32 $0xB0;
	s26 =	sand.u32 $0x7FF0, s26;
	v51 =	vld [tilespmem:s0+$0x9600];
	v57 =	vmul.f32 v21, v57;
	v22 =	vadd.f32 v22, v31;
	v28 =	vadd.f32 v28, v56  }
0x419: {  	s31 =	sand.u32 $0x7FF0, s31;
	v53 =	vld [tilespmem:s26+$0x9600];
	v10 =	vmul.f32 v10, v48;
	v12 =	vadd.f32 v12, v30;
	v18 =	vadd.f32 v18, v23  }
0x41a: {  	v54 =	vld [tilespmem:s31+$0x9600];
	v11 =	vmul.f32 v11, v32;
	v13 =	vadd.f32 v13, v22;
	v23 =	vadd.f32 v57, v28  }
0x41b: {  	v55 =	vld [tilespmem:s1+$0x9780];
	v5 =	vmul.f32 v5, v49;
	v8 =	vadd.f32 v8, v12;
	v10 =	vadd.f32 v10, v18  }
0x41c: {  	v34 =	vld [tilespmem:$0xCBB0];
	v7 =	vmul.f32 v7, v50;
	v9 =	vadd.f32 v9, v13;
	v11 =	vadd.f32 v11, v23  }
0x41d: {  	v35 =	vld [tilespmem:$0xCC70];
	v4 =	vadd.f32 v4, v8;
	v8 =	vmul.f32 v27, v51;
	v6 =	vadd.f32 v6, v10  }
0x41e: {  	v36 =	vld [tilespmem:$0xCBA0];
	v5 =	vadd.f32 v5, v9;
	v9 =	vmul.f32 v25, v53;
	v7 =	vadd.f32 v7, v11  }
0x41f: {  	v37 =	vld [tilespmem:$0xCB90];
	v2 =	vadd.f32 v2, v4;
	v4 =	vmul.f32 v26, v54;
	v6 =	vadd.f32 v8, v6  }
0x420: {  	v41 =	vld [tilespmem:$0xCB50];
	v3 =	vadd.f32 v3, v5;
	v5 =	vadd.f32 v9, v7;
	v7 =	vmul.f32 v24, v55  }
0x421: {  	v21 =	vld [tilespmem:$0xCCC0];
	v2 =	vadd.f32 v4, v2;
	v4 =	vnsel vm0, $0x0, v52;
	v1 =	vadd.f32 v1, v6  }
0x422: {  	v40 =	vld [tilespmem:$0xCC30];
	v3 =	vadd.f32 v4, v3;
	v4 =	vadd.f32 v7, v5  }
0x423: {  	v45 =	vld [tilespmem:$0xCC00]  }
0x424: {  	v29 =	vld [tilespmem:$0xCCB0];
	v2 =	vadd.f32 v3, v2;
	v1 =	vadd.f32 v4, v1  }
0x425: {  	v32 =	vld [tilespmem:$0xCC40]  }
0x426: {  	v20 =	vld [tilespmem:$0xCBF0];
	v3 =	vperm.xlane v2, v15;
	v4 =	vperm.xlane v1, v15  }
0x427: {  	v31 =	vld [tilespmem:$0xCBD0]  }
0x428: {  	v30 =	vld [tilespmem:$0xCBE0];
	v2 =	vadd.f32 v3, v2;
	v1 =	vadd.f32 v4, v1  }
0x429: {  	v22 =	vld [tilespmem:$0xCC90]  }
0x42a: {  	v28 =	vld [tilespmem:$0xCC50];
	v3 =	vperm.xlane v2, v16;
	v4 =	vperm.xlane v1, v16  }
0x42b: {  	v27 =	vld [tilespmem:$0xCC60]  }
0x42c: {  	s23 =	sshll.u32 s23, $0x6;
	s26 =	simm.s32 $0x220;
	v23 =	vld [tilespmem:$0xCCA0];
	v2 =	vadd.f32 v3, v2;
	v3 =	vadd.f32 v4, v1  }
0x42d: {  	v25 =	vld [tilespmem:$0xCBC0];
	v24 =	vmov s23;
	s23 =	sand.u32 $0x7FF0, s26;
	s26 =	simm.s32 $0x230  }
0x42e: {  	s25 =	simm.s32 $0x300;
	v26 =	vld [tilespmem:$0xCC80];
	s1 =	sand.u32 $0x7FF0, s26;
	s26 =	simm.s32 $0x2C0;
	v4 =	vperm.xlane v2, v17;
	v5 =	vperm.xlane v3, v17  }
0x42f: {  	s31 =	sand.u32 $0x7FF0, s25;
	v6 =	vadd.s32 s24, v0;
	v10 =	vld [tilespmem:s23+$0x9600];
	s0 =	sand.u32 $0x7FF0, s26;
	s26 =	simm.s32 $0x1F0  }
0x430: {  	s26 =	sand.u32 $0x7FF0, s26;
	v1 =	vld [tilespmem:s31+$0x9600];
	s31 =	simm.s32 $0x200;
	v4 =	vadd.f32 v4, v2;
	v2 =	vand.u32 $0x78, v6;
	v5 =	vadd.f32 v5, v3  }
0x431: {  	v47 =	vld [tilespmem:s26+$0x9600];
	s23 =	sand.u32 $0x7FF0, s31;
	s31 =	simm.s32 $0x1E0;
	v3 =	vand.u32 $0x7, v6;
	v6 =	vadd.s32 v24, v2  }
0x432: {  	v18 =	vld [tilespmem:s23+$0x9600];
	s23 =	sand.u32 $0x7FF0, s31;
	v7 =	vperm.xlane v4, v19;
	v6 =	vor.u32 v3, v6;
	v8 =	vperm.xlane v5, v19  }
0x433: {  	v46 =	vld [tilespmem:s23+$0x9600]  }
0x434: {  	s28 =	simm.s32 $0x190;
	s31 =	simm.s32 $0x1C0;
	v2 =	vld [tilespmem:s1+$0x9600];
	v4 =	vadd.f32 v7, v4;
	v5 =	vadd.f32 v8, v5  }
0x435: {  	s2 =	simm.s32 $0x1A0;
	v3 =	vld [tilespmem:s0+$0x9600];
	s0 =	sand.u32 $0x7FF0, s31;
	s31 =	simm.s32 $0x280  }
0x436: {  	s30 =	sand.u32 $0x7FF0, s2;
	s26 =	simm.s32 $0x1B0;
	v48 =	vld [tilespmem:s0+$0x9600];
	s31 =	sand.u32 $0x7FF0, s31;
	v4 =	vsel vm1, v4, v5  }
0x437: {  	v58 =	vmov v14;
	s29 =	sand.u32 $0x7FF0, s26;
	s26 =	simm.s32 $0x490;
	s23 =	simm.s32 $0x10;
	[tilespmem:v6+s19+$0x0] =	vst.idx.msk $0x3, v4;
	v4 =	vld [tilespmem:s31+$0x9600]  }
.LBB2_9:
0x438: {  	p0 =	sne.s32 s26, $0x31E0;
	s0 =	sand.u32 $0x30, s23;
	s1 =	sand.u32 $0x3FC0, s28;
	v5 =	vld [tilespmem:s30+$0x9600]  }
0x439: {  	s28 =	sor.u32 s0, s1;
	v6 =	vld [tilespmem:s29+$0x9600]  }
0x43a: {  	s0 =	sadd.s32 $0xFFFFFF60, s25;
	v7 =	vld [tilespmem:s28+$0x96C0]  }
0x43b: {  	v9 =	vmul.f32 v31, v10;
	v1 =	vmul.f32 v29, v1;
	s1 =	sadd.s32 $0xFFFFFF70, s25;
	s0 =	sand.u32 $0x7FF0, s0;
	v8 =	vld [tilespmem:s28+$0x9600]  }
0x43c: {  	v10 =	vmul.f32 v34, v18;
	v2 =	vmul.f32 v30, v2;
	v11 =	vld [tilespmem:s0+$0x9600];
	s0 =	sand.u32 $0x7FF0, s1  }
0x43d: {  	v3 =	vmul.f32 v35, v3;
	v12 =	vmul.f32 v37, v46;
	v13 =	vld [tilespmem:s0+$0x9600]  }
0x43e: {  	v30 =	vmul.f32 v36, v47;
	v18 =	vmul.f32 v42, v48;
	s0 =	sadd.s32 $0xFFFFFFA0, s25;
	v29 =	vld [tilespmem:s28+$0x9640]  }
0x43f: {  	v4 =	vmul.f32 v40, v4;
	s1 =	sadd.s32 $0xFFFFFFB0, s25;
	s0 =	sand.u32 $0x7FF0, s0;
	v7 =	vmul.f32 v45, v7;
	v31 =	vld [tilespmem:s28+$0x9700]  }
0x440: {  	v5 =	vmul.f32 v41, v5;
	v8 =	vmul.f32 v44, v8;
	v34 =	vld [tilespmem:s0+$0x9600];
	s0 =	sand.u32 $0x7FF0, s1  }
0x441: {  	v6 =	vmul.f32 v39, v6;
	v35 =	vsel vm0, $0x0, v7;
	v11 =	vmul.f32 v43, v11;
	v36 =	vld [tilespmem:s0+$0x9600]  }
0x442: {  	s0 =	sadd.s32 $0xFFFFFFE0, s25;
	v8 =	vadd.f32 $0.0e+00, v8;
	v37 =	vld [tilespmem:s28+$0x9680];
	v35 =	vadd.f32 $0.0e+00, v35;
	v13 =	vmul.f32 v38, v13  }
0x443: {  	v5 =	vadd.f32 $0.0e+00, v5;
	s1 =	sadd.s32 $0xFFFFFFF0, s25;
	s0 =	sand.u32 $0x7FF0, s0;
	v29 =	vmul.f32 v33, v29;
	v11 =	vadd.f32 $0.0e+00, v11;
	v33 =	vld [tilespmem:s28+$0x9740]  }
0x444: {  	s2 =	sadd.s32 $0xFFFFFF40, s25;
	s25 =	smov.u32 s26;
	v6 =	vadd.f32 v6, v8;
	v8 =	vadd.f32 v13, v35;
	v13 =	vmul.f32 v32, v31;
	v31 =	vld [tilespmem:s0+$0x9600];
	s0 =	sand.u32 $0x7FF0, s1  }
0x445: {  	v5 =	vadd.f32 v18, v5;
	s1 =	sand.u32 $0x7FF0, s2;
	v4 =	vadd.f32 v4, v11;
	v11 =	vmul.f32 v28, v34;
	v18 =	vld [tilespmem:s0+$0x9600]  }
0x446: {  	v6 =	vadd.f32 v29, v6;
	v28 =	vld [tilespmem:s1+$0x9600];
	v8 =	vadd.f32 v13, v8;
	v13 =	vmul.f32 v27, v36  }
0x447: {  	v5 =	vadd.f32 v12, v5;
	v12 =	vmul.f32 v25, v37;
	v4 =	vadd.f32 v11, v4;
	v11 =	vld [tilespmem:s28+$0x9780]  }
0x448: {  	v25 =	vld [tilespmem:$0xCBF0];
	v6 =	vadd.f32 v30, v6;
	v8 =	vadd.f32 v13, v8;
	v13 =	vmul.f32 v26, v33  }
0x449: {  	v5 =	vadd.f32 v10, v5;
	v29 =	vld [tilespmem:$0xCCB0];
	v3 =	vadd.f32 v3, v4;
	v4 =	vmul.f32 v22, v31  }
0x44a: {  	v10 =	vld [tilespmem:$0xCCC0];
	v6 =	vadd.f32 v12, v6;
	v8 =	vadd.f32 v13, v8;
	v12 =	vmul.f32 v23, v18  }
0x44b: {  	v5 =	vadd.f32 v9, v5;
	v31 =	vld [tilespmem:$0xCBD0];
	v9 =	vmul.f32 v20, v28;
	v3 =	vadd.f32 v4, v3  }
0x44c: {  	v30 =	vld [tilespmem:$0xCBE0];
	v2 =	vadd.f32 v2, v6;
	v4 =	vadd.f32 v12, v8;
	v6 =	vmul.f32 v21, v11  }
0x44d: {  	v7 =	vnsel vm0, $0x0, v7;
	v22 =	vld [tilespmem:$0xCC90];
	v5 =	vadd.f32 v9, v5;
	v1 =	vadd.f32 v1, v3;
	v20 =	vmovc v25  }
0x44e: {  	v23 =	vld [tilespmem:$0xCCA0];
	v2 =	vadd.f32 v7, v2;
	v3 =	vadd.f32 v6, v4  }
0x44f: {  	v34 =	vld [tilespmem:$0xCBB0];
	v21 =	vmov v10  }
0x450: {  	v25 =	vld [tilespmem:$0xCBC0];
	v2 =	vadd.f32 v2, v5;
	v1 =	vadd.f32 v3, v1  }
0x451: {  	v35 =	vld [tilespmem:$0xCC70]  }
0x452: {  	v26 =	vld [tilespmem:$0xCC80];
	v3 =	vperm.xlane v2, v15;
	v4 =	vperm.xlane v1, v15  }
0x453: {  	v37 =	vld [tilespmem:$0xCB90]  }
0x454: {  	v36 =	vld [tilespmem:$0xCBA0];
	v2 =	vadd.f32 v3, v2;
	v1 =	vadd.f32 v4, v1  }
0x455: {  	v28 =	vld [tilespmem:$0xCC50]  }
0x456: {  	v27 =	vld [tilespmem:$0xCC60];
	v3 =	vperm.xlane v2, v16;
	v4 =	vperm.xlane v1, v16  }
0x457: {  	v42 =	vld [tilespmem:$0xCB70]  }
0x458: {  	v33 =	vld [tilespmem:$0xCB80];
	v2 =	vadd.f32 v3, v2;
	v1 =	vadd.f32 v4, v1  }
0x459: {  	v40 =	vld [tilespmem:$0xCC30]  }
0x45a: {  	s24 =	sadd.s32 $0x2, s24;
	v32 =	vld [tilespmem:$0xCC40];
	v3 =	vperm.xlane v2, v17;
	v4 =	vperm.xlane v1, v17  }
0x45b: {  	v5 =	vadd.s32 s24, v0;
	v41 =	vld [tilespmem:$0xCB50]  }
0x45c: {  	v39 =	vld [tilespmem:$0xCB60];
	v2 =	vadd.f32 v3, v2;
	v1 =	vadd.f32 v4, v1;
	v3 =	vand.u32 $0x78, v5  }
0x45d: {  	v4 =	vand.u32 $0x7, v5;
	v43 =	vld [tilespmem:$0xCC10];
	v3 =	vadd.s32 v24, v3  }
0x45e: {  	v38 =	vld [tilespmem:$0xCC20];
	v5 =	vperm.xlane v2, v19;
	v6 =	vperm.xlane v1, v19;
	v3 =	vor.u32 v4, v3  }
0x45f: {  	v44 =	vld [tilespmem:$0xCB40]  }
0x460: {  	s0 =	sadd.s32 $0xFFFFFF20, s26;
	s1 =	sand.u32 $0x7FF0, s26;
	v45 =	vld [tilespmem:$0xCC00];
	v2 =	vadd.f32 v5, v2;
	v4 =	vadd.f32 v6, v1  }
0x461: {  	s2 =	sadd.s32 $0xFFFFFF30, s26;
	s0 =	sand.u32 $0x7FF0, s0;
	v1 =	vld [tilespmem:s1+$0x9600]  }
0x462: {  	s1 =	sadd.s32 $0xFFFFFF00, s26;
	v10 =	vld [tilespmem:s0+$0x9600];
	s0 =	sand.u32 $0x7FF0, s2;
	v4 =	vsel vm1, v2, v4  }
0x463: {  	s1 =	sand.u32 $0x7FF0, s1;
	v2 =	vld [tilespmem:s0+$0x9600];
	s0 =	sadd.s32 $0xFFFFFFC0, s26;
	[tilespmem:v3+s19+$0x0] =	vst.idx.msk $0x3, v4  }
0x464: {  	s2 =	sadd.s32 $0xFFFFFEE0, s26;
	v18 =	vld [tilespmem:s1+$0x9600];
	s0 =	sand.u32 $0x7FF0, s0  }
.Ltmp3:
0x465: {  	s1 =	sand.u32 $0x7FF0, s2;
	s2 =	sadd.s32 $0xFFFFFEF0, s26;
	v3 =	vld [tilespmem:s0+$0x9600];
	(pc) =	sbr.rel @p0 .LBB2_9-.Ltmp3, $4  }
0x466: {  	s23 =	sadd.s32 $0x10, s23;
	s0 =	sadd.s32 $0xFFFFFEC0, s26;
	v46 =	vld [tilespmem:s1+$0x9600];
	s1 =	sand.u32 $0x7FF0, s2  }
0x467: {  	s2 =	sadd.s32 $0xFFFFFEA0, s26;
	s0 =	sand.u32 $0x7FF0, s0;
	v47 =	vld [tilespmem:s1+$0x9600];
	s1 =	sadd.s32 $0xFFFFFF80, s26  }
0x468: {  	s29 =	sadd.s32 $0xFFFFFEB0, s26;
	s28 =	sadd.s32 $0xFFFFFE90, s26;
	v48 =	vld [tilespmem:s0+$0x9600];
	s0 =	sand.u32 $0x7FF0, s1  }
0x469: {  	s29 =	sand.u32 $0x7FF0, s29;
	s30 =	sand.u32 $0x7FF0, s2;
	s26 =	sadd.s32 $0x190, s26;
	v4 =	vld [tilespmem:s0+$0x9600]  }
0x46a: {  	s0 =	sand.u32 $0x30, s23;
	s1 =	sand.u32 $0x3FC0, s28;
	v5 =	vld [tilespmem:s30+$0x9600]  }
0x46b: {  	v6 =	vld [tilespmem:s29+$0x9600];
	s0 =	sor.u32 s0, s1  }
0x46c: {  	s28 =	sadd.s32 $0xFFFFFF60, s25;
	v7 =	vld [tilespmem:s0+$0x96C0]  }
0x46d: {  	v9 =	vmul.f32 v31, v10;
	s2 =	sadd.s32 $0xFFFFFF70, s25;
	v1 =	vmul.f32 v29, v1;
	s1 =	sand.u32 $0x7FF0, s28;
	v8 =	vld [tilespmem:s0+$0x9600]  }
0x46e: {  	v52 =	vmul.f32 v34, v18;
	v2 =	vmul.f32 v30, v2;
	s29 =	sand.u32 $0x7FF0, s2;
	v11 =	vld [tilespmem:s1+$0x9600]  }
0x46f: {  	v3 =	vmul.f32 v35, v3;
	v12 =	vmul.f32 v37, v46;
	v13 =	vld [tilespmem:s29+$0x9600]  }
0x470: {  	s30 =	sadd.s32 $0xFFFFFFA0, s25;
	v53 =	vld [tilespmem:s0+$0x9640];
	v54 =	vmul.f32 v36, v47;
	v18 =	vmul.f32 v42, v48  }
0x471: {  	s31 =	sadd.s32 $0xFFFFFFB0, s25;
	v55 =	vld [tilespmem:s0+$0x9700];
	s1 =	sand.u32 $0x7FF0, s30;
	v4 =	vmul.f32 v40, v4;
	v7 =	vmul.f32 v45, v7  }
0x472: {  	s2 =	sand.u32 $0x7FF0, s31;
	v56 =	vld [tilespmem:s1+$0x9600];
	v5 =	vmul.f32 v41, v5;
	v8 =	vmul.f32 v44, v8  }
0x473: {  	v40 =	vld [tilespmem:s2+$0x9600];
	v6 =	vmul.f32 v39, v6;
	v11 =	vmul.f32 v43, v11;
	v57 =	vsel vm0, $0x0, v7  }
0x474: {  	s23 =	sadd.s32 $0xFFFFFFE0, s25;
	v41 =	vld [tilespmem:s0+$0x9680];
	v13 =	vmul.f32 v38, v13;
	v8 =	vadd.f32 $0.0e+00, v8;
	v35 =	vadd.f32 $0.0e+00, v57  }
0x475: {  	s26 =	sadd.s32 $0xFFFFFFF0, s25;
	v42 =	vld [tilespmem:s0+$0x9740];
	s1 =	sand.u32 $0x7FF0, s23;
	v5 =	vadd.f32 $0.0e+00, v5;
	v29 =	vmul.f32 v33, v53;
	v11 =	vadd.f32 $0.0e+00, v11  }
0x476: {  	s28 =	sadd.s32 $0xFFFFFF40, s25;
	s29 =	sand.u32 $0x7FF0, s26;
	v44 =	vld [tilespmem:s1+$0x9600];
	v6 =	vadd.f32 v6, v8;
	v43 =	vadd.f32 v13, v35;
	v13 =	vmul.f32 v32, v55  }
0x477: {  	s30 =	sand.u32 $0x7FF0, s28;
	v45 =	vmul.f32 v28, v56;
	v5 =	vadd.f32 v18, v5;
	v18 =	vld [tilespmem:s29+$0x9600];
	v4 =	vadd.f32 v4, v11  }
0x478: {  	v46 =	vld [tilespmem:s30+$0x9600];
	v6 =	vadd.f32 v29, v6;
	v8 =	vadd.f32 v13, v43;
	v13 =	vmul.f32 v27, v40  }
0x479: {  	v47 =	vld [tilespmem:s0+$0x9780];
	v5 =	vadd.f32 v12, v5;
	v12 =	vmul.f32 v25, v41;
	v4 =	vadd.f32 v45, v4  }
0x47a: {  	v6 =	vadd.f32 v54, v6;
	v8 =	vadd.f32 v13, v8;
	v13 =	vmul.f32 v26, v42  }
0x47b: {  	v48 =	vmul.f32 v22, v44;
	v5 =	vadd.f32 v52, v5;
	v3 =	vadd.f32 v3, v4  }
0x47c: {  	v49 =	vmul.f32 v23, v18;
	v6 =	vadd.f32 v12, v6;
	v8 =	vadd.f32 v13, v8  }
0x47d: {  	v50 =	vmul.f32 v20, v46;
	v5 =	vadd.f32 v9, v5;
	v3 =	vadd.f32 v48, v3  }
0x47e: {  	v52 =	vmul.f32 v21, v47;
	v2 =	vadd.f32 v2, v6;
	v51 =	vadd.f32 v49, v8  }
0x47f: {  	v7 =	vnsel vm0, $0x0, v7;
	v5 =	vadd.f32 v50, v5;
	v1 =	vadd.f32 v1, v3  }
0x480: {  	v2 =	vadd.f32 v7, v2;
	v3 =	vadd.f32 v52, v51;
	_ =	sdelay $0x1  }
0x481: {  	v2 =	vadd.f32 v2, v5;
	v1 =	vadd.f32 v3, v1;
	_ =	sdelay $0x1  }
0x482: {  	v3 =	vperm.xlane v2, v15;
	v53 =	vperm.xlane v1, v15;
	_ =	sdelay $0x1  }
0x483: {  	v2 =	vadd.f32 v3, v2;
	v1 =	vadd.f32 v53, v1;
	_ =	sdelay $0x1  }
0x484: {  	v3 =	vperm.xlane v2, v16;
	v4 =	vperm.xlane v1, v16;
	_ =	sdelay $0x1  }
0x485: {  	v2 =	vadd.f32 v3, v2;
	v1 =	vadd.f32 v4, v1;
	_ =	sdelay $0x1  }
0x486: {  	s31 =	sadd.s32 $0x2, s24;
	v3 =	vperm.xlane v2, v17;
	v4 =	vperm.xlane v1, v17  }
0x487: {  	v54 =	vadd.s32 s31, v0  }
0x488: {  	v2 =	vadd.f32 v3, v2;
	v3 =	vand.u32 $0x78, v54;
	v1 =	vadd.f32 v4, v1  }
0x489: {  	s22 =	sadd.s32 $0x1, s22;
	v55 =	vand.u32 $0x7, v54;
	v3 =	vadd.s32 v24, v3  }
0x48a: {  	p0 =	sne.s32 s22, $0x40;
	v56 =	vperm.xlane v2, v19;
	v3 =	vor.u32 v55, v3;
	v57 =	vperm.xlane v1, v19  }
.Ltmp4:
0x48b: {  	_ = 	snop;
	(pc) =	sbr.rel @p0 .LBB2_2-.Ltmp4, $3  }
0x48c: {  	v2 =	vadd.f32 v56, v2;
	v1 =	vadd.f32 v57, v1;
	_ =	sdelay $0x1  }
0x48d: {  	v1 =	vsel vm1, v2, v1  }
0x48e: {  	[tilespmem:v3+s19+$0x0] =	vst.idx.msk $0x3, v1  }
0x48f: {  	s21 =	sadd.s32 $0x1, s21  }
0x490: {  	p0 =	sne.s32 s21, s7  }
.Ltmp5:
0x491: {  	_ = 	snop;
	(pc) =	sbr.rel @p0 .LBB2_1-.Ltmp5, $4  }
0x492: {  	[hbm4b:s6+s3] =	stream.linear.scatter [tilespmem:s19], [sflag:$0x3], $0x2000, $0x38;
	[tilespmem:$0xECD0] =	vst v63  }
0x493: {  	_ =	swait.ge [sflag:s8], $0x2000  }
0x494: {  	[sflag:s8] =	ssyncset.done $0x0  }
0x495: {  	[sflag:s8] =	ssyncadd.s32 $0xFFFFE000  }
0x496: {  	_ =	sfence.sel $0x180000  }
0x497: {  	[bflag:$0x0] =	sbarrier.arrive $0xFFFF  }
0x498: {  	_ =	strace $0x90000047  }
0x499: {  	s0 =	stileid.u32;
	[bflag:$0x2] =	sbarrier.arrive $0xFFFF  }
0x49a: {  	p0 =	sne.s32 s0, $0x0;
	s0 =	rddreg [dreg:$0x3]  }
0x49b: {  	s0 =	sadd.s32 @!p0 $0x100000, s0  }
0x49c: {  	[sflag:s0] =	ssyncadd.tile.s32 @!p0 $0x1;
	_ =	shalt  }
.Lfunc_end2:
_tile_overlayer_lowered:
.L_overlay_start_2:
0x49d: {  	(tag) =	ssettag $0x2  }
0x49e: {  	s0 =	rddreg [dreg:$0x0];
	s2 =	stileid.u32  }
0x49f: {  	s1 =	rddreg [dreg:$0x1];
	p0 =	sne.s32 s2, $0x0  }
0x4a0: {  	s3 =	rddreg [dreg:$0x2];
	[bflag:$0x3] =	sbarrier.arrive $0xFFFF;
	s2 =	simm.s32 @!p0 $0x1C03  }
0x4a1: {  	[timem:s3], [sflag:s2] =	dma.local @!p0 [hbm:s0], s1  }
0x4a2: {  	s0 =	simm.s32 @!p0 $0x3  }
0x4a3: {  	_ =	swait.ge @!p0 [sflag:s0], s1  }
0x4a4: {  	s1 =	ssub.s32 @!p0 $0x0, s1;
	[sflag:s0] =	ssyncset.done @!p0 $0x0  }
0x4a5: {  	[sflag:s0] =	ssyncadd.s32 @!p0 s1  }
0x4a6: {  	[bflag:$0x3] =	sbarrier.arrive $0xFFFF  }
0x4a7: {  	_ =	shalt  }

</sc_bundles>
